<compile_context>
chip_gen: v7x
topology: tpu7x:2x2x1
jax: 0.10.2.dev20260603
libtpu: 0.0.44.dev20260713+nightly
codegen_flags: <defaults>
</compile_context>

<pallas_src>
import functools

import jax
import jax.numpy as jnp
from jax import lax
from jax.experimental import pallas as pl
from jax.experimental.pallas import tpu as pltpu
from jax.experimental.pallas import tpu_sc as plsc

B = 1024
L = 20
D = 128
S = 12
ALPHA = 0.2

NC = 2
NS = 16
NW = NC * NS
N_FLAT = B * L
TILE = 40
NCHUNK = 4


def _leaky(x, slope):
    return jnp.maximum(x, slope * x)



GROUP = 8


def _make_sc_body(nflat_c, coff):
    per_worker = nflat_c // NW
    n_tiles = per_worker // TILE

    def body(inputs_hbm, item_hbm, cat_hbm, emb_hbm,
             h_out, ite_out, cat_out, ent_out,
             idx_v, iidx_v, h_v, ite_v, cat_v, ent_v,
             sem_h, sem_a, sem_e):
        wid = lax.axis_index("s") * NC + lax.axis_index("c")
        base = wid * per_worker

        def tile_body(ti, carry):
            gbase = base + ti * TILE
            pltpu.sync_copy(inputs_hbm.at[pl.ds(coff + gbase, TILE)], idx_v)
            pltpu.sync_copy(item_hbm.at[pl.ds(coff + gbase, TILE)], iidx_v)
            c_h = pltpu.async_copy(emb_hbm.at[idx_v], h_v, sem_h)
            c_it = pltpu.async_copy(emb_hbm.at[iidx_v], ite_v, sem_h)
            c_cat = pltpu.async_copy(cat_hbm.at[idx_v], cat_v, sem_a)
            c_cat.wait()

            def fire(g, fcarry):
                for i in range(GROUP):
                    r = g * GROUP + i
                    pltpu.async_copy(
                        emb_hbm.at[cat_v.at[r].at[pl.ds(0, S)]],
                        ent_v.at[r], sem_e)
                return fcarry

            lax.fori_loop(0, TILE // GROUP, fire, 0)
            c_h.wait()
            c_it.wait()
            pltpu.sync_copy(h_v, h_out.at[pl.ds(gbase, TILE)])
            pltpu.sync_copy(ite_v, ite_out.at[pl.ds(gbase, TILE)])
            pltpu.sync_copy(cat_v, cat_out.at[pl.ds(gbase, TILE)])

            def drain(g, dcarry):
                pltpu.make_async_copy(
                    emb_hbm.at[pl.ds(0, 8)],
                    ent_v.at[0].at[pl.ds(0, 8)], sem_e).wait()
                return dcarry

            lax.fori_loop(0, TILE * S * D * 4 // 4096, drain, 0)
            pltpu.sync_copy(ent_v, ent_out.at[pl.ds(gbase, TILE)])
            return carry

        lax.fori_loop(0, n_tiles, tile_body, 0)

    return body


@functools.cache
def _make_sc_gather(nflat_c, coff):
    return pl.kernel(
        _make_sc_body(nflat_c, coff),
        out_type=(
            jax.ShapeDtypeStruct((nflat_c, D), jnp.float32),
            jax.ShapeDtypeStruct((nflat_c, D), jnp.float32),
            jax.ShapeDtypeStruct((nflat_c, 128), jnp.int32),
            jax.ShapeDtypeStruct((nflat_c, S, D), jnp.float32),
        ),
        mesh=plsc.VectorSubcoreMesh(core_axis_name="c", subcore_axis_name="s",
                                    num_cores=NC, num_subcores=NS),
        scratch_types=[
            pltpu.VMEM((TILE,), jnp.int32),
            pltpu.VMEM((TILE,), jnp.int32),
            pltpu.VMEM((TILE, D), jnp.float32),
            pltpu.VMEM((TILE, D), jnp.float32),
            pltpu.VMEM((TILE, 128), jnp.int32),
            pltpu.VMEM((TILE, S, D), jnp.float32),
            pltpu.SemaphoreType.DMA,
            pltpu.SemaphoreType.DMA,
            pltpu.SemaphoreType.DMA,
        ],
    )



BB = 32


def _tc_body(h_ref, ite_ref, ent_ref, cat_ref, adj_ref, mask_ref,
             a_ref, w1a_ref, w1b_ref, w2_ref, w3_ref, obuf_ref, o_ref):
    del obuf_ref
    hflat = h_ref[...]
    hb = hflat.reshape(BB, L, D)
    av = a_ref[...]
    ha = hb[:, :, None, :] * av[None, None, :, :]
    e = lax.dot_general(ha.reshape(BB, L * 4, D), hb,
                        (((2,), (2,)), ((0,), (0,))))
    e = _leaky(e, ALPHA).reshape(BB, L, 4, L)
    adj = adj_ref[...]
    neg = jnp.float32(-9e15)
    att = jnp.where(adj == 1, e[:, :, 0, :], neg)
    att = jnp.where(adj == 2, e[:, :, 1, :], att)
    att = jnp.where(adj == 3, e[:, :, 2, :], att)
    att = jnp.where(adj == 4, e[:, :, 3, :], att)
    att = jnp.exp(att - jnp.max(att, axis=-1, keepdims=True))
    att = att * (1.0 / jnp.sum(att, axis=-1, keepdims=True))
    h_local = lax.dot_general(att, hb,
                              (((2,), (1,)), ((0,), (0,))))

    maskf = mask_ref[...].astype(jnp.float32)
    ite = ite_ref[...].reshape(BB, L, D)
    ssum = jnp.sum(ite * maskf[..., None], axis=1)
    sess = ssum / jnp.sum(maskf, axis=1)[..., None]

    catv = cat_ref[...]
    sess_pos = jnp.broadcast_to(
        sess[:, None, :], (BB, L, D)).reshape(BB * L, D)
    w1b2 = w1b_ref[...]
    ents = []
    logits = []
    for s in range(S):
        ent_s = ent_ref[:, s, :]
        wv_s = lax.bitcast_convert_type(catv[:, S + s:S + s + 1],
                                        jnp.float32)
        al_s = jnp.dot(sess_pos * ent_s, w1a_ref[...],
                       preferred_element_type=jnp.float32)
        al_s = _leaky(al_s + wv_s * w1b2, 0.2)
        logit_s = jnp.dot(al_s, w2_ref[...],
                          preferred_element_type=jnp.float32)
        ents.append(ent_s)
        logits.append(logit_s)
    m = logits[0]
    for s in range(1, S):
        m = jnp.maximum(m, logits[s])
    exps = [jnp.exp(lg - m) for lg in logits]
    denom = exps[0]
    for s in range(1, S):
        denom = denom + exps[s]
    rec = 1.0 / denom
    nbr = (exps[0] * rec) * ents[0]
    for s in range(1, S):
        nbr = nbr + (exps[s] * rec) * ents[s]
    out = jnp.concatenate([hflat, nbr], axis=-1)
    hg = jnp.dot(out, w3_ref[...], preferred_element_type=jnp.float32)
    hg = jnp.maximum(hg, 0.0)
    o_ref[...] = h_local + hg.reshape(BB, L, D)


def _tc_call(h2, ite2, ent3, cat2, adj, mask, av, w1a, w1b, g_w2, g_w3,
             obuf, bc=B, boff=0, interpret=False):
    nblk = bc // BB
    ob = boff // BB
    return pl.pallas_call(
        _tc_body,
        grid=(nblk,),
        in_specs=[
            pl.BlockSpec((BB * L, D), lambda b: (b, 0)),
            pl.BlockSpec((BB * L, D), lambda b: (b, 0)),
            pl.BlockSpec((BB * L, S, D), lambda b: (b, 0, 0)),
            pl.BlockSpec((BB * L, 128), lambda b: (b, 0)),
            pl.BlockSpec((BB, L, L), lambda b, _o=ob: (b + _o, 0, 0)),
            pl.BlockSpec((BB, L), lambda b, _o=ob: (b + _o, 0)),
            pl.BlockSpec((4, D), lambda b: (0, 0)),
            pl.BlockSpec((D, D), lambda b: (0, 0)),
            pl.BlockSpec((1, D), lambda b: (0, 0)),
            pl.BlockSpec((D, 1), lambda b: (0, 0)),
            pl.BlockSpec((2 * D, D), lambda b: (0, 0)),
            pl.BlockSpec(memory_space=pl.ANY),
        ],
        out_specs=pl.BlockSpec((BB, L, D), lambda b, _o=ob: (b + _o, 0, 0)),
        out_shape=jax.ShapeDtypeStruct((B, L, D), jnp.float32),
        input_output_aliases={11: 0},
        interpret=interpret,
    )(h2, ite2, ent3, cat2, adj, mask, av, w1a, w1b, g_w2, g_w3, obuf)


def kernel(inputs, adj, mask_item, item, adj_all, num_w, embedding,
           a_0, a_1, a_2, a_3, g_w1, g_w2, g_w3):
    flat = inputs.reshape(-1)
    itemf = item.reshape(-1)
    numw_bits = lax.bitcast_convert_type(num_w, jnp.int32)
    cat = (jnp.pad(adj_all, ((0, 0), (0, 128 - S)))
           + jnp.pad(numw_bits, ((0, 0), (S, 128 - 2 * S))))
    av = jnp.concatenate([a_0, a_1, a_2, a_3], axis=1).T
    w1a = g_w1[:D]
    w1b = g_w1[D:]

    bc = B // NCHUNK
    nflat_c = bc * L
    out = jnp.zeros((B, L, D), jnp.float32)
    for c in range(NCHUNK):
        h_c, ite_c, cat_c, ent_c = _make_sc_gather(nflat_c, c * nflat_c)(
            flat, itemf, cat, embedding)
        out = _tc_call(h_c, ite_c, ent_c, cat_c, adj, mask_item,
                       av, w1a, w1b, g_w2, g_w3, out,
                       bc=bc, boff=c * bc)
    return out

# --- scband reference (transcript-rebuilt; emitter-appended) ---
"""Pipeline reference for scband-combine-graph-9998683865141 (READ-ONLY COPY).

The authoritative reference and input builder live on the scoring server;
editing this copy changes nothing except your own understanding.
"""

import jax, jax.numpy as jnp
import numpy as np

B = 1024
L = 20
D = 128
NUM_NODE = 100000
N_SAMPLE = 12
ALPHA = 0.2


def _leaky(x, slope):
    return jnp.where(x >= 0, x, slope * x)


def setup_inputs(seed: int = 0) -> dict:
    key = jax.random.key(seed)
    ks = jax.random.split(key, 16)
    stdv = 1.0 / np.sqrt(D)

    def u(k, shape):
        return jax.random.uniform(k, shape, jnp.float32, -stdv, stdv)

    inputs = jax.random.randint(ks[0], (B, L), 0, NUM_NODE, dtype=jnp.int32)
    adj = jax.random.randint(ks[1], (B, L, L), 0, 5, dtype=jnp.int32)
    mask_item = jnp.ones((B, L), dtype=jnp.int32)
    item = jax.random.randint(ks[2], (B, L), 0, NUM_NODE, dtype=jnp.int32)
    adj_all = jax.random.randint(ks[3], (NUM_NODE, N_SAMPLE), 0, NUM_NODE, dtype=jnp.int32)
    num_w = jax.random.uniform(ks[4], (NUM_NODE, N_SAMPLE), jnp.float32)
    embedding = u(ks[5], (NUM_NODE, D))
    a_0 = u(ks[6], (D, 1))
    a_1 = u(ks[7], (D, 1))
    a_2 = u(ks[8], (D, 1))
    a_3 = u(ks[9], (D, 1))
    g_w1 = u(ks[10], (D + 1, D))
    g_w2 = u(ks[11], (D, 1))
    g_w3 = u(ks[12], (2 * D, D))
    return {"inputs": inputs, "adj": adj, "mask_item": mask_item, "item": item,
            "adj_all": adj_all, "num_w": num_w, "embedding": embedding,
            "a_0": a_0, "a_1": a_1, "a_2": a_2, "a_3": a_3,
            "g_w1": g_w1, "g_w2": g_w2, "g_w3": g_w3}


def reference(inputs, adj, mask_item, item, adj_all, num_w, embedding,
              a_0, a_1, a_2, a_3, g_w1, g_w2, g_w3):
    # embedding lookup
    h = jnp.take(embedding, inputs, axis=0)  # [B, L, D]

    # ---- LocalAggregator (GAT-style over session adjacency with 4 edge types) ----
    a_input = h[:, :, None, :] * h[:, None, :, :]  # [B, L, L, D]
    e0 = _leaky(jnp.matmul(a_input, a_0), ALPHA)[..., 0]
    e1 = _leaky(jnp.matmul(a_input, a_1), ALPHA)[..., 0]
    e2 = _leaky(jnp.matmul(a_input, a_2), ALPHA)[..., 0]
    e3 = _leaky(jnp.matmul(a_input, a_3), ALPHA)[..., 0]
    neg = jnp.full_like(e0, -9e15)
    att = jnp.where(adj == 1, e0, neg)
    att = jnp.where(adj == 2, e1, att)
    att = jnp.where(adj == 3, e2, att)
    att = jnp.where(adj == 4, e3, att)
    att = jax.nn.softmax(att, axis=-1)
    h_local = jnp.matmul(att, h)  # [B, L, D]

    # ---- Global graph: 1-hop neighbor sampling (hop=1) ----
    flat = inputs.reshape(-1)
    neighbors = jnp.take(adj_all, flat, axis=0).reshape(B, L * N_SAMPLE)
    weights = jnp.take(num_w, flat, axis=0).reshape(B, L, N_SAMPLE)
    entity0 = h
    entity1 = jnp.take(embedding, neighbors, axis=0).reshape(B, L, N_SAMPLE, D)

    maskf = mask_item.astype(jnp.float32)
    item_emb = jnp.take(embedding, item, axis=0) * maskf[..., None]
    sum_item = jnp.sum(item_emb, axis=1) / jnp.sum(maskf, axis=-1)[..., None]  # [B, D]
    sess = jnp.broadcast_to(sum_item[:, None, :], (B, L, D))

    # ---- GlobalAggregator with extra (session) vector ----
    cat = jnp.concatenate([sess[:, :, None, :] * entity1, weights[..., None]], axis=-1)  # [B,L,S,D+1]
    al = _leaky(jnp.matmul(cat, g_w1), 0.2)          # [B,L,S,D]
    al = jnp.matmul(al, g_w2)[..., 0]                # [B,L,S]
    al = jax.nn.softmax(al, axis=-1)[..., None]      # [B,L,S,1]
    nbr = jnp.sum(al * entity1, axis=-2)             # [B,L,D]
    out = jnp.concatenate([entity0, nbr], axis=-1)   # [B,L,2D]
    h_global = jax.nn.relu(jnp.matmul(out, g_w3))    # [B,L,D]

    # dropout rates are 0.0 (eval-equivalent), so dropouts are identity
    return h_local + h_global

if __name__ == "__main__":
    import jax
    _d = setup_inputs()
    print(jax.jit(kernel)(*tuple(_d.values())))

</pallas_src>

<mosaic_0001>
#map = affine_map<(d0, d1) -> (0)>
#map1 = affine_map<(d0, d1) -> (0, 0)>
#map2 = affine_map<(d0, d1) -> (0, 0, 0)>
module attributes {stable_mosaic.version = 14 : i64} {
  func.func @body(%arg0: i32, %arg1: i32, %arg2: memref<20480xi32, #tpu.memory_space<hbm>>, %arg3: memref<20480xi32, #tpu.memory_space<hbm>>, %arg4: memref<100000x128xi32, #tpu.memory_space<hbm>>, %arg5: memref<100000x128xf32, #tpu.memory_space<hbm>>, %arg6: memref<5120x128xf32, #tpu.memory_space<hbm>>, %arg7: memref<5120x128xf32, #tpu.memory_space<hbm>>, %arg8: memref<5120x128xi32, #tpu.memory_space<hbm>>, %arg9: memref<5120x12x128xf32, #tpu.memory_space<hbm>>, %arg10: memref<40xi32, #tpu.memory_space<vmem>>, %arg11: memref<40xi32, #tpu.memory_space<vmem>>, %arg12: memref<40x128xf32, #tpu.memory_space<vmem>>, %arg13: memref<40x128xf32, #tpu.memory_space<vmem>>, %arg14: memref<40x128xi32, #tpu.memory_space<vmem>>, %arg15: memref<40x12x128xf32, #tpu.memory_space<vmem>>, %arg16: memref<!tpu.dma_semaphore, #tpu.memory_space<semaphore_mem>>, %arg17: memref<!tpu.dma_semaphore, #tpu.memory_space<semaphore_mem>>, %arg18: memref<!tpu.dma_semaphore, #tpu.memory_space<semaphore_mem>>) attributes {dimension_semantics = [#tpu.dimension_semantics<core_parallel>, #tpu.dimension_semantics<subcore_parallel>], iteration_bounds = array<i64: 2, 16>, scalar_prefetch = 0 : i64, scratch_operands = 9 : i64, tpu.core_type = #tpu.core_type<sc_vector_subcore>, window_params = [{transform_indices = #map}, {transform_indices = #map}, {transform_indices = #map1}, {transform_indices = #map1}, {transform_indices = #map1}, {transform_indices = #map1}, {transform_indices = #map1}, {transform_indices = #map2}]} {
    %mul3A = arith.constant 2 : i32
    %mul3A_0 = arith.muli %arg1, %mul3A : i32
    %add3A = arith.addi %mul3A_0, %arg0 : i32
    %mul3A_1 = arith.constant 160 : i32
    %mul3A_2 = arith.muli %add3A, %mul3A_1 : i32
    %scan3A = arith.constant 0 : i32
    %scan3A_3 = arith.constant 0 : i32
    %scan3A_4 = arith.constant 4 : i32
    %scan3A_5 = arith.addi %scan3A_3, %scan3A_4 : i32
    %scan3A_6 = arith.constant 1 : i32
    scf.for %scan3A_8 = %scan3A_3 to %scan3A_5 step %scan3A_6  : i32 {
      %mul3A_9 = arith.constant 40 : i32
      %mul3A_10 = arith.muli %scan3A_8, %mul3A_9 : i32
      %add3A_11 = arith.addi %mul3A_2, %mul3A_10 : i32
      %add3A_12 = arith.constant 5120 : i32
      %add3A_13 = arith.addi %add3A_12, %add3A_11 : i32
      "tpu.region"() ({
        %run_scoped3A = tpu.sem_alloc : memref<!tpu.dma_semaphore, #tpu.memory_space<semaphore_mem>>
        %dma_start3A_44 = tpu.memref_slice %arg2[%add3A_13] : memref<20480xi32, #tpu.memory_space<hbm>> -> memref<40xi32, #tpu.memory_space<hbm>>
        %dma_start3A_45 = tpu.memref_slice %arg2[%add3A_13] : memref<20480xi32, #tpu.memory_space<hbm>> -> memref<40xi32, #tpu.memory_space<hbm>>
        tpu.enqueue_dma source(%dma_start3A_45 : memref<40xi32, #tpu.memory_space<hbm>>) target(%arg10 : memref<40xi32, #tpu.memory_space<vmem>>) target_semaphore(%run_scoped3A : memref<!tpu.dma_semaphore, #tpu.memory_space<semaphore_mem>>)
        %dma_wait3A_46 = tpu.memref_slice %arg2[%add3A_13] : memref<20480xi32, #tpu.memory_space<hbm>> -> memref<40xi32, #tpu.memory_space<hbm>>
        %dma_wait3A_47 = tpu.memref_slice %arg2[%add3A_13] : memref<20480xi32, #tpu.memory_space<hbm>> -> memref<40xi32, #tpu.memory_space<hbm>>
        tpu.wait_dma2 semaphore(%run_scoped3A : memref<!tpu.dma_semaphore, #tpu.memory_space<semaphore_mem>>) src(%dma_wait3A_47 : memref<40xi32, #tpu.memory_space<hbm>>) dst(%arg10 : memref<40xi32, #tpu.memory_space<vmem>>)
        tpu.yield
      }) : () -> ()
      %add3A_14 = arith.constant 5120 : i32
      %add3A_15 = arith.addi %add3A_14, %add3A_11 : i32
      "tpu.region"() ({
        %run_scoped3A = tpu.sem_alloc : memref<!tpu.dma_semaphore, #tpu.memory_space<semaphore_mem>>
        %dma_start3A_44 = tpu.memref_slice %arg3[%add3A_15] : memref<20480xi32, #tpu.memory_space<hbm>> -> memref<40xi32, #tpu.memory_space<hbm>>
        %dma_start3A_45 = tpu.memref_slice %arg3[%add3A_15] : memref<20480xi32, #tpu.memory_space<hbm>> -> memref<40xi32, #tpu.memory_space<hbm>>
        tpu.enqueue_dma source(%dma_start3A_45 : memref<40xi32, #tpu.memory_space<hbm>>) target(%arg11 : memref<40xi32, #tpu.memory_space<vmem>>) target_semaphore(%run_scoped3A : memref<!tpu.dma_semaphore, #tpu.memory_space<semaphore_mem>>)
        %dma_wait3A_46 = tpu.memref_slice %arg3[%add3A_15] : memref<20480xi32, #tpu.memory_space<hbm>> -> memref<40xi32, #tpu.memory_space<hbm>>
        %dma_wait3A_47 = tpu.memref_slice %arg3[%add3A_15] : memref<20480xi32, #tpu.memory_space<hbm>> -> memref<40xi32, #tpu.memory_space<hbm>>
        tpu.wait_dma2 semaphore(%run_scoped3A : memref<!tpu.dma_semaphore, #tpu.memory_space<semaphore_mem>>) src(%dma_wait3A_47 : memref<40xi32, #tpu.memory_space<hbm>>) dst(%arg11 : memref<40xi32, #tpu.memory_space<vmem>>)
        tpu.yield
      }) : () -> ()
      %dma_start3A = arith.constant 0 : i32
      %dma_start3A_16 = arith.constant 0 : i32
      %dma_start3A_17 = tpu.memref_slice %arg5[%dma_start3A, %dma_start3A_16] : memref<100000x128xf32, #tpu.memory_space<hbm>> -> memref<100000x128xf32, #tpu.memory_space<hbm>>
      tpu.enqueue_indirect_dma source(%dma_start3A_17 : memref<100000x128xf32, #tpu.memory_space<hbm>>) target(%arg12 : memref<40x128xf32, #tpu.memory_space<vmem>>) offsets(%arg10 : memref<40xi32, #tpu.memory_space<vmem>>) semaphore(%arg16 : memref<!tpu.dma_semaphore, #tpu.memory_space<semaphore_mem>>)
      %dma_start3A_18 = arith.constant 0 : i32
      %dma_start3A_19 = arith.constant 0 : i32
      %dma_start3A_20 = tpu.memref_slice %arg5[%dma_start3A_18, %dma_start3A_19] : memref<100000x128xf32, #tpu.memory_space<hbm>> -> memref<100000x128xf32, #tpu.memory_space<hbm>>
      tpu.enqueue_indirect_dma source(%dma_start3A_20 : memref<100000x128xf32, #tpu.memory_space<hbm>>) target(%arg13 : memref<40x128xf32, #tpu.memory_space<vmem>>) offsets(%arg11 : memref<40xi32, #tpu.memory_space<vmem>>) semaphore(%arg16 : memref<!tpu.dma_semaphore, #tpu.memory_space<semaphore_mem>>)
      %dma_start3A_21 = arith.constant 0 : i32
      %dma_start3A_22 = arith.constant 0 : i32
      %dma_start3A_23 = tpu.memref_slice %arg4[%dma_start3A_21, %dma_start3A_22] : memref<100000x128xi32, #tpu.memory_space<hbm>> -> memref<100000x128xi32, #tpu.memory_space<hbm>>
      tpu.enqueue_indirect_dma source(%dma_start3A_23 : memref<100000x128xi32, #tpu.memory_space<hbm>>) target(%arg14 : memref<40x128xi32, #tpu.memory_space<vmem>>) offsets(%arg10 : memref<40xi32, #tpu.memory_space<vmem>>) semaphore(%arg17 : memref<!tpu.dma_semaphore, #tpu.memory_space<semaphore_mem>>)
      %dma_wait3A = arith.constant 0 : i32
      %dma_wait3A_24 = arith.constant 0 : i32
      %dma_wait3A_25 = tpu.memref_slice %arg4[%dma_wait3A, %dma_wait3A_24] : memref<100000x128xi32, #tpu.memory_space<hbm>> -> memref<100000x128xi32, #tpu.memory_space<hbm>>
      tpu.wait_indirect_dma semaphore(%arg17 : memref<!tpu.dma_semaphore, #tpu.memory_space<semaphore_mem>>) src(%dma_wait3A_25 : memref<100000x128xi32, #tpu.memory_space<hbm>>) dst(%arg14 : memref<40x128xi32, #tpu.memory_space<vmem>>)
      %scan3A_26 = arith.constant 0 : i32
      %scan3A_27 = arith.constant 0 : i32
      %scan3A_28 = arith.constant 5 : i32
      %scan3A_29 = arith.addi %scan3A_27, %scan3A_28 : i32
      %scan3A_30 = arith.constant 1 : i32
      scf.for %scan3A_44 = %scan3A_27 to %scan3A_29 step %scan3A_30  : i32 {
        %mul3A_45 = arith.constant 8 : i32
        %mul3A_46 = arith.muli %scan3A_44, %mul3A_45 : i32
        %add3A_47 = arith.constant 0 : i32
        %add3A_48 = arith.addi %mul3A_46, %add3A_47 : i32
        %dma_start3A_49 = arith.constant 0 : i32
        %dma_start3A_50 = arith.constant 0 : i32
        %dma_start3A_51 = tpu.memref_slice %arg15[%add3A_48, %dma_start3A_49, %dma_start3A_50] : memref<40x12x128xf32, #tpu.memory_space<vmem>> -> memref<1x12x128xf32, #tpu.memory_space<vmem>>
        %dma_start3A_52 = tpu.memref_squeeze %dma_start3A_51 : memref<1x12x128xf32, #tpu.memory_space<vmem>> -> memref<12x128xf32, #tpu.memory_space<vmem>>
        %dma_start3A_53 = arith.constant 0 : i32
        %dma_start3A_54 = tpu.memref_slice %arg14[%add3A_48, %dma_start3A_53] : memref<40x128xi32, #tpu.memory_space<vmem>> -> memref<1x128xi32, #tpu.memory_space<vmem>>
        %dma_start3A_55 = tpu.memref_squeeze %dma_start3A_54 : memref<1x128xi32, #tpu.memory_space<vmem>> -> memref<128xi32, #tpu.memory_space<vmem>>
        %dma_start3A_56 = arith.constant 0 : i32
        %dma_start3A_57 = tpu.memref_slice %dma_start3A_55[%dma_start3A_56] : memref<128xi32, #tpu.memory_space<vmem>> -> memref<12xi32, #tpu.memory_space<vmem>>
        %dma_start3A_58 = arith.constant 0 : i32
        %dma_start3A_59 = arith.constant 0 : i32
        %dma_start3A_60 = tpu.memref_slice %arg5[%dma_start3A_58, %dma_start3A_59] : memref<100000x128xf32, #tpu.memory_space<hbm>> -> memref<100000x128xf32, #tpu.memory_space<hbm>>
        tpu.enqueue_indirect_dma source(%dma_start3A_60 : memref<100000x128xf32, #tpu.memory_space<hbm>>) target(%dma_start3A_52 : memref<12x128xf32, #tpu.memory_space<vmem>>) offsets(%dma_start3A_57 : memref<12xi32, #tpu.memory_space<vmem>>) semaphore(%arg18 : memref<!tpu.dma_semaphore, #tpu.memory_space<semaphore_mem>>)
        %mul3A_61 = arith.constant 8 : i32
        %mul3A_62 = arith.muli %scan3A_44, %mul3A_61 : i32
        %add3A_63 = arith.constant 1 : i32
        %add3A_64 = arith.addi %mul3A_62, %add3A_63 : i32
        %dma_start3A_65 = arith.constant 0 : i32
        %dma_start3A_66 = arith.constant 0 : i32
        %dma_start3A_67 = tpu.memref_slice %arg15[%add3A_64, %dma_start3A_65, %dma_start3A_66] : memref<40x12x128xf32, #tpu.memory_space<vmem>> -> memref<1x12x128xf32, #tpu.memory_space<vmem>>
        %dma_start3A_68 = tpu.memref_squeeze %dma_start3A_67 : memref<1x12x128xf32, #tpu.memory_space<vmem>> -> memref<12x128xf32, #tpu.memory_space<vmem>>
        %dma_start3A_69 = arith.constant 0 : i32
        %dma_start3A_70 = tpu.memref_slice %arg14[%add3A_64, %dma_start3A_69] : memref<40x128xi32, #tpu.memory_space<vmem>> -> memref<1x128xi32, #tpu.memory_space<vmem>>
        %dma_start3A_71 = tpu.memref_squeeze %dma_start3A_70 : memref<1x128xi32, #tpu.memory_space<vmem>> -> memref<128xi32, #tpu.memory_space<vmem>>
        %dma_start3A_72 = arith.constant 0 : i32
        %dma_start3A_73 = tpu.memref_slice %dma_start3A_71[%dma_start3A_72] : memref<128xi32, #tpu.memory_space<vmem>> -> memref<12xi32, #tpu.memory_space<vmem>>
        %dma_start3A_74 = arith.constant 0 : i32
        %dma_start3A_75 = arith.constant 0 : i32
        %dma_start3A_76 = tpu.memref_slice %arg5[%dma_start3A_74, %dma_start3A_75] : memref<100000x128xf32, #tpu.memory_space<hbm>> -> memref<100000x128xf32, #tpu.memory_space<hbm>>
        tpu.enqueue_indirect_dma source(%dma_start3A_76 : memref<100000x128xf32, #tpu.memory_space<hbm>>) target(%dma_start3A_68 : memref<12x128xf32, #tpu.memory_space<vmem>>) offsets(%dma_start3A_73 : memref<12xi32, #tpu.memory_space<vmem>>) semaphore(%arg18 : memref<!tpu.dma_semaphore, #tpu.memory_space<semaphore_mem>>)
        %mul3A_77 = arith.constant 8 : i32
        %mul3A_78 = arith.muli %scan3A_44, %mul3A_77 : i32
        %add3A_79 = arith.constant 2 : i32
        %add3A_80 = arith.addi %mul3A_78, %add3A_79 : i32
        %dma_start3A_81 = arith.constant 0 : i32
        %dma_start3A_82 = arith.constant 0 : i32
        %dma_start3A_83 = tpu.memref_slice %arg15[%add3A_80, %dma_start3A_81, %dma_start3A_82] : memref<40x12x128xf32, #tpu.memory_space<vmem>> -> memref<1x12x128xf32, #tpu.memory_space<vmem>>
        %dma_start3A_84 = tpu.memref_squeeze %dma_start3A_83 : memref<1x12x128xf32, #tpu.memory_space<vmem>> -> memref<12x128xf32, #tpu.memory_space<vmem>>
        %dma_start3A_85 = arith.constant 0 : i32
        %dma_start3A_86 = tpu.memref_slice %arg14[%add3A_80, %dma_start3A_85] : memref<40x128xi32, #tpu.memory_space<vmem>> -> memref<1x128xi32, #tpu.memory_space<vmem>>
        %dma_start3A_87 = tpu.memref_squeeze %dma_start3A_86 : memref<1x128xi32, #tpu.memory_space<vmem>> -> memref<128xi32, #tpu.memory_space<vmem>>
        %dma_start3A_88 = arith.constant 0 : i32
        %dma_start3A_89 = tpu.memref_slice %dma_start3A_87[%dma_start3A_88] : memref<128xi32, #tpu.memory_space<vmem>> -> memref<12xi32, #tpu.memory_space<vmem>>
        %dma_start3A_90 = arith.constant 0 : i32
        %dma_start3A_91 = arith.constant 0 : i32
        %dma_start3A_92 = tpu.memref_slice %arg5[%dma_start3A_90, %dma_start3A_91] : memref<100000x128xf32, #tpu.memory_space<hbm>> -> memref<100000x128xf32, #tpu.memory_space<hbm>>
        tpu.enqueue_indirect_dma source(%dma_start3A_92 : memref<100000x128xf32, #tpu.memory_space<hbm>>) target(%dma_start3A_84 : memref<12x128xf32, #tpu.memory_space<vmem>>) offsets(%dma_start3A_89 : memref<12xi32, #tpu.memory_space<vmem>>) semaphore(%arg18 : memref<!tpu.dma_semaphore, #tpu.memory_space<semaphore_mem>>)
        %mul3A_93 = arith.constant 8 : i32
        %mul3A_94 = arith.muli %scan3A_44, %mul3A_93 : i32
        %add3A_95 = arith.constant 3 : i32
        %add3A_96 = arith.addi %mul3A_94, %add3A_95 : i32
        %dma_start3A_97 = arith.constant 0 : i32
        %dma_start3A_98 = arith.constant 0 : i32
        %dma_start3A_99 = tpu.memref_slice %arg15[%add3A_96, %dma_start3A_97, %dma_start3A_98] : memref<40x12x128xf32, #tpu.memory_space<vmem>> -> memref<1x12x128xf32, #tpu.memory_space<vmem>>
        %dma_start3A_100 = tpu.memref_squeeze %dma_start3A_99 : memref<1x12x128xf32, #tpu.memory_space<vmem>> -> memref<12x128xf32, #tpu.memory_space<vmem>>
        %dma_start3A_101 = arith.constant 0 : i32
        %dma_start3A_102 = tpu.memref_slice %arg14[%add3A_96, %dma_start3A_101] : memref<40x128xi32, #tpu.memory_space<vmem>> -> memref<1x128xi32, #tpu.memory_space<vmem>>
        %dma_start3A_103 = tpu.memref_squeeze %dma_start3A_102 : memref<1x128xi32, #tpu.memory_space<vmem>> -> memref<128xi32, #tpu.memory_space<vmem>>
        %dma_start3A_104 = arith.constant 0 : i32
        %dma_start3A_105 = tpu.memref_slice %dma_start3A_103[%dma_start3A_104] : memref<128xi32, #tpu.memory_space<vmem>> -> memref<12xi32, #tpu.memory_space<vmem>>
        %dma_start3A_106 = arith.constant 0 : i32
        %dma_start3A_107 = arith.constant 0 : i32
        %dma_start3A_108 = tpu.memref_slice %arg5[%dma_start3A_106, %dma_start3A_107] : memref<100000x128xf32, #tpu.memory_space<hbm>> -> memref<100000x128xf32, #tpu.memory_space<hbm>>
        tpu.enqueue_indirect_dma source(%dma_start3A_108 : memref<100000x128xf32, #tpu.memory_space<hbm>>) target(%dma_start3A_100 : memref<12x128xf32, #tpu.memory_space<vmem>>) offsets(%dma_start3A_105 : memref<12xi32, #tpu.memory_space<vmem>>) semaphore(%arg18 : memref<!tpu.dma_semaphore, #tpu.memory_space<semaphore_mem>>)
        %mul3A_109 = arith.constant 8 : i32
        %mul3A_110 = arith.muli %scan3A_44, %mul3A_109 : i32
        %add3A_111 = arith.constant 4 : i32
        %add3A_112 = arith.addi %mul3A_110, %add3A_111 : i32
        %dma_start3A_113 = arith.constant 0 : i32
        %dma_start3A_114 = arith.constant 0 : i32
        %dma_start3A_115 = tpu.memref_slice %arg15[%add3A_112, %dma_start3A_113, %dma_start3A_114] : memref<40x12x128xf32, #tpu.memory_space<vmem>> -> memref<1x12x128xf32, #tpu.memory_space<vmem>>
        %dma_start3A_116 = tpu.memref_squeeze %dma_start3A_115 : memref<1x12x128xf32, #tpu.memory_space<vmem>> -> memref<12x128xf32, #tpu.memory_space<vmem>>
        %dma_start3A_117 = arith.constant 0 : i32
        %dma_start3A_118 = tpu.memref_slice %arg14[%add3A_112, %dma_start3A_117] : memref<40x128xi32, #tpu.memory_space<vmem>> -> memref<1x128xi32, #tpu.memory_space<vmem>>
        %dma_start3A_119 = tpu.memref_squeeze %dma_start3A_118 : memref<1x128xi32, #tpu.memory_space<vmem>> -> memref<128xi32, #tpu.memory_space<vmem>>
        %dma_start3A_120 = arith.constant 0 : i32
        %dma_start3A_121 = tpu.memref_slice %dma_start3A_119[%dma_start3A_120] : memref<128xi32, #tpu.memory_space<vmem>> -> memref<12xi32, #tpu.memory_space<vmem>>
        %dma_start3A_122 = arith.constant 0 : i32
        %dma_start3A_123 = arith.constant 0 : i32
        %dma_start3A_124 = tpu.memref_slice %arg5[%dma_start3A_122, %dma_start3A_123] : memref<100000x128xf32, #tpu.memory_space<hbm>> -> memref<100000x128xf32, #tpu.memory_space<hbm>>
        tpu.enqueue_indirect_dma source(%dma_start3A_124 : memref<100000x128xf32, #tpu.memory_space<hbm>>) target(%dma_start3A_116 : memref<12x128xf32, #tpu.memory_space<vmem>>) offsets(%dma_start3A_121 : memref<12xi32, #tpu.memory_space<vmem>>) semaphore(%arg18 : memref<!tpu.dma_semaphore, #tpu.memory_space<semaphore_mem>>)
        %mul3A_125 = arith.constant 8 : i32
        %mul3A_126 = arith.muli %scan3A_44, %mul3A_125 : i32
        %add3A_127 = arith.constant 5 : i32
        %add3A_128 = arith.addi %mul3A_126, %add3A_127 : i32
        %dma_start3A_129 = arith.constant 0 : i32
        %dma_start3A_130 = arith.constant 0 : i32
        %dma_start3A_131 = tpu.memref_slice %arg15[%add3A_128, %dma_start3A_129, %dma_start3A_130] : memref<40x12x128xf32, #tpu.memory_space<vmem>> -> memref<1x12x128xf32, #tpu.memory_space<vmem>>
        %dma_start3A_132 = tpu.memref_squeeze %dma_start3A_131 : memref<1x12x128xf32, #tpu.memory_space<vmem>> -> memref<12x128xf32, #tpu.memory_space<vmem>>
        %dma_start3A_133 = arith.constant 0 : i32
        %dma_start3A_134 = tpu.memref_slice %arg14[%add3A_128, %dma_start3A_133] : memref<40x128xi32, #tpu.memory_space<vmem>> -> memref<1x128xi32, #tpu.memory_space<vmem>>
        %dma_start3A_135 = tpu.memref_squeeze %dma_start3A_134 : memref<1x128xi32, #tpu.memory_space<vmem>> -> memref<128xi32, #tpu.memory_space<vmem>>
        %dma_start3A_136 = arith.constant 0 : i32
        %dma_start3A_137 = tpu.memref_slice %dma_start3A_135[%dma_start3A_136] : memref<128xi32, #tpu.memory_space<vmem>> -> memref<12xi32, #tpu.memory_space<vmem>>
        %dma_start3A_138 = arith.constant 0 : i32
        %dma_start3A_139 = arith.constant 0 : i32
        %dma_start3A_140 = tpu.memref_slice %arg5[%dma_start3A_138, %dma_start3A_139] : memref<100000x128xf32, #tpu.memory_space<hbm>> -> memref<100000x128xf32, #tpu.memory_space<hbm>>
        tpu.enqueue_indirect_dma source(%dma_start3A_140 : memref<100000x128xf32, #tpu.memory_space<hbm>>) target(%dma_start3A_132 : memref<12x128xf32, #tpu.memory_space<vmem>>) offsets(%dma_start3A_137 : memref<12xi32, #tpu.memory_space<vmem>>) semaphore(%arg18 : memref<!tpu.dma_semaphore, #tpu.memory_space<semaphore_mem>>)
        %mul3A_141 = arith.constant 8 : i32
        %mul3A_142 = arith.muli %scan3A_44, %mul3A_141 : i32
        %add3A_143 = arith.constant 6 : i32
        %add3A_144 = arith.addi %mul3A_142, %add3A_143 : i32
        %dma_start3A_145 = arith.constant 0 : i32
        %dma_start3A_146 = arith.constant 0 : i32
        %dma_start3A_147 = tpu.memref_slice %arg15[%add3A_144, %dma_start3A_145, %dma_start3A_146] : memref<40x12x128xf32, #tpu.memory_space<vmem>> -> memref<1x12x128xf32, #tpu.memory_space<vmem>>
        %dma_start3A_148 = tpu.memref_squeeze %dma_start3A_147 : memref<1x12x128xf32, #tpu.memory_space<vmem>> -> memref<12x128xf32, #tpu.memory_space<vmem>>
        %dma_start3A_149 = arith.constant 0 : i32
        %dma_start3A_150 = tpu.memref_slice %arg14[%add3A_144, %dma_start3A_149] : memref<40x128xi32, #tpu.memory_space<vmem>> -> memref<1x128xi32, #tpu.memory_space<vmem>>
        %dma_start3A_151 = tpu.memref_squeeze %dma_start3A_150 : memref<1x128xi32, #tpu.memory_space<vmem>> -> memref<128xi32, #tpu.memory_space<vmem>>
        %dma_start3A_152 = arith.constant 0 : i32
        %dma_start3A_153 = tpu.memref_slice %dma_start3A_151[%dma_start3A_152] : memref<128xi32, #tpu.memory_space<vmem>> -> memref<12xi32, #tpu.memory_space<vmem>>
        %dma_start3A_154 = arith.constant 0 : i32
        %dma_start3A_155 = arith.constant 0 : i32
        %dma_start3A_156 = tpu.memref_slice %arg5[%dma_start3A_154, %dma_start3A_155] : memref<100000x128xf32, #tpu.memory_space<hbm>> -> memref<100000x128xf32, #tpu.memory_space<hbm>>
        tpu.enqueue_indirect_dma source(%dma_start3A_156 : memref<100000x128xf32, #tpu.memory_space<hbm>>) target(%dma_start3A_148 : memref<12x128xf32, #tpu.memory_space<vmem>>) offsets(%dma_start3A_153 : memref<12xi32, #tpu.memory_space<vmem>>) semaphore(%arg18 : memref<!tpu.dma_semaphore, #tpu.memory_space<semaphore_mem>>)
        %mul3A_157 = arith.constant 8 : i32
        %mul3A_158 = arith.muli %scan3A_44, %mul3A_157 : i32
        %add3A_159 = arith.constant 7 : i32
        %add3A_160 = arith.addi %mul3A_158, %add3A_159 : i32
        %dma_start3A_161 = arith.constant 0 : i32
        %dma_start3A_162 = arith.constant 0 : i32
        %dma_start3A_163 = tpu.memref_slice %arg15[%add3A_160, %dma_start3A_161, %dma_start3A_162] : memref<40x12x128xf32, #tpu.memory_space<vmem>> -> memref<1x12x128xf32, #tpu.memory_space<vmem>>
        %dma_start3A_164 = tpu.memref_squeeze %dma_start3A_163 : memref<1x12x128xf32, #tpu.memory_space<vmem>> -> memref<12x128xf32, #tpu.memory_space<vmem>>
        %dma_start3A_165 = arith.constant 0 : i32
        %dma_start3A_166 = tpu.memref_slice %arg14[%add3A_160, %dma_start3A_165] : memref<40x128xi32, #tpu.memory_space<vmem>> -> memref<1x128xi32, #tpu.memory_space<vmem>>
        %dma_start3A_167 = tpu.memref_squeeze %dma_start3A_166 : memref<1x128xi32, #tpu.memory_space<vmem>> -> memref<128xi32, #tpu.memory_space<vmem>>
        %dma_start3A_168 = arith.constant 0 : i32
        %dma_start3A_169 = tpu.memref_slice %dma_start3A_167[%dma_start3A_168] : memref<128xi32, #tpu.memory_space<vmem>> -> memref<12xi32, #tpu.memory_space<vmem>>
        %dma_start3A_170 = arith.constant 0 : i32
        %dma_start3A_171 = arith.constant 0 : i32
        %dma_start3A_172 = tpu.memref_slice %arg5[%dma_start3A_170, %dma_start3A_171] : memref<100000x128xf32, #tpu.memory_space<hbm>> -> memref<100000x128xf32, #tpu.memory_space<hbm>>
        tpu.enqueue_indirect_dma source(%dma_start3A_172 : memref<100000x128xf32, #tpu.memory_space<hbm>>) target(%dma_start3A_164 : memref<12x128xf32, #tpu.memory_space<vmem>>) offsets(%dma_start3A_169 : memref<12xi32, #tpu.memory_space<vmem>>) semaphore(%arg18 : memref<!tpu.dma_semaphore, #tpu.memory_space<semaphore_mem>>)
      }
      %scan3A_31 = arith.constant 5 : i32
      %dma_wait3A_32 = arith.constant 0 : i32
      %dma_wait3A_33 = arith.constant 0 : i32
      %dma_wait3A_34 = tpu.memref_slice %arg5[%dma_wait3A_32, %dma_wait3A_33] : memref<100000x128xf32, #tpu.memory_space<hbm>> -> memref<100000x128xf32, #tpu.memory_space<hbm>>
      tpu.wait_indirect_dma semaphore(%arg16 : memref<!tpu.dma_semaphore, #tpu.memory_space<semaphore_mem>>) src(%dma_wait3A_34 : memref<100000x128xf32, #tpu.memory_space<hbm>>) dst(%arg12 : memref<40x128xf32, #tpu.memory_space<vmem>>)
      %dma_wait3A_35 = arith.constant 0 : i32
      %dma_wait3A_36 = arith.constant 0 : i32
      %dma_wait3A_37 = tpu.memref_slice %arg5[%dma_wait3A_35, %dma_wait3A_36] : memref<100000x128xf32, #tpu.memory_space<hbm>> -> memref<100000x128xf32, #tpu.memory_space<hbm>>
      tpu.wait_indirect_dma semaphore(%arg16 : memref<!tpu.dma_semaphore, #tpu.memory_space<semaphore_mem>>) src(%dma_wait3A_37 : memref<100000x128xf32, #tpu.memory_space<hbm>>) dst(%arg13 : memref<40x128xf32, #tpu.memory_space<vmem>>)
      "tpu.region"() ({
        %run_scoped3A = tpu.sem_alloc : memref<!tpu.dma_semaphore, #tpu.memory_space<semaphore_mem>>
        %dma_start3A_44 = arith.constant 0 : i32
        %dma_start3A_45 = tpu.memref_slice %arg6[%add3A_11, %dma_start3A_44] : memref<5120x128xf32, #tpu.memory_space<hbm>> -> memref<40x128xf32, #tpu.memory_space<hbm>>
        %dma_start3A_46 = arith.constant 0 : i32
        %dma_start3A_47 = tpu.memref_slice %arg6[%add3A_11, %dma_start3A_46] : memref<5120x128xf32, #tpu.memory_space<hbm>> -> memref<40x128xf32, #tpu.memory_space<hbm>>
        tpu.enqueue_dma source(%arg12 : memref<40x128xf32, #tpu.memory_space<vmem>>) target(%dma_start3A_47 : memref<40x128xf32, #tpu.memory_space<hbm>>) target_semaphore(%run_scoped3A : memref<!tpu.dma_semaphore, #tpu.memory_space<semaphore_mem>>)
        %dma_wait3A_48 = arith.constant 0 : i32
        %dma_wait3A_49 = tpu.memref_slice %arg6[%add3A_11, %dma_wait3A_48] : memref<5120x128xf32, #tpu.memory_space<hbm>> -> memref<40x128xf32, #tpu.memory_space<hbm>>
        %dma_wait3A_50 = arith.constant 0 : i32
        %dma_wait3A_51 = tpu.memref_slice %arg6[%add3A_11, %dma_wait3A_50] : memref<5120x128xf32, #tpu.memory_space<hbm>> -> memref<40x128xf32, #tpu.memory_space<hbm>>
        tpu.wait_dma2 semaphore(%run_scoped3A : memref<!tpu.dma_semaphore, #tpu.memory_space<semaphore_mem>>) src(%arg12 : memref<40x128xf32, #tpu.memory_space<vmem>>) dst(%dma_wait3A_51 : memref<40x128xf32, #tpu.memory_space<hbm>>)
        tpu.yield
      }) : () -> ()
      "tpu.region"() ({
        %run_scoped3A = tpu.sem_alloc : memref<!tpu.dma_semaphore, #tpu.memory_space<semaphore_mem>>
        %dma_start3A_44 = arith.constant 0 : i32
        %dma_start3A_45 = tpu.memref_slice %arg7[%add3A_11, %dma_start3A_44] : memref<5120x128xf32, #tpu.memory_space<hbm>> -> memref<40x128xf32, #tpu.memory_space<hbm>>
        %dma_start3A_46 = arith.constant 0 : i32
        %dma_start3A_47 = tpu.memref_slice %arg7[%add3A_11, %dma_start3A_46] : memref<5120x128xf32, #tpu.memory_space<hbm>> -> memref<40x128xf32, #tpu.memory_space<hbm>>
        tpu.enqueue_dma source(%arg13 : memref<40x128xf32, #tpu.memory_space<vmem>>) target(%dma_start3A_47 : memref<40x128xf32, #tpu.memory_space<hbm>>) target_semaphore(%run_scoped3A : memref<!tpu.dma_semaphore, #tpu.memory_space<semaphore_mem>>)
        %dma_wait3A_48 = arith.constant 0 : i32
        %dma_wait3A_49 = tpu.memref_slice %arg7[%add3A_11, %dma_wait3A_48] : memref<5120x128xf32, #tpu.memory_space<hbm>> -> memref<40x128xf32, #tpu.memory_space<hbm>>
        %dma_wait3A_50 = arith.constant 0 : i32
        %dma_wait3A_51 = tpu.memref_slice %arg7[%add3A_11, %dma_wait3A_50] : memref<5120x128xf32, #tpu.memory_space<hbm>> -> memref<40x128xf32, #tpu.memory_space<hbm>>
        tpu.wait_dma2 semaphore(%run_scoped3A : memref<!tpu.dma_semaphore, #tpu.memory_space<semaphore_mem>>) src(%arg13 : memref<40x128xf32, #tpu.memory_space<vmem>>) dst(%dma_wait3A_51 : memref<40x128xf32, #tpu.memory_space<hbm>>)
        tpu.yield
      }) : () -> ()
      "tpu.region"() ({
        %run_scoped3A = tpu.sem_alloc : memref<!tpu.dma_semaphore, #tpu.memory_space<semaphore_mem>>
        %dma_start3A_44 = arith.constant 0 : i32
        %dma_start3A_45 = tpu.memref_slice %arg8[%add3A_11, %dma_start3A_44] : memref<5120x128xi32, #tpu.memory_space<hbm>> -> memref<40x128xi32, #tpu.memory_space<hbm>>
        %dma_start3A_46 = arith.constant 0 : i32
        %dma_start3A_47 = tpu.memref_slice %arg8[%add3A_11, %dma_start3A_46] : memref<5120x128xi32, #tpu.memory_space<hbm>> -> memref<40x128xi32, #tpu.memory_space<hbm>>
        tpu.enqueue_dma source(%arg14 : memref<40x128xi32, #tpu.memory_space<vmem>>) target(%dma_start3A_47 : memref<40x128xi32, #tpu.memory_space<hbm>>) target_semaphore(%run_scoped3A : memref<!tpu.dma_semaphore, #tpu.memory_space<semaphore_mem>>)
        %dma_wait3A_48 = arith.constant 0 : i32
        %dma_wait3A_49 = tpu.memref_slice %arg8[%add3A_11, %dma_wait3A_48] : memref<5120x128xi32, #tpu.memory_space<hbm>> -> memref<40x128xi32, #tpu.memory_space<hbm>>
        %dma_wait3A_50 = arith.constant 0 : i32
        %dma_wait3A_51 = tpu.memref_slice %arg8[%add3A_11, %dma_wait3A_50] : memref<5120x128xi32, #tpu.memory_space<hbm>> -> memref<40x128xi32, #tpu.memory_space<hbm>>
        tpu.wait_dma2 semaphore(%run_scoped3A : memref<!tpu.dma_semaphore, #tpu.memory_space<semaphore_mem>>) src(%arg14 : memref<40x128xi32, #tpu.memory_space<vmem>>) dst(%dma_wait3A_51 : memref<40x128xi32, #tpu.memory_space<hbm>>)
        tpu.yield
      }) : () -> ()
      %scan3A_38 = arith.constant 0 : i32
      %scan3A_39 = arith.constant 0 : i32
      %scan3A_40 = arith.constant 60 : i32
      %scan3A_41 = arith.addi %scan3A_39, %scan3A_40 : i32
      %scan3A_42 = arith.constant 1 : i32
      scf.for %scan3A_44 = %scan3A_39 to %scan3A_41 step %scan3A_42  : i32 {
        %dma_wait3A_45 = arith.constant 0 : i32
        %dma_wait3A_46 = arith.constant 0 : i32
        %dma_wait3A_47 = arith.constant 0 : i32
        %dma_wait3A_48 = tpu.memref_slice %arg15[%dma_wait3A_45, %dma_wait3A_46, %dma_wait3A_47] : memref<40x12x128xf32, #tpu.memory_space<vmem>> -> memref<1x12x128xf32, #tpu.memory_space<vmem>>
        %dma_wait3A_49 = tpu.memref_squeeze %dma_wait3A_48 : memref<1x12x128xf32, #tpu.memory_space<vmem>> -> memref<12x128xf32, #tpu.memory_space<vmem>>
        %dma_wait3A_50 = arith.constant 0 : i32
        %dma_wait3A_51 = arith.constant 0 : i32
        %dma_wait3A_52 = tpu.memref_slice %dma_wait3A_49[%dma_wait3A_50, %dma_wait3A_51] : memref<12x128xf32, #tpu.memory_space<vmem>> -> memref<8x128xf32, #tpu.memory_space<vmem>>
        %dma_wait3A_53 = arith.constant 0 : i32
        %dma_wait3A_54 = arith.constant 0 : i32
        %dma_wait3A_55 = tpu.memref_slice %arg5[%dma_wait3A_53, %dma_wait3A_54] : memref<100000x128xf32, #tpu.memory_space<hbm>> -> memref<8x128xf32, #tpu.memory_space<hbm>>
        %dma_wait3A_56 = arith.constant 0 : i32
        %dma_wait3A_57 = arith.constant 0 : i32
        %dma_wait3A_58 = tpu.memref_slice %arg15[%dma_wait3A_45, %dma_wait3A_56, %dma_wait3A_57] : memref<40x12x128xf32, #tpu.memory_space<vmem>> -> memref<1x12x128xf32, #tpu.memory_space<vmem>>
        %dma_wait3A_59 = tpu.memref_squeeze %dma_wait3A_58 : memref<1x12x128xf32, #tpu.memory_space<vmem>> -> memref<12x128xf32, #tpu.memory_space<vmem>>
        %dma_wait3A_60 = arith.constant 0 : i32
        %dma_wait3A_61 = arith.constant 0 : i32
        %dma_wait3A_62 = tpu.memref_slice %dma_wait3A_59[%dma_wait3A_60, %dma_wait3A_61] : memref<12x128xf32, #tpu.memory_space<vmem>> -> memref<8x128xf32, #tpu.memory_space<vmem>>
        %dma_wait3A_63 = arith.constant 0 : i32
        %dma_wait3A_64 = arith.constant 0 : i32
        %dma_wait3A_65 = tpu.memref_slice %arg5[%dma_wait3A_63, %dma_wait3A_64] : memref<100000x128xf32, #tpu.memory_space<hbm>> -> memref<8x128xf32, #tpu.memory_space<hbm>>
        tpu.wait_dma2 semaphore(%arg18 : memref<!tpu.dma_semaphore, #tpu.memory_space<semaphore_mem>>) src(%dma_wait3A_65 : memref<8x128xf32, #tpu.memory_space<hbm>>) dst(%dma_wait3A_62 : memref<8x128xf32, #tpu.memory_space<vmem>>)
      }
      %scan3A_43 = arith.constant 60 : i32
      "tpu.region"() ({
        %run_scoped3A = tpu.sem_alloc : memref<!tpu.dma_semaphore, #tpu.memory_space<semaphore_mem>>
        %dma_start3A_44 = arith.constant 0 : i32
        %dma_start3A_45 = arith.constant 0 : i32
        %dma_start3A_46 = tpu.memref_slice %arg9[%add3A_11, %dma_start3A_44, %dma_start3A_45] : memref<5120x12x128xf32, #tpu.memory_space<hbm>> -> memref<40x12x128xf32, #tpu.memory_space<hbm>>
        %dma_start3A_47 = arith.constant 0 : i32
        %dma_start3A_48 = arith.constant 0 : i32
        %dma_start3A_49 = tpu.memref_slice %arg9[%add3A_11, %dma_start3A_47, %dma_start3A_48] : memref<5120x12x128xf32, #tpu.memory_space<hbm>> -> memref<40x12x128xf32, #tpu.memory_space<hbm>>
        tpu.enqueue_dma source(%arg15 : memref<40x12x128xf32, #tpu.memory_space<vmem>>) target(%dma_start3A_49 : memref<40x12x128xf32, #tpu.memory_space<hbm>>) target_semaphore(%run_scoped3A : memref<!tpu.dma_semaphore, #tpu.memory_space<semaphore_mem>>)
        %dma_wait3A_50 = arith.constant 0 : i32
        %dma_wait3A_51 = arith.constant 0 : i32
        %dma_wait3A_52 = tpu.memref_slice %arg9[%add3A_11, %dma_wait3A_50, %dma_wait3A_51] : memref<5120x12x128xf32, #tpu.memory_space<hbm>> -> memref<40x12x128xf32, #tpu.memory_space<hbm>>
        %dma_wait3A_53 = arith.constant 0 : i32
        %dma_wait3A_54 = arith.constant 0 : i32
        %dma_wait3A_55 = tpu.memref_slice %arg9[%add3A_11, %dma_wait3A_53, %dma_wait3A_54] : memref<5120x12x128xf32, #tpu.memory_space<hbm>> -> memref<40x12x128xf32, #tpu.memory_space<hbm>>
        tpu.wait_dma2 semaphore(%run_scoped3A : memref<!tpu.dma_semaphore, #tpu.memory_space<semaphore_mem>>) src(%arg15 : memref<40x12x128xf32, #tpu.memory_space<vmem>>) dst(%dma_wait3A_55 : memref<40x12x128xf32, #tpu.memory_space<hbm>>)
        tpu.yield
      }) : () -> ()
    }
    %scan3A_7 = arith.constant 4 : i32
    return
  }
}

#map = affine_map<(d0, d1) -> (0)>
#map1 = affine_map<(d0, d1) -> (0, 0)>
#map2 = affine_map<(d0, d1) -> (0, 0, 0)>
module attributes {stable_mosaic.version = 14 : i64} {
  func.func @body(%arg0: i32, %arg1: i32, %arg2: memref<20480xi32, #tpu.memory_space<hbm>>, %arg3: memref<20480xi32, #tpu.memory_space<hbm>>, %arg4: memref<100000x128xi32, #tpu.memory_space<hbm>>, %arg5: memref<100000x128xf32, #tpu.memory_space<hbm>>, %arg6: memref<5120x128xf32, #tpu.memory_space<hbm>>, %arg7: memref<5120x128xf32, #tpu.memory_space<hbm>>, %arg8: memref<5120x128xi32, #tpu.memory_space<hbm>>, %arg9: memref<5120x12x128xf32, #tpu.memory_space<hbm>>, %arg10: memref<40xi32, #tpu.memory_space<vmem>>, %arg11: memref<40xi32, #tpu.memory_space<vmem>>, %arg12: memref<40x128xf32, #tpu.memory_space<vmem>>, %arg13: memref<40x128xf32, #tpu.memory_space<vmem>>, %arg14: memref<40x128xi32, #tpu.memory_space<vmem>>, %arg15: memref<40x12x128xf32, #tpu.memory_space<vmem>>, %arg16: memref<!tpu.dma_semaphore, #tpu.memory_space<semaphore_mem>>, %arg17: memref<!tpu.dma_semaphore, #tpu.memory_space<semaphore_mem>>, %arg18: memref<!tpu.dma_semaphore, #tpu.memory_space<semaphore_mem>>) attributes {dimension_semantics = [#tpu.dimension_semantics<core_parallel>, #tpu.dimension_semantics<subcore_parallel>], iteration_bounds = array<i64: 2, 16>, scalar_prefetch = 0 : i64, scratch_operands = 9 : i64, tpu.core_type = #tpu.core_type<sc_vector_subcore>, window_params = [{transform_indices = #map}, {transform_indices = #map}, {transform_indices = #map1}, {transform_indices = #map1}, {transform_indices = #map1}, {transform_indices = #map1}, {transform_indices = #map1}, {transform_indices = #map2}]} {
    %mul3A = arith.constant 2 : i32
    %mul3A_0 = arith.muli %arg1, %mul3A : i32
    %add3A = arith.addi %mul3A_0, %arg0 : i32
    %mul3A_1 = arith.constant 160 : i32
    %mul3A_2 = arith.muli %add3A, %mul3A_1 : i32
    %scan3A = arith.constant 0 : i32
    %scan3A_3 = arith.constant 0 : i32
    %scan3A_4 = arith.constant 4 : i32
    %scan3A_5 = arith.addi %scan3A_3, %scan3A_4 : i32
    %scan3A_6 = arith.constant 1 : i32
    scf.for %scan3A_8 = %scan3A_3 to %scan3A_5 step %scan3A_6  : i32 {
      %mul3A_9 = arith.constant 40 : i32
      %mul3A_10 = arith.muli %scan3A_8, %mul3A_9 : i32
      %add3A_11 = arith.addi %mul3A_2, %mul3A_10 : i32
      %add3A_12 = arith.constant 15360 : i32
      %add3A_13 = arith.addi %add3A_12, %add3A_11 : i32
      "tpu.region"() ({
        %run_scoped3A = tpu.sem_alloc : memref<!tpu.dma_semaphore, #tpu.memory_space<semaphore_mem>>
        %dma_start3A_44 = tpu.memref_slice %arg2[%add3A_13] : memref<20480xi32, #tpu.memory_space<hbm>> -> memref<40xi32, #tpu.memory_space<hbm>>
        %dma_start3A_45 = tpu.memref_slice %arg2[%add3A_13] : memref<20480xi32, #tpu.memory_space<hbm>> -> memref<40xi32, #tpu.memory_space<hbm>>
        tpu.enqueue_dma source(%dma_start3A_45 : memref<40xi32, #tpu.memory_space<hbm>>) target(%arg10 : memref<40xi32, #tpu.memory_space<vmem>>) target_semaphore(%run_scoped3A : memref<!tpu.dma_semaphore, #tpu.memory_space<semaphore_mem>>)
        %dma_wait3A_46 = tpu.memref_slice %arg2[%add3A_13] : memref<20480xi32, #tpu.memory_space<hbm>> -> memref<40xi32, #tpu.memory_space<hbm>>
        %dma_wait3A_47 = tpu.memref_slice %arg2[%add3A_13] : memref<20480xi32, #tpu.memory_space<hbm>> -> memref<40xi32, #tpu.memory_space<hbm>>
        tpu.wait_dma2 semaphore(%run_scoped3A : memref<!tpu.dma_semaphore, #tpu.memory_space<semaphore_mem>>) src(%dma_wait3A_47 : memref<40xi32, #tpu.memory_space<hbm>>) dst(%arg10 : memref<40xi32, #tpu.memory_space<vmem>>)
        tpu.yield
      }) : () -> ()
      %add3A_14 = arith.constant 15360 : i32
      %add3A_15 = arith.addi %add3A_14, %add3A_11 : i32
      "tpu.region"() ({
        %run_scoped3A = tpu.sem_alloc : memref<!tpu.dma_semaphore, #tpu.memory_space<semaphore_mem>>
        %dma_start3A_44 = tpu.memref_slice %arg3[%add3A_15] : memref<20480xi32, #tpu.memory_space<hbm>> -> memref<40xi32, #tpu.memory_space<hbm>>
        %dma_start3A_45 = tpu.memref_slice %arg3[%add3A_15] : memref<20480xi32, #tpu.memory_space<hbm>> -> memref<40xi32, #tpu.memory_space<hbm>>
        tpu.enqueue_dma source(%dma_start3A_45 : memref<40xi32, #tpu.memory_space<hbm>>) target(%arg11 : memref<40xi32, #tpu.memory_space<vmem>>) target_semaphore(%run_scoped3A : memref<!tpu.dma_semaphore, #tpu.memory_space<semaphore_mem>>)
        %dma_wait3A_46 = tpu.memref_slice %arg3[%add3A_15] : memref<20480xi32, #tpu.memory_space<hbm>> -> memref<40xi32, #tpu.memory_space<hbm>>
        %dma_wait3A_47 = tpu.memref_slice %arg3[%add3A_15] : memref<20480xi32, #tpu.memory_space<hbm>> -> memref<40xi32, #tpu.memory_space<hbm>>
        tpu.wait_dma2 semaphore(%run_scoped3A : memref<!tpu.dma_semaphore, #tpu.memory_space<semaphore_mem>>) src(%dma_wait3A_47 : memref<40xi32, #tpu.memory_space<hbm>>) dst(%arg11 : memref<40xi32, #tpu.memory_space<vmem>>)
        tpu.yield
      }) : () -> ()
      %dma_start3A = arith.constant 0 : i32
      %dma_start3A_16 = arith.constant 0 : i32
      %dma_start3A_17 = tpu.memref_slice %arg5[%dma_start3A, %dma_start3A_16] : memref<100000x128xf32, #tpu.memory_space<hbm>> -> memref<100000x128xf32, #tpu.memory_space<hbm>>
      tpu.enqueue_indirect_dma source(%dma_start3A_17 : memref<100000x128xf32, #tpu.memory_space<hbm>>) target(%arg12 : memref<40x128xf32, #tpu.memory_space<vmem>>) offsets(%arg10 : memref<40xi32, #tpu.memory_space<vmem>>) semaphore(%arg16 : memref<!tpu.dma_semaphore, #tpu.memory_space<semaphore_mem>>)
      %dma_start3A_18 = arith.constant 0 : i32
      %dma_start3A_19 = arith.constant 0 : i32
      %dma_start3A_20 = tpu.memref_slice %arg5[%dma_start3A_18, %dma_start3A_19] : memref<100000x128xf32, #tpu.memory_space<hbm>> -> memref<100000x128xf32, #tpu.memory_space<hbm>>
      tpu.enqueue_indirect_dma source(%dma_start3A_20 : memref<100000x128xf32, #tpu.memory_space<hbm>>) target(%arg13 : memref<40x128xf32, #tpu.memory_space<vmem>>) offsets(%arg11 : memref<40xi32, #tpu.memory_space<vmem>>) semaphore(%arg16 : memref<!tpu.dma_semaphore, #tpu.memory_space<semaphore_mem>>)
      %dma_start3A_21 = arith.constant 0 : i32
      %dma_start3A_22 = arith.constant 0 : i32
      %dma_start3A_23 = tpu.memref_slice %arg4[%dma_start3A_21, %dma_start3A_22] : memref<100000x128xi32, #tpu.memory_space<hbm>> -> memref<100000x128xi32, #tpu.memory_space<hbm>>
      tpu.enqueue_indirect_dma source(%dma_start3A_23 : memref<100000x128xi32, #tpu.memory_space<hbm>>) target(%arg14 : memref<40x128xi32, #tpu.memory_space<vmem>>) offsets(%arg10 : memref<40xi32, #tpu.memory_space<vmem>>) semaphore(%arg17 : memref<!tpu.dma_semaphore, #tpu.memory_space<semaphore_mem>>)
      %dma_wait3A = arith.constant 0 : i32
      %dma_wait3A_24 = arith.constant 0 : i32
      %dma_wait3A_25 = tpu.memref_slice %arg4[%dma_wait3A, %dma_wait3A_24] : memref<100000x128xi32, #tpu.memory_space<hbm>> -> memref<100000x128xi32, #tpu.memory_space<hbm>>
      tpu.wait_indirect_dma semaphore(%arg17 : memref<!tpu.dma_semaphore, #tpu.memory_space<semaphore_mem>>) src(%dma_wait3A_25 : memref<100000x128xi32, #tpu.memory_space<hbm>>) dst(%arg14 : memref<40x128xi32, #tpu.memory_space<vmem>>)
      %scan3A_26 = arith.constant 0 : i32
      %scan3A_27 = arith.constant 0 : i32
      %scan3A_28 = arith.constant 5 : i32
      %scan3A_29 = arith.addi %scan3A_27, %scan3A_28 : i32
      %scan3A_30 = arith.constant 1 : i32
      scf.for %scan3A_44 = %scan3A_27 to %scan3A_29 step %scan3A_30  : i32 {
        %mul3A_45 = arith.constant 8 : i32
        %mul3A_46 = arith.muli %scan3A_44, %mul3A_45 : i32
        %add3A_47 = arith.constant 0 : i32
        %add3A_48 = arith.addi %mul3A_46, %add3A_47 : i32
        %dma_start3A_49 = arith.constant 0 : i32
        %dma_start3A_50 = arith.constant 0 : i32
        %dma_start3A_51 = tpu.memref_slice %arg15[%add3A_48, %dma_start3A_49, %dma_start3A_50] : memref<40x12x128xf32, #tpu.memory_space<vmem>> -> memref<1x12x128xf32, #tpu.memory_space<vmem>>
        %dma_start3A_52 = tpu.memref_squeeze %dma_start3A_51 : memref<1x12x128xf32, #tpu.memory_space<vmem>> -> memref<12x128xf32, #tpu.memory_space<vmem>>
        %dma_start3A_53 = arith.constant 0 : i32
        %dma_start3A_54 = tpu.memref_slice %arg14[%add3A_48, %dma_start3A_53] : memref<40x128xi32, #tpu.memory_space<vmem>> -> memref<1x128xi32, #tpu.memory_space<vmem>>
        %dma_start3A_55 = tpu.memref_squeeze %dma_start3A_54 : memref<1x128xi32, #tpu.memory_space<vmem>> -> memref<128xi32, #tpu.memory_space<vmem>>
        %dma_start3A_56 = arith.constant 0 : i32
        %dma_start3A_57 = tpu.memref_slice %dma_start3A_55[%dma_start3A_56] : memref<128xi32, #tpu.memory_space<vmem>> -> memref<12xi32, #tpu.memory_space<vmem>>
        %dma_start3A_58 = arith.constant 0 : i32
        %dma_start3A_59 = arith.constant 0 : i32
        %dma_start3A_60 = tpu.memref_slice %arg5[%dma_start3A_58, %dma_start3A_59] : memref<100000x128xf32, #tpu.memory_space<hbm>> -> memref<100000x128xf32, #tpu.memory_space<hbm>>
        tpu.enqueue_indirect_dma source(%dma_start3A_60 : memref<100000x128xf32, #tpu.memory_space<hbm>>) target(%dma_start3A_52 : memref<12x128xf32, #tpu.memory_space<vmem>>) offsets(%dma_start3A_57 : memref<12xi32, #tpu.memory_space<vmem>>) semaphore(%arg18 : memref<!tpu.dma_semaphore, #tpu.memory_space<semaphore_mem>>)
        %mul3A_61 = arith.constant 8 : i32
        %mul3A_62 = arith.muli %scan3A_44, %mul3A_61 : i32
        %add3A_63 = arith.constant 1 : i32
        %add3A_64 = arith.addi %mul3A_62, %add3A_63 : i32
        %dma_start3A_65 = arith.constant 0 : i32
        %dma_start3A_66 = arith.constant 0 : i32
        %dma_start3A_67 = tpu.memref_slice %arg15[%add3A_64, %dma_start3A_65, %dma_start3A_66] : memref<40x12x128xf32, #tpu.memory_space<vmem>> -> memref<1x12x128xf32, #tpu.memory_space<vmem>>
        %dma_start3A_68 = tpu.memref_squeeze %dma_start3A_67 : memref<1x12x128xf32, #tpu.memory_space<vmem>> -> memref<12x128xf32, #tpu.memory_space<vmem>>
        %dma_start3A_69 = arith.constant 0 : i32
        %dma_start3A_70 = tpu.memref_slice %arg14[%add3A_64, %dma_start3A_69] : memref<40x128xi32, #tpu.memory_space<vmem>> -> memref<1x128xi32, #tpu.memory_space<vmem>>
        %dma_start3A_71 = tpu.memref_squeeze %dma_start3A_70 : memref<1x128xi32, #tpu.memory_space<vmem>> -> memref<128xi32, #tpu.memory_space<vmem>>
        %dma_start3A_72 = arith.constant 0 : i32
        %dma_start3A_73 = tpu.memref_slice %dma_start3A_71[%dma_start3A_72] : memref<128xi32, #tpu.memory_space<vmem>> -> memref<12xi32, #tpu.memory_space<vmem>>
        %dma_start3A_74 = arith.constant 0 : i32
        %dma_start3A_75 = arith.constant 0 : i32
        %dma_start3A_76 = tpu.memref_slice %arg5[%dma_start3A_74, %dma_start3A_75] : memref<100000x128xf32, #tpu.memory_space<hbm>> -> memref<100000x128xf32, #tpu.memory_space<hbm>>
        tpu.enqueue_indirect_dma source(%dma_start3A_76 : memref<100000x128xf32, #tpu.memory_space<hbm>>) target(%dma_start3A_68 : memref<12x128xf32, #tpu.memory_space<vmem>>) offsets(%dma_start3A_73 : memref<12xi32, #tpu.memory_space<vmem>>) semaphore(%arg18 : memref<!tpu.dma_semaphore, #tpu.memory_space<semaphore_mem>>)
        %mul3A_77 = arith.constant 8 : i32
        %mul3A_78 = arith.muli %scan3A_44, %mul3A_77 : i32
        %add3A_79 = arith.constant 2 : i32
        %add3A_80 = arith.addi %mul3A_78, %add3A_79 : i32
        %dma_start3A_81 = arith.constant 0 : i32
        %dma_start3A_82 = arith.constant 0 : i32
        %dma_start3A_83 = tpu.memref_slice %arg15[%add3A_80, %dma_start3A_81, %dma_start3A_82] : memref<40x12x128xf32, #tpu.memory_space<vmem>> -> memref<1x12x128xf32, #tpu.memory_space<vmem>>
        %dma_start3A_84 = tpu.memref_squeeze %dma_start3A_83 : memref<1x12x128xf32, #tpu.memory_space<vmem>> -> memref<12x128xf32, #tpu.memory_space<vmem>>
        %dma_start3A_85 = arith.constant 0 : i32
        %dma_start3A_86 = tpu.memref_slice %arg14[%add3A_80, %dma_start3A_85] : memref<40x128xi32, #tpu.memory_space<vmem>> -> memref<1x128xi32, #tpu.memory_space<vmem>>
        %dma_start3A_87 = tpu.memref_squeeze %dma_start3A_86 : memref<1x128xi32, #tpu.memory_space<vmem>> -> memref<128xi32, #tpu.memory_space<vmem>>
        %dma_start3A_88 = arith.constant 0 : i32
        %dma_start3A_89 = tpu.memref_slice %dma_start3A_87[%dma_start3A_88] : memref<128xi32, #tpu.memory_space<vmem>> -> memref<12xi32, #tpu.memory_space<vmem>>
        %dma_start3A_90 = arith.constant 0 : i32
        %dma_start3A_91 = arith.constant 0 : i32
        %dma_start3A_92 = tpu.memref_slice %arg5[%dma_start3A_90, %dma_start3A_91] : memref<100000x128xf32, #tpu.memory_space<hbm>> -> memref<100000x128xf32, #tpu.memory_space<hbm>>
        tpu.enqueue_indirect_dma source(%dma_start3A_92 : memref<100000x128xf32, #tpu.memory_space<hbm>>) target(%dma_start3A_84 : memref<12x128xf32, #tpu.memory_space<vmem>>) offsets(%dma_start3A_89 : memref<12xi32, #tpu.memory_space<vmem>>) semaphore(%arg18 : memref<!tpu.dma_semaphore, #tpu.memory_space<semaphore_mem>>)
        %mul3A_93 = arith.constant 8 : i32
        %mul3A_94 = arith.muli %scan3A_44, %mul3A_93 : i32
        %add3A_95 = arith.constant 3 : i32
        %add3A_96 = arith.addi %mul3A_94, %add3A_95 : i32
        %dma_start3A_97 = arith.constant 0 : i32
        %dma_start3A_98 = arith.constant 0 : i32
        %dma_start3A_99 = tpu.memref_slice %arg15[%add3A_96, %dma_start3A_97, %dma_start3A_98] : memref<40x12x128xf32, #tpu.memory_space<vmem>> -> memref<1x12x128xf32, #tpu.memory_space<vmem>>
        %dma_start3A_100 = tpu.memref_squeeze %dma_start3A_99 : memref<1x12x128xf32, #tpu.memory_space<vmem>> -> memref<12x128xf32, #tpu.memory_space<vmem>>
        %dma_start3A_101 = arith.constant 0 : i32
        %dma_start3A_102 = tpu.memref_slice %arg14[%add3A_96, %dma_start3A_101] : memref<40x128xi32, #tpu.memory_space<vmem>> -> memref<1x128xi32, #tpu.memory_space<vmem>>
        %dma_start3A_103 = tpu.memref_squeeze %dma_start3A_102 : memref<1x128xi32, #tpu.memory_space<vmem>> -> memref<128xi32, #tpu.memory_space<vmem>>
        %dma_start3A_104 = arith.constant 0 : i32
        %dma_start3A_105 = tpu.memref_slice %dma_start3A_103[%dma_start3A_104] : memref<128xi32, #tpu.memory_space<vmem>> -> memref<12xi32, #tpu.memory_space<vmem>>
        %dma_start3A_106 = arith.constant 0 : i32
        %dma_start3A_107 = arith.constant 0 : i32
        %dma_start3A_108 = tpu.memref_slice %arg5[%dma_start3A_106, %dma_start3A_107] : memref<100000x128xf32, #tpu.memory_space<hbm>> -> memref<100000x128xf32, #tpu.memory_space<hbm>>
        tpu.enqueue_indirect_dma source(%dma_start3A_108 : memref<100000x128xf32, #tpu.memory_space<hbm>>) target(%dma_start3A_100 : memref<12x128xf32, #tpu.memory_space<vmem>>) offsets(%dma_start3A_105 : memref<12xi32, #tpu.memory_space<vmem>>) semaphore(%arg18 : memref<!tpu.dma_semaphore, #tpu.memory_space<semaphore_mem>>)
        %mul3A_109 = arith.constant 8 : i32
        %mul3A_110 = arith.muli %scan3A_44, %mul3A_109 : i32
        %add3A_111 = arith.constant 4 : i32
        %add3A_112 = arith.addi %mul3A_110, %add3A_111 : i32
        %dma_start3A_113 = arith.constant 0 : i32
        %dma_start3A_114 = arith.constant 0 : i32
        %dma_start3A_115 = tpu.memref_slice %arg15[%add3A_112, %dma_start3A_113, %dma_start3A_114] : memref<40x12x128xf32, #tpu.memory_space<vmem>> -> memref<1x12x128xf32, #tpu.memory_space<vmem>>
        %dma_start3A_116 = tpu.memref_squeeze %dma_start3A_115 : memref<1x12x128xf32, #tpu.memory_space<vmem>> -> memref<12x128xf32, #tpu.memory_space<vmem>>
        %dma_start3A_117 = arith.constant 0 : i32
        %dma_start3A_118 = tpu.memref_slice %arg14[%add3A_112, %dma_start3A_117] : memref<40x128xi32, #tpu.memory_space<vmem>> -> memref<1x128xi32, #tpu.memory_space<vmem>>
        %dma_start3A_119 = tpu.memref_squeeze %dma_start3A_118 : memref<1x128xi32, #tpu.memory_space<vmem>> -> memref<128xi32, #tpu.memory_space<vmem>>
        %dma_start3A_120 = arith.constant 0 : i32
        %dma_start3A_121 = tpu.memref_slice %dma_start3A_119[%dma_start3A_120] : memref<128xi32, #tpu.memory_space<vmem>> -> memref<12xi32, #tpu.memory_space<vmem>>
        %dma_start3A_122 = arith.constant 0 : i32
        %dma_start3A_123 = arith.constant 0 : i32
        %dma_start3A_124 = tpu.memref_slice %arg5[%dma_start3A_122, %dma_start3A_123] : memref<100000x128xf32, #tpu.memory_space<hbm>> -> memref<100000x128xf32, #tpu.memory_space<hbm>>
        tpu.enqueue_indirect_dma source(%dma_start3A_124 : memref<100000x128xf32, #tpu.memory_space<hbm>>) target(%dma_start3A_116 : memref<12x128xf32, #tpu.memory_space<vmem>>) offsets(%dma_start3A_121 : memref<12xi32, #tpu.memory_space<vmem>>) semaphore(%arg18 : memref<!tpu.dma_semaphore, #tpu.memory_space<semaphore_mem>>)
        %mul3A_125 = arith.constant 8 : i32
        %mul3A_126 = arith.muli %scan3A_44, %mul3A_125 : i32
        %add3A_127 = arith.constant 5 : i32
        %add3A_128 = arith.addi %mul3A_126, %add3A_127 : i32
        %dma_start3A_129 = arith.constant 0 : i32
        %dma_start3A_130 = arith.constant 0 : i32
        %dma_start3A_131 = tpu.memref_slice %arg15[%add3A_128, %dma_start3A_129, %dma_start3A_130] : memref<40x12x128xf32, #tpu.memory_space<vmem>> -> memref<1x12x128xf32, #tpu.memory_space<vmem>>
        %dma_start3A_132 = tpu.memref_squeeze %dma_start3A_131 : memref<1x12x128xf32, #tpu.memory_space<vmem>> -> memref<12x128xf32, #tpu.memory_space<vmem>>
        %dma_start3A_133 = arith.constant 0 : i32
        %dma_start3A_134 = tpu.memref_slice %arg14[%add3A_128, %dma_start3A_133] : memref<40x128xi32, #tpu.memory_space<vmem>> -> memref<1x128xi32, #tpu.memory_space<vmem>>
        %dma_start3A_135 = tpu.memref_squeeze %dma_start3A_134 : memref<1x128xi32, #tpu.memory_space<vmem>> -> memref<128xi32, #tpu.memory_space<vmem>>
        %dma_start3A_136 = arith.constant 0 : i32
        %dma_start3A_137 = tpu.memref_slice %dma_start3A_135[%dma_start3A_136] : memref<128xi32, #tpu.memory_space<vmem>> -> memref<12xi32, #tpu.memory_space<vmem>>
        %dma_start3A_138 = arith.constant 0 : i32
        %dma_start3A_139 = arith.constant 0 : i32
        %dma_start3A_140 = tpu.memref_slice %arg5[%dma_start3A_138, %dma_start3A_139] : memref<100000x128xf32, #tpu.memory_space<hbm>> -> memref<100000x128xf32, #tpu.memory_space<hbm>>
        tpu.enqueue_indirect_dma source(%dma_start3A_140 : memref<100000x128xf32, #tpu.memory_space<hbm>>) target(%dma_start3A_132 : memref<12x128xf32, #tpu.memory_space<vmem>>) offsets(%dma_start3A_137 : memref<12xi32, #tpu.memory_space<vmem>>) semaphore(%arg18 : memref<!tpu.dma_semaphore, #tpu.memory_space<semaphore_mem>>)
        %mul3A_141 = arith.constant 8 : i32
        %mul3A_142 = arith.muli %scan3A_44, %mul3A_141 : i32
        %add3A_143 = arith.constant 6 : i32
        %add3A_144 = arith.addi %mul3A_142, %add3A_143 : i32
        %dma_start3A_145 = arith.constant 0 : i32
        %dma_start3A_146 = arith.constant 0 : i32
        %dma_start3A_147 = tpu.memref_slice %arg15[%add3A_144, %dma_start3A_145, %dma_start3A_146] : memref<40x12x128xf32, #tpu.memory_space<vmem>> -> memref<1x12x128xf32, #tpu.memory_space<vmem>>
        %dma_start3A_148 = tpu.memref_squeeze %dma_start3A_147 : memref<1x12x128xf32, #tpu.memory_space<vmem>> -> memref<12x128xf32, #tpu.memory_space<vmem>>
        %dma_start3A_149 = arith.constant 0 : i32
        %dma_start3A_150 = tpu.memref_slice %arg14[%add3A_144, %dma_start3A_149] : memref<40x128xi32, #tpu.memory_space<vmem>> -> memref<1x128xi32, #tpu.memory_space<vmem>>
        %dma_start3A_151 = tpu.memref_squeeze %dma_start3A_150 : memref<1x128xi32, #tpu.memory_space<vmem>> -> memref<128xi32, #tpu.memory_space<vmem>>
        %dma_start3A_152 = arith.constant 0 : i32
        %dma_start3A_153 = tpu.memref_slice %dma_start3A_151[%dma_start3A_152] : memref<128xi32, #tpu.memory_space<vmem>> -> memref<12xi32, #tpu.memory_space<vmem>>
        %dma_start3A_154 = arith.constant 0 : i32
        %dma_start3A_155 = arith.constant 0 : i32
        %dma_start3A_156 = tpu.memref_slice %arg5[%dma_start3A_154, %dma_start3A_155] : memref<100000x128xf32, #tpu.memory_space<hbm>> -> memref<100000x128xf32, #tpu.memory_space<hbm>>
        tpu.enqueue_indirect_dma source(%dma_start3A_156 : memref<100000x128xf32, #tpu.memory_space<hbm>>) target(%dma_start3A_148 : memref<12x128xf32, #tpu.memory_space<vmem>>) offsets(%dma_start3A_153 : memref<12xi32, #tpu.memory_space<vmem>>) semaphore(%arg18 : memref<!tpu.dma_semaphore, #tpu.memory_space<semaphore_mem>>)
        %mul3A_157 = arith.constant 8 : i32
        %mul3A_158 = arith.muli %scan3A_44, %mul3A_157 : i32
        %add3A_159 = arith.constant 7 : i32
        %add3A_160 = arith.addi %mul3A_158, %add3A_159 : i32
        %dma_start3A_161 = arith.constant 0 : i32
        %dma_start3A_162 = arith.constant 0 : i32
        %dma_start3A_163 = tpu.memref_slice %arg15[%add3A_160, %dma_start3A_161, %dma_start3A_162] : memref<40x12x128xf32, #tpu.memory_space<vmem>> -> memref<1x12x128xf32, #tpu.memory_space<vmem>>
        %dma_start3A_164 = tpu.memref_squeeze %dma_start3A_163 : memref<1x12x128xf32, #tpu.memory_space<vmem>> -> memref<12x128xf32, #tpu.memory_space<vmem>>
        %dma_start3A_165 = arith.constant 0 : i32
        %dma_start3A_166 = tpu.memref_slice %arg14[%add3A_160, %dma_start3A_165] : memref<40x128xi32, #tpu.memory_space<vmem>> -> memref<1x128xi32, #tpu.memory_space<vmem>>
        %dma_start3A_167 = tpu.memref_squeeze %dma_start3A_166 : memref<1x128xi32, #tpu.memory_space<vmem>> -> memref<128xi32, #tpu.memory_space<vmem>>
        %dma_start3A_168 = arith.constant 0 : i32
        %dma_start3A_169 = tpu.memref_slice %dma_start3A_167[%dma_start3A_168] : memref<128xi32, #tpu.memory_space<vmem>> -> memref<12xi32, #tpu.memory_space<vmem>>
        %dma_start3A_170 = arith.constant 0 : i32
        %dma_start3A_171 = arith.constant 0 : i32
        %dma_start3A_172 = tpu.memref_slice %arg5[%dma_start3A_170, %dma_start3A_171] : memref<100000x128xf32, #tpu.memory_space<hbm>> -> memref<100000x128xf32, #tpu.memory_space<hbm>>
        tpu.enqueue_indirect_dma source(%dma_start3A_172 : memref<100000x128xf32, #tpu.memory_space<hbm>>) target(%dma_start3A_164 : memref<12x128xf32, #tpu.memory_space<vmem>>) offsets(%dma_start3A_169 : memref<12xi32, #tpu.memory_space<vmem>>) semaphore(%arg18 : memref<!tpu.dma_semaphore, #tpu.memory_space<semaphore_mem>>)
      }
      %scan3A_31 = arith.constant 5 : i32
      %dma_wait3A_32 = arith.constant 0 : i32
      %dma_wait3A_33 = arith.constant 0 : i32
      %dma_wait3A_34 = tpu.memref_slice %arg5[%dma_wait3A_32, %dma_wait3A_33] : memref<100000x128xf32, #tpu.memory_space<hbm>> -> memref<100000x128xf32, #tpu.memory_space<hbm>>
      tpu.wait_indirect_dma semaphore(%arg16 : memref<!tpu.dma_semaphore, #tpu.memory_space<semaphore_mem>>) src(%dma_wait3A_34 : memref<100000x128xf32, #tpu.memory_space<hbm>>) dst(%arg12 : memref<40x128xf32, #tpu.memory_space<vmem>>)
      %dma_wait3A_35 = arith.constant 0 : i32
      %dma_wait3A_36 = arith.constant 0 : i32
      %dma_wait3A_37 = tpu.memref_slice %arg5[%dma_wait3A_35, %dma_wait3A_36] : memref<100000x128xf32, #tpu.memory_space<hbm>> -> memref<100000x128xf32, #tpu.memory_space<hbm>>
      tpu.wait_indirect_dma semaphore(%arg16 : memref<!tpu.dma_semaphore, #tpu.memory_space<semaphore_mem>>) src(%dma_wait3A_37 : memref<100000x128xf32, #tpu.memory_space<hbm>>) dst(%arg13 : memref<40x128xf32, #tpu.memory_space<vmem>>)
      "tpu.region"() ({
        %run_scoped3A = tpu.sem_alloc : memref<!tpu.dma_semaphore, #tpu.memory_space<semaphore_mem>>
        %dma_start3A_44 = arith.constant 0 : i32
        %dma_start3A_45 = tpu.memref_slice %arg6[%add3A_11, %dma_start3A_44] : memref<5120x128xf32, #tpu.memory_space<hbm>> -> memref<40x128xf32, #tpu.memory_space<hbm>>
        %dma_start3A_46 = arith.constant 0 : i32
        %dma_start3A_47 = tpu.memref_slice %arg6[%add3A_11, %dma_start3A_46] : memref<5120x128xf32, #tpu.memory_space<hbm>> -> memref<40x128xf32, #tpu.memory_space<hbm>>
        tpu.enqueue_dma source(%arg12 : memref<40x128xf32, #tpu.memory_space<vmem>>) target(%dma_start3A_47 : memref<40x128xf32, #tpu.memory_space<hbm>>) target_semaphore(%run_scoped3A : memref<!tpu.dma_semaphore, #tpu.memory_space<semaphore_mem>>)
        %dma_wait3A_48 = arith.constant 0 : i32
        %dma_wait3A_49 = tpu.memref_slice %arg6[%add3A_11, %dma_wait3A_48] : memref<5120x128xf32, #tpu.memory_space<hbm>> -> memref<40x128xf32, #tpu.memory_space<hbm>>
        %dma_wait3A_50 = arith.constant 0 : i32
        %dma_wait3A_51 = tpu.memref_slice %arg6[%add3A_11, %dma_wait3A_50] : memref<5120x128xf32, #tpu.memory_space<hbm>> -> memref<40x128xf32, #tpu.memory_space<hbm>>
        tpu.wait_dma2 semaphore(%run_scoped3A : memref<!tpu.dma_semaphore, #tpu.memory_space<semaphore_mem>>) src(%arg12 : memref<40x128xf32, #tpu.memory_space<vmem>>) dst(%dma_wait3A_51 : memref<40x128xf32, #tpu.memory_space<hbm>>)
        tpu.yield
      }) : () -> ()
      "tpu.region"() ({
        %run_scoped3A = tpu.sem_alloc : memref<!tpu.dma_semaphore, #tpu.memory_space<semaphore_mem>>
        %dma_start3A_44 = arith.constant 0 : i32
        %dma_start3A_45 = tpu.memref_slice %arg7[%add3A_11, %dma_start3A_44] : memref<5120x128xf32, #tpu.memory_space<hbm>> -> memref<40x128xf32, #tpu.memory_space<hbm>>
        %dma_start3A_46 = arith.constant 0 : i32
        %dma_start3A_47 = tpu.memref_slice %arg7[%add3A_11, %dma_start3A_46] : memref<5120x128xf32, #tpu.memory_space<hbm>> -> memref<40x128xf32, #tpu.memory_space<hbm>>
        tpu.enqueue_dma source(%arg13 : memref<40x128xf32, #tpu.memory_space<vmem>>) target(%dma_start3A_47 : memref<40x128xf32, #tpu.memory_space<hbm>>) target_semaphore(%run_scoped3A : memref<!tpu.dma_semaphore, #tpu.memory_space<semaphore_mem>>)
        %dma_wait3A_48 = arith.constant 0 : i32
        %dma_wait3A_49 = tpu.memref_slice %arg7[%add3A_11, %dma_wait3A_48] : memref<5120x128xf32, #tpu.memory_space<hbm>> -> memref<40x128xf32, #tpu.memory_space<hbm>>
        %dma_wait3A_50 = arith.constant 0 : i32
        %dma_wait3A_51 = tpu.memref_slice %arg7[%add3A_11, %dma_wait3A_50] : memref<5120x128xf32, #tpu.memory_space<hbm>> -> memref<40x128xf32, #tpu.memory_space<hbm>>
        tpu.wait_dma2 semaphore(%run_scoped3A : memref<!tpu.dma_semaphore, #tpu.memory_space<semaphore_mem>>) src(%arg13 : memref<40x128xf32, #tpu.memory_space<vmem>>) dst(%dma_wait3A_51 : memref<40x128xf32, #tpu.memory_space<hbm>>)
        tpu.yield
      }) : () -> ()
      "tpu.region"() ({
        %run_scoped3A = tpu.sem_alloc : memref<!tpu.dma_semaphore, #tpu.memory_space<semaphore_mem>>
        %dma_start3A_44 = arith.constant 0 : i32
        %dma_start3A_45 = tpu.memref_slice %arg8[%add3A_11, %dma_start3A_44] : memref<5120x128xi32, #tpu.memory_space<hbm>> -> memref<40x128xi32, #tpu.memory_space<hbm>>
        %dma_start3A_46 = arith.constant 0 : i32
        %dma_start3A_47 = tpu.memref_slice %arg8[%add3A_11, %dma_start3A_46] : memref<5120x128xi32, #tpu.memory_space<hbm>> -> memref<40x128xi32, #tpu.memory_space<hbm>>
        tpu.enqueue_dma source(%arg14 : memref<40x128xi32, #tpu.memory_space<vmem>>) target(%dma_start3A_47 : memref<40x128xi32, #tpu.memory_space<hbm>>) target_semaphore(%run_scoped3A : memref<!tpu.dma_semaphore, #tpu.memory_space<semaphore_mem>>)
        %dma_wait3A_48 = arith.constant 0 : i32
        %dma_wait3A_49 = tpu.memref_slice %arg8[%add3A_11, %dma_wait3A_48] : memref<5120x128xi32, #tpu.memory_space<hbm>> -> memref<40x128xi32, #tpu.memory_space<hbm>>
        %dma_wait3A_50 = arith.constant 0 : i32
        %dma_wait3A_51 = tpu.memref_slice %arg8[%add3A_11, %dma_wait3A_50] : memref<5120x128xi32, #tpu.memory_space<hbm>> -> memref<40x128xi32, #tpu.memory_space<hbm>>
        tpu.wait_dma2 semaphore(%run_scoped3A : memref<!tpu.dma_semaphore, #tpu.memory_space<semaphore_mem>>) src(%arg14 : memref<40x128xi32, #tpu.memory_space<vmem>>) dst(%dma_wait3A_51 : memref<40x128xi32, #tpu.memory_space<hbm>>)
        tpu.yield
      }) : () -> ()
      %scan3A_38 = arith.constant 0 : i32
      %scan3A_39 = arith.constant 0 : i32
      %scan3A_40 = arith.constant 60 : i32
      %scan3A_41 = arith.addi %scan3A_39, %scan3A_40 : i32
      %scan3A_42 = arith.constant 1 : i32
      scf.for %scan3A_44 = %scan3A_39 to %scan3A_41 step %scan3A_42  : i32 {
        %dma_wait3A_45 = arith.constant 0 : i32
        %dma_wait3A_46 = arith.constant 0 : i32
        %dma_wait3A_47 = arith.constant 0 : i32
        %dma_wait3A_48 = tpu.memref_slice %arg15[%dma_wait3A_45, %dma_wait3A_46, %dma_wait3A_47] : memref<40x12x128xf32, #tpu.memory_space<vmem>> -> memref<1x12x128xf32, #tpu.memory_space<vmem>>
        %dma_wait3A_49 = tpu.memref_squeeze %dma_wait3A_48 : memref<1x12x128xf32, #tpu.memory_space<vmem>> -> memref<12x128xf32, #tpu.memory_space<vmem>>
        %dma_wait3A_50 = arith.constant 0 : i32
        %dma_wait3A_51 = arith.constant 0 : i32
        %dma_wait3A_52 = tpu.memref_slice %dma_wait3A_49[%dma_wait3A_50, %dma_wait3A_51] : memref<12x128xf32, #tpu.memory_space<vmem>> -> memref<8x128xf32, #tpu.memory_space<vmem>>
        %dma_wait3A_53 = arith.constant 0 : i32
        %dma_wait3A_54 = arith.constant 0 : i32
        %dma_wait3A_55 = tpu.memref_slice %arg5[%dma_wait3A_53, %dma_wait3A_54] : memref<100000x128xf32, #tpu.memory_space<hbm>> -> memref<8x128xf32, #tpu.memory_space<hbm>>
        %dma_wait3A_56 = arith.constant 0 : i32
        %dma_wait3A_57 = arith.constant 0 : i32
        %dma_wait3A_58 = tpu.memref_slice %arg15[%dma_wait3A_45, %dma_wait3A_56, %dma_wait3A_57] : memref<40x12x128xf32, #tpu.memory_space<vmem>> -> memref<1x12x128xf32, #tpu.memory_space<vmem>>
        %dma_wait3A_59 = tpu.memref_squeeze %dma_wait3A_58 : memref<1x12x128xf32, #tpu.memory_space<vmem>> -> memref<12x128xf32, #tpu.memory_space<vmem>>
        %dma_wait3A_60 = arith.constant 0 : i32
        %dma_wait3A_61 = arith.constant 0 : i32
        %dma_wait3A_62 = tpu.memref_slice %dma_wait3A_59[%dma_wait3A_60, %dma_wait3A_61] : memref<12x128xf32, #tpu.memory_space<vmem>> -> memref<8x128xf32, #tpu.memory_space<vmem>>
        %dma_wait3A_63 = arith.constant 0 : i32
        %dma_wait3A_64 = arith.constant 0 : i32
        %dma_wait3A_65 = tpu.memref_slice %arg5[%dma_wait3A_63, %dma_wait3A_64] : memref<100000x128xf32, #tpu.memory_space<hbm>> -> memref<8x128xf32, #tpu.memory_space<hbm>>
        tpu.wait_dma2 semaphore(%arg18 : memref<!tpu.dma_semaphore, #tpu.memory_space<semaphore_mem>>) src(%dma_wait3A_65 : memref<8x128xf32, #tpu.memory_space<hbm>>) dst(%dma_wait3A_62 : memref<8x128xf32, #tpu.memory_space<vmem>>)
      }
      %scan3A_43 = arith.constant 60 : i32
      "tpu.region"() ({
        %run_scoped3A = tpu.sem_alloc : memref<!tpu.dma_semaphore, #tpu.memory_space<semaphore_mem>>
        %dma_start3A_44 = arith.constant 0 : i32
        %dma_start3A_45 = arith.constant 0 : i32
        %dma_start3A_46 = tpu.memref_slice %arg9[%add3A_11, %dma_start3A_44, %dma_start3A_45] : memref<5120x12x128xf32, #tpu.memory_space<hbm>> -> memref<40x12x128xf32, #tpu.memory_space<hbm>>
        %dma_start3A_47 = arith.constant 0 : i32
        %dma_start3A_48 = arith.constant 0 : i32
        %dma_start3A_49 = tpu.memref_slice %arg9[%add3A_11, %dma_start3A_47, %dma_start3A_48] : memref<5120x12x128xf32, #tpu.memory_space<hbm>> -> memref<40x12x128xf32, #tpu.memory_space<hbm>>
        tpu.enqueue_dma source(%arg15 : memref<40x12x128xf32, #tpu.memory_space<vmem>>) target(%dma_start3A_49 : memref<40x12x128xf32, #tpu.memory_space<hbm>>) target_semaphore(%run_scoped3A : memref<!tpu.dma_semaphore, #tpu.memory_space<semaphore_mem>>)
        %dma_wait3A_50 = arith.constant 0 : i32
        %dma_wait3A_51 = arith.constant 0 : i32
        %dma_wait3A_52 = tpu.memref_slice %arg9[%add3A_11, %dma_wait3A_50, %dma_wait3A_51] : memref<5120x12x128xf32, #tpu.memory_space<hbm>> -> memref<40x12x128xf32, #tpu.memory_space<hbm>>
        %dma_wait3A_53 = arith.constant 0 : i32
        %dma_wait3A_54 = arith.constant 0 : i32
        %dma_wait3A_55 = tpu.memref_slice %arg9[%add3A_11, %dma_wait3A_53, %dma_wait3A_54] : memref<5120x12x128xf32, #tpu.memory_space<hbm>> -> memref<40x12x128xf32, #tpu.memory_space<hbm>>
        tpu.wait_dma2 semaphore(%run_scoped3A : memref<!tpu.dma_semaphore, #tpu.memory_space<semaphore_mem>>) src(%arg15 : memref<40x12x128xf32, #tpu.memory_space<vmem>>) dst(%dma_wait3A_55 : memref<40x12x128xf32, #tpu.memory_space<hbm>>)
        tpu.yield
      }) : () -> ()
    }
    %scan3A_7 = arith.constant 4 : i32
    return
  }
}

#map = affine_map<(d0, d1) -> (0)>
#map1 = affine_map<(d0, d1) -> (0, 0)>
#map2 = affine_map<(d0, d1) -> (0, 0, 0)>
module attributes {stable_mosaic.version = 14 : i64} {
  func.func @body(%arg0: i32, %arg1: i32, %arg2: memref<20480xi32, #tpu.memory_space<hbm>>, %arg3: memref<20480xi32, #tpu.memory_space<hbm>>, %arg4: memref<100000x128xi32, #tpu.memory_space<hbm>>, %arg5: memref<100000x128xf32, #tpu.memory_space<hbm>>, %arg6: memref<5120x128xf32, #tpu.memory_space<hbm>>, %arg7: memref<5120x128xf32, #tpu.memory_space<hbm>>, %arg8: memref<5120x128xi32, #tpu.memory_space<hbm>>, %arg9: memref<5120x12x128xf32, #tpu.memory_space<hbm>>, %arg10: memref<40xi32, #tpu.memory_space<vmem>>, %arg11: memref<40xi32, #tpu.memory_space<vmem>>, %arg12: memref<40x128xf32, #tpu.memory_space<vmem>>, %arg13: memref<40x128xf32, #tpu.memory_space<vmem>>, %arg14: memref<40x128xi32, #tpu.memory_space<vmem>>, %arg15: memref<40x12x128xf32, #tpu.memory_space<vmem>>, %arg16: memref<!tpu.dma_semaphore, #tpu.memory_space<semaphore_mem>>, %arg17: memref<!tpu.dma_semaphore, #tpu.memory_space<semaphore_mem>>, %arg18: memref<!tpu.dma_semaphore, #tpu.memory_space<semaphore_mem>>) attributes {dimension_semantics = [#tpu.dimension_semantics<core_parallel>, #tpu.dimension_semantics<subcore_parallel>], iteration_bounds = array<i64: 2, 16>, scalar_prefetch = 0 : i64, scratch_operands = 9 : i64, tpu.core_type = #tpu.core_type<sc_vector_subcore>, window_params = [{transform_indices = #map}, {transform_indices = #map}, {transform_indices = #map1}, {transform_indices = #map1}, {transform_indices = #map1}, {transform_indices = #map1}, {transform_indices = #map1}, {transform_indices = #map2}]} {
    %mul3A = arith.constant 2 : i32
    %mul3A_0 = arith.muli %arg1, %mul3A : i32
    %add3A = arith.addi %mul3A_0, %arg0 : i32
    %mul3A_1 = arith.constant 160 : i32
    %mul3A_2 = arith.muli %add3A, %mul3A_1 : i32
    %scan3A = arith.constant 0 : i32
    %scan3A_3 = arith.constant 0 : i32
    %scan3A_4 = arith.constant 4 : i32
    %scan3A_5 = arith.addi %scan3A_3, %scan3A_4 : i32
    %scan3A_6 = arith.constant 1 : i32
    scf.for %scan3A_8 = %scan3A_3 to %scan3A_5 step %scan3A_6  : i32 {
      %mul3A_9 = arith.constant 40 : i32
      %mul3A_10 = arith.muli %scan3A_8, %mul3A_9 : i32
      %add3A_11 = arith.addi %mul3A_2, %mul3A_10 : i32
      %add3A_12 = arith.constant 0 : i32
      %add3A_13 = arith.addi %add3A_12, %add3A_11 : i32
      "tpu.region"() ({
        %run_scoped3A = tpu.sem_alloc : memref<!tpu.dma_semaphore, #tpu.memory_space<semaphore_mem>>
        %dma_start3A_44 = tpu.memref_slice %arg2[%add3A_13] : memref<20480xi32, #tpu.memory_space<hbm>> -> memref<40xi32, #tpu.memory_space<hbm>>
        %dma_start3A_45 = tpu.memref_slice %arg2[%add3A_13] : memref<20480xi32, #tpu.memory_space<hbm>> -> memref<40xi32, #tpu.memory_space<hbm>>
        tpu.enqueue_dma source(%dma_start3A_45 : memref<40xi32, #tpu.memory_space<hbm>>) target(%arg10 : memref<40xi32, #tpu.memory_space<vmem>>) target_semaphore(%run_scoped3A : memref<!tpu.dma_semaphore, #tpu.memory_space<semaphore_mem>>)
        %dma_wait3A_46 = tpu.memref_slice %arg2[%add3A_13] : memref<20480xi32, #tpu.memory_space<hbm>> -> memref<40xi32, #tpu.memory_space<hbm>>
        %dma_wait3A_47 = tpu.memref_slice %arg2[%add3A_13] : memref<20480xi32, #tpu.memory_space<hbm>> -> memref<40xi32, #tpu.memory_space<hbm>>
        tpu.wait_dma2 semaphore(%run_scoped3A : memref<!tpu.dma_semaphore, #tpu.memory_space<semaphore_mem>>) src(%dma_wait3A_47 : memref<40xi32, #tpu.memory_space<hbm>>) dst(%arg10 : memref<40xi32, #tpu.memory_space<vmem>>)
        tpu.yield
      }) : () -> ()
      %add3A_14 = arith.constant 0 : i32
      %add3A_15 = arith.addi %add3A_14, %add3A_11 : i32
      "tpu.region"() ({
        %run_scoped3A = tpu.sem_alloc : memref<!tpu.dma_semaphore, #tpu.memory_space<semaphore_mem>>
        %dma_start3A_44 = tpu.memref_slice %arg3[%add3A_15] : memref<20480xi32, #tpu.memory_space<hbm>> -> memref<40xi32, #tpu.memory_space<hbm>>
        %dma_start3A_45 = tpu.memref_slice %arg3[%add3A_15] : memref<20480xi32, #tpu.memory_space<hbm>> -> memref<40xi32, #tpu.memory_space<hbm>>
        tpu.enqueue_dma source(%dma_start3A_45 : memref<40xi32, #tpu.memory_space<hbm>>) target(%arg11 : memref<40xi32, #tpu.memory_space<vmem>>) target_semaphore(%run_scoped3A : memref<!tpu.dma_semaphore, #tpu.memory_space<semaphore_mem>>)
        %dma_wait3A_46 = tpu.memref_slice %arg3[%add3A_15] : memref<20480xi32, #tpu.memory_space<hbm>> -> memref<40xi32, #tpu.memory_space<hbm>>
        %dma_wait3A_47 = tpu.memref_slice %arg3[%add3A_15] : memref<20480xi32, #tpu.memory_space<hbm>> -> memref<40xi32, #tpu.memory_space<hbm>>
        tpu.wait_dma2 semaphore(%run_scoped3A : memref<!tpu.dma_semaphore, #tpu.memory_space<semaphore_mem>>) src(%dma_wait3A_47 : memref<40xi32, #tpu.memory_space<hbm>>) dst(%arg11 : memref<40xi32, #tpu.memory_space<vmem>>)
        tpu.yield
      }) : () -> ()
      %dma_start3A = arith.constant 0 : i32
      %dma_start3A_16 = arith.constant 0 : i32
      %dma_start3A_17 = tpu.memref_slice %arg5[%dma_start3A, %dma_start3A_16] : memref<100000x128xf32, #tpu.memory_space<hbm>> -> memref<100000x128xf32, #tpu.memory_space<hbm>>
      tpu.enqueue_indirect_dma source(%dma_start3A_17 : memref<100000x128xf32, #tpu.memory_space<hbm>>) target(%arg12 : memref<40x128xf32, #tpu.memory_space<vmem>>) offsets(%arg10 : memref<40xi32, #tpu.memory_space<vmem>>) semaphore(%arg16 : memref<!tpu.dma_semaphore, #tpu.memory_space<semaphore_mem>>)
      %dma_start3A_18 = arith.constant 0 : i32
      %dma_start3A_19 = arith.constant 0 : i32
      %dma_start3A_20 = tpu.memref_slice %arg5[%dma_start3A_18, %dma_start3A_19] : memref<100000x128xf32, #tpu.memory_space<hbm>> -> memref<100000x128xf32, #tpu.memory_space<hbm>>
      tpu.enqueue_indirect_dma source(%dma_start3A_20 : memref<100000x128xf32, #tpu.memory_space<hbm>>) target(%arg13 : memref<40x128xf32, #tpu.memory_space<vmem>>) offsets(%arg11 : memref<40xi32, #tpu.memory_space<vmem>>) semaphore(%arg16 : memref<!tpu.dma_semaphore, #tpu.memory_space<semaphore_mem>>)
      %dma_start3A_21 = arith.constant 0 : i32
      %dma_start3A_22 = arith.constant 0 : i32
      %dma_start3A_23 = tpu.memref_slice %arg4[%dma_start3A_21, %dma_start3A_22] : memref<100000x128xi32, #tpu.memory_space<hbm>> -> memref<100000x128xi32, #tpu.memory_space<hbm>>
      tpu.enqueue_indirect_dma source(%dma_start3A_23 : memref<100000x128xi32, #tpu.memory_space<hbm>>) target(%arg14 : memref<40x128xi32, #tpu.memory_space<vmem>>) offsets(%arg10 : memref<40xi32, #tpu.memory_space<vmem>>) semaphore(%arg17 : memref<!tpu.dma_semaphore, #tpu.memory_space<semaphore_mem>>)
      %dma_wait3A = arith.constant 0 : i32
      %dma_wait3A_24 = arith.constant 0 : i32
      %dma_wait3A_25 = tpu.memref_slice %arg4[%dma_wait3A, %dma_wait3A_24] : memref<100000x128xi32, #tpu.memory_space<hbm>> -> memref<100000x128xi32, #tpu.memory_space<hbm>>
      tpu.wait_indirect_dma semaphore(%arg17 : memref<!tpu.dma_semaphore, #tpu.memory_space<semaphore_mem>>) src(%dma_wait3A_25 : memref<100000x128xi32, #tpu.memory_space<hbm>>) dst(%arg14 : memref<40x128xi32, #tpu.memory_space<vmem>>)
      %scan3A_26 = arith.constant 0 : i32
      %scan3A_27 = arith.constant 0 : i32
      %scan3A_28 = arith.constant 5 : i32
      %scan3A_29 = arith.addi %scan3A_27, %scan3A_28 : i32
      %scan3A_30 = arith.constant 1 : i32
      scf.for %scan3A_44 = %scan3A_27 to %scan3A_29 step %scan3A_30  : i32 {
        %mul3A_45 = arith.constant 8 : i32
        %mul3A_46 = arith.muli %scan3A_44, %mul3A_45 : i32
        %add3A_47 = arith.constant 0 : i32
        %add3A_48 = arith.addi %mul3A_46, %add3A_47 : i32
        %dma_start3A_49 = arith.constant 0 : i32
        %dma_start3A_50 = arith.constant 0 : i32
        %dma_start3A_51 = tpu.memref_slice %arg15[%add3A_48, %dma_start3A_49, %dma_start3A_50] : memref<40x12x128xf32, #tpu.memory_space<vmem>> -> memref<1x12x128xf32, #tpu.memory_space<vmem>>
        %dma_start3A_52 = tpu.memref_squeeze %dma_start3A_51 : memref<1x12x128xf32, #tpu.memory_space<vmem>> -> memref<12x128xf32, #tpu.memory_space<vmem>>
        %dma_start3A_53 = arith.constant 0 : i32
        %dma_start3A_54 = tpu.memref_slice %arg14[%add3A_48, %dma_start3A_53] : memref<40x128xi32, #tpu.memory_space<vmem>> -> memref<1x128xi32, #tpu.memory_space<vmem>>
        %dma_start3A_55 = tpu.memref_squeeze %dma_start3A_54 : memref<1x128xi32, #tpu.memory_space<vmem>> -> memref<128xi32, #tpu.memory_space<vmem>>
        %dma_start3A_56 = arith.constant 0 : i32
        %dma_start3A_57 = tpu.memref_slice %dma_start3A_55[%dma_start3A_56] : memref<128xi32, #tpu.memory_space<vmem>> -> memref<12xi32, #tpu.memory_space<vmem>>
        %dma_start3A_58 = arith.constant 0 : i32
        %dma_start3A_59 = arith.constant 0 : i32
        %dma_start3A_60 = tpu.memref_slice %arg5[%dma_start3A_58, %dma_start3A_59] : memref<100000x128xf32, #tpu.memory_space<hbm>> -> memref<100000x128xf32, #tpu.memory_space<hbm>>
        tpu.enqueue_indirect_dma source(%dma_start3A_60 : memref<100000x128xf32, #tpu.memory_space<hbm>>) target(%dma_start3A_52 : memref<12x128xf32, #tpu.memory_space<vmem>>) offsets(%dma_start3A_57 : memref<12xi32, #tpu.memory_space<vmem>>) semaphore(%arg18 : memref<!tpu.dma_semaphore, #tpu.memory_space<semaphore_mem>>)
        %mul3A_61 = arith.constant 8 : i32
        %mul3A_62 = arith.muli %scan3A_44, %mul3A_61 : i32
        %add3A_63 = arith.constant 1 : i32
        %add3A_64 = arith.addi %mul3A_62, %add3A_63 : i32
        %dma_start3A_65 = arith.constant 0 : i32
        %dma_start3A_66 = arith.constant 0 : i32
        %dma_start3A_67 = tpu.memref_slice %arg15[%add3A_64, %dma_start3A_65, %dma_start3A_66] : memref<40x12x128xf32, #tpu.memory_space<vmem>> -> memref<1x12x128xf32, #tpu.memory_space<vmem>>
        %dma_start3A_68 = tpu.memref_squeeze %dma_start3A_67 : memref<1x12x128xf32, #tpu.memory_space<vmem>> -> memref<12x128xf32, #tpu.memory_space<vmem>>
        %dma_start3A_69 = arith.constant 0 : i32
        %dma_start3A_70 = tpu.memref_slice %arg14[%add3A_64, %dma_start3A_69] : memref<40x128xi32, #tpu.memory_space<vmem>> -> memref<1x128xi32, #tpu.memory_space<vmem>>
        %dma_start3A_71 = tpu.memref_squeeze %dma_start3A_70 : memref<1x128xi32, #tpu.memory_space<vmem>> -> memref<128xi32, #tpu.memory_space<vmem>>
        %dma_start3A_72 = arith.constant 0 : i32
        %dma_start3A_73 = tpu.memref_slice %dma_start3A_71[%dma_start3A_72] : memref<128xi32, #tpu.memory_space<vmem>> -> memref<12xi32, #tpu.memory_space<vmem>>
        %dma_start3A_74 = arith.constant 0 : i32
        %dma_start3A_75 = arith.constant 0 : i32
        %dma_start3A_76 = tpu.memref_slice %arg5[%dma_start3A_74, %dma_start3A_75] : memref<100000x128xf32, #tpu.memory_space<hbm>> -> memref<100000x128xf32, #tpu.memory_space<hbm>>
        tpu.enqueue_indirect_dma source(%dma_start3A_76 : memref<100000x128xf32, #tpu.memory_space<hbm>>) target(%dma_start3A_68 : memref<12x128xf32, #tpu.memory_space<vmem>>) offsets(%dma_start3A_73 : memref<12xi32, #tpu.memory_space<vmem>>) semaphore(%arg18 : memref<!tpu.dma_semaphore, #tpu.memory_space<semaphore_mem>>)
        %mul3A_77 = arith.constant 8 : i32
        %mul3A_78 = arith.muli %scan3A_44, %mul3A_77 : i32
        %add3A_79 = arith.constant 2 : i32
        %add3A_80 = arith.addi %mul3A_78, %add3A_79 : i32
        %dma_start3A_81 = arith.constant 0 : i32
        %dma_start3A_82 = arith.constant 0 : i32
        %dma_start3A_83 = tpu.memref_slice %arg15[%add3A_80, %dma_start3A_81, %dma_start3A_82] : memref<40x12x128xf32, #tpu.memory_space<vmem>> -> memref<1x12x128xf32, #tpu.memory_space<vmem>>
        %dma_start3A_84 = tpu.memref_squeeze %dma_start3A_83 : memref<1x12x128xf32, #tpu.memory_space<vmem>> -> memref<12x128xf32, #tpu.memory_space<vmem>>
        %dma_start3A_85 = arith.constant 0 : i32
        %dma_start3A_86 = tpu.memref_slice %arg14[%add3A_80, %dma_start3A_85] : memref<40x128xi32, #tpu.memory_space<vmem>> -> memref<1x128xi32, #tpu.memory_space<vmem>>
        %dma_start3A_87 = tpu.memref_squeeze %dma_start3A_86 : memref<1x128xi32, #tpu.memory_space<vmem>> -> memref<128xi32, #tpu.memory_space<vmem>>
        %dma_start3A_88 = arith.constant 0 : i32
        %dma_start3A_89 = tpu.memref_slice %dma_start3A_87[%dma_start3A_88] : memref<128xi32, #tpu.memory_space<vmem>> -> memref<12xi32, #tpu.memory_space<vmem>>
        %dma_start3A_90 = arith.constant 0 : i32
        %dma_start3A_91 = arith.constant 0 : i32
        %dma_start3A_92 = tpu.memref_slice %arg5[%dma_start3A_90, %dma_start3A_91] : memref<100000x128xf32, #tpu.memory_space<hbm>> -> memref<100000x128xf32, #tpu.memory_space<hbm>>
        tpu.enqueue_indirect_dma source(%dma_start3A_92 : memref<100000x128xf32, #tpu.memory_space<hbm>>) target(%dma_start3A_84 : memref<12x128xf32, #tpu.memory_space<vmem>>) offsets(%dma_start3A_89 : memref<12xi32, #tpu.memory_space<vmem>>) semaphore(%arg18 : memref<!tpu.dma_semaphore, #tpu.memory_space<semaphore_mem>>)
        %mul3A_93 = arith.constant 8 : i32
        %mul3A_94 = arith.muli %scan3A_44, %mul3A_93 : i32
        %add3A_95 = arith.constant 3 : i32
        %add3A_96 = arith.addi %mul3A_94, %add3A_95 : i32
        %dma_start3A_97 = arith.constant 0 : i32
        %dma_start3A_98 = arith.constant 0 : i32
        %dma_start3A_99 = tpu.memref_slice %arg15[%add3A_96, %dma_start3A_97, %dma_start3A_98] : memref<40x12x128xf32, #tpu.memory_space<vmem>> -> memref<1x12x128xf32, #tpu.memory_space<vmem>>
        %dma_start3A_100 = tpu.memref_squeeze %dma_start3A_99 : memref<1x12x128xf32, #tpu.memory_space<vmem>> -> memref<12x128xf32, #tpu.memory_space<vmem>>
        %dma_start3A_101 = arith.constant 0 : i32
        %dma_start3A_102 = tpu.memref_slice %arg14[%add3A_96, %dma_start3A_101] : memref<40x128xi32, #tpu.memory_space<vmem>> -> memref<1x128xi32, #tpu.memory_space<vmem>>
        %dma_start3A_103 = tpu.memref_squeeze %dma_start3A_102 : memref<1x128xi32, #tpu.memory_space<vmem>> -> memref<128xi32, #tpu.memory_space<vmem>>
        %dma_start3A_104 = arith.constant 0 : i32
        %dma_start3A_105 = tpu.memref_slice %dma_start3A_103[%dma_start3A_104] : memref<128xi32, #tpu.memory_space<vmem>> -> memref<12xi32, #tpu.memory_space<vmem>>
        %dma_start3A_106 = arith.constant 0 : i32
        %dma_start3A_107 = arith.constant 0 : i32
        %dma_start3A_108 = tpu.memref_slice %arg5[%dma_start3A_106, %dma_start3A_107] : memref<100000x128xf32, #tpu.memory_space<hbm>> -> memref<100000x128xf32, #tpu.memory_space<hbm>>
        tpu.enqueue_indirect_dma source(%dma_start3A_108 : memref<100000x128xf32, #tpu.memory_space<hbm>>) target(%dma_start3A_100 : memref<12x128xf32, #tpu.memory_space<vmem>>) offsets(%dma_start3A_105 : memref<12xi32, #tpu.memory_space<vmem>>) semaphore(%arg18 : memref<!tpu.dma_semaphore, #tpu.memory_space<semaphore_mem>>)
        %mul3A_109 = arith.constant 8 : i32
        %mul3A_110 = arith.muli %scan3A_44, %mul3A_109 : i32
        %add3A_111 = arith.constant 4 : i32
        %add3A_112 = arith.addi %mul3A_110, %add3A_111 : i32
        %dma_start3A_113 = arith.constant 0 : i32
        %dma_start3A_114 = arith.constant 0 : i32
        %dma_start3A_115 = tpu.memref_slice %arg15[%add3A_112, %dma_start3A_113, %dma_start3A_114] : memref<40x12x128xf32, #tpu.memory_space<vmem>> -> memref<1x12x128xf32, #tpu.memory_space<vmem>>
        %dma_start3A_116 = tpu.memref_squeeze %dma_start3A_115 : memref<1x12x128xf32, #tpu.memory_space<vmem>> -> memref<12x128xf32, #tpu.memory_space<vmem>>
        %dma_start3A_117 = arith.constant 0 : i32
        %dma_start3A_118 = tpu.memref_slice %arg14[%add3A_112, %dma_start3A_117] : memref<40x128xi32, #tpu.memory_space<vmem>> -> memref<1x128xi32, #tpu.memory_space<vmem>>
        %dma_start3A_119 = tpu.memref_squeeze %dma_start3A_118 : memref<1x128xi32, #tpu.memory_space<vmem>> -> memref<128xi32, #tpu.memory_space<vmem>>
        %dma_start3A_120 = arith.constant 0 : i32
        %dma_start3A_121 = tpu.memref_slice %dma_start3A_119[%dma_start3A_120] : memref<128xi32, #tpu.memory_space<vmem>> -> memref<12xi32, #tpu.memory_space<vmem>>
        %dma_start3A_122 = arith.constant 0 : i32
        %dma_start3A_123 = arith.constant 0 : i32
        %dma_start3A_124 = tpu.memref_slice %arg5[%dma_start3A_122, %dma_start3A_123] : memref<100000x128xf32, #tpu.memory_space<hbm>> -> memref<100000x128xf32, #tpu.memory_space<hbm>>
        tpu.enqueue_indirect_dma source(%dma_start3A_124 : memref<100000x128xf32, #tpu.memory_space<hbm>>) target(%dma_start3A_116 : memref<12x128xf32, #tpu.memory_space<vmem>>) offsets(%dma_start3A_121 : memref<12xi32, #tpu.memory_space<vmem>>) semaphore(%arg18 : memref<!tpu.dma_semaphore, #tpu.memory_space<semaphore_mem>>)
        %mul3A_125 = arith.constant 8 : i32
        %mul3A_126 = arith.muli %scan3A_44, %mul3A_125 : i32
        %add3A_127 = arith.constant 5 : i32
        %add3A_128 = arith.addi %mul3A_126, %add3A_127 : i32
        %dma_start3A_129 = arith.constant 0 : i32
        %dma_start3A_130 = arith.constant 0 : i32
        %dma_start3A_131 = tpu.memref_slice %arg15[%add3A_128, %dma_start3A_129, %dma_start3A_130] : memref<40x12x128xf32, #tpu.memory_space<vmem>> -> memref<1x12x128xf32, #tpu.memory_space<vmem>>
        %dma_start3A_132 = tpu.memref_squeeze %dma_start3A_131 : memref<1x12x128xf32, #tpu.memory_space<vmem>> -> memref<12x128xf32, #tpu.memory_space<vmem>>
        %dma_start3A_133 = arith.constant 0 : i32
        %dma_start3A_134 = tpu.memref_slice %arg14[%add3A_128, %dma_start3A_133] : memref<40x128xi32, #tpu.memory_space<vmem>> -> memref<1x128xi32, #tpu.memory_space<vmem>>
        %dma_start3A_135 = tpu.memref_squeeze %dma_start3A_134 : memref<1x128xi32, #tpu.memory_space<vmem>> -> memref<128xi32, #tpu.memory_space<vmem>>
        %dma_start3A_136 = arith.constant 0 : i32
        %dma_start3A_137 = tpu.memref_slice %dma_start3A_135[%dma_start3A_136] : memref<128xi32, #tpu.memory_space<vmem>> -> memref<12xi32, #tpu.memory_space<vmem>>
        %dma_start3A_138 = arith.constant 0 : i32
        %dma_start3A_139 = arith.constant 0 : i32
        %dma_start3A_140 = tpu.memref_slice %arg5[%dma_start3A_138, %dma_start3A_139] : memref<100000x128xf32, #tpu.memory_space<hbm>> -> memref<100000x128xf32, #tpu.memory_space<hbm>>
        tpu.enqueue_indirect_dma source(%dma_start3A_140 : memref<100000x128xf32, #tpu.memory_space<hbm>>) target(%dma_start3A_132 : memref<12x128xf32, #tpu.memory_space<vmem>>) offsets(%dma_start3A_137 : memref<12xi32, #tpu.memory_space<vmem>>) semaphore(%arg18 : memref<!tpu.dma_semaphore, #tpu.memory_space<semaphore_mem>>)
        %mul3A_141 = arith.constant 8 : i32
        %mul3A_142 = arith.muli %scan3A_44, %mul3A_141 : i32
        %add3A_143 = arith.constant 6 : i32
        %add3A_144 = arith.addi %mul3A_142, %add3A_143 : i32
        %dma_start3A_145 = arith.constant 0 : i32
        %dma_start3A_146 = arith.constant 0 : i32
        %dma_start3A_147 = tpu.memref_slice %arg15[%add3A_144, %dma_start3A_145, %dma_start3A_146] : memref<40x12x128xf32, #tpu.memory_space<vmem>> -> memref<1x12x128xf32, #tpu.memory_space<vmem>>
        %dma_start3A_148 = tpu.memref_squeeze %dma_start3A_147 : memref<1x12x128xf32, #tpu.memory_space<vmem>> -> memref<12x128xf32, #tpu.memory_space<vmem>>
        %dma_start3A_149 = arith.constant 0 : i32
        %dma_start3A_150 = tpu.memref_slice %arg14[%add3A_144, %dma_start3A_149] : memref<40x128xi32, #tpu.memory_space<vmem>> -> memref<1x128xi32, #tpu.memory_space<vmem>>
        %dma_start3A_151 = tpu.memref_squeeze %dma_start3A_150 : memref<1x128xi32, #tpu.memory_space<vmem>> -> memref<128xi32, #tpu.memory_space<vmem>>
        %dma_start3A_152 = arith.constant 0 : i32
        %dma_start3A_153 = tpu.memref_slice %dma_start3A_151[%dma_start3A_152] : memref<128xi32, #tpu.memory_space<vmem>> -> memref<12xi32, #tpu.memory_space<vmem>>
        %dma_start3A_154 = arith.constant 0 : i32
        %dma_start3A_155 = arith.constant 0 : i32
        %dma_start3A_156 = tpu.memref_slice %arg5[%dma_start3A_154, %dma_start3A_155] : memref<100000x128xf32, #tpu.memory_space<hbm>> -> memref<100000x128xf32, #tpu.memory_space<hbm>>
        tpu.enqueue_indirect_dma source(%dma_start3A_156 : memref<100000x128xf32, #tpu.memory_space<hbm>>) target(%dma_start3A_148 : memref<12x128xf32, #tpu.memory_space<vmem>>) offsets(%dma_start3A_153 : memref<12xi32, #tpu.memory_space<vmem>>) semaphore(%arg18 : memref<!tpu.dma_semaphore, #tpu.memory_space<semaphore_mem>>)
        %mul3A_157 = arith.constant 8 : i32
        %mul3A_158 = arith.muli %scan3A_44, %mul3A_157 : i32
        %add3A_159 = arith.constant 7 : i32
        %add3A_160 = arith.addi %mul3A_158, %add3A_159 : i32
        %dma_start3A_161 = arith.constant 0 : i32
        %dma_start3A_162 = arith.constant 0 : i32
        %dma_start3A_163 = tpu.memref_slice %arg15[%add3A_160, %dma_start3A_161, %dma_start3A_162] : memref<40x12x128xf32, #tpu.memory_space<vmem>> -> memref<1x12x128xf32, #tpu.memory_space<vmem>>
        %dma_start3A_164 = tpu.memref_squeeze %dma_start3A_163 : memref<1x12x128xf32, #tpu.memory_space<vmem>> -> memref<12x128xf32, #tpu.memory_space<vmem>>
        %dma_start3A_165 = arith.constant 0 : i32
        %dma_start3A_166 = tpu.memref_slice %arg14[%add3A_160, %dma_start3A_165] : memref<40x128xi32, #tpu.memory_space<vmem>> -> memref<1x128xi32, #tpu.memory_space<vmem>>
        %dma_start3A_167 = tpu.memref_squeeze %dma_start3A_166 : memref<1x128xi32, #tpu.memory_space<vmem>> -> memref<128xi32, #tpu.memory_space<vmem>>
        %dma_start3A_168 = arith.constant 0 : i32
        %dma_start3A_169 = tpu.memref_slice %dma_start3A_167[%dma_start3A_168] : memref<128xi32, #tpu.memory_space<vmem>> -> memref<12xi32, #tpu.memory_space<vmem>>
        %dma_start3A_170 = arith.constant 0 : i32
        %dma_start3A_171 = arith.constant 0 : i32
        %dma_start3A_172 = tpu.memref_slice %arg5[%dma_start3A_170, %dma_start3A_171] : memref<100000x128xf32, #tpu.memory_space<hbm>> -> memref<100000x128xf32, #tpu.memory_space<hbm>>
        tpu.enqueue_indirect_dma source(%dma_start3A_172 : memref<100000x128xf32, #tpu.memory_space<hbm>>) target(%dma_start3A_164 : memref<12x128xf32, #tpu.memory_space<vmem>>) offsets(%dma_start3A_169 : memref<12xi32, #tpu.memory_space<vmem>>) semaphore(%arg18 : memref<!tpu.dma_semaphore, #tpu.memory_space<semaphore_mem>>)
      }
      %scan3A_31 = arith.constant 5 : i32
      %dma_wait3A_32 = arith.constant 0 : i32
      %dma_wait3A_33 = arith.constant 0 : i32
      %dma_wait3A_34 = tpu.memref_slice %arg5[%dma_wait3A_32, %dma_wait3A_33] : memref<100000x128xf32, #tpu.memory_space<hbm>> -> memref<100000x128xf32, #tpu.memory_space<hbm>>
      tpu.wait_indirect_dma semaphore(%arg16 : memref<!tpu.dma_semaphore, #tpu.memory_space<semaphore_mem>>) src(%dma_wait3A_34 : memref<100000x128xf32, #tpu.memory_space<hbm>>) dst(%arg12 : memref<40x128xf32, #tpu.memory_space<vmem>>)
      %dma_wait3A_35 = arith.constant 0 : i32
      %dma_wait3A_36 = arith.constant 0 : i32
      %dma_wait3A_37 = tpu.memref_slice %arg5[%dma_wait3A_35, %dma_wait3A_36] : memref<100000x128xf32, #tpu.memory_space<hbm>> -> memref<100000x128xf32, #tpu.memory_space<hbm>>
      tpu.wait_indirect_dma semaphore(%arg16 : memref<!tpu.dma_semaphore, #tpu.memory_space<semaphore_mem>>) src(%dma_wait3A_37 : memref<100000x128xf32, #tpu.memory_space<hbm>>) dst(%arg13 : memref<40x128xf32, #tpu.memory_space<vmem>>)
      "tpu.region"() ({
        %run_scoped3A = tpu.sem_alloc : memref<!tpu.dma_semaphore, #tpu.memory_space<semaphore_mem>>
        %dma_start3A_44 = arith.constant 0 : i32
        %dma_start3A_45 = tpu.memref_slice %arg6[%add3A_11, %dma_start3A_44] : memref<5120x128xf32, #tpu.memory_space<hbm>> -> memref<40x128xf32, #tpu.memory_space<hbm>>
        %dma_start3A_46 = arith.constant 0 : i32
        %dma_start3A_47 = tpu.memref_slice %arg6[%add3A_11, %dma_start3A_46] : memref<5120x128xf32, #tpu.memory_space<hbm>> -> memref<40x128xf32, #tpu.memory_space<hbm>>
        tpu.enqueue_dma source(%arg12 : memref<40x128xf32, #tpu.memory_space<vmem>>) target(%dma_start3A_47 : memref<40x128xf32, #tpu.memory_space<hbm>>) target_semaphore(%run_scoped3A : memref<!tpu.dma_semaphore, #tpu.memory_space<semaphore_mem>>)
        %dma_wait3A_48 = arith.constant 0 : i32
        %dma_wait3A_49 = tpu.memref_slice %arg6[%add3A_11, %dma_wait3A_48] : memref<5120x128xf32, #tpu.memory_space<hbm>> -> memref<40x128xf32, #tpu.memory_space<hbm>>
        %dma_wait3A_50 = arith.constant 0 : i32
        %dma_wait3A_51 = tpu.memref_slice %arg6[%add3A_11, %dma_wait3A_50] : memref<5120x128xf32, #tpu.memory_space<hbm>> -> memref<40x128xf32, #tpu.memory_space<hbm>>
        tpu.wait_dma2 semaphore(%run_scoped3A : memref<!tpu.dma_semaphore, #tpu.memory_space<semaphore_mem>>) src(%arg12 : memref<40x128xf32, #tpu.memory_space<vmem>>) dst(%dma_wait3A_51 : memref<40x128xf32, #tpu.memory_space<hbm>>)
        tpu.yield
      }) : () -> ()
      "tpu.region"() ({
        %run_scoped3A = tpu.sem_alloc : memref<!tpu.dma_semaphore, #tpu.memory_space<semaphore_mem>>
        %dma_start3A_44 = arith.constant 0 : i32
        %dma_start3A_45 = tpu.memref_slice %arg7[%add3A_11, %dma_start3A_44] : memref<5120x128xf32, #tpu.memory_space<hbm>> -> memref<40x128xf32, #tpu.memory_space<hbm>>
        %dma_start3A_46 = arith.constant 0 : i32
        %dma_start3A_47 = tpu.memref_slice %arg7[%add3A_11, %dma_start3A_46] : memref<5120x128xf32, #tpu.memory_space<hbm>> -> memref<40x128xf32, #tpu.memory_space<hbm>>
        tpu.enqueue_dma source(%arg13 : memref<40x128xf32, #tpu.memory_space<vmem>>) target(%dma_start3A_47 : memref<40x128xf32, #tpu.memory_space<hbm>>) target_semaphore(%run_scoped3A : memref<!tpu.dma_semaphore, #tpu.memory_space<semaphore_mem>>)
        %dma_wait3A_48 = arith.constant 0 : i32
        %dma_wait3A_49 = tpu.memref_slice %arg7[%add3A_11, %dma_wait3A_48] : memref<5120x128xf32, #tpu.memory_space<hbm>> -> memref<40x128xf32, #tpu.memory_space<hbm>>
        %dma_wait3A_50 = arith.constant 0 : i32
        %dma_wait3A_51 = tpu.memref_slice %arg7[%add3A_11, %dma_wait3A_50] : memref<5120x128xf32, #tpu.memory_space<hbm>> -> memref<40x128xf32, #tpu.memory_space<hbm>>
        tpu.wait_dma2 semaphore(%run_scoped3A : memref<!tpu.dma_semaphore, #tpu.memory_space<semaphore_mem>>) src(%arg13 : memref<40x128xf32, #tpu.memory_space<vmem>>) dst(%dma_wait3A_51 : memref<40x128xf32, #tpu.memory_space<hbm>>)
        tpu.yield
      }) : () -> ()
      "tpu.region"() ({
        %run_scoped3A = tpu.sem_alloc : memref<!tpu.dma_semaphore, #tpu.memory_space<semaphore_mem>>
        %dma_start3A_44 = arith.constant 0 : i32
        %dma_start3A_45 = tpu.memref_slice %arg8[%add3A_11, %dma_start3A_44] : memref<5120x128xi32, #tpu.memory_space<hbm>> -> memref<40x128xi32, #tpu.memory_space<hbm>>
        %dma_start3A_46 = arith.constant 0 : i32
        %dma_start3A_47 = tpu.memref_slice %arg8[%add3A_11, %dma_start3A_46] : memref<5120x128xi32, #tpu.memory_space<hbm>> -> memref<40x128xi32, #tpu.memory_space<hbm>>
        tpu.enqueue_dma source(%arg14 : memref<40x128xi32, #tpu.memory_space<vmem>>) target(%dma_start3A_47 : memref<40x128xi32, #tpu.memory_space<hbm>>) target_semaphore(%run_scoped3A : memref<!tpu.dma_semaphore, #tpu.memory_space<semaphore_mem>>)
        %dma_wait3A_48 = arith.constant 0 : i32
        %dma_wait3A_49 = tpu.memref_slice %arg8[%add3A_11, %dma_wait3A_48] : memref<5120x128xi32, #tpu.memory_space<hbm>> -> memref<40x128xi32, #tpu.memory_space<hbm>>
        %dma_wait3A_50 = arith.constant 0 : i32
        %dma_wait3A_51 = tpu.memref_slice %arg8[%add3A_11, %dma_wait3A_50] : memref<5120x128xi32, #tpu.memory_space<hbm>> -> memref<40x128xi32, #tpu.memory_space<hbm>>
        tpu.wait_dma2 semaphore(%run_scoped3A : memref<!tpu.dma_semaphore, #tpu.memory_space<semaphore_mem>>) src(%arg14 : memref<40x128xi32, #tpu.memory_space<vmem>>) dst(%dma_wait3A_51 : memref<40x128xi32, #tpu.memory_space<hbm>>)
        tpu.yield
      }) : () -> ()
      %scan3A_38 = arith.constant 0 : i32
      %scan3A_39 = arith.constant 0 : i32
      %scan3A_40 = arith.constant 60 : i32
      %scan3A_41 = arith.addi %scan3A_39, %scan3A_40 : i32
      %scan3A_42 = arith.constant 1 : i32
      scf.for %scan3A_44 = %scan3A_39 to %scan3A_41 step %scan3A_42  : i32 {
        %dma_wait3A_45 = arith.constant 0 : i32
        %dma_wait3A_46 = arith.constant 0 : i32
        %dma_wait3A_47 = arith.constant 0 : i32
        %dma_wait3A_48 = tpu.memref_slice %arg15[%dma_wait3A_45, %dma_wait3A_46, %dma_wait3A_47] : memref<40x12x128xf32, #tpu.memory_space<vmem>> -> memref<1x12x128xf32, #tpu.memory_space<vmem>>
        %dma_wait3A_49 = tpu.memref_squeeze %dma_wait3A_48 : memref<1x12x128xf32, #tpu.memory_space<vmem>> -> memref<12x128xf32, #tpu.memory_space<vmem>>
        %dma_wait3A_50 = arith.constant 0 : i32
        %dma_wait3A_51 = arith.constant 0 : i32
        %dma_wait3A_52 = tpu.memref_slice %dma_wait3A_49[%dma_wait3A_50, %dma_wait3A_51] : memref<12x128xf32, #tpu.memory_space<vmem>> -> memref<8x128xf32, #tpu.memory_space<vmem>>
        %dma_wait3A_53 = arith.constant 0 : i32
        %dma_wait3A_54 = arith.constant 0 : i32
        %dma_wait3A_55 = tpu.memref_slice %arg5[%dma_wait3A_53, %dma_wait3A_54] : memref<100000x128xf32, #tpu.memory_space<hbm>> -> memref<8x128xf32, #tpu.memory_space<hbm>>
        %dma_wait3A_56 = arith.constant 0 : i32
        %dma_wait3A_57 = arith.constant 0 : i32
        %dma_wait3A_58 = tpu.memref_slice %arg15[%dma_wait3A_45, %dma_wait3A_56, %dma_wait3A_57] : memref<40x12x128xf32, #tpu.memory_space<vmem>> -> memref<1x12x128xf32, #tpu.memory_space<vmem>>
        %dma_wait3A_59 = tpu.memref_squeeze %dma_wait3A_58 : memref<1x12x128xf32, #tpu.memory_space<vmem>> -> memref<12x128xf32, #tpu.memory_space<vmem>>
        %dma_wait3A_60 = arith.constant 0 : i32
        %dma_wait3A_61 = arith.constant 0 : i32
        %dma_wait3A_62 = tpu.memref_slice %dma_wait3A_59[%dma_wait3A_60, %dma_wait3A_61] : memref<12x128xf32, #tpu.memory_space<vmem>> -> memref<8x128xf32, #tpu.memory_space<vmem>>
        %dma_wait3A_63 = arith.constant 0 : i32
        %dma_wait3A_64 = arith.constant 0 : i32
        %dma_wait3A_65 = tpu.memref_slice %arg5[%dma_wait3A_63, %dma_wait3A_64] : memref<100000x128xf32, #tpu.memory_space<hbm>> -> memref<8x128xf32, #tpu.memory_space<hbm>>
        tpu.wait_dma2 semaphore(%arg18 : memref<!tpu.dma_semaphore, #tpu.memory_space<semaphore_mem>>) src(%dma_wait3A_65 : memref<8x128xf32, #tpu.memory_space<hbm>>) dst(%dma_wait3A_62 : memref<8x128xf32, #tpu.memory_space<vmem>>)
      }
      %scan3A_43 = arith.constant 60 : i32
      "tpu.region"() ({
        %run_scoped3A = tpu.sem_alloc : memref<!tpu.dma_semaphore, #tpu.memory_space<semaphore_mem>>
        %dma_start3A_44 = arith.constant 0 : i32
        %dma_start3A_45 = arith.constant 0 : i32
        %dma_start3A_46 = tpu.memref_slice %arg9[%add3A_11, %dma_start3A_44, %dma_start3A_45] : memref<5120x12x128xf32, #tpu.memory_space<hbm>> -> memref<40x12x128xf32, #tpu.memory_space<hbm>>
        %dma_start3A_47 = arith.constant 0 : i32
        %dma_start3A_48 = arith.constant 0 : i32
        %dma_start3A_49 = tpu.memref_slice %arg9[%add3A_11, %dma_start3A_47, %dma_start3A_48] : memref<5120x12x128xf32, #tpu.memory_space<hbm>> -> memref<40x12x128xf32, #tpu.memory_space<hbm>>
        tpu.enqueue_dma source(%arg15 : memref<40x12x128xf32, #tpu.memory_space<vmem>>) target(%dma_start3A_49 : memref<40x12x128xf32, #tpu.memory_space<hbm>>) target_semaphore(%run_scoped3A : memref<!tpu.dma_semaphore, #tpu.memory_space<semaphore_mem>>)
        %dma_wait3A_50 = arith.constant 0 : i32
        %dma_wait3A_51 = arith.constant 0 : i32
        %dma_wait3A_52 = tpu.memref_slice %arg9[%add3A_11, %dma_wait3A_50, %dma_wait3A_51] : memref<5120x12x128xf32, #tpu.memory_space<hbm>> -> memref<40x12x128xf32, #tpu.memory_space<hbm>>
        %dma_wait3A_53 = arith.constant 0 : i32
        %dma_wait3A_54 = arith.constant 0 : i32
        %dma_wait3A_55 = tpu.memref_slice %arg9[%add3A_11, %dma_wait3A_53, %dma_wait3A_54] : memref<5120x12x128xf32, #tpu.memory_space<hbm>> -> memref<40x12x128xf32, #tpu.memory_space<hbm>>
        tpu.wait_dma2 semaphore(%run_scoped3A : memref<!tpu.dma_semaphore, #tpu.memory_space<semaphore_mem>>) src(%arg15 : memref<40x12x128xf32, #tpu.memory_space<vmem>>) dst(%dma_wait3A_55 : memref<40x12x128xf32, #tpu.memory_space<hbm>>)
        tpu.yield
      }) : () -> ()
    }
    %scan3A_7 = arith.constant 4 : i32
    return
  }
}

#map = affine_map<(d0, d1) -> (0)>
#map1 = affine_map<(d0, d1) -> (0, 0)>
#map2 = affine_map<(d0, d1) -> (0, 0, 0)>
module attributes {stable_mosaic.version = 14 : i64} {
  func.func @body(%arg0: i32, %arg1: i32, %arg2: memref<20480xi32, #tpu.memory_space<hbm>>, %arg3: memref<20480xi32, #tpu.memory_space<hbm>>, %arg4: memref<100000x128xi32, #tpu.memory_space<hbm>>, %arg5: memref<100000x128xf32, #tpu.memory_space<hbm>>, %arg6: memref<5120x128xf32, #tpu.memory_space<hbm>>, %arg7: memref<5120x128xf32, #tpu.memory_space<hbm>>, %arg8: memref<5120x128xi32, #tpu.memory_space<hbm>>, %arg9: memref<5120x12x128xf32, #tpu.memory_space<hbm>>, %arg10: memref<40xi32, #tpu.memory_space<vmem>>, %arg11: memref<40xi32, #tpu.memory_space<vmem>>, %arg12: memref<40x128xf32, #tpu.memory_space<vmem>>, %arg13: memref<40x128xf32, #tpu.memory_space<vmem>>, %arg14: memref<40x128xi32, #tpu.memory_space<vmem>>, %arg15: memref<40x12x128xf32, #tpu.memory_space<vmem>>, %arg16: memref<!tpu.dma_semaphore, #tpu.memory_space<semaphore_mem>>, %arg17: memref<!tpu.dma_semaphore, #tpu.memory_space<semaphore_mem>>, %arg18: memref<!tpu.dma_semaphore, #tpu.memory_space<semaphore_mem>>) attributes {dimension_semantics = [#tpu.dimension_semantics<core_parallel>, #tpu.dimension_semantics<subcore_parallel>], iteration_bounds = array<i64: 2, 16>, scalar_prefetch = 0 : i64, scratch_operands = 9 : i64, tpu.core_type = #tpu.core_type<sc_vector_subcore>, window_params = [{transform_indices = #map}, {transform_indices = #map}, {transform_indices = #map1}, {transform_indices = #map1}, {transform_indices = #map1}, {transform_indices = #map1}, {transform_indices = #map1}, {transform_indices = #map2}]} {
    %mul3A = arith.constant 2 : i32
    %mul3A_0 = arith.muli %arg1, %mul3A : i32
    %add3A = arith.addi %mul3A_0, %arg0 : i32
    %mul3A_1 = arith.constant 160 : i32
    %mul3A_2 = arith.muli %add3A, %mul3A_1 : i32
    %scan3A = arith.constant 0 : i32
    %scan3A_3 = arith.constant 0 : i32
    %scan3A_4 = arith.constant 4 : i32
    %scan3A_5 = arith.addi %scan3A_3, %scan3A_4 : i32
    %scan3A_6 = arith.constant 1 : i32
    scf.for %scan3A_8 = %scan3A_3 to %scan3A_5 step %scan3A_6  : i32 {
      %mul3A_9 = arith.constant 40 : i32
      %mul3A_10 = arith.muli %scan3A_8, %mul3A_9 : i32
      %add3A_11 = arith.addi %mul3A_2, %mul3A_10 : i32
      %add3A_12 = arith.constant 10240 : i32
      %add3A_13 = arith.addi %add3A_12, %add3A_11 : i32
      "tpu.region"() ({
        %run_scoped3A = tpu.sem_alloc : memref<!tpu.dma_semaphore, #tpu.memory_space<semaphore_mem>>
        %dma_start3A_44 = tpu.memref_slice %arg2[%add3A_13] : memref<20480xi32, #tpu.memory_space<hbm>> -> memref<40xi32, #tpu.memory_space<hbm>>
        %dma_start3A_45 = tpu.memref_slice %arg2[%add3A_13] : memref<20480xi32, #tpu.memory_space<hbm>> -> memref<40xi32, #tpu.memory_space<hbm>>
        tpu.enqueue_dma source(%dma_start3A_45 : memref<40xi32, #tpu.memory_space<hbm>>) target(%arg10 : memref<40xi32, #tpu.memory_space<vmem>>) target_semaphore(%run_scoped3A : memref<!tpu.dma_semaphore, #tpu.memory_space<semaphore_mem>>)
        %dma_wait3A_46 = tpu.memref_slice %arg2[%add3A_13] : memref<20480xi32, #tpu.memory_space<hbm>> -> memref<40xi32, #tpu.memory_space<hbm>>
        %dma_wait3A_47 = tpu.memref_slice %arg2[%add3A_13] : memref<20480xi32, #tpu.memory_space<hbm>> -> memref<40xi32, #tpu.memory_space<hbm>>
        tpu.wait_dma2 semaphore(%run_scoped3A : memref<!tpu.dma_semaphore, #tpu.memory_space<semaphore_mem>>) src(%dma_wait3A_47 : memref<40xi32, #tpu.memory_space<hbm>>) dst(%arg10 : memref<40xi32, #tpu.memory_space<vmem>>)
        tpu.yield
      }) : () -> ()
      %add3A_14 = arith.constant 10240 : i32
      %add3A_15 = arith.addi %add3A_14, %add3A_11 : i32
      "tpu.region"() ({
        %run_scoped3A = tpu.sem_alloc : memref<!tpu.dma_semaphore, #tpu.memory_space<semaphore_mem>>
        %dma_start3A_44 = tpu.memref_slice %arg3[%add3A_15] : memref<20480xi32, #tpu.memory_space<hbm>> -> memref<40xi32, #tpu.memory_space<hbm>>
        %dma_start3A_45 = tpu.memref_slice %arg3[%add3A_15] : memref<20480xi32, #tpu.memory_space<hbm>> -> memref<40xi32, #tpu.memory_space<hbm>>
        tpu.enqueue_dma source(%dma_start3A_45 : memref<40xi32, #tpu.memory_space<hbm>>) target(%arg11 : memref<40xi32, #tpu.memory_space<vmem>>) target_semaphore(%run_scoped3A : memref<!tpu.dma_semaphore, #tpu.memory_space<semaphore_mem>>)
        %dma_wait3A_46 = tpu.memref_slice %arg3[%add3A_15] : memref<20480xi32, #tpu.memory_space<hbm>> -> memref<40xi32, #tpu.memory_space<hbm>>
        %dma_wait3A_47 = tpu.memref_slice %arg3[%add3A_15] : memref<20480xi32, #tpu.memory_space<hbm>> -> memref<40xi32, #tpu.memory_space<hbm>>
        tpu.wait_dma2 semaphore(%run_scoped3A : memref<!tpu.dma_semaphore, #tpu.memory_space<semaphore_mem>>) src(%dma_wait3A_47 : memref<40xi32, #tpu.memory_space<hbm>>) dst(%arg11 : memref<40xi32, #tpu.memory_space<vmem>>)
        tpu.yield
      }) : () -> ()
      %dma_start3A = arith.constant 0 : i32
      %dma_start3A_16 = arith.constant 0 : i32
      %dma_start3A_17 = tpu.memref_slice %arg5[%dma_start3A, %dma_start3A_16] : memref<100000x128xf32, #tpu.memory_space<hbm>> -> memref<100000x128xf32, #tpu.memory_space<hbm>>
      tpu.enqueue_indirect_dma source(%dma_start3A_17 : memref<100000x128xf32, #tpu.memory_space<hbm>>) target(%arg12 : memref<40x128xf32, #tpu.memory_space<vmem>>) offsets(%arg10 : memref<40xi32, #tpu.memory_space<vmem>>) semaphore(%arg16 : memref<!tpu.dma_semaphore, #tpu.memory_space<semaphore_mem>>)
      %dma_start3A_18 = arith.constant 0 : i32
      %dma_start3A_19 = arith.constant 0 : i32
      %dma_start3A_20 = tpu.memref_slice %arg5[%dma_start3A_18, %dma_start3A_19] : memref<100000x128xf32, #tpu.memory_space<hbm>> -> memref<100000x128xf32, #tpu.memory_space<hbm>>
      tpu.enqueue_indirect_dma source(%dma_start3A_20 : memref<100000x128xf32, #tpu.memory_space<hbm>>) target(%arg13 : memref<40x128xf32, #tpu.memory_space<vmem>>) offsets(%arg11 : memref<40xi32, #tpu.memory_space<vmem>>) semaphore(%arg16 : memref<!tpu.dma_semaphore, #tpu.memory_space<semaphore_mem>>)
      %dma_start3A_21 = arith.constant 0 : i32
      %dma_start3A_22 = arith.constant 0 : i32
      %dma_start3A_23 = tpu.memref_slice %arg4[%dma_start3A_21, %dma_start3A_22] : memref<100000x128xi32, #tpu.memory_space<hbm>> -> memref<100000x128xi32, #tpu.memory_space<hbm>>
      tpu.enqueue_indirect_dma source(%dma_start3A_23 : memref<100000x128xi32, #tpu.memory_space<hbm>>) target(%arg14 : memref<40x128xi32, #tpu.memory_space<vmem>>) offsets(%arg10 : memref<40xi32, #tpu.memory_space<vmem>>) semaphore(%arg17 : memref<!tpu.dma_semaphore, #tpu.memory_space<semaphore_mem>>)
      %dma_wait3A = arith.constant 0 : i32
      %dma_wait3A_24 = arith.constant 0 : i32
      %dma_wait3A_25 = tpu.memref_slice %arg4[%dma_wait3A, %dma_wait3A_24] : memref<100000x128xi32, #tpu.memory_space<hbm>> -> memref<100000x128xi32, #tpu.memory_space<hbm>>
      tpu.wait_indirect_dma semaphore(%arg17 : memref<!tpu.dma_semaphore, #tpu.memory_space<semaphore_mem>>) src(%dma_wait3A_25 : memref<100000x128xi32, #tpu.memory_space<hbm>>) dst(%arg14 : memref<40x128xi32, #tpu.memory_space<vmem>>)
      %scan3A_26 = arith.constant 0 : i32
      %scan3A_27 = arith.constant 0 : i32
      %scan3A_28 = arith.constant 5 : i32
      %scan3A_29 = arith.addi %scan3A_27, %scan3A_28 : i32
      %scan3A_30 = arith.constant 1 : i32
      scf.for %scan3A_44 = %scan3A_27 to %scan3A_29 step %scan3A_30  : i32 {
        %mul3A_45 = arith.constant 8 : i32
        %mul3A_46 = arith.muli %scan3A_44, %mul3A_45 : i32
        %add3A_47 = arith.constant 0 : i32
        %add3A_48 = arith.addi %mul3A_46, %add3A_47 : i32
        %dma_start3A_49 = arith.constant 0 : i32
        %dma_start3A_50 = arith.constant 0 : i32
        %dma_start3A_51 = tpu.memref_slice %arg15[%add3A_48, %dma_start3A_49, %dma_start3A_50] : memref<40x12x128xf32, #tpu.memory_space<vmem>> -> memref<1x12x128xf32, #tpu.memory_space<vmem>>
        %dma_start3A_52 = tpu.memref_squeeze %dma_start3A_51 : memref<1x12x128xf32, #tpu.memory_space<vmem>> -> memref<12x128xf32, #tpu.memory_space<vmem>>
        %dma_start3A_53 = arith.constant 0 : i32
        %dma_start3A_54 = tpu.memref_slice %arg14[%add3A_48, %dma_start3A_53] : memref<40x128xi32, #tpu.memory_space<vmem>> -> memref<1x128xi32, #tpu.memory_space<vmem>>
        %dma_start3A_55 = tpu.memref_squeeze %dma_start3A_54 : memref<1x128xi32, #tpu.memory_space<vmem>> -> memref<128xi32, #tpu.memory_space<vmem>>
        %dma_start3A_56 = arith.constant 0 : i32
        %dma_start3A_57 = tpu.memref_slice %dma_start3A_55[%dma_start3A_56] : memref<128xi32, #tpu.memory_space<vmem>> -> memref<12xi32, #tpu.memory_space<vmem>>
        %dma_start3A_58 = arith.constant 0 : i32
        %dma_start3A_59 = arith.constant 0 : i32
        %dma_start3A_60 = tpu.memref_slice %arg5[%dma_start3A_58, %dma_start3A_59] : memref<100000x128xf32, #tpu.memory_space<hbm>> -> memref<100000x128xf32, #tpu.memory_space<hbm>>
        tpu.enqueue_indirect_dma source(%dma_start3A_60 : memref<100000x128xf32, #tpu.memory_space<hbm>>) target(%dma_start3A_52 : memref<12x128xf32, #tpu.memory_space<vmem>>) offsets(%dma_start3A_57 : memref<12xi32, #tpu.memory_space<vmem>>) semaphore(%arg18 : memref<!tpu.dma_semaphore, #tpu.memory_space<semaphore_mem>>)
        %mul3A_61 = arith.constant 8 : i32
        %mul3A_62 = arith.muli %scan3A_44, %mul3A_61 : i32
        %add3A_63 = arith.constant 1 : i32
        %add3A_64 = arith.addi %mul3A_62, %add3A_63 : i32
        %dma_start3A_65 = arith.constant 0 : i32
        %dma_start3A_66 = arith.constant 0 : i32
        %dma_start3A_67 = tpu.memref_slice %arg15[%add3A_64, %dma_start3A_65, %dma_start3A_66] : memref<40x12x128xf32, #tpu.memory_space<vmem>> -> memref<1x12x128xf32, #tpu.memory_space<vmem>>
        %dma_start3A_68 = tpu.memref_squeeze %dma_start3A_67 : memref<1x12x128xf32, #tpu.memory_space<vmem>> -> memref<12x128xf32, #tpu.memory_space<vmem>>
        %dma_start3A_69 = arith.constant 0 : i32
        %dma_start3A_70 = tpu.memref_slice %arg14[%add3A_64, %dma_start3A_69] : memref<40x128xi32, #tpu.memory_space<vmem>> -> memref<1x128xi32, #tpu.memory_space<vmem>>
        %dma_start3A_71 = tpu.memref_squeeze %dma_start3A_70 : memref<1x128xi32, #tpu.memory_space<vmem>> -> memref<128xi32, #tpu.memory_space<vmem>>
        %dma_start3A_72 = arith.constant 0 : i32
        %dma_start3A_73 = tpu.memref_slice %dma_start3A_71[%dma_start3A_72] : memref<128xi32, #tpu.memory_space<vmem>> -> memref<12xi32, #tpu.memory_space<vmem>>
        %dma_start3A_74 = arith.constant 0 : i32
        %dma_start3A_75 = arith.constant 0 : i32
        %dma_start3A_76 = tpu.memref_slice %arg5[%dma_start3A_74, %dma_start3A_75] : memref<100000x128xf32, #tpu.memory_space<hbm>> -> memref<100000x128xf32, #tpu.memory_space<hbm>>
        tpu.enqueue_indirect_dma source(%dma_start3A_76 : memref<100000x128xf32, #tpu.memory_space<hbm>>) target(%dma_start3A_68 : memref<12x128xf32, #tpu.memory_space<vmem>>) offsets(%dma_start3A_73 : memref<12xi32, #tpu.memory_space<vmem>>) semaphore(%arg18 : memref<!tpu.dma_semaphore, #tpu.memory_space<semaphore_mem>>)
        %mul3A_77 = arith.constant 8 : i32
        %mul3A_78 = arith.muli %scan3A_44, %mul3A_77 : i32
        %add3A_79 = arith.constant 2 : i32
        %add3A_80 = arith.addi %mul3A_78, %add3A_79 : i32
        %dma_start3A_81 = arith.constant 0 : i32
        %dma_start3A_82 = arith.constant 0 : i32
        %dma_start3A_83 = tpu.memref_slice %arg15[%add3A_80, %dma_start3A_81, %dma_start3A_82] : memref<40x12x128xf32, #tpu.memory_space<vmem>> -> memref<1x12x128xf32, #tpu.memory_space<vmem>>
        %dma_start3A_84 = tpu.memref_squeeze %dma_start3A_83 : memref<1x12x128xf32, #tpu.memory_space<vmem>> -> memref<12x128xf32, #tpu.memory_space<vmem>>
        %dma_start3A_85 = arith.constant 0 : i32
        %dma_start3A_86 = tpu.memref_slice %arg14[%add3A_80, %dma_start3A_85] : memref<40x128xi32, #tpu.memory_space<vmem>> -> memref<1x128xi32, #tpu.memory_space<vmem>>
        %dma_start3A_87 = tpu.memref_squeeze %dma_start3A_86 : memref<1x128xi32, #tpu.memory_space<vmem>> -> memref<128xi32, #tpu.memory_space<vmem>>
        %dma_start3A_88 = arith.constant 0 : i32
        %dma_start3A_89 = tpu.memref_slice %dma_start3A_87[%dma_start3A_88] : memref<128xi32, #tpu.memory_space<vmem>> -> memref<12xi32, #tpu.memory_space<vmem>>
        %dma_start3A_90 = arith.constant 0 : i32
        %dma_start3A_91 = arith.constant 0 : i32
        %dma_start3A_92 = tpu.memref_slice %arg5[%dma_start3A_90, %dma_start3A_91] : memref<100000x128xf32, #tpu.memory_space<hbm>> -> memref<100000x128xf32, #tpu.memory_space<hbm>>
        tpu.enqueue_indirect_dma source(%dma_start3A_92 : memref<100000x128xf32, #tpu.memory_space<hbm>>) target(%dma_start3A_84 : memref<12x128xf32, #tpu.memory_space<vmem>>) offsets(%dma_start3A_89 : memref<12xi32, #tpu.memory_space<vmem>>) semaphore(%arg18 : memref<!tpu.dma_semaphore, #tpu.memory_space<semaphore_mem>>)
        %mul3A_93 = arith.constant 8 : i32
        %mul3A_94 = arith.muli %scan3A_44, %mul3A_93 : i32
        %add3A_95 = arith.constant 3 : i32
        %add3A_96 = arith.addi %mul3A_94, %add3A_95 : i32
        %dma_start3A_97 = arith.constant 0 : i32
        %dma_start3A_98 = arith.constant 0 : i32
        %dma_start3A_99 = tpu.memref_slice %arg15[%add3A_96, %dma_start3A_97, %dma_start3A_98] : memref<40x12x128xf32, #tpu.memory_space<vmem>> -> memref<1x12x128xf32, #tpu.memory_space<vmem>>
        %dma_start3A_100 = tpu.memref_squeeze %dma_start3A_99 : memref<1x12x128xf32, #tpu.memory_space<vmem>> -> memref<12x128xf32, #tpu.memory_space<vmem>>
        %dma_start3A_101 = arith.constant 0 : i32
        %dma_start3A_102 = tpu.memref_slice %arg14[%add3A_96, %dma_start3A_101] : memref<40x128xi32, #tpu.memory_space<vmem>> -> memref<1x128xi32, #tpu.memory_space<vmem>>
        %dma_start3A_103 = tpu.memref_squeeze %dma_start3A_102 : memref<1x128xi32, #tpu.memory_space<vmem>> -> memref<128xi32, #tpu.memory_space<vmem>>
        %dma_start3A_104 = arith.constant 0 : i32
        %dma_start3A_105 = tpu.memref_slice %dma_start3A_103[%dma_start3A_104] : memref<128xi32, #tpu.memory_space<vmem>> -> memref<12xi32, #tpu.memory_space<vmem>>
        %dma_start3A_106 = arith.constant 0 : i32
        %dma_start3A_107 = arith.constant 0 : i32
        %dma_start3A_108 = tpu.memref_slice %arg5[%dma_start3A_106, %dma_start3A_107] : memref<100000x128xf32, #tpu.memory_space<hbm>> -> memref<100000x128xf32, #tpu.memory_space<hbm>>
        tpu.enqueue_indirect_dma source(%dma_start3A_108 : memref<100000x128xf32, #tpu.memory_space<hbm>>) target(%dma_start3A_100 : memref<12x128xf32, #tpu.memory_space<vmem>>) offsets(%dma_start3A_105 : memref<12xi32, #tpu.memory_space<vmem>>) semaphore(%arg18 : memref<!tpu.dma_semaphore, #tpu.memory_space<semaphore_mem>>)
        %mul3A_109 = arith.constant 8 : i32
        %mul3A_110 = arith.muli %scan3A_44, %mul3A_109 : i32
        %add3A_111 = arith.constant 4 : i32
        %add3A_112 = arith.addi %mul3A_110, %add3A_111 : i32
        %dma_start3A_113 = arith.constant 0 : i32
        %dma_start3A_114 = arith.constant 0 : i32
        %dma_start3A_115 = tpu.memref_slice %arg15[%add3A_112, %dma_start3A_113, %dma_start3A_114] : memref<40x12x128xf32, #tpu.memory_space<vmem>> -> memref<1x12x128xf32, #tpu.memory_space<vmem>>
        %dma_start3A_116 = tpu.memref_squeeze %dma_start3A_115 : memref<1x12x128xf32, #tpu.memory_space<vmem>> -> memref<12x128xf32, #tpu.memory_space<vmem>>
        %dma_start3A_117 = arith.constant 0 : i32
        %dma_start3A_118 = tpu.memref_slice %arg14[%add3A_112, %dma_start3A_117] : memref<40x128xi32, #tpu.memory_space<vmem>> -> memref<1x128xi32, #tpu.memory_space<vmem>>
        %dma_start3A_119 = tpu.memref_squeeze %dma_start3A_118 : memref<1x128xi32, #tpu.memory_space<vmem>> -> memref<128xi32, #tpu.memory_space<vmem>>
        %dma_start3A_120 = arith.constant 0 : i32
        %dma_start3A_121 = tpu.memref_slice %dma_start3A_119[%dma_start3A_120] : memref<128xi32, #tpu.memory_space<vmem>> -> memref<12xi32, #tpu.memory_space<vmem>>
        %dma_start3A_122 = arith.constant 0 : i32
        %dma_start3A_123 = arith.constant 0 : i32
        %dma_start3A_124 = tpu.memref_slice %arg5[%dma_start3A_122, %dma_start3A_123] : memref<100000x128xf32, #tpu.memory_space<hbm>> -> memref<100000x128xf32, #tpu.memory_space<hbm>>
        tpu.enqueue_indirect_dma source(%dma_start3A_124 : memref<100000x128xf32, #tpu.memory_space<hbm>>) target(%dma_start3A_116 : memref<12x128xf32, #tpu.memory_space<vmem>>) offsets(%dma_start3A_121 : memref<12xi32, #tpu.memory_space<vmem>>) semaphore(%arg18 : memref<!tpu.dma_semaphore, #tpu.memory_space<semaphore_mem>>)
        %mul3A_125 = arith.constant 8 : i32
        %mul3A_126 = arith.muli %scan3A_44, %mul3A_125 : i32
        %add3A_127 = arith.constant 5 : i32
        %add3A_128 = arith.addi %mul3A_126, %add3A_127 : i32
        %dma_start3A_129 = arith.constant 0 : i32
        %dma_start3A_130 = arith.constant 0 : i32
        %dma_start3A_131 = tpu.memref_slice %arg15[%add3A_128, %dma_start3A_129, %dma_start3A_130] : memref<40x12x128xf32, #tpu.memory_space<vmem>> -> memref<1x12x128xf32, #tpu.memory_space<vmem>>
        %dma_start3A_132 = tpu.memref_squeeze %dma_start3A_131 : memref<1x12x128xf32, #tpu.memory_space<vmem>> -> memref<12x128xf32, #tpu.memory_space<vmem>>
        %dma_start3A_133 = arith.constant 0 : i32
        %dma_start3A_134 = tpu.memref_slice %arg14[%add3A_128, %dma_start3A_133] : memref<40x128xi32, #tpu.memory_space<vmem>> -> memref<1x128xi32, #tpu.memory_space<vmem>>
        %dma_start3A_135 = tpu.memref_squeeze %dma_start3A_134 : memref<1x128xi32, #tpu.memory_space<vmem>> -> memref<128xi32, #tpu.memory_space<vmem>>
        %dma_start3A_136 = arith.constant 0 : i32
        %dma_start3A_137 = tpu.memref_slice %dma_start3A_135[%dma_start3A_136] : memref<128xi32, #tpu.memory_space<vmem>> -> memref<12xi32, #tpu.memory_space<vmem>>
        %dma_start3A_138 = arith.constant 0 : i32
        %dma_start3A_139 = arith.constant 0 : i32
        %dma_start3A_140 = tpu.memref_slice %arg5[%dma_start3A_138, %dma_start3A_139] : memref<100000x128xf32, #tpu.memory_space<hbm>> -> memref<100000x128xf32, #tpu.memory_space<hbm>>
        tpu.enqueue_indirect_dma source(%dma_start3A_140 : memref<100000x128xf32, #tpu.memory_space<hbm>>) target(%dma_start3A_132 : memref<12x128xf32, #tpu.memory_space<vmem>>) offsets(%dma_start3A_137 : memref<12xi32, #tpu.memory_space<vmem>>) semaphore(%arg18 : memref<!tpu.dma_semaphore, #tpu.memory_space<semaphore_mem>>)
        %mul3A_141 = arith.constant 8 : i32
        %mul3A_142 = arith.muli %scan3A_44, %mul3A_141 : i32
        %add3A_143 = arith.constant 6 : i32
        %add3A_144 = arith.addi %mul3A_142, %add3A_143 : i32
        %dma_start3A_145 = arith.constant 0 : i32
        %dma_start3A_146 = arith.constant 0 : i32
        %dma_start3A_147 = tpu.memref_slice %arg15[%add3A_144, %dma_start3A_145, %dma_start3A_146] : memref<40x12x128xf32, #tpu.memory_space<vmem>> -> memref<1x12x128xf32, #tpu.memory_space<vmem>>
        %dma_start3A_148 = tpu.memref_squeeze %dma_start3A_147 : memref<1x12x128xf32, #tpu.memory_space<vmem>> -> memref<12x128xf32, #tpu.memory_space<vmem>>
        %dma_start3A_149 = arith.constant 0 : i32
        %dma_start3A_150 = tpu.memref_slice %arg14[%add3A_144, %dma_start3A_149] : memref<40x128xi32, #tpu.memory_space<vmem>> -> memref<1x128xi32, #tpu.memory_space<vmem>>
        %dma_start3A_151 = tpu.memref_squeeze %dma_start3A_150 : memref<1x128xi32, #tpu.memory_space<vmem>> -> memref<128xi32, #tpu.memory_space<vmem>>
        %dma_start3A_152 = arith.constant 0 : i32
        %dma_start3A_153 = tpu.memref_slice %dma_start3A_151[%dma_start3A_152] : memref<128xi32, #tpu.memory_space<vmem>> -> memref<12xi32, #tpu.memory_space<vmem>>
        %dma_start3A_154 = arith.constant 0 : i32
        %dma_start3A_155 = arith.constant 0 : i32
        %dma_start3A_156 = tpu.memref_slice %arg5[%dma_start3A_154, %dma_start3A_155] : memref<100000x128xf32, #tpu.memory_space<hbm>> -> memref<100000x128xf32, #tpu.memory_space<hbm>>
        tpu.enqueue_indirect_dma source(%dma_start3A_156 : memref<100000x128xf32, #tpu.memory_space<hbm>>) target(%dma_start3A_148 : memref<12x128xf32, #tpu.memory_space<vmem>>) offsets(%dma_start3A_153 : memref<12xi32, #tpu.memory_space<vmem>>) semaphore(%arg18 : memref<!tpu.dma_semaphore, #tpu.memory_space<semaphore_mem>>)
        %mul3A_157 = arith.constant 8 : i32
        %mul3A_158 = arith.muli %scan3A_44, %mul3A_157 : i32
        %add3A_159 = arith.constant 7 : i32
        %add3A_160 = arith.addi %mul3A_158, %add3A_159 : i32
        %dma_start3A_161 = arith.constant 0 : i32
        %dma_start3A_162 = arith.constant 0 : i32
        %dma_start3A_163 = tpu.memref_slice %arg15[%add3A_160, %dma_start3A_161, %dma_start3A_162] : memref<40x12x128xf32, #tpu.memory_space<vmem>> -> memref<1x12x128xf32, #tpu.memory_space<vmem>>
        %dma_start3A_164 = tpu.memref_squeeze %dma_start3A_163 : memref<1x12x128xf32, #tpu.memory_space<vmem>> -> memref<12x128xf32, #tpu.memory_space<vmem>>
        %dma_start3A_165 = arith.constant 0 : i32
        %dma_start3A_166 = tpu.memref_slice %arg14[%add3A_160, %dma_start3A_165] : memref<40x128xi32, #tpu.memory_space<vmem>> -> memref<1x128xi32, #tpu.memory_space<vmem>>
        %dma_start3A_167 = tpu.memref_squeeze %dma_start3A_166 : memref<1x128xi32, #tpu.memory_space<vmem>> -> memref<128xi32, #tpu.memory_space<vmem>>
        %dma_start3A_168 = arith.constant 0 : i32
        %dma_start3A_169 = tpu.memref_slice %dma_start3A_167[%dma_start3A_168] : memref<128xi32, #tpu.memory_space<vmem>> -> memref<12xi32, #tpu.memory_space<vmem>>
        %dma_start3A_170 = arith.constant 0 : i32
        %dma_start3A_171 = arith.constant 0 : i32
        %dma_start3A_172 = tpu.memref_slice %arg5[%dma_start3A_170, %dma_start3A_171] : memref<100000x128xf32, #tpu.memory_space<hbm>> -> memref<100000x128xf32, #tpu.memory_space<hbm>>
        tpu.enqueue_indirect_dma source(%dma_start3A_172 : memref<100000x128xf32, #tpu.memory_space<hbm>>) target(%dma_start3A_164 : memref<12x128xf32, #tpu.memory_space<vmem>>) offsets(%dma_start3A_169 : memref<12xi32, #tpu.memory_space<vmem>>) semaphore(%arg18 : memref<!tpu.dma_semaphore, #tpu.memory_space<semaphore_mem>>)
      }
      %scan3A_31 = arith.constant 5 : i32
      %dma_wait3A_32 = arith.constant 0 : i32
      %dma_wait3A_33 = arith.constant 0 : i32
      %dma_wait3A_34 = tpu.memref_slice %arg5[%dma_wait3A_32, %dma_wait3A_33] : memref<100000x128xf32, #tpu.memory_space<hbm>> -> memref<100000x128xf32, #tpu.memory_space<hbm>>
      tpu.wait_indirect_dma semaphore(%arg16 : memref<!tpu.dma_semaphore, #tpu.memory_space<semaphore_mem>>) src(%dma_wait3A_34 : memref<100000x128xf32, #tpu.memory_space<hbm>>) dst(%arg12 : memref<40x128xf32, #tpu.memory_space<vmem>>)
      %dma_wait3A_35 = arith.constant 0 : i32
      %dma_wait3A_36 = arith.constant 0 : i32
      %dma_wait3A_37 = tpu.memref_slice %arg5[%dma_wait3A_35, %dma_wait3A_36] : memref<100000x128xf32, #tpu.memory_space<hbm>> -> memref<100000x128xf32, #tpu.memory_space<hbm>>
      tpu.wait_indirect_dma semaphore(%arg16 : memref<!tpu.dma_semaphore, #tpu.memory_space<semaphore_mem>>) src(%dma_wait3A_37 : memref<100000x128xf32, #tpu.memory_space<hbm>>) dst(%arg13 : memref<40x128xf32, #tpu.memory_space<vmem>>)
      "tpu.region"() ({
        %run_scoped3A = tpu.sem_alloc : memref<!tpu.dma_semaphore, #tpu.memory_space<semaphore_mem>>
        %dma_start3A_44 = arith.constant 0 : i32
        %dma_start3A_45 = tpu.memref_slice %arg6[%add3A_11, %dma_start3A_44] : memref<5120x128xf32, #tpu.memory_space<hbm>> -> memref<40x128xf32, #tpu.memory_space<hbm>>
        %dma_start3A_46 = arith.constant 0 : i32
        %dma_start3A_47 = tpu.memref_slice %arg6[%add3A_11, %dma_start3A_46] : memref<5120x128xf32, #tpu.memory_space<hbm>> -> memref<40x128xf32, #tpu.memory_space<hbm>>
        tpu.enqueue_dma source(%arg12 : memref<40x128xf32, #tpu.memory_space<vmem>>) target(%dma_start3A_47 : memref<40x128xf32, #tpu.memory_space<hbm>>) target_semaphore(%run_scoped3A : memref<!tpu.dma_semaphore, #tpu.memory_space<semaphore_mem>>)
        %dma_wait3A_48 = arith.constant 0 : i32
        %dma_wait3A_49 = tpu.memref_slice %arg6[%add3A_11, %dma_wait3A_48] : memref<5120x128xf32, #tpu.memory_space<hbm>> -> memref<40x128xf32, #tpu.memory_space<hbm>>
        %dma_wait3A_50 = arith.constant 0 : i32
        %dma_wait3A_51 = tpu.memref_slice %arg6[%add3A_11, %dma_wait3A_50] : memref<5120x128xf32, #tpu.memory_space<hbm>> -> memref<40x128xf32, #tpu.memory_space<hbm>>
        tpu.wait_dma2 semaphore(%run_scoped3A : memref<!tpu.dma_semaphore, #tpu.memory_space<semaphore_mem>>) src(%arg12 : memref<40x128xf32, #tpu.memory_space<vmem>>) dst(%dma_wait3A_51 : memref<40x128xf32, #tpu.memory_space<hbm>>)
        tpu.yield
      }) : () -> ()
      "tpu.region"() ({
        %run_scoped3A = tpu.sem_alloc : memref<!tpu.dma_semaphore, #tpu.memory_space<semaphore_mem>>
        %dma_start3A_44 = arith.constant 0 : i32
        %dma_start3A_45 = tpu.memref_slice %arg7[%add3A_11, %dma_start3A_44] : memref<5120x128xf32, #tpu.memory_space<hbm>> -> memref<40x128xf32, #tpu.memory_space<hbm>>
        %dma_start3A_46 = arith.constant 0 : i32
        %dma_start3A_47 = tpu.memref_slice %arg7[%add3A_11, %dma_start3A_46] : memref<5120x128xf32, #tpu.memory_space<hbm>> -> memref<40x128xf32, #tpu.memory_space<hbm>>
        tpu.enqueue_dma source(%arg13 : memref<40x128xf32, #tpu.memory_space<vmem>>) target(%dma_start3A_47 : memref<40x128xf32, #tpu.memory_space<hbm>>) target_semaphore(%run_scoped3A : memref<!tpu.dma_semaphore, #tpu.memory_space<semaphore_mem>>)
        %dma_wait3A_48 = arith.constant 0 : i32
        %dma_wait3A_49 = tpu.memref_slice %arg7[%add3A_11, %dma_wait3A_48] : memref<5120x128xf32, #tpu.memory_space<hbm>> -> memref<40x128xf32, #tpu.memory_space<hbm>>
        %dma_wait3A_50 = arith.constant 0 : i32
        %dma_wait3A_51 = tpu.memref_slice %arg7[%add3A_11, %dma_wait3A_50] : memref<5120x128xf32, #tpu.memory_space<hbm>> -> memref<40x128xf32, #tpu.memory_space<hbm>>
        tpu.wait_dma2 semaphore(%run_scoped3A : memref<!tpu.dma_semaphore, #tpu.memory_space<semaphore_mem>>) src(%arg13 : memref<40x128xf32, #tpu.memory_space<vmem>>) dst(%dma_wait3A_51 : memref<40x128xf32, #tpu.memory_space<hbm>>)
        tpu.yield
      }) : () -> ()
      "tpu.region"() ({
        %run_scoped3A = tpu.sem_alloc : memref<!tpu.dma_semaphore, #tpu.memory_space<semaphore_mem>>
        %dma_start3A_44 = arith.constant 0 : i32
        %dma_start3A_45 = tpu.memref_slice %arg8[%add3A_11, %dma_start3A_44] : memref<5120x128xi32, #tpu.memory_space<hbm>> -> memref<40x128xi32, #tpu.memory_space<hbm>>
        %dma_start3A_46 = arith.constant 0 : i32
        %dma_start3A_47 = tpu.memref_slice %arg8[%add3A_11, %dma_start3A_46] : memref<5120x128xi32, #tpu.memory_space<hbm>> -> memref<40x128xi32, #tpu.memory_space<hbm>>
        tpu.enqueue_dma source(%arg14 : memref<40x128xi32, #tpu.memory_space<vmem>>) target(%dma_start3A_47 : memref<40x128xi32, #tpu.memory_space<hbm>>) target_semaphore(%run_scoped3A : memref<!tpu.dma_semaphore, #tpu.memory_space<semaphore_mem>>)
        %dma_wait3A_48 = arith.constant 0 : i32
        %dma_wait3A_49 = tpu.memref_slice %arg8[%add3A_11, %dma_wait3A_48] : memref<5120x128xi32, #tpu.memory_space<hbm>> -> memref<40x128xi32, #tpu.memory_space<hbm>>
        %dma_wait3A_50 = arith.constant 0 : i32
        %dma_wait3A_51 = tpu.memref_slice %arg8[%add3A_11, %dma_wait3A_50] : memref<5120x128xi32, #tpu.memory_space<hbm>> -> memref<40x128xi32, #tpu.memory_space<hbm>>
        tpu.wait_dma2 semaphore(%run_scoped3A : memref<!tpu.dma_semaphore, #tpu.memory_space<semaphore_mem>>) src(%arg14 : memref<40x128xi32, #tpu.memory_space<vmem>>) dst(%dma_wait3A_51 : memref<40x128xi32, #tpu.memory_space<hbm>>)
        tpu.yield
      }) : () -> ()
      %scan3A_38 = arith.constant 0 : i32
      %scan3A_39 = arith.constant 0 : i32
      %scan3A_40 = arith.constant 60 : i32
      %scan3A_41 = arith.addi %scan3A_39, %scan3A_40 : i32
      %scan3A_42 = arith.constant 1 : i32
      scf.for %scan3A_44 = %scan3A_39 to %scan3A_41 step %scan3A_42  : i32 {
        %dma_wait3A_45 = arith.constant 0 : i32
        %dma_wait3A_46 = arith.constant 0 : i32
        %dma_wait3A_47 = arith.constant 0 : i32
        %dma_wait3A_48 = tpu.memref_slice %arg15[%dma_wait3A_45, %dma_wait3A_46, %dma_wait3A_47] : memref<40x12x128xf32, #tpu.memory_space<vmem>> -> memref<1x12x128xf32, #tpu.memory_space<vmem>>
        %dma_wait3A_49 = tpu.memref_squeeze %dma_wait3A_48 : memref<1x12x128xf32, #tpu.memory_space<vmem>> -> memref<12x128xf32, #tpu.memory_space<vmem>>
        %dma_wait3A_50 = arith.constant 0 : i32
        %dma_wait3A_51 = arith.constant 0 : i32
        %dma_wait3A_52 = tpu.memref_slice %dma_wait3A_49[%dma_wait3A_50, %dma_wait3A_51] : memref<12x128xf32, #tpu.memory_space<vmem>> -> memref<8x128xf32, #tpu.memory_space<vmem>>
        %dma_wait3A_53 = arith.constant 0 : i32
        %dma_wait3A_54 = arith.constant 0 : i32
        %dma_wait3A_55 = tpu.memref_slice %arg5[%dma_wait3A_53, %dma_wait3A_54] : memref<100000x128xf32, #tpu.memory_space<hbm>> -> memref<8x128xf32, #tpu.memory_space<hbm>>
        %dma_wait3A_56 = arith.constant 0 : i32
        %dma_wait3A_57 = arith.constant 0 : i32
        %dma_wait3A_58 = tpu.memref_slice %arg15[%dma_wait3A_45, %dma_wait3A_56, %dma_wait3A_57] : memref<40x12x128xf32, #tpu.memory_space<vmem>> -> memref<1x12x128xf32, #tpu.memory_space<vmem>>
        %dma_wait3A_59 = tpu.memref_squeeze %dma_wait3A_58 : memref<1x12x128xf32, #tpu.memory_space<vmem>> -> memref<12x128xf32, #tpu.memory_space<vmem>>
        %dma_wait3A_60 = arith.constant 0 : i32
        %dma_wait3A_61 = arith.constant 0 : i32
        %dma_wait3A_62 = tpu.memref_slice %dma_wait3A_59[%dma_wait3A_60, %dma_wait3A_61] : memref<12x128xf32, #tpu.memory_space<vmem>> -> memref<8x128xf32, #tpu.memory_space<vmem>>
        %dma_wait3A_63 = arith.constant 0 : i32
        %dma_wait3A_64 = arith.constant 0 : i32
        %dma_wait3A_65 = tpu.memref_slice %arg5[%dma_wait3A_63, %dma_wait3A_64] : memref<100000x128xf32, #tpu.memory_space<hbm>> -> memref<8x128xf32, #tpu.memory_space<hbm>>
        tpu.wait_dma2 semaphore(%arg18 : memref<!tpu.dma_semaphore, #tpu.memory_space<semaphore_mem>>) src(%dma_wait3A_65 : memref<8x128xf32, #tpu.memory_space<hbm>>) dst(%dma_wait3A_62 : memref<8x128xf32, #tpu.memory_space<vmem>>)
      }
      %scan3A_43 = arith.constant 60 : i32
      "tpu.region"() ({
        %run_scoped3A = tpu.sem_alloc : memref<!tpu.dma_semaphore, #tpu.memory_space<semaphore_mem>>
        %dma_start3A_44 = arith.constant 0 : i32
        %dma_start3A_45 = arith.constant 0 : i32
        %dma_start3A_46 = tpu.memref_slice %arg9[%add3A_11, %dma_start3A_44, %dma_start3A_45] : memref<5120x12x128xf32, #tpu.memory_space<hbm>> -> memref<40x12x128xf32, #tpu.memory_space<hbm>>
        %dma_start3A_47 = arith.constant 0 : i32
        %dma_start3A_48 = arith.constant 0 : i32
        %dma_start3A_49 = tpu.memref_slice %arg9[%add3A_11, %dma_start3A_47, %dma_start3A_48] : memref<5120x12x128xf32, #tpu.memory_space<hbm>> -> memref<40x12x128xf32, #tpu.memory_space<hbm>>
        tpu.enqueue_dma source(%arg15 : memref<40x12x128xf32, #tpu.memory_space<vmem>>) target(%dma_start3A_49 : memref<40x12x128xf32, #tpu.memory_space<hbm>>) target_semaphore(%run_scoped3A : memref<!tpu.dma_semaphore, #tpu.memory_space<semaphore_mem>>)
        %dma_wait3A_50 = arith.constant 0 : i32
        %dma_wait3A_51 = arith.constant 0 : i32
        %dma_wait3A_52 = tpu.memref_slice %arg9[%add3A_11, %dma_wait3A_50, %dma_wait3A_51] : memref<5120x12x128xf32, #tpu.memory_space<hbm>> -> memref<40x12x128xf32, #tpu.memory_space<hbm>>
        %dma_wait3A_53 = arith.constant 0 : i32
        %dma_wait3A_54 = arith.constant 0 : i32
        %dma_wait3A_55 = tpu.memref_slice %arg9[%add3A_11, %dma_wait3A_53, %dma_wait3A_54] : memref<5120x12x128xf32, #tpu.memory_space<hbm>> -> memref<40x12x128xf32, #tpu.memory_space<hbm>>
        tpu.wait_dma2 semaphore(%run_scoped3A : memref<!tpu.dma_semaphore, #tpu.memory_space<semaphore_mem>>) src(%arg15 : memref<40x12x128xf32, #tpu.memory_space<vmem>>) dst(%dma_wait3A_55 : memref<40x12x128xf32, #tpu.memory_space<hbm>>)
        tpu.yield
      }) : () -> ()
    }
    %scan3A_7 = arith.constant 4 : i32
    return
  }
}

module attributes {stable_mosaic.version = 14 : i64} {
  func.func @_tc_body(%arg0: i32, %arg1: memref<640x128xf32, #tpu.memory_space<vmem>>, %arg2: memref<640x128xf32, #tpu.memory_space<vmem>>, %arg3: memref<640x12x128xf32, #tpu.memory_space<vmem>>, %arg4: memref<640x128xi32, #tpu.memory_space<vmem>>, %arg5: memref<32x20x20xi32, #tpu.memory_space<vmem>>, %arg6: memref<32x20xi32, #tpu.memory_space<vmem>>, %arg7: memref<4x128xf32, #tpu.memory_space<vmem>>, %arg8: memref<128x128xf32, #tpu.memory_space<vmem>>, %arg9: memref<1x128xf32, #tpu.memory_space<vmem>>, %arg10: memref<128x1xf32, #tpu.memory_space<vmem>>, %arg11: memref<256x128xf32, #tpu.memory_space<vmem>>, %arg12: memref<1024x20x128xf32, #tpu.memory_space<any>>, %arg13: memref<32x20x128xf32, #tpu.memory_space<vmem>>) attributes {dimension_semantics = [#tpu.dimension_semantics<arbitrary>], iteration_bounds = array<i64: 8>, scalar_prefetch = 0 : i64, scratch_operands = 0 : i64, tpu.core_type = #tpu.core_type<tc>, window_params = [{transform_indices = @transform_0, window_bounds = array<i64: 640, 128>}, {transform_indices = @transform_1, window_bounds = array<i64: 640, 128>}, {transform_indices = @transform_2, window_bounds = array<i64: 640, 12, 128>}, {transform_indices = @transform_3, window_bounds = array<i64: 640, 128>}, {transform_indices = @transform_4, window_bounds = array<i64: 32, 20, 20>}, {transform_indices = @transform_5, window_bounds = array<i64: 32, 20>}, {pipeline_mode = #tpu.pipeline_mode<synchronous>, transform_indices = @transform_6, window_bounds = array<i64: 4, 128>}, {pipeline_mode = #tpu.pipeline_mode<synchronous>, transform_indices = @transform_7, window_bounds = array<i64: 128, 128>}, {pipeline_mode = #tpu.pipeline_mode<synchronous>, transform_indices = @transform_8, window_bounds = array<i64: 1, 128>}, {pipeline_mode = #tpu.pipeline_mode<synchronous>, transform_indices = @transform_9, window_bounds = array<i64: 128, 1>}, {pipeline_mode = #tpu.pipeline_mode<synchronous>, transform_indices = @transform_10, window_bounds = array<i64: 256, 128>}, {}, {transform_indices = @transform_12, window_bounds = array<i64: 32, 20, 128>}]} {
    %get3A = arith.constant 0 : index
    %get3A_0 = arith.constant 0 : index
    %get3A_1 = vector.load %arg1[%get3A, %get3A_0] : memref<640x128xf32, #tpu.memory_space<vmem>>, vector<640x128xf32>
    %reshape3A = vector.shape_cast %get3A_1 : vector<640x128xf32> to vector<32x20x128xf32>
    %get3A_2 = arith.constant 0 : index
    %get3A_3 = arith.constant 0 : index
    %get3A_4 = vector.load %arg7[%get3A_2, %get3A_3] : memref<4x128xf32, #tpu.memory_space<vmem>>, vector<4x128xf32>
    %broadcast_in_dim3A = vector.shape_cast %reshape3A : vector<32x20x128xf32> to vector<32x20x1x128xf32>
    %broadcast_in_dim3A_5 = vector.shape_cast %get3A_4 : vector<4x128xf32> to vector<1x1x4x128xf32>
    %mul3A = vector.broadcast %broadcast_in_dim3A : vector<32x20x1x128xf32> to vector<32x20x4x128xf32>
    %mul3A_6 = vector.broadcast %broadcast_in_dim3A_5 : vector<1x1x4x128xf32> to vector<32x20x4x128xf32>
    %mul3A_7 = arith.mulf %mul3A, %mul3A_6 : vector<32x20x4x128xf32>
    %reshape3A_8 = vector.shape_cast %mul3A_7 : vector<32x20x4x128xf32> to vector<32x80x128xf32>
    %dot_general3A = arith.constant dense<0.000000e+00> : vector<32x80x20xf32>
    %dot_general3A_9 = tpu.matmul %reshape3A_8, %reshape3A, %dot_general3A {dimension_numbers = #tpu.dot_dimension_numbers<[2], [2], [1], [1], [0, 0, 0, 1, 1, 1], [0], [0]>, transpose_lhs_hint = false} : vector<32x80x128xf32>, vector<32x20x128xf32>, vector<32x80x20xf32> -> vector<32x80x20xf32>
    %ge3A = arith.constant 0.000000e+00 : f32
    %ge3A_10 = vector.broadcast %ge3A : f32 to vector<32x80x20xf32>
    %ge3A_11 = arith.cmpf oge, %dot_general3A_9, %ge3A_10 : vector<32x80x20xf32>
    %mul3A_12 = arith.constant 2.000000e-01 : f32
    %mul3A_13 = vector.broadcast %mul3A_12 : f32 to vector<32x80x20xf32>
    %mul3A_14 = arith.mulf %mul3A_13, %dot_general3A_9 : vector<32x80x20xf32>
    %select_n3A = arith.select %ge3A_11, %dot_general3A_9, %mul3A_14 : vector<32x80x20xi1>, vector<32x80x20xf32>
    %reshape3A_15 = vector.shape_cast %select_n3A : vector<32x80x20xf32> to vector<32x20x4x20xf32>
    %get3A_16 = arith.constant 0 : index
    %get3A_17 = arith.constant 0 : index
    %get3A_18 = arith.constant 0 : index
    %get3A_19 = vector.load %arg5[%get3A_16, %get3A_17, %get3A_18] : memref<32x20x20xi32, #tpu.memory_space<vmem>>, vector<32x20x20xi32>
    %eq3A = arith.constant 1 : i32
    %eq3A_20 = vector.broadcast %eq3A : i32 to vector<32x20x20xi32>
    %eq3A_21 = arith.cmpi eq, %get3A_19, %eq3A_20 : vector<32x20x20xi32>
    %slice3A = vector.extract_strided_slice %reshape3A_15 {offsets = [0, 0, 0, 0], sizes = [32, 20, 1, 20], strides = [1, 1, 1, 1]} : vector<32x20x4x20xf32> to vector<32x20x1x20xf32>
    %squeeze3A = vector.shape_cast %slice3A : vector<32x20x1x20xf32> to vector<32x20x20xf32>
    %jit3A = arith.constant -9.000000e+15 : f32
    %broadcast_in_dim3A_22 = vector.broadcast %jit3A : f32 to vector<32x20x20xf32>
    %select_n3A_23 = arith.select %eq3A_21, %squeeze3A, %broadcast_in_dim3A_22 : vector<32x20x20xi1>, vector<32x20x20xf32>
    %eq3A_24 = arith.constant 2 : i32
    %eq3A_25 = vector.broadcast %eq3A_24 : i32 to vector<32x20x20xi32>
    %eq3A_26 = arith.cmpi eq, %get3A_19, %eq3A_25 : vector<32x20x20xi32>
    %slice3A_27 = vector.extract_strided_slice %reshape3A_15 {offsets = [0, 0, 1, 0], sizes = [32, 20, 1, 20], strides = [1, 1, 1, 1]} : vector<32x20x4x20xf32> to vector<32x20x1x20xf32>
    %squeeze3A_28 = vector.shape_cast %slice3A_27 : vector<32x20x1x20xf32> to vector<32x20x20xf32>
    %select_n3A_29 = arith.select %eq3A_26, %squeeze3A_28, %select_n3A_23 : vector<32x20x20xi1>, vector<32x20x20xf32>
    %eq3A_30 = arith.constant 3 : i32
    %eq3A_31 = vector.broadcast %eq3A_30 : i32 to vector<32x20x20xi32>
    %eq3A_32 = arith.cmpi eq, %get3A_19, %eq3A_31 : vector<32x20x20xi32>
    %slice3A_33 = vector.extract_strided_slice %reshape3A_15 {offsets = [0, 0, 2, 0], sizes = [32, 20, 1, 20], strides = [1, 1, 1, 1]} : vector<32x20x4x20xf32> to vector<32x20x1x20xf32>
    %squeeze3A_34 = vector.shape_cast %slice3A_33 : vector<32x20x1x20xf32> to vector<32x20x20xf32>
    %select_n3A_35 = arith.select %eq3A_32, %squeeze3A_34, %select_n3A_29 : vector<32x20x20xi1>, vector<32x20x20xf32>
    %eq3A_36 = arith.constant 4 : i32
    %eq3A_37 = vector.broadcast %eq3A_36 : i32 to vector<32x20x20xi32>
    %eq3A_38 = arith.cmpi eq, %get3A_19, %eq3A_37 : vector<32x20x20xi32>
    %slice3A_39 = vector.extract_strided_slice %reshape3A_15 {offsets = [0, 0, 3, 0], sizes = [32, 20, 1, 20], strides = [1, 1, 1, 1]} : vector<32x20x4x20xf32> to vector<32x20x1x20xf32>
    %squeeze3A_40 = vector.shape_cast %slice3A_39 : vector<32x20x1x20xf32> to vector<32x20x20xf32>
    %select_n3A_41 = arith.select %eq3A_38, %squeeze3A_40, %select_n3A_35 : vector<32x20x20xi1>, vector<32x20x20xf32>
    %reduce_max3A = arith.constant dense<0xFF800000> : vector<32x20xf32>
    %reduce_max3A_42 = vector.multi_reduction <maximumf>, %select_n3A_41, %reduce_max3A [2] : vector<32x20x20xf32> to vector<32x20xf32>
    %broadcast_in_dim3A_43 = vector.shape_cast %reduce_max3A_42 : vector<32x20xf32> to vector<32x20x1xf32>
    %sub3A = vector.broadcast %broadcast_in_dim3A_43 : vector<32x20x1xf32> to vector<32x20x20xf32>
    %sub3A_44 = arith.subf %select_n3A_41, %sub3A : vector<32x20x20xf32>
    %exp3A = math.exp %sub3A_44 : vector<32x20x20xf32>
    %reduce_sum3A = arith.constant dense<0.000000e+00> : vector<32x20xf32>
    %reduce_sum3A_45 = vector.multi_reduction <add>, %exp3A, %reduce_sum3A [2] : vector<32x20x20xf32> to vector<32x20xf32>
    %broadcast_in_dim3A_46 = vector.shape_cast %reduce_sum3A_45 : vector<32x20xf32> to vector<32x20x1xf32>
    %div3A = arith.constant 1.000000e+00 : f32
    %div3A_47 = vector.broadcast %div3A : f32 to vector<32x20x1xf32>
    %div3A_48 = arith.divf %div3A_47, %broadcast_in_dim3A_46 : vector<32x20x1xf32>
    %mul3A_49 = vector.broadcast %div3A_48 : vector<32x20x1xf32> to vector<32x20x20xf32>
    %mul3A_50 = arith.mulf %exp3A, %mul3A_49 : vector<32x20x20xf32>
    %dot_general3A_51 = arith.constant dense<0.000000e+00> : vector<32x20x128xf32>
    %dot_general3A_52 = tpu.matmul %mul3A_50, %reshape3A, %dot_general3A_51 {dimension_numbers = #tpu.dot_dimension_numbers<[2], [1], [1], [2], [0, 0, 0, 1, 1, 2], [0], [0]>, transpose_lhs_hint = false} : vector<32x20x20xf32>, vector<32x20x128xf32>, vector<32x20x128xf32> -> vector<32x20x128xf32>
    %get3A_53 = arith.constant 0 : index
    %get3A_54 = arith.constant 0 : index
    %get3A_55 = vector.load %arg6[%get3A_53, %get3A_54] : memref<32x20xi32, #tpu.memory_space<vmem>>, vector<32x20xi32>
    %convert_element_type3A = arith.sitofp %get3A_55 : vector<32x20xi32> to vector<32x20xf32>
    %get3A_56 = arith.constant 0 : index
    %get3A_57 = arith.constant 0 : index
    %get3A_58 = vector.load %arg2[%get3A_56, %get3A_57] : memref<640x128xf32, #tpu.memory_space<vmem>>, vector<640x128xf32>
    %reshape3A_59 = vector.shape_cast %get3A_58 : vector<640x128xf32> to vector<32x20x128xf32>
    %broadcast_in_dim3A_60 = vector.shape_cast %convert_element_type3A : vector<32x20xf32> to vector<32x20x1xf32>
    %mul3A_61 = vector.broadcast %broadcast_in_dim3A_60 : vector<32x20x1xf32> to vector<32x20x128xf32>
    %mul3A_62 = arith.mulf %reshape3A_59, %mul3A_61 : vector<32x20x128xf32>
    %reduce_sum3A_63 = arith.constant dense<0.000000e+00> : vector<32x128xf32>
    %reduce_sum3A_64 = vector.multi_reduction <add>, %mul3A_62, %reduce_sum3A_63 [1] : vector<32x20x128xf32> to vector<32x128xf32>
    %reduce_sum3A_65 = arith.constant dense<0.000000e+00> : vector<32xf32>
    %reduce_sum3A_66 = vector.multi_reduction <add>, %convert_element_type3A, %reduce_sum3A_65 [1] : vector<32x20xf32> to vector<32xf32>
    %broadcast_in_dim3A_67 = vector.shape_cast %reduce_sum3A_66 : vector<32xf32> to vector<32x1xf32>
    %div3A_68 = vector.broadcast %broadcast_in_dim3A_67 : vector<32x1xf32> to vector<32x128xf32>
    %div3A_69 = arith.divf %reduce_sum3A_64, %div3A_68 : vector<32x128xf32>
    %get3A_70 = arith.constant 0 : index
    %get3A_71 = arith.constant 0 : index
    %get3A_72 = vector.load %arg4[%get3A_70, %get3A_71] : memref<640x128xi32, #tpu.memory_space<vmem>>, vector<640x128xi32>
    %broadcast_in_dim3A_73 = vector.shape_cast %div3A_69 : vector<32x128xf32> to vector<32x1x128xf32>
    %broadcast_in_dim3A_74 = vector.shape_cast %broadcast_in_dim3A_73 : vector<32x1x128xf32> to vector<32x1x128xf32>
    %broadcast_in_dim3A_75 = vector.broadcast %broadcast_in_dim3A_74 : vector<32x1x128xf32> to vector<32x20x128xf32>
    %reshape3A_76 = vector.shape_cast %broadcast_in_dim3A_75 : vector<32x20x128xf32> to vector<640x128xf32>
    %get3A_77 = arith.constant 0 : index
    %get3A_78 = arith.constant 0 : index
    %get3A_79 = vector.load %arg9[%get3A_77, %get3A_78] : memref<1x128xf32, #tpu.memory_space<vmem>>, vector<1x128xf32>
    %get3A_80 = arith.constant 0 : index
    %get3A_81 = arith.constant 0 : index
    %get3A_82 = arith.constant 0 : index
    %get3A_83 = vector.load %arg3[%get3A_80, %get3A_81, %get3A_82] : memref<640x12x128xf32, #tpu.memory_space<vmem>>, vector<640x1x128xf32>
    %get3A_84 = vector.shape_cast %get3A_83 : vector<640x1x128xf32> to vector<640x128xf32>
    %slice3A_85 = vector.extract_strided_slice %get3A_72 {offsets = [0, 12], sizes = [640, 1], strides = [1, 1]} : vector<640x128xi32> to vector<640x1xi32>
    %bitcast_convert_type3A = tpu.bitcast %slice3A_85 : vector<640x1xi32> -> vector<640x1xf32>
    %mul3A_86 = arith.mulf %reshape3A_76, %get3A_84 : vector<640x128xf32>
    %get3A_87 = arith.constant 0 : index
    %get3A_88 = arith.constant 0 : index
    %get3A_89 = vector.load %arg8[%get3A_87, %get3A_88] : memref<128x128xf32, #tpu.memory_space<vmem>>, vector<128x128xf32>
    %dot_general3A_90 = arith.constant dense<0.000000e+00> : vector<640x128xf32>
    %dot_general3A_91 = tpu.matmul %mul3A_86, %get3A_89, %dot_general3A_90 {dimension_numbers = #tpu.dot_dimension_numbers<[1], [0], [0], [1], [0, 0, 1, 1], [], []>, transpose_lhs_hint = false} : vector<640x128xf32>, vector<128x128xf32>, vector<640x128xf32> -> vector<640x128xf32>
    %mul3A_92 = vector.broadcast %bitcast_convert_type3A : vector<640x1xf32> to vector<640x128xf32>
    %mul3A_93 = vector.broadcast %get3A_79 : vector<1x128xf32> to vector<640x128xf32>
    %mul3A_94 = arith.mulf %mul3A_92, %mul3A_93 : vector<640x128xf32>
    %add3A = arith.addf %dot_general3A_91, %mul3A_94 : vector<640x128xf32>
    %ge3A_95 = arith.constant 0.000000e+00 : f32
    %ge3A_96 = vector.broadcast %ge3A_95 : f32 to vector<640x128xf32>
    %ge3A_97 = arith.cmpf oge, %add3A, %ge3A_96 : vector<640x128xf32>
    %mul3A_98 = arith.constant 2.000000e-01 : f32
    %mul3A_99 = vector.broadcast %mul3A_98 : f32 to vector<640x128xf32>
    %mul3A_100 = arith.mulf %mul3A_99, %add3A : vector<640x128xf32>
    %select_n3A_101 = arith.select %ge3A_97, %add3A, %mul3A_100 : vector<640x128xi1>, vector<640x128xf32>
    %get3A_102 = arith.constant 0 : index
    %get3A_103 = arith.constant 0 : index
    %get3A_104 = vector.load %arg10[%get3A_102, %get3A_103] : memref<128x1xf32, #tpu.memory_space<vmem>>, vector<128x1xf32>
    %dot_general3A_105 = arith.constant dense<0.000000e+00> : vector<640x1xf32>
    %dot_general3A_106 = tpu.matmul %select_n3A_101, %get3A_104, %dot_general3A_105 {dimension_numbers = #tpu.dot_dimension_numbers<[1], [0], [0], [1], [0, 0, 1, 1], [], []>, transpose_lhs_hint = false} : vector<640x128xf32>, vector<128x1xf32>, vector<640x1xf32> -> vector<640x1xf32>
    %get3A_107 = arith.constant 0 : index
    %get3A_108 = arith.constant 1 : index
    %get3A_109 = arith.constant 0 : index
    %get3A_110 = vector.load %arg3[%get3A_107, %get3A_108, %get3A_109] : memref<640x12x128xf32, #tpu.memory_space<vmem>>, vector<640x1x128xf32>
    %get3A_111 = vector.shape_cast %get3A_110 : vector<640x1x128xf32> to vector<640x128xf32>
    %slice3A_112 = vector.extract_strided_slice %get3A_72 {offsets = [0, 13], sizes = [640, 1], strides = [1, 1]} : vector<640x128xi32> to vector<640x1xi32>
    %bitcast_convert_type3A_113 = tpu.bitcast %slice3A_112 : vector<640x1xi32> -> vector<640x1xf32>
    %mul3A_114 = arith.mulf %reshape3A_76, %get3A_111 : vector<640x128xf32>
    %get3A_115 = arith.constant 0 : index
    %get3A_116 = arith.constant 0 : index
    %get3A_117 = vector.load %arg8[%get3A_115, %get3A_116] : memref<128x128xf32, #tpu.memory_space<vmem>>, vector<128x128xf32>
    %dot_general3A_118 = arith.constant dense<0.000000e+00> : vector<640x128xf32>
    %dot_general3A_119 = tpu.matmul %mul3A_114, %get3A_117, %dot_general3A_118 {dimension_numbers = #tpu.dot_dimension_numbers<[1], [0], [0], [1], [0, 0, 1, 1], [], []>, transpose_lhs_hint = false} : vector<640x128xf32>, vector<128x128xf32>, vector<640x128xf32> -> vector<640x128xf32>
    %mul3A_120 = vector.broadcast %bitcast_convert_type3A_113 : vector<640x1xf32> to vector<640x128xf32>
    %mul3A_121 = vector.broadcast %get3A_79 : vector<1x128xf32> to vector<640x128xf32>
    %mul3A_122 = arith.mulf %mul3A_120, %mul3A_121 : vector<640x128xf32>
    %add3A_123 = arith.addf %dot_general3A_119, %mul3A_122 : vector<640x128xf32>
    %ge3A_124 = arith.constant 0.000000e+00 : f32
    %ge3A_125 = vector.broadcast %ge3A_124 : f32 to vector<640x128xf32>
    %ge3A_126 = arith.cmpf oge, %add3A_123, %ge3A_125 : vector<640x128xf32>
    %mul3A_127 = arith.constant 2.000000e-01 : f32
    %mul3A_128 = vector.broadcast %mul3A_127 : f32 to vector<640x128xf32>
    %mul3A_129 = arith.mulf %mul3A_128, %add3A_123 : vector<640x128xf32>
    %select_n3A_130 = arith.select %ge3A_126, %add3A_123, %mul3A_129 : vector<640x128xi1>, vector<640x128xf32>
    %get3A_131 = arith.constant 0 : index
    %get3A_132 = arith.constant 0 : index
    %get3A_133 = vector.load %arg10[%get3A_131, %get3A_132] : memref<128x1xf32, #tpu.memory_space<vmem>>, vector<128x1xf32>
    %dot_general3A_134 = arith.constant dense<0.000000e+00> : vector<640x1xf32>
    %dot_general3A_135 = tpu.matmul %select_n3A_130, %get3A_133, %dot_general3A_134 {dimension_numbers = #tpu.dot_dimension_numbers<[1], [0], [0], [1], [0, 0, 1, 1], [], []>, transpose_lhs_hint = false} : vector<640x128xf32>, vector<128x1xf32>, vector<640x1xf32> -> vector<640x1xf32>
    %get3A_136 = arith.constant 0 : index
    %get3A_137 = arith.constant 2 : index
    %get3A_138 = arith.constant 0 : index
    %get3A_139 = vector.load %arg3[%get3A_136, %get3A_137, %get3A_138] : memref<640x12x128xf32, #tpu.memory_space<vmem>>, vector<640x1x128xf32>
    %get3A_140 = vector.shape_cast %get3A_139 : vector<640x1x128xf32> to vector<640x128xf32>
    %slice3A_141 = vector.extract_strided_slice %get3A_72 {offsets = [0, 14], sizes = [640, 1], strides = [1, 1]} : vector<640x128xi32> to vector<640x1xi32>
    %bitcast_convert_type3A_142 = tpu.bitcast %slice3A_141 : vector<640x1xi32> -> vector<640x1xf32>
    %mul3A_143 = arith.mulf %reshape3A_76, %get3A_140 : vector<640x128xf32>
    %get3A_144 = arith.constant 0 : index
    %get3A_145 = arith.constant 0 : index
    %get3A_146 = vector.load %arg8[%get3A_144, %get3A_145] : memref<128x128xf32, #tpu.memory_space<vmem>>, vector<128x128xf32>
    %dot_general3A_147 = arith.constant dense<0.000000e+00> : vector<640x128xf32>
    %dot_general3A_148 = tpu.matmul %mul3A_143, %get3A_146, %dot_general3A_147 {dimension_numbers = #tpu.dot_dimension_numbers<[1], [0], [0], [1], [0, 0, 1, 1], [], []>, transpose_lhs_hint = false} : vector<640x128xf32>, vector<128x128xf32>, vector<640x128xf32> -> vector<640x128xf32>
    %mul3A_149 = vector.broadcast %bitcast_convert_type3A_142 : vector<640x1xf32> to vector<640x128xf32>
    %mul3A_150 = vector.broadcast %get3A_79 : vector<1x128xf32> to vector<640x128xf32>
    %mul3A_151 = arith.mulf %mul3A_149, %mul3A_150 : vector<640x128xf32>
    %add3A_152 = arith.addf %dot_general3A_148, %mul3A_151 : vector<640x128xf32>
    %ge3A_153 = arith.constant 0.000000e+00 : f32
    %ge3A_154 = vector.broadcast %ge3A_153 : f32 to vector<640x128xf32>
    %ge3A_155 = arith.cmpf oge, %add3A_152, %ge3A_154 : vector<640x128xf32>
    %mul3A_156 = arith.constant 2.000000e-01 : f32
    %mul3A_157 = vector.broadcast %mul3A_156 : f32 to vector<640x128xf32>
    %mul3A_158 = arith.mulf %mul3A_157, %add3A_152 : vector<640x128xf32>
    %select_n3A_159 = arith.select %ge3A_155, %add3A_152, %mul3A_158 : vector<640x128xi1>, vector<640x128xf32>
    %get3A_160 = arith.constant 0 : index
    %get3A_161 = arith.constant 0 : index
    %get3A_162 = vector.load %arg10[%get3A_160, %get3A_161] : memref<128x1xf32, #tpu.memory_space<vmem>>, vector<128x1xf32>
    %dot_general3A_163 = arith.constant dense<0.000000e+00> : vector<640x1xf32>
    %dot_general3A_164 = tpu.matmul %select_n3A_159, %get3A_162, %dot_general3A_163 {dimension_numbers = #tpu.dot_dimension_numbers<[1], [0], [0], [1], [0, 0, 1, 1], [], []>, transpose_lhs_hint = false} : vector<640x128xf32>, vector<128x1xf32>, vector<640x1xf32> -> vector<640x1xf32>
    %get3A_165 = arith.constant 0 : index
    %get3A_166 = arith.constant 3 : index
    %get3A_167 = arith.constant 0 : index
    %get3A_168 = vector.load %arg3[%get3A_165, %get3A_166, %get3A_167] : memref<640x12x128xf32, #tpu.memory_space<vmem>>, vector<640x1x128xf32>
    %get3A_169 = vector.shape_cast %get3A_168 : vector<640x1x128xf32> to vector<640x128xf32>
    %slice3A_170 = vector.extract_strided_slice %get3A_72 {offsets = [0, 15], sizes = [640, 1], strides = [1, 1]} : vector<640x128xi32> to vector<640x1xi32>
    %bitcast_convert_type3A_171 = tpu.bitcast %slice3A_170 : vector<640x1xi32> -> vector<640x1xf32>
    %mul3A_172 = arith.mulf %reshape3A_76, %get3A_169 : vector<640x128xf32>
    %get3A_173 = arith.constant 0 : index
    %get3A_174 = arith.constant 0 : index
    %get3A_175 = vector.load %arg8[%get3A_173, %get3A_174] : memref<128x128xf32, #tpu.memory_space<vmem>>, vector<128x128xf32>
    %dot_general3A_176 = arith.constant dense<0.000000e+00> : vector<640x128xf32>
    %dot_general3A_177 = tpu.matmul %mul3A_172, %get3A_175, %dot_general3A_176 {dimension_numbers = #tpu.dot_dimension_numbers<[1], [0], [0], [1], [0, 0, 1, 1], [], []>, transpose_lhs_hint = false} : vector<640x128xf32>, vector<128x128xf32>, vector<640x128xf32> -> vector<640x128xf32>
    %mul3A_178 = vector.broadcast %bitcast_convert_type3A_171 : vector<640x1xf32> to vector<640x128xf32>
    %mul3A_179 = vector.broadcast %get3A_79 : vector<1x128xf32> to vector<640x128xf32>
    %mul3A_180 = arith.mulf %mul3A_178, %mul3A_179 : vector<640x128xf32>
    %add3A_181 = arith.addf %dot_general3A_177, %mul3A_180 : vector<640x128xf32>
    %ge3A_182 = arith.constant 0.000000e+00 : f32
    %ge3A_183 = vector.broadcast %ge3A_182 : f32 to vector<640x128xf32>
    %ge3A_184 = arith.cmpf oge, %add3A_181, %ge3A_183 : vector<640x128xf32>
    %mul3A_185 = arith.constant 2.000000e-01 : f32
    %mul3A_186 = vector.broadcast %mul3A_185 : f32 to vector<640x128xf32>
    %mul3A_187 = arith.mulf %mul3A_186, %add3A_181 : vector<640x128xf32>
    %select_n3A_188 = arith.select %ge3A_184, %add3A_181, %mul3A_187 : vector<640x128xi1>, vector<640x128xf32>
    %get3A_189 = arith.constant 0 : index
    %get3A_190 = arith.constant 0 : index
    %get3A_191 = vector.load %arg10[%get3A_189, %get3A_190] : memref<128x1xf32, #tpu.memory_space<vmem>>, vector<128x1xf32>
    %dot_general3A_192 = arith.constant dense<0.000000e+00> : vector<640x1xf32>
    %dot_general3A_193 = tpu.matmul %select_n3A_188, %get3A_191, %dot_general3A_192 {dimension_numbers = #tpu.dot_dimension_numbers<[1], [0], [0], [1], [0, 0, 1, 1], [], []>, transpose_lhs_hint = false} : vector<640x128xf32>, vector<128x1xf32>, vector<640x1xf32> -> vector<640x1xf32>
    %get3A_194 = arith.constant 0 : index
    %get3A_195 = arith.constant 4 : index
    %get3A_196 = arith.constant 0 : index
    %get3A_197 = vector.load %arg3[%get3A_194, %get3A_195, %get3A_196] : memref<640x12x128xf32, #tpu.memory_space<vmem>>, vector<640x1x128xf32>
    %get3A_198 = vector.shape_cast %get3A_197 : vector<640x1x128xf32> to vector<640x128xf32>
    %slice3A_199 = vector.extract_strided_slice %get3A_72 {offsets = [0, 16], sizes = [640, 1], strides = [1, 1]} : vector<640x128xi32> to vector<640x1xi32>
    %bitcast_convert_type3A_200 = tpu.bitcast %slice3A_199 : vector<640x1xi32> -> vector<640x1xf32>
    %mul3A_201 = arith.mulf %reshape3A_76, %get3A_198 : vector<640x128xf32>
    %get3A_202 = arith.constant 0 : index
    %get3A_203 = arith.constant 0 : index
    %get3A_204 = vector.load %arg8[%get3A_202, %get3A_203] : memref<128x128xf32, #tpu.memory_space<vmem>>, vector<128x128xf32>
    %dot_general3A_205 = arith.constant dense<0.000000e+00> : vector<640x128xf32>
    %dot_general3A_206 = tpu.matmul %mul3A_201, %get3A_204, %dot_general3A_205 {dimension_numbers = #tpu.dot_dimension_numbers<[1], [0], [0], [1], [0, 0, 1, 1], [], []>, transpose_lhs_hint = false} : vector<640x128xf32>, vector<128x128xf32>, vector<640x128xf32> -> vector<640x128xf32>
    %mul3A_207 = vector.broadcast %bitcast_convert_type3A_200 : vector<640x1xf32> to vector<640x128xf32>
    %mul3A_208 = vector.broadcast %get3A_79 : vector<1x128xf32> to vector<640x128xf32>
    %mul3A_209 = arith.mulf %mul3A_207, %mul3A_208 : vector<640x128xf32>
    %add3A_210 = arith.addf %dot_general3A_206, %mul3A_209 : vector<640x128xf32>
    %ge3A_211 = arith.constant 0.000000e+00 : f32
    %ge3A_212 = vector.broadcast %ge3A_211 : f32 to vector<640x128xf32>
    %ge3A_213 = arith.cmpf oge, %add3A_210, %ge3A_212 : vector<640x128xf32>
    %mul3A_214 = arith.constant 2.000000e-01 : f32
    %mul3A_215 = vector.broadcast %mul3A_214 : f32 to vector<640x128xf32>
    %mul3A_216 = arith.mulf %mul3A_215, %add3A_210 : vector<640x128xf32>
    %select_n3A_217 = arith.select %ge3A_213, %add3A_210, %mul3A_216 : vector<640x128xi1>, vector<640x128xf32>
    %get3A_218 = arith.constant 0 : index
    %get3A_219 = arith.constant 0 : index
    %get3A_220 = vector.load %arg10[%get3A_218, %get3A_219] : memref<128x1xf32, #tpu.memory_space<vmem>>, vector<128x1xf32>
    %dot_general3A_221 = arith.constant dense<0.000000e+00> : vector<640x1xf32>
    %dot_general3A_222 = tpu.matmul %select_n3A_217, %get3A_220, %dot_general3A_221 {dimension_numbers = #tpu.dot_dimension_numbers<[1], [0], [0], [1], [0, 0, 1, 1], [], []>, transpose_lhs_hint = false} : vector<640x128xf32>, vector<128x1xf32>, vector<640x1xf32> -> vector<640x1xf32>
    %get3A_223 = arith.constant 0 : index
    %get3A_224 = arith.constant 5 : index
    %get3A_225 = arith.constant 0 : index
    %get3A_226 = vector.load %arg3[%get3A_223, %get3A_224, %get3A_225] : memref<640x12x128xf32, #tpu.memory_space<vmem>>, vector<640x1x128xf32>
    %get3A_227 = vector.shape_cast %get3A_226 : vector<640x1x128xf32> to vector<640x128xf32>
    %slice3A_228 = vector.extract_strided_slice %get3A_72 {offsets = [0, 17], sizes = [640, 1], strides = [1, 1]} : vector<640x128xi32> to vector<640x1xi32>
    %bitcast_convert_type3A_229 = tpu.bitcast %slice3A_228 : vector<640x1xi32> -> vector<640x1xf32>
    %mul3A_230 = arith.mulf %reshape3A_76, %get3A_227 : vector<640x128xf32>
    %get3A_231 = arith.constant 0 : index
    %get3A_232 = arith.constant 0 : index
    %get3A_233 = vector.load %arg8[%get3A_231, %get3A_232] : memref<128x128xf32, #tpu.memory_space<vmem>>, vector<128x128xf32>
    %dot_general3A_234 = arith.constant dense<0.000000e+00> : vector<640x128xf32>
    %dot_general3A_235 = tpu.matmul %mul3A_230, %get3A_233, %dot_general3A_234 {dimension_numbers = #tpu.dot_dimension_numbers<[1], [0], [0], [1], [0, 0, 1, 1], [], []>, transpose_lhs_hint = false} : vector<640x128xf32>, vector<128x128xf32>, vector<640x128xf32> -> vector<640x128xf32>
    %mul3A_236 = vector.broadcast %bitcast_convert_type3A_229 : vector<640x1xf32> to vector<640x128xf32>
    %mul3A_237 = vector.broadcast %get3A_79 : vector<1x128xf32> to vector<640x128xf32>
    %mul3A_238 = arith.mulf %mul3A_236, %mul3A_237 : vector<640x128xf32>
    %add3A_239 = arith.addf %dot_general3A_235, %mul3A_238 : vector<640x128xf32>
    %ge3A_240 = arith.constant 0.000000e+00 : f32
    %ge3A_241 = vector.broadcast %ge3A_240 : f32 to vector<640x128xf32>
    %ge3A_242 = arith.cmpf oge, %add3A_239, %ge3A_241 : vector<640x128xf32>
    %mul3A_243 = arith.constant 2.000000e-01 : f32
    %mul3A_244 = vector.broadcast %mul3A_243 : f32 to vector<640x128xf32>
    %mul3A_245 = arith.mulf %mul3A_244, %add3A_239 : vector<640x128xf32>
    %select_n3A_246 = arith.select %ge3A_242, %add3A_239, %mul3A_245 : vector<640x128xi1>, vector<640x128xf32>
    %get3A_247 = arith.constant 0 : index
    %get3A_248 = arith.constant 0 : index
    %get3A_249 = vector.load %arg10[%get3A_247, %get3A_248] : memref<128x1xf32, #tpu.memory_space<vmem>>, vector<128x1xf32>
    %dot_general3A_250 = arith.constant dense<0.000000e+00> : vector<640x1xf32>
    %dot_general3A_251 = tpu.matmul %select_n3A_246, %get3A_249, %dot_general3A_250 {dimension_numbers = #tpu.dot_dimension_numbers<[1], [0], [0], [1], [0, 0, 1, 1], [], []>, transpose_lhs_hint = false} : vector<640x128xf32>, vector<128x1xf32>, vector<640x1xf32> -> vector<640x1xf32>
    %get3A_252 = arith.constant 0 : index
    %get3A_253 = arith.constant 6 : index
    %get3A_254 = arith.constant 0 : index
    %get3A_255 = vector.load %arg3[%get3A_252, %get3A_253, %get3A_254] : memref<640x12x128xf32, #tpu.memory_space<vmem>>, vector<640x1x128xf32>
    %get3A_256 = vector.shape_cast %get3A_255 : vector<640x1x128xf32> to vector<640x128xf32>
    %slice3A_257 = vector.extract_strided_slice %get3A_72 {offsets = [0, 18], sizes = [640, 1], strides = [1, 1]} : vector<640x128xi32> to vector<640x1xi32>
    %bitcast_convert_type3A_258 = tpu.bitcast %slice3A_257 : vector<640x1xi32> -> vector<640x1xf32>
    %mul3A_259 = arith.mulf %reshape3A_76, %get3A_256 : vector<640x128xf32>
    %get3A_260 = arith.constant 0 : index
    %get3A_261 = arith.constant 0 : index
    %get3A_262 = vector.load %arg8[%get3A_260, %get3A_261] : memref<128x128xf32, #tpu.memory_space<vmem>>, vector<128x128xf32>
    %dot_general3A_263 = arith.constant dense<0.000000e+00> : vector<640x128xf32>
    %dot_general3A_264 = tpu.matmul %mul3A_259, %get3A_262, %dot_general3A_263 {dimension_numbers = #tpu.dot_dimension_numbers<[1], [0], [0], [1], [0, 0, 1, 1], [], []>, transpose_lhs_hint = false} : vector<640x128xf32>, vector<128x128xf32>, vector<640x128xf32> -> vector<640x128xf32>
    %mul3A_265 = vector.broadcast %bitcast_convert_type3A_258 : vector<640x1xf32> to vector<640x128xf32>
    %mul3A_266 = vector.broadcast %get3A_79 : vector<1x128xf32> to vector<640x128xf32>
    %mul3A_267 = arith.mulf %mul3A_265, %mul3A_266 : vector<640x128xf32>
    %add3A_268 = arith.addf %dot_general3A_264, %mul3A_267 : vector<640x128xf32>
    %ge3A_269 = arith.constant 0.000000e+00 : f32
    %ge3A_270 = vector.broadcast %ge3A_269 : f32 to vector<640x128xf32>
    %ge3A_271 = arith.cmpf oge, %add3A_268, %ge3A_270 : vector<640x128xf32>
    %mul3A_272 = arith.constant 2.000000e-01 : f32
    %mul3A_273 = vector.broadcast %mul3A_272 : f32 to vector<640x128xf32>
    %mul3A_274 = arith.mulf %mul3A_273, %add3A_268 : vector<640x128xf32>
    %select_n3A_275 = arith.select %ge3A_271, %add3A_268, %mul3A_274 : vector<640x128xi1>, vector<640x128xf32>
    %get3A_276 = arith.constant 0 : index
    %get3A_277 = arith.constant 0 : index
    %get3A_278 = vector.load %arg10[%get3A_276, %get3A_277] : memref<128x1xf32, #tpu.memory_space<vmem>>, vector<128x1xf32>
    %dot_general3A_279 = arith.constant dense<0.000000e+00> : vector<640x1xf32>
    %dot_general3A_280 = tpu.matmul %select_n3A_275, %get3A_278, %dot_general3A_279 {dimension_numbers = #tpu.dot_dimension_numbers<[1], [0], [0], [1], [0, 0, 1, 1], [], []>, transpose_lhs_hint = false} : vector<640x128xf32>, vector<128x1xf32>, vector<640x1xf32> -> vector<640x1xf32>
    %get3A_281 = arith.constant 0 : index
    %get3A_282 = arith.constant 7 : index
    %get3A_283 = arith.constant 0 : index
    %get3A_284 = vector.load %arg3[%get3A_281, %get3A_282, %get3A_283] : memref<640x12x128xf32, #tpu.memory_space<vmem>>, vector<640x1x128xf32>
    %get3A_285 = vector.shape_cast %get3A_284 : vector<640x1x128xf32> to vector<640x128xf32>
    %slice3A_286 = vector.extract_strided_slice %get3A_72 {offsets = [0, 19], sizes = [640, 1], strides = [1, 1]} : vector<640x128xi32> to vector<640x1xi32>
    %bitcast_convert_type3A_287 = tpu.bitcast %slice3A_286 : vector<640x1xi32> -> vector<640x1xf32>
    %mul3A_288 = arith.mulf %reshape3A_76, %get3A_285 : vector<640x128xf32>
    %get3A_289 = arith.constant 0 : index
    %get3A_290 = arith.constant 0 : index
    %get3A_291 = vector.load %arg8[%get3A_289, %get3A_290] : memref<128x128xf32, #tpu.memory_space<vmem>>, vector<128x128xf32>
    %dot_general3A_292 = arith.constant dense<0.000000e+00> : vector<640x128xf32>
    %dot_general3A_293 = tpu.matmul %mul3A_288, %get3A_291, %dot_general3A_292 {dimension_numbers = #tpu.dot_dimension_numbers<[1], [0], [0], [1], [0, 0, 1, 1], [], []>, transpose_lhs_hint = false} : vector<640x128xf32>, vector<128x128xf32>, vector<640x128xf32> -> vector<640x128xf32>
    %mul3A_294 = vector.broadcast %bitcast_convert_type3A_287 : vector<640x1xf32> to vector<640x128xf32>
    %mul3A_295 = vector.broadcast %get3A_79 : vector<1x128xf32> to vector<640x128xf32>
    %mul3A_296 = arith.mulf %mul3A_294, %mul3A_295 : vector<640x128xf32>
    %add3A_297 = arith.addf %dot_general3A_293, %mul3A_296 : vector<640x128xf32>
    %ge3A_298 = arith.constant 0.000000e+00 : f32
    %ge3A_299 = vector.broadcast %ge3A_298 : f32 to vector<640x128xf32>
    %ge3A_300 = arith.cmpf oge, %add3A_297, %ge3A_299 : vector<640x128xf32>
    %mul3A_301 = arith.constant 2.000000e-01 : f32
    %mul3A_302 = vector.broadcast %mul3A_301 : f32 to vector<640x128xf32>
    %mul3A_303 = arith.mulf %mul3A_302, %add3A_297 : vector<640x128xf32>
    %select_n3A_304 = arith.select %ge3A_300, %add3A_297, %mul3A_303 : vector<640x128xi1>, vector<640x128xf32>
    %get3A_305 = arith.constant 0 : index
    %get3A_306 = arith.constant 0 : index
    %get3A_307 = vector.load %arg10[%get3A_305, %get3A_306] : memref<128x1xf32, #tpu.memory_space<vmem>>, vector<128x1xf32>
    %dot_general3A_308 = arith.constant dense<0.000000e+00> : vector<640x1xf32>
    %dot_general3A_309 = tpu.matmul %select_n3A_304, %get3A_307, %dot_general3A_308 {dimension_numbers = #tpu.dot_dimension_numbers<[1], [0], [0], [1], [0, 0, 1, 1], [], []>, transpose_lhs_hint = false} : vector<640x128xf32>, vector<128x1xf32>, vector<640x1xf32> -> vector<640x1xf32>
    %get3A_310 = arith.constant 0 : index
    %get3A_311 = arith.constant 8 : index
    %get3A_312 = arith.constant 0 : index
    %get3A_313 = vector.load %arg3[%get3A_310, %get3A_311, %get3A_312] : memref<640x12x128xf32, #tpu.memory_space<vmem>>, vector<640x1x128xf32>
    %get3A_314 = vector.shape_cast %get3A_313 : vector<640x1x128xf32> to vector<640x128xf32>
    %slice3A_315 = vector.extract_strided_slice %get3A_72 {offsets = [0, 20], sizes = [640, 1], strides = [1, 1]} : vector<640x128xi32> to vector<640x1xi32>
    %bitcast_convert_type3A_316 = tpu.bitcast %slice3A_315 : vector<640x1xi32> -> vector<640x1xf32>
    %mul3A_317 = arith.mulf %reshape3A_76, %get3A_314 : vector<640x128xf32>
    %get3A_318 = arith.constant 0 : index
    %get3A_319 = arith.constant 0 : index
    %get3A_320 = vector.load %arg8[%get3A_318, %get3A_319] : memref<128x128xf32, #tpu.memory_space<vmem>>, vector<128x128xf32>
    %dot_general3A_321 = arith.constant dense<0.000000e+00> : vector<640x128xf32>
    %dot_general3A_322 = tpu.matmul %mul3A_317, %get3A_320, %dot_general3A_321 {dimension_numbers = #tpu.dot_dimension_numbers<[1], [0], [0], [1], [0, 0, 1, 1], [], []>, transpose_lhs_hint = false} : vector<640x128xf32>, vector<128x128xf32>, vector<640x128xf32> -> vector<640x128xf32>
    %mul3A_323 = vector.broadcast %bitcast_convert_type3A_316 : vector<640x1xf32> to vector<640x128xf32>
    %mul3A_324 = vector.broadcast %get3A_79 : vector<1x128xf32> to vector<640x128xf32>
    %mul3A_325 = arith.mulf %mul3A_323, %mul3A_324 : vector<640x128xf32>
    %add3A_326 = arith.addf %dot_general3A_322, %mul3A_325 : vector<640x128xf32>
    %ge3A_327 = arith.constant 0.000000e+00 : f32
    %ge3A_328 = vector.broadcast %ge3A_327 : f32 to vector<640x128xf32>
    %ge3A_329 = arith.cmpf oge, %add3A_326, %ge3A_328 : vector<640x128xf32>
    %mul3A_330 = arith.constant 2.000000e-01 : f32
    %mul3A_331 = vector.broadcast %mul3A_330 : f32 to vector<640x128xf32>
    %mul3A_332 = arith.mulf %mul3A_331, %add3A_326 : vector<640x128xf32>
    %select_n3A_333 = arith.select %ge3A_329, %add3A_326, %mul3A_332 : vector<640x128xi1>, vector<640x128xf32>
    %get3A_334 = arith.constant 0 : index
    %get3A_335 = arith.constant 0 : index
    %get3A_336 = vector.load %arg10[%get3A_334, %get3A_335] : memref<128x1xf32, #tpu.memory_space<vmem>>, vector<128x1xf32>
    %dot_general3A_337 = arith.constant dense<0.000000e+00> : vector<640x1xf32>
    %dot_general3A_338 = tpu.matmul %select_n3A_333, %get3A_336, %dot_general3A_337 {dimension_numbers = #tpu.dot_dimension_numbers<[1], [0], [0], [1], [0, 0, 1, 1], [], []>, transpose_lhs_hint = false} : vector<640x128xf32>, vector<128x1xf32>, vector<640x1xf32> -> vector<640x1xf32>
    %get3A_339 = arith.constant 0 : index
    %get3A_340 = arith.constant 9 : index
    %get3A_341 = arith.constant 0 : index
    %get3A_342 = vector.load %arg3[%get3A_339, %get3A_340, %get3A_341] : memref<640x12x128xf32, #tpu.memory_space<vmem>>, vector<640x1x128xf32>
    %get3A_343 = vector.shape_cast %get3A_342 : vector<640x1x128xf32> to vector<640x128xf32>
    %slice3A_344 = vector.extract_strided_slice %get3A_72 {offsets = [0, 21], sizes = [640, 1], strides = [1, 1]} : vector<640x128xi32> to vector<640x1xi32>
    %bitcast_convert_type3A_345 = tpu.bitcast %slice3A_344 : vector<640x1xi32> -> vector<640x1xf32>
    %mul3A_346 = arith.mulf %reshape3A_76, %get3A_343 : vector<640x128xf32>
    %get3A_347 = arith.constant 0 : index
    %get3A_348 = arith.constant 0 : index
    %get3A_349 = vector.load %arg8[%get3A_347, %get3A_348] : memref<128x128xf32, #tpu.memory_space<vmem>>, vector<128x128xf32>
    %dot_general3A_350 = arith.constant dense<0.000000e+00> : vector<640x128xf32>
    %dot_general3A_351 = tpu.matmul %mul3A_346, %get3A_349, %dot_general3A_350 {dimension_numbers = #tpu.dot_dimension_numbers<[1], [0], [0], [1], [0, 0, 1, 1], [], []>, transpose_lhs_hint = false} : vector<640x128xf32>, vector<128x128xf32>, vector<640x128xf32> -> vector<640x128xf32>
    %mul3A_352 = vector.broadcast %bitcast_convert_type3A_345 : vector<640x1xf32> to vector<640x128xf32>
    %mul3A_353 = vector.broadcast %get3A_79 : vector<1x128xf32> to vector<640x128xf32>
    %mul3A_354 = arith.mulf %mul3A_352, %mul3A_353 : vector<640x128xf32>
    %add3A_355 = arith.addf %dot_general3A_351, %mul3A_354 : vector<640x128xf32>
    %ge3A_356 = arith.constant 0.000000e+00 : f32
    %ge3A_357 = vector.broadcast %ge3A_356 : f32 to vector<640x128xf32>
    %ge3A_358 = arith.cmpf oge, %add3A_355, %ge3A_357 : vector<640x128xf32>
    %mul3A_359 = arith.constant 2.000000e-01 : f32
    %mul3A_360 = vector.broadcast %mul3A_359 : f32 to vector<640x128xf32>
    %mul3A_361 = arith.mulf %mul3A_360, %add3A_355 : vector<640x128xf32>
    %select_n3A_362 = arith.select %ge3A_358, %add3A_355, %mul3A_361 : vector<640x128xi1>, vector<640x128xf32>
    %get3A_363 = arith.constant 0 : index
    %get3A_364 = arith.constant 0 : index
    %get3A_365 = vector.load %arg10[%get3A_363, %get3A_364] : memref<128x1xf32, #tpu.memory_space<vmem>>, vector<128x1xf32>
    %dot_general3A_366 = arith.constant dense<0.000000e+00> : vector<640x1xf32>
    %dot_general3A_367 = tpu.matmul %select_n3A_362, %get3A_365, %dot_general3A_366 {dimension_numbers = #tpu.dot_dimension_numbers<[1], [0], [0], [1], [0, 0, 1, 1], [], []>, transpose_lhs_hint = false} : vector<640x128xf32>, vector<128x1xf32>, vector<640x1xf32> -> vector<640x1xf32>
    %get3A_368 = arith.constant 0 : index
    %get3A_369 = arith.constant 10 : index
    %get3A_370 = arith.constant 0 : index
    %get3A_371 = vector.load %arg3[%get3A_368, %get3A_369, %get3A_370] : memref<640x12x128xf32, #tpu.memory_space<vmem>>, vector<640x1x128xf32>
    %get3A_372 = vector.shape_cast %get3A_371 : vector<640x1x128xf32> to vector<640x128xf32>
    %slice3A_373 = vector.extract_strided_slice %get3A_72 {offsets = [0, 22], sizes = [640, 1], strides = [1, 1]} : vector<640x128xi32> to vector<640x1xi32>
    %bitcast_convert_type3A_374 = tpu.bitcast %slice3A_373 : vector<640x1xi32> -> vector<640x1xf32>
    %mul3A_375 = arith.mulf %reshape3A_76, %get3A_372 : vector<640x128xf32>
    %get3A_376 = arith.constant 0 : index
    %get3A_377 = arith.constant 0 : index
    %get3A_378 = vector.load %arg8[%get3A_376, %get3A_377] : memref<128x128xf32, #tpu.memory_space<vmem>>, vector<128x128xf32>
    %dot_general3A_379 = arith.constant dense<0.000000e+00> : vector<640x128xf32>
    %dot_general3A_380 = tpu.matmul %mul3A_375, %get3A_378, %dot_general3A_379 {dimension_numbers = #tpu.dot_dimension_numbers<[1], [0], [0], [1], [0, 0, 1, 1], [], []>, transpose_lhs_hint = false} : vector<640x128xf32>, vector<128x128xf32>, vector<640x128xf32> -> vector<640x128xf32>
    %mul3A_381 = vector.broadcast %bitcast_convert_type3A_374 : vector<640x1xf32> to vector<640x128xf32>
    %mul3A_382 = vector.broadcast %get3A_79 : vector<1x128xf32> to vector<640x128xf32>
    %mul3A_383 = arith.mulf %mul3A_381, %mul3A_382 : vector<640x128xf32>
    %add3A_384 = arith.addf %dot_general3A_380, %mul3A_383 : vector<640x128xf32>
    %ge3A_385 = arith.constant 0.000000e+00 : f32
    %ge3A_386 = vector.broadcast %ge3A_385 : f32 to vector<640x128xf32>
    %ge3A_387 = arith.cmpf oge, %add3A_384, %ge3A_386 : vector<640x128xf32>
    %mul3A_388 = arith.constant 2.000000e-01 : f32
    %mul3A_389 = vector.broadcast %mul3A_388 : f32 to vector<640x128xf32>
    %mul3A_390 = arith.mulf %mul3A_389, %add3A_384 : vector<640x128xf32>
    %select_n3A_391 = arith.select %ge3A_387, %add3A_384, %mul3A_390 : vector<640x128xi1>, vector<640x128xf32>
    %get3A_392 = arith.constant 0 : index
    %get3A_393 = arith.constant 0 : index
    %get3A_394 = vector.load %arg10[%get3A_392, %get3A_393] : memref<128x1xf32, #tpu.memory_space<vmem>>, vector<128x1xf32>
    %dot_general3A_395 = arith.constant dense<0.000000e+00> : vector<640x1xf32>
    %dot_general3A_396 = tpu.matmul %select_n3A_391, %get3A_394, %dot_general3A_395 {dimension_numbers = #tpu.dot_dimension_numbers<[1], [0], [0], [1], [0, 0, 1, 1], [], []>, transpose_lhs_hint = false} : vector<640x128xf32>, vector<128x1xf32>, vector<640x1xf32> -> vector<640x1xf32>
    %get3A_397 = arith.constant 0 : index
    %get3A_398 = arith.constant 11 : index
    %get3A_399 = arith.constant 0 : index
    %get3A_400 = vector.load %arg3[%get3A_397, %get3A_398, %get3A_399] : memref<640x12x128xf32, #tpu.memory_space<vmem>>, vector<640x1x128xf32>
    %get3A_401 = vector.shape_cast %get3A_400 : vector<640x1x128xf32> to vector<640x128xf32>
    %slice3A_402 = vector.extract_strided_slice %get3A_72 {offsets = [0, 23], sizes = [640, 1], strides = [1, 1]} : vector<640x128xi32> to vector<640x1xi32>
    %bitcast_convert_type3A_403 = tpu.bitcast %slice3A_402 : vector<640x1xi32> -> vector<640x1xf32>
    %mul3A_404 = arith.mulf %reshape3A_76, %get3A_401 : vector<640x128xf32>
    %get3A_405 = arith.constant 0 : index
    %get3A_406 = arith.constant 0 : index
    %get3A_407 = vector.load %arg8[%get3A_405, %get3A_406] : memref<128x128xf32, #tpu.memory_space<vmem>>, vector<128x128xf32>
    %dot_general3A_408 = arith.constant dense<0.000000e+00> : vector<640x128xf32>
    %dot_general3A_409 = tpu.matmul %mul3A_404, %get3A_407, %dot_general3A_408 {dimension_numbers = #tpu.dot_dimension_numbers<[1], [0], [0], [1], [0, 0, 1, 1], [], []>, transpose_lhs_hint = false} : vector<640x128xf32>, vector<128x128xf32>, vector<640x128xf32> -> vector<640x128xf32>
    %mul3A_410 = vector.broadcast %bitcast_convert_type3A_403 : vector<640x1xf32> to vector<640x128xf32>
    %mul3A_411 = vector.broadcast %get3A_79 : vector<1x128xf32> to vector<640x128xf32>
    %mul3A_412 = arith.mulf %mul3A_410, %mul3A_411 : vector<640x128xf32>
    %add3A_413 = arith.addf %dot_general3A_409, %mul3A_412 : vector<640x128xf32>
    %ge3A_414 = arith.constant 0.000000e+00 : f32
    %ge3A_415 = vector.broadcast %ge3A_414 : f32 to vector<640x128xf32>
    %ge3A_416 = arith.cmpf oge, %add3A_413, %ge3A_415 : vector<640x128xf32>
    %mul3A_417 = arith.constant 2.000000e-01 : f32
    %mul3A_418 = vector.broadcast %mul3A_417 : f32 to vector<640x128xf32>
    %mul3A_419 = arith.mulf %mul3A_418, %add3A_413 : vector<640x128xf32>
    %select_n3A_420 = arith.select %ge3A_416, %add3A_413, %mul3A_419 : vector<640x128xi1>, vector<640x128xf32>
    %get3A_421 = arith.constant 0 : index
    %get3A_422 = arith.constant 0 : index
    %get3A_423 = vector.load %arg10[%get3A_421, %get3A_422] : memref<128x1xf32, #tpu.memory_space<vmem>>, vector<128x1xf32>
    %dot_general3A_424 = arith.constant dense<0.000000e+00> : vector<640x1xf32>
    %dot_general3A_425 = tpu.matmul %select_n3A_420, %get3A_423, %dot_general3A_424 {dimension_numbers = #tpu.dot_dimension_numbers<[1], [0], [0], [1], [0, 0, 1, 1], [], []>, transpose_lhs_hint = false} : vector<640x128xf32>, vector<128x1xf32>, vector<640x1xf32> -> vector<640x1xf32>
    %max3A = arith.maximumf %dot_general3A_106, %dot_general3A_135 : vector<640x1xf32>
    %max3A_426 = arith.maximumf %max3A, %dot_general3A_164 : vector<640x1xf32>
    %max3A_427 = arith.maximumf %max3A_426, %dot_general3A_193 : vector<640x1xf32>
    %max3A_428 = arith.maximumf %max3A_427, %dot_general3A_222 : vector<640x1xf32>
    %max3A_429 = arith.maximumf %max3A_428, %dot_general3A_251 : vector<640x1xf32>
    %max3A_430 = arith.maximumf %max3A_429, %dot_general3A_280 : vector<640x1xf32>
    %max3A_431 = arith.maximumf %max3A_430, %dot_general3A_309 : vector<640x1xf32>
    %max3A_432 = arith.maximumf %max3A_431, %dot_general3A_338 : vector<640x1xf32>
    %max3A_433 = arith.maximumf %max3A_432, %dot_general3A_367 : vector<640x1xf32>
    %max3A_434 = arith.maximumf %max3A_433, %dot_general3A_396 : vector<640x1xf32>
    %max3A_435 = arith.maximumf %max3A_434, %dot_general3A_425 : vector<640x1xf32>
    %sub3A_436 = arith.subf %dot_general3A_106, %max3A_435 : vector<640x1xf32>
    %exp3A_437 = math.exp %sub3A_436 : vector<640x1xf32>
    %sub3A_438 = arith.subf %dot_general3A_135, %max3A_435 : vector<640x1xf32>
    %exp3A_439 = math.exp %sub3A_438 : vector<640x1xf32>
    %sub3A_440 = arith.subf %dot_general3A_164, %max3A_435 : vector<640x1xf32>
    %exp3A_441 = math.exp %sub3A_440 : vector<640x1xf32>
    %sub3A_442 = arith.subf %dot_general3A_193, %max3A_435 : vector<640x1xf32>
    %exp3A_443 = math.exp %sub3A_442 : vector<640x1xf32>
    %sub3A_444 = arith.subf %dot_general3A_222, %max3A_435 : vector<640x1xf32>
    %exp3A_445 = math.exp %sub3A_444 : vector<640x1xf32>
    %sub3A_446 = arith.subf %dot_general3A_251, %max3A_435 : vector<640x1xf32>
    %exp3A_447 = math.exp %sub3A_446 : vector<640x1xf32>
    %sub3A_448 = arith.subf %dot_general3A_280, %max3A_435 : vector<640x1xf32>
    %exp3A_449 = math.exp %sub3A_448 : vector<640x1xf32>
    %sub3A_450 = arith.subf %dot_general3A_309, %max3A_435 : vector<640x1xf32>
    %exp3A_451 = math.exp %sub3A_450 : vector<640x1xf32>
    %sub3A_452 = arith.subf %dot_general3A_338, %max3A_435 : vector<640x1xf32>
    %exp3A_453 = math.exp %sub3A_452 : vector<640x1xf32>
    %sub3A_454 = arith.subf %dot_general3A_367, %max3A_435 : vector<640x1xf32>
    %exp3A_455 = math.exp %sub3A_454 : vector<640x1xf32>
    %sub3A_456 = arith.subf %dot_general3A_396, %max3A_435 : vector<640x1xf32>
    %exp3A_457 = math.exp %sub3A_456 : vector<640x1xf32>
    %sub3A_458 = arith.subf %dot_general3A_425, %max3A_435 : vector<640x1xf32>
    %exp3A_459 = math.exp %sub3A_458 : vector<640x1xf32>
    %add3A_460 = arith.addf %exp3A_437, %exp3A_439 : vector<640x1xf32>
    %add3A_461 = arith.addf %add3A_460, %exp3A_441 : vector<640x1xf32>
    %add3A_462 = arith.addf %add3A_461, %exp3A_443 : vector<640x1xf32>
    %add3A_463 = arith.addf %add3A_462, %exp3A_445 : vector<640x1xf32>
    %add3A_464 = arith.addf %add3A_463, %exp3A_447 : vector<640x1xf32>
    %add3A_465 = arith.addf %add3A_464, %exp3A_449 : vector<640x1xf32>
    %add3A_466 = arith.addf %add3A_465, %exp3A_451 : vector<640x1xf32>
    %add3A_467 = arith.addf %add3A_466, %exp3A_453 : vector<640x1xf32>
    %add3A_468 = arith.addf %add3A_467, %exp3A_455 : vector<640x1xf32>
    %add3A_469 = arith.addf %add3A_468, %exp3A_457 : vector<640x1xf32>
    %add3A_470 = arith.addf %add3A_469, %exp3A_459 : vector<640x1xf32>
    %div3A_471 = arith.constant 1.000000e+00 : f32
    %div3A_472 = vector.broadcast %div3A_471 : f32 to vector<640x1xf32>
    %div3A_473 = arith.divf %div3A_472, %add3A_470 : vector<640x1xf32>
    %mul3A_474 = arith.mulf %exp3A_437, %div3A_473 : vector<640x1xf32>
    %mul3A_475 = vector.broadcast %mul3A_474 : vector<640x1xf32> to vector<640x128xf32>
    %mul3A_476 = arith.mulf %mul3A_475, %get3A_84 : vector<640x128xf32>
    %mul3A_477 = arith.mulf %exp3A_439, %div3A_473 : vector<640x1xf32>
    %mul3A_478 = vector.broadcast %mul3A_477 : vector<640x1xf32> to vector<640x128xf32>
    %mul3A_479 = arith.mulf %mul3A_478, %get3A_111 : vector<640x128xf32>
    %add3A_480 = arith.addf %mul3A_476, %mul3A_479 : vector<640x128xf32>
    %mul3A_481 = arith.mulf %exp3A_441, %div3A_473 : vector<640x1xf32>
    %mul3A_482 = vector.broadcast %mul3A_481 : vector<640x1xf32> to vector<640x128xf32>
    %mul3A_483 = arith.mulf %mul3A_482, %get3A_140 : vector<640x128xf32>
    %add3A_484 = arith.addf %add3A_480, %mul3A_483 : vector<640x128xf32>
    %mul3A_485 = arith.mulf %exp3A_443, %div3A_473 : vector<640x1xf32>
    %mul3A_486 = vector.broadcast %mul3A_485 : vector<640x1xf32> to vector<640x128xf32>
    %mul3A_487 = arith.mulf %mul3A_486, %get3A_169 : vector<640x128xf32>
    %add3A_488 = arith.addf %add3A_484, %mul3A_487 : vector<640x128xf32>
    %mul3A_489 = arith.mulf %exp3A_445, %div3A_473 : vector<640x1xf32>
    %mul3A_490 = vector.broadcast %mul3A_489 : vector<640x1xf32> to vector<640x128xf32>
    %mul3A_491 = arith.mulf %mul3A_490, %get3A_198 : vector<640x128xf32>
    %add3A_492 = arith.addf %add3A_488, %mul3A_491 : vector<640x128xf32>
    %mul3A_493 = arith.mulf %exp3A_447, %div3A_473 : vector<640x1xf32>
    %mul3A_494 = vector.broadcast %mul3A_493 : vector<640x1xf32> to vector<640x128xf32>
    %mul3A_495 = arith.mulf %mul3A_494, %get3A_227 : vector<640x128xf32>
    %add3A_496 = arith.addf %add3A_492, %mul3A_495 : vector<640x128xf32>
    %mul3A_497 = arith.mulf %exp3A_449, %div3A_473 : vector<640x1xf32>
    %mul3A_498 = vector.broadcast %mul3A_497 : vector<640x1xf32> to vector<640x128xf32>
    %mul3A_499 = arith.mulf %mul3A_498, %get3A_256 : vector<640x128xf32>
    %add3A_500 = arith.addf %add3A_496, %mul3A_499 : vector<640x128xf32>
    %mul3A_501 = arith.mulf %exp3A_451, %div3A_473 : vector<640x1xf32>
    %mul3A_502 = vector.broadcast %mul3A_501 : vector<640x1xf32> to vector<640x128xf32>
    %mul3A_503 = arith.mulf %mul3A_502, %get3A_285 : vector<640x128xf32>
    %add3A_504 = arith.addf %add3A_500, %mul3A_503 : vector<640x128xf32>
    %mul3A_505 = arith.mulf %exp3A_453, %div3A_473 : vector<640x1xf32>
    %mul3A_506 = vector.broadcast %mul3A_505 : vector<640x1xf32> to vector<640x128xf32>
    %mul3A_507 = arith.mulf %mul3A_506, %get3A_314 : vector<640x128xf32>
    %add3A_508 = arith.addf %add3A_504, %mul3A_507 : vector<640x128xf32>
    %mul3A_509 = arith.mulf %exp3A_455, %div3A_473 : vector<640x1xf32>
    %mul3A_510 = vector.broadcast %mul3A_509 : vector<640x1xf32> to vector<640x128xf32>
    %mul3A_511 = arith.mulf %mul3A_510, %get3A_343 : vector<640x128xf32>
    %add3A_512 = arith.addf %add3A_508, %mul3A_511 : vector<640x128xf32>
    %mul3A_513 = arith.mulf %exp3A_457, %div3A_473 : vector<640x1xf32>
    %mul3A_514 = vector.broadcast %mul3A_513 : vector<640x1xf32> to vector<640x128xf32>
    %mul3A_515 = arith.mulf %mul3A_514, %get3A_372 : vector<640x128xf32>
    %add3A_516 = arith.addf %add3A_512, %mul3A_515 : vector<640x128xf32>
    %mul3A_517 = arith.mulf %exp3A_459, %div3A_473 : vector<640x1xf32>
    %mul3A_518 = vector.broadcast %mul3A_517 : vector<640x1xf32> to vector<640x128xf32>
    %mul3A_519 = arith.mulf %mul3A_518, %get3A_401 : vector<640x128xf32>
    %add3A_520 = arith.addf %add3A_516, %mul3A_519 : vector<640x128xf32>
    %concatenate3A = tpu.concatenate %get3A_1, %add3A_520 in 1 : vector<640x128xf32>, vector<640x128xf32> -> vector<640x256xf32>
    %get3A_521 = arith.constant 0 : index
    %get3A_522 = arith.constant 0 : index
    %get3A_523 = vector.load %arg11[%get3A_521, %get3A_522] : memref<256x128xf32, #tpu.memory_space<vmem>>, vector<256x128xf32>
    %dot_general3A_524 = arith.constant dense<0.000000e+00> : vector<640x128xf32>
    %dot_general3A_525 = tpu.matmul %concatenate3A, %get3A_523, %dot_general3A_524 {dimension_numbers = #tpu.dot_dimension_numbers<[1], [0], [0], [1], [0, 0, 1, 1], [], []>, transpose_lhs_hint = false} : vector<640x256xf32>, vector<256x128xf32>, vector<640x128xf32> -> vector<640x128xf32>
    %max3A_526 = arith.constant 0.000000e+00 : f32
    %max3A_527 = vector.broadcast %max3A_526 : f32 to vector<640x128xf32>
    %max3A_528 = arith.maximumf %dot_general3A_525, %max3A_527 : vector<640x128xf32>
    %reshape3A_529 = vector.shape_cast %max3A_528 : vector<640x128xf32> to vector<32x20x128xf32>
    %add3A_530 = arith.addf %dot_general3A_52, %reshape3A_529 : vector<32x20x128xf32>
    %swap3A = arith.constant 0 : index
    %swap3A_531 = arith.constant 0 : index
    %swap3A_532 = arith.constant 0 : index
    %swap3A_533 = vector.load %arg13[%swap3A, %swap3A_531, %swap3A_532] : memref<32x20x128xf32, #tpu.memory_space<vmem>>, vector<32x20x128xf32>
    tpu.vector_store %arg13[%swap3A, %swap3A_531, %swap3A_532], %add3A_530 {strides = array<i32>} : memref<32x20x128xf32, #tpu.memory_space<vmem>>, vector<32x20x128xf32>,
    return
  }
  func.func @transform_0(%arg0: i32) -> (i32, i32) {
    %c0_i32 = arith.constant 0 : i32
    %c0_i32_0 = arith.constant 0 : i32
    return %arg0, %c0_i32 : i32, i32
  }
  func.func @transform_1(%arg0: i32) -> (i32, i32) {
    %c0_i32 = arith.constant 0 : i32
    %c0_i32_0 = arith.constant 0 : i32
    return %arg0, %c0_i32 : i32, i32
  }
  func.func @transform_2(%arg0: i32) -> (i32, i32, i32) {
    %c0_i32 = arith.constant 0 : i32
    %c0_i32_0 = arith.constant 0 : i32
    %c0_i32_1 = arith.constant 0 : i32
    return %arg0, %c0_i32, %c0_i32_0 : i32, i32, i32
  }
  func.func @transform_3(%arg0: i32) -> (i32, i32) {
    %c0_i32 = arith.constant 0 : i32
    %c0_i32_0 = arith.constant 0 : i32
    return %arg0, %c0_i32 : i32, i32
  }
  func.func @transform_4(%arg0: i32) -> (i32, i32, i32) {
    %add3A = arith.constant 0 : i32
    %add3A_0 = arith.addi %arg0, %add3A : i32
    %c0_i32 = arith.constant 0 : i32
    %c0_i32_1 = arith.constant 0 : i32
    %c0_i32_2 = arith.constant 0 : i32
    return %add3A_0, %c0_i32, %c0_i32_1 : i32, i32, i32
  }
  func.func @transform_5(%arg0: i32) -> (i32, i32) {
    %add3A = arith.constant 0 : i32
    %add3A_0 = arith.addi %arg0, %add3A : i32
    %c0_i32 = arith.constant 0 : i32
    %c0_i32_1 = arith.constant 0 : i32
    return %add3A_0, %c0_i32 : i32, i32
  }
  func.func @transform_6(%arg0: i32) -> (i32, i32) {
    %c0_i32 = arith.constant 0 : i32
    %c0_i32_0 = arith.constant 0 : i32
    %c0_i32_1 = arith.constant 0 : i32
    return %c0_i32, %c0_i32_0 : i32, i32
  }
  func.func @transform_7(%arg0: i32) -> (i32, i32) {
    %c0_i32 = arith.constant 0 : i32
    %c0_i32_0 = arith.constant 0 : i32
    %c0_i32_1 = arith.constant 0 : i32
    return %c0_i32, %c0_i32_0 : i32, i32
  }
  func.func @transform_8(%arg0: i32) -> (i32, i32) {
    %c0_i32 = arith.constant 0 : i32
    %c0_i32_0 = arith.constant 0 : i32
    %c0_i32_1 = arith.constant 0 : i32
    return %c0_i32, %c0_i32_0 : i32, i32
  }
  func.func @transform_9(%arg0: i32) -> (i32, i32) {
    %c0_i32 = arith.constant 0 : i32
    %c0_i32_0 = arith.constant 0 : i32
    %c0_i32_1 = arith.constant 0 : i32
    return %c0_i32, %c0_i32_0 : i32, i32
  }
  func.func @transform_10(%arg0: i32) -> (i32, i32) {
    %c0_i32 = arith.constant 0 : i32
    %c0_i32_0 = arith.constant 0 : i32
    %c0_i32_1 = arith.constant 0 : i32
    return %c0_i32, %c0_i32_0 : i32, i32
  }
  func.func @transform_12(%arg0: i32) -> (i32, i32, i32) {
    %add3A = arith.constant 0 : i32
    %add3A_0 = arith.addi %arg0, %add3A : i32
    %c0_i32 = arith.constant 0 : i32
    %c0_i32_1 = arith.constant 0 : i32
    %c0_i32_2 = arith.constant 0 : i32
    return %add3A_0, %c0_i32, %c0_i32_1 : i32, i32, i32
  }
}

module attributes {stable_mosaic.version = 14 : i64} {
  func.func @_tc_body(%arg0: i32, %arg1: memref<640x128xf32, #tpu.memory_space<vmem>>, %arg2: memref<640x128xf32, #tpu.memory_space<vmem>>, %arg3: memref<640x12x128xf32, #tpu.memory_space<vmem>>, %arg4: memref<640x128xi32, #tpu.memory_space<vmem>>, %arg5: memref<32x20x20xi32, #tpu.memory_space<vmem>>, %arg6: memref<32x20xi32, #tpu.memory_space<vmem>>, %arg7: memref<4x128xf32, #tpu.memory_space<vmem>>, %arg8: memref<128x128xf32, #tpu.memory_space<vmem>>, %arg9: memref<1x128xf32, #tpu.memory_space<vmem>>, %arg10: memref<128x1xf32, #tpu.memory_space<vmem>>, %arg11: memref<256x128xf32, #tpu.memory_space<vmem>>, %arg12: memref<1024x20x128xf32, #tpu.memory_space<any>>, %arg13: memref<32x20x128xf32, #tpu.memory_space<vmem>>) attributes {dimension_semantics = [#tpu.dimension_semantics<arbitrary>], iteration_bounds = array<i64: 8>, scalar_prefetch = 0 : i64, scratch_operands = 0 : i64, tpu.core_type = #tpu.core_type<tc>, window_params = [{transform_indices = @transform_0, window_bounds = array<i64: 640, 128>}, {transform_indices = @transform_1, window_bounds = array<i64: 640, 128>}, {transform_indices = @transform_2, window_bounds = array<i64: 640, 12, 128>}, {transform_indices = @transform_3, window_bounds = array<i64: 640, 128>}, {transform_indices = @transform_4, window_bounds = array<i64: 32, 20, 20>}, {transform_indices = @transform_5, window_bounds = array<i64: 32, 20>}, {pipeline_mode = #tpu.pipeline_mode<synchronous>, transform_indices = @transform_6, window_bounds = array<i64: 4, 128>}, {pipeline_mode = #tpu.pipeline_mode<synchronous>, transform_indices = @transform_7, window_bounds = array<i64: 128, 128>}, {pipeline_mode = #tpu.pipeline_mode<synchronous>, transform_indices = @transform_8, window_bounds = array<i64: 1, 128>}, {pipeline_mode = #tpu.pipeline_mode<synchronous>, transform_indices = @transform_9, window_bounds = array<i64: 128, 1>}, {pipeline_mode = #tpu.pipeline_mode<synchronous>, transform_indices = @transform_10, window_bounds = array<i64: 256, 128>}, {}, {transform_indices = @transform_12, window_bounds = array<i64: 32, 20, 128>}]} {
    %get3A = arith.constant 0 : index
    %get3A_0 = arith.constant 0 : index
    %get3A_1 = vector.load %arg1[%get3A, %get3A_0] : memref<640x128xf32, #tpu.memory_space<vmem>>, vector<640x128xf32>
    %reshape3A = vector.shape_cast %get3A_1 : vector<640x128xf32> to vector<32x20x128xf32>
    %get3A_2 = arith.constant 0 : index
    %get3A_3 = arith.constant 0 : index
    %get3A_4 = vector.load %arg7[%get3A_2, %get3A_3] : memref<4x128xf32, #tpu.memory_space<vmem>>, vector<4x128xf32>
    %broadcast_in_dim3A = vector.shape_cast %reshape3A : vector<32x20x128xf32> to vector<32x20x1x128xf32>
    %broadcast_in_dim3A_5 = vector.shape_cast %get3A_4 : vector<4x128xf32> to vector<1x1x4x128xf32>
    %mul3A = vector.broadcast %broadcast_in_dim3A : vector<32x20x1x128xf32> to vector<32x20x4x128xf32>
    %mul3A_6 = vector.broadcast %broadcast_in_dim3A_5 : vector<1x1x4x128xf32> to vector<32x20x4x128xf32>
    %mul3A_7 = arith.mulf %mul3A, %mul3A_6 : vector<32x20x4x128xf32>
    %reshape3A_8 = vector.shape_cast %mul3A_7 : vector<32x20x4x128xf32> to vector<32x80x128xf32>
    %dot_general3A = arith.constant dense<0.000000e+00> : vector<32x80x20xf32>
    %dot_general3A_9 = tpu.matmul %reshape3A_8, %reshape3A, %dot_general3A {dimension_numbers = #tpu.dot_dimension_numbers<[2], [2], [1], [1], [0, 0, 0, 1, 1, 1], [0], [0]>, transpose_lhs_hint = false} : vector<32x80x128xf32>, vector<32x20x128xf32>, vector<32x80x20xf32> -> vector<32x80x20xf32>
    %ge3A = arith.constant 0.000000e+00 : f32
    %ge3A_10 = vector.broadcast %ge3A : f32 to vector<32x80x20xf32>
    %ge3A_11 = arith.cmpf oge, %dot_general3A_9, %ge3A_10 : vector<32x80x20xf32>
    %mul3A_12 = arith.constant 2.000000e-01 : f32
    %mul3A_13 = vector.broadcast %mul3A_12 : f32 to vector<32x80x20xf32>
    %mul3A_14 = arith.mulf %mul3A_13, %dot_general3A_9 : vector<32x80x20xf32>
    %select_n3A = arith.select %ge3A_11, %dot_general3A_9, %mul3A_14 : vector<32x80x20xi1>, vector<32x80x20xf32>
    %reshape3A_15 = vector.shape_cast %select_n3A : vector<32x80x20xf32> to vector<32x20x4x20xf32>
    %get3A_16 = arith.constant 0 : index
    %get3A_17 = arith.constant 0 : index
    %get3A_18 = arith.constant 0 : index
    %get3A_19 = vector.load %arg5[%get3A_16, %get3A_17, %get3A_18] : memref<32x20x20xi32, #tpu.memory_space<vmem>>, vector<32x20x20xi32>
    %eq3A = arith.constant 1 : i32
    %eq3A_20 = vector.broadcast %eq3A : i32 to vector<32x20x20xi32>
    %eq3A_21 = arith.cmpi eq, %get3A_19, %eq3A_20 : vector<32x20x20xi32>
    %slice3A = vector.extract_strided_slice %reshape3A_15 {offsets = [0, 0, 0, 0], sizes = [32, 20, 1, 20], strides = [1, 1, 1, 1]} : vector<32x20x4x20xf32> to vector<32x20x1x20xf32>
    %squeeze3A = vector.shape_cast %slice3A : vector<32x20x1x20xf32> to vector<32x20x20xf32>
    %jit3A = arith.constant -9.000000e+15 : f32
    %broadcast_in_dim3A_22 = vector.broadcast %jit3A : f32 to vector<32x20x20xf32>
    %select_n3A_23 = arith.select %eq3A_21, %squeeze3A, %broadcast_in_dim3A_22 : vector<32x20x20xi1>, vector<32x20x20xf32>
    %eq3A_24 = arith.constant 2 : i32
    %eq3A_25 = vector.broadcast %eq3A_24 : i32 to vector<32x20x20xi32>
    %eq3A_26 = arith.cmpi eq, %get3A_19, %eq3A_25 : vector<32x20x20xi32>
    %slice3A_27 = vector.extract_strided_slice %reshape3A_15 {offsets = [0, 0, 1, 0], sizes = [32, 20, 1, 20], strides = [1, 1, 1, 1]} : vector<32x20x4x20xf32> to vector<32x20x1x20xf32>
    %squeeze3A_28 = vector.shape_cast %slice3A_27 : vector<32x20x1x20xf32> to vector<32x20x20xf32>
    %select_n3A_29 = arith.select %eq3A_26, %squeeze3A_28, %select_n3A_23 : vector<32x20x20xi1>, vector<32x20x20xf32>
    %eq3A_30 = arith.constant 3 : i32
    %eq3A_31 = vector.broadcast %eq3A_30 : i32 to vector<32x20x20xi32>
    %eq3A_32 = arith.cmpi eq, %get3A_19, %eq3A_31 : vector<32x20x20xi32>
    %slice3A_33 = vector.extract_strided_slice %reshape3A_15 {offsets = [0, 0, 2, 0], sizes = [32, 20, 1, 20], strides = [1, 1, 1, 1]} : vector<32x20x4x20xf32> to vector<32x20x1x20xf32>
    %squeeze3A_34 = vector.shape_cast %slice3A_33 : vector<32x20x1x20xf32> to vector<32x20x20xf32>
    %select_n3A_35 = arith.select %eq3A_32, %squeeze3A_34, %select_n3A_29 : vector<32x20x20xi1>, vector<32x20x20xf32>
    %eq3A_36 = arith.constant 4 : i32
    %eq3A_37 = vector.broadcast %eq3A_36 : i32 to vector<32x20x20xi32>
    %eq3A_38 = arith.cmpi eq, %get3A_19, %eq3A_37 : vector<32x20x20xi32>
    %slice3A_39 = vector.extract_strided_slice %reshape3A_15 {offsets = [0, 0, 3, 0], sizes = [32, 20, 1, 20], strides = [1, 1, 1, 1]} : vector<32x20x4x20xf32> to vector<32x20x1x20xf32>
    %squeeze3A_40 = vector.shape_cast %slice3A_39 : vector<32x20x1x20xf32> to vector<32x20x20xf32>
    %select_n3A_41 = arith.select %eq3A_38, %squeeze3A_40, %select_n3A_35 : vector<32x20x20xi1>, vector<32x20x20xf32>
    %reduce_max3A = arith.constant dense<0xFF800000> : vector<32x20xf32>
    %reduce_max3A_42 = vector.multi_reduction <maximumf>, %select_n3A_41, %reduce_max3A [2] : vector<32x20x20xf32> to vector<32x20xf32>
    %broadcast_in_dim3A_43 = vector.shape_cast %reduce_max3A_42 : vector<32x20xf32> to vector<32x20x1xf32>
    %sub3A = vector.broadcast %broadcast_in_dim3A_43 : vector<32x20x1xf32> to vector<32x20x20xf32>
    %sub3A_44 = arith.subf %select_n3A_41, %sub3A : vector<32x20x20xf32>
    %exp3A = math.exp %sub3A_44 : vector<32x20x20xf32>
    %reduce_sum3A = arith.constant dense<0.000000e+00> : vector<32x20xf32>
    %reduce_sum3A_45 = vector.multi_reduction <add>, %exp3A, %reduce_sum3A [2] : vector<32x20x20xf32> to vector<32x20xf32>
    %broadcast_in_dim3A_46 = vector.shape_cast %reduce_sum3A_45 : vector<32x20xf32> to vector<32x20x1xf32>
    %div3A = arith.constant 1.000000e+00 : f32
    %div3A_47 = vector.broadcast %div3A : f32 to vector<32x20x1xf32>
    %div3A_48 = arith.divf %div3A_47, %broadcast_in_dim3A_46 : vector<32x20x1xf32>
    %mul3A_49 = vector.broadcast %div3A_48 : vector<32x20x1xf32> to vector<32x20x20xf32>
    %mul3A_50 = arith.mulf %exp3A, %mul3A_49 : vector<32x20x20xf32>
    %dot_general3A_51 = arith.constant dense<0.000000e+00> : vector<32x20x128xf32>
    %dot_general3A_52 = tpu.matmul %mul3A_50, %reshape3A, %dot_general3A_51 {dimension_numbers = #tpu.dot_dimension_numbers<[2], [1], [1], [2], [0, 0, 0, 1, 1, 2], [0], [0]>, transpose_lhs_hint = false} : vector<32x20x20xf32>, vector<32x20x128xf32>, vector<32x20x128xf32> -> vector<32x20x128xf32>
    %get3A_53 = arith.constant 0 : index
    %get3A_54 = arith.constant 0 : index
    %get3A_55 = vector.load %arg6[%get3A_53, %get3A_54] : memref<32x20xi32, #tpu.memory_space<vmem>>, vector<32x20xi32>
    %convert_element_type3A = arith.sitofp %get3A_55 : vector<32x20xi32> to vector<32x20xf32>
    %get3A_56 = arith.constant 0 : index
    %get3A_57 = arith.constant 0 : index
    %get3A_58 = vector.load %arg2[%get3A_56, %get3A_57] : memref<640x128xf32, #tpu.memory_space<vmem>>, vector<640x128xf32>
    %reshape3A_59 = vector.shape_cast %get3A_58 : vector<640x128xf32> to vector<32x20x128xf32>
    %broadcast_in_dim3A_60 = vector.shape_cast %convert_element_type3A : vector<32x20xf32> to vector<32x20x1xf32>
    %mul3A_61 = vector.broadcast %broadcast_in_dim3A_60 : vector<32x20x1xf32> to vector<32x20x128xf32>
    %mul3A_62 = arith.mulf %reshape3A_59, %mul3A_61 : vector<32x20x128xf32>
    %reduce_sum3A_63 = arith.constant dense<0.000000e+00> : vector<32x128xf32>
    %reduce_sum3A_64 = vector.multi_reduction <add>, %mul3A_62, %reduce_sum3A_63 [1] : vector<32x20x128xf32> to vector<32x128xf32>
    %reduce_sum3A_65 = arith.constant dense<0.000000e+00> : vector<32xf32>
    %reduce_sum3A_66 = vector.multi_reduction <add>, %convert_element_type3A, %reduce_sum3A_65 [1] : vector<32x20xf32> to vector<32xf32>
    %broadcast_in_dim3A_67 = vector.shape_cast %reduce_sum3A_66 : vector<32xf32> to vector<32x1xf32>
    %div3A_68 = vector.broadcast %broadcast_in_dim3A_67 : vector<32x1xf32> to vector<32x128xf32>
    %div3A_69 = arith.divf %reduce_sum3A_64, %div3A_68 : vector<32x128xf32>
    %get3A_70 = arith.constant 0 : index
    %get3A_71 = arith.constant 0 : index
    %get3A_72 = vector.load %arg4[%get3A_70, %get3A_71] : memref<640x128xi32, #tpu.memory_space<vmem>>, vector<640x128xi32>
    %broadcast_in_dim3A_73 = vector.shape_cast %div3A_69 : vector<32x128xf32> to vector<32x1x128xf32>
    %broadcast_in_dim3A_74 = vector.shape_cast %broadcast_in_dim3A_73 : vector<32x1x128xf32> to vector<32x1x128xf32>
    %broadcast_in_dim3A_75 = vector.broadcast %broadcast_in_dim3A_74 : vector<32x1x128xf32> to vector<32x20x128xf32>
    %reshape3A_76 = vector.shape_cast %broadcast_in_dim3A_75 : vector<32x20x128xf32> to vector<640x128xf32>
    %get3A_77 = arith.constant 0 : index
    %get3A_78 = arith.constant 0 : index
    %get3A_79 = vector.load %arg9[%get3A_77, %get3A_78] : memref<1x128xf32, #tpu.memory_space<vmem>>, vector<1x128xf32>
    %get3A_80 = arith.constant 0 : index
    %get3A_81 = arith.constant 0 : index
    %get3A_82 = arith.constant 0 : index
    %get3A_83 = vector.load %arg3[%get3A_80, %get3A_81, %get3A_82] : memref<640x12x128xf32, #tpu.memory_space<vmem>>, vector<640x1x128xf32>
    %get3A_84 = vector.shape_cast %get3A_83 : vector<640x1x128xf32> to vector<640x128xf32>
    %slice3A_85 = vector.extract_strided_slice %get3A_72 {offsets = [0, 12], sizes = [640, 1], strides = [1, 1]} : vector<640x128xi32> to vector<640x1xi32>
    %bitcast_convert_type3A = tpu.bitcast %slice3A_85 : vector<640x1xi32> -> vector<640x1xf32>
    %mul3A_86 = arith.mulf %reshape3A_76, %get3A_84 : vector<640x128xf32>
    %get3A_87 = arith.constant 0 : index
    %get3A_88 = arith.constant 0 : index
    %get3A_89 = vector.load %arg8[%get3A_87, %get3A_88] : memref<128x128xf32, #tpu.memory_space<vmem>>, vector<128x128xf32>
    %dot_general3A_90 = arith.constant dense<0.000000e+00> : vector<640x128xf32>
    %dot_general3A_91 = tpu.matmul %mul3A_86, %get3A_89, %dot_general3A_90 {dimension_numbers = #tpu.dot_dimension_numbers<[1], [0], [0], [1], [0, 0, 1, 1], [], []>, transpose_lhs_hint = false} : vector<640x128xf32>, vector<128x128xf32>, vector<640x128xf32> -> vector<640x128xf32>
    %mul3A_92 = vector.broadcast %bitcast_convert_type3A : vector<640x1xf32> to vector<640x128xf32>
    %mul3A_93 = vector.broadcast %get3A_79 : vector<1x128xf32> to vector<640x128xf32>
    %mul3A_94 = arith.mulf %mul3A_92, %mul3A_93 : vector<640x128xf32>
    %add3A = arith.addf %dot_general3A_91, %mul3A_94 : vector<640x128xf32>
    %ge3A_95 = arith.constant 0.000000e+00 : f32
    %ge3A_96 = vector.broadcast %ge3A_95 : f32 to vector<640x128xf32>
    %ge3A_97 = arith.cmpf oge, %add3A, %ge3A_96 : vector<640x128xf32>
    %mul3A_98 = arith.constant 2.000000e-01 : f32
    %mul3A_99 = vector.broadcast %mul3A_98 : f32 to vector<640x128xf32>
    %mul3A_100 = arith.mulf %mul3A_99, %add3A : vector<640x128xf32>
    %select_n3A_101 = arith.select %ge3A_97, %add3A, %mul3A_100 : vector<640x128xi1>, vector<640x128xf32>
    %get3A_102 = arith.constant 0 : index
    %get3A_103 = arith.constant 0 : index
    %get3A_104 = vector.load %arg10[%get3A_102, %get3A_103] : memref<128x1xf32, #tpu.memory_space<vmem>>, vector<128x1xf32>
    %dot_general3A_105 = arith.constant dense<0.000000e+00> : vector<640x1xf32>
    %dot_general3A_106 = tpu.matmul %select_n3A_101, %get3A_104, %dot_general3A_105 {dimension_numbers = #tpu.dot_dimension_numbers<[1], [0], [0], [1], [0, 0, 1, 1], [], []>, transpose_lhs_hint = false} : vector<640x128xf32>, vector<128x1xf32>, vector<640x1xf32> -> vector<640x1xf32>
    %get3A_107 = arith.constant 0 : index
    %get3A_108 = arith.constant 1 : index
    %get3A_109 = arith.constant 0 : index
    %get3A_110 = vector.load %arg3[%get3A_107, %get3A_108, %get3A_109] : memref<640x12x128xf32, #tpu.memory_space<vmem>>, vector<640x1x128xf32>
    %get3A_111 = vector.shape_cast %get3A_110 : vector<640x1x128xf32> to vector<640x128xf32>
    %slice3A_112 = vector.extract_strided_slice %get3A_72 {offsets = [0, 13], sizes = [640, 1], strides = [1, 1]} : vector<640x128xi32> to vector<640x1xi32>
    %bitcast_convert_type3A_113 = tpu.bitcast %slice3A_112 : vector<640x1xi32> -> vector<640x1xf32>
    %mul3A_114 = arith.mulf %reshape3A_76, %get3A_111 : vector<640x128xf32>
    %get3A_115 = arith.constant 0 : index
    %get3A_116 = arith.constant 0 : index
    %get3A_117 = vector.load %arg8[%get3A_115, %get3A_116] : memref<128x128xf32, #tpu.memory_space<vmem>>, vector<128x128xf32>
    %dot_general3A_118 = arith.constant dense<0.000000e+00> : vector<640x128xf32>
    %dot_general3A_119 = tpu.matmul %mul3A_114, %get3A_117, %dot_general3A_118 {dimension_numbers = #tpu.dot_dimension_numbers<[1], [0], [0], [1], [0, 0, 1, 1], [], []>, transpose_lhs_hint = false} : vector<640x128xf32>, vector<128x128xf32>, vector<640x128xf32> -> vector<640x128xf32>
    %mul3A_120 = vector.broadcast %bitcast_convert_type3A_113 : vector<640x1xf32> to vector<640x128xf32>
    %mul3A_121 = vector.broadcast %get3A_79 : vector<1x128xf32> to vector<640x128xf32>
    %mul3A_122 = arith.mulf %mul3A_120, %mul3A_121 : vector<640x128xf32>
    %add3A_123 = arith.addf %dot_general3A_119, %mul3A_122 : vector<640x128xf32>
    %ge3A_124 = arith.constant 0.000000e+00 : f32
    %ge3A_125 = vector.broadcast %ge3A_124 : f32 to vector<640x128xf32>
    %ge3A_126 = arith.cmpf oge, %add3A_123, %ge3A_125 : vector<640x128xf32>
    %mul3A_127 = arith.constant 2.000000e-01 : f32
    %mul3A_128 = vector.broadcast %mul3A_127 : f32 to vector<640x128xf32>
    %mul3A_129 = arith.mulf %mul3A_128, %add3A_123 : vector<640x128xf32>
    %select_n3A_130 = arith.select %ge3A_126, %add3A_123, %mul3A_129 : vector<640x128xi1>, vector<640x128xf32>
    %get3A_131 = arith.constant 0 : index
    %get3A_132 = arith.constant 0 : index
    %get3A_133 = vector.load %arg10[%get3A_131, %get3A_132] : memref<128x1xf32, #tpu.memory_space<vmem>>, vector<128x1xf32>
    %dot_general3A_134 = arith.constant dense<0.000000e+00> : vector<640x1xf32>
    %dot_general3A_135 = tpu.matmul %select_n3A_130, %get3A_133, %dot_general3A_134 {dimension_numbers = #tpu.dot_dimension_numbers<[1], [0], [0], [1], [0, 0, 1, 1], [], []>, transpose_lhs_hint = false} : vector<640x128xf32>, vector<128x1xf32>, vector<640x1xf32> -> vector<640x1xf32>
    %get3A_136 = arith.constant 0 : index
    %get3A_137 = arith.constant 2 : index
    %get3A_138 = arith.constant 0 : index
    %get3A_139 = vector.load %arg3[%get3A_136, %get3A_137, %get3A_138] : memref<640x12x128xf32, #tpu.memory_space<vmem>>, vector<640x1x128xf32>
    %get3A_140 = vector.shape_cast %get3A_139 : vector<640x1x128xf32> to vector<640x128xf32>
    %slice3A_141 = vector.extract_strided_slice %get3A_72 {offsets = [0, 14], sizes = [640, 1], strides = [1, 1]} : vector<640x128xi32> to vector<640x1xi32>
    %bitcast_convert_type3A_142 = tpu.bitcast %slice3A_141 : vector<640x1xi32> -> vector<640x1xf32>
    %mul3A_143 = arith.mulf %reshape3A_76, %get3A_140 : vector<640x128xf32>
    %get3A_144 = arith.constant 0 : index
    %get3A_145 = arith.constant 0 : index
    %get3A_146 = vector.load %arg8[%get3A_144, %get3A_145] : memref<128x128xf32, #tpu.memory_space<vmem>>, vector<128x128xf32>
    %dot_general3A_147 = arith.constant dense<0.000000e+00> : vector<640x128xf32>
    %dot_general3A_148 = tpu.matmul %mul3A_143, %get3A_146, %dot_general3A_147 {dimension_numbers = #tpu.dot_dimension_numbers<[1], [0], [0], [1], [0, 0, 1, 1], [], []>, transpose_lhs_hint = false} : vector<640x128xf32>, vector<128x128xf32>, vector<640x128xf32> -> vector<640x128xf32>
    %mul3A_149 = vector.broadcast %bitcast_convert_type3A_142 : vector<640x1xf32> to vector<640x128xf32>
    %mul3A_150 = vector.broadcast %get3A_79 : vector<1x128xf32> to vector<640x128xf32>
    %mul3A_151 = arith.mulf %mul3A_149, %mul3A_150 : vector<640x128xf32>
    %add3A_152 = arith.addf %dot_general3A_148, %mul3A_151 : vector<640x128xf32>
    %ge3A_153 = arith.constant 0.000000e+00 : f32
    %ge3A_154 = vector.broadcast %ge3A_153 : f32 to vector<640x128xf32>
    %ge3A_155 = arith.cmpf oge, %add3A_152, %ge3A_154 : vector<640x128xf32>
    %mul3A_156 = arith.constant 2.000000e-01 : f32
    %mul3A_157 = vector.broadcast %mul3A_156 : f32 to vector<640x128xf32>
    %mul3A_158 = arith.mulf %mul3A_157, %add3A_152 : vector<640x128xf32>
    %select_n3A_159 = arith.select %ge3A_155, %add3A_152, %mul3A_158 : vector<640x128xi1>, vector<640x128xf32>
    %get3A_160 = arith.constant 0 : index
    %get3A_161 = arith.constant 0 : index
    %get3A_162 = vector.load %arg10[%get3A_160, %get3A_161] : memref<128x1xf32, #tpu.memory_space<vmem>>, vector<128x1xf32>
    %dot_general3A_163 = arith.constant dense<0.000000e+00> : vector<640x1xf32>
    %dot_general3A_164 = tpu.matmul %select_n3A_159, %get3A_162, %dot_general3A_163 {dimension_numbers = #tpu.dot_dimension_numbers<[1], [0], [0], [1], [0, 0, 1, 1], [], []>, transpose_lhs_hint = false} : vector<640x128xf32>, vector<128x1xf32>, vector<640x1xf32> -> vector<640x1xf32>
    %get3A_165 = arith.constant 0 : index
    %get3A_166 = arith.constant 3 : index
    %get3A_167 = arith.constant 0 : index
    %get3A_168 = vector.load %arg3[%get3A_165, %get3A_166, %get3A_167] : memref<640x12x128xf32, #tpu.memory_space<vmem>>, vector<640x1x128xf32>
    %get3A_169 = vector.shape_cast %get3A_168 : vector<640x1x128xf32> to vector<640x128xf32>
    %slice3A_170 = vector.extract_strided_slice %get3A_72 {offsets = [0, 15], sizes = [640, 1], strides = [1, 1]} : vector<640x128xi32> to vector<640x1xi32>
    %bitcast_convert_type3A_171 = tpu.bitcast %slice3A_170 : vector<640x1xi32> -> vector<640x1xf32>
    %mul3A_172 = arith.mulf %reshape3A_76, %get3A_169 : vector<640x128xf32>
    %get3A_173 = arith.constant 0 : index
    %get3A_174 = arith.constant 0 : index
    %get3A_175 = vector.load %arg8[%get3A_173, %get3A_174] : memref<128x128xf32, #tpu.memory_space<vmem>>, vector<128x128xf32>
    %dot_general3A_176 = arith.constant dense<0.000000e+00> : vector<640x128xf32>
    %dot_general3A_177 = tpu.matmul %mul3A_172, %get3A_175, %dot_general3A_176 {dimension_numbers = #tpu.dot_dimension_numbers<[1], [0], [0], [1], [0, 0, 1, 1], [], []>, transpose_lhs_hint = false} : vector<640x128xf32>, vector<128x128xf32>, vector<640x128xf32> -> vector<640x128xf32>
    %mul3A_178 = vector.broadcast %bitcast_convert_type3A_171 : vector<640x1xf32> to vector<640x128xf32>
    %mul3A_179 = vector.broadcast %get3A_79 : vector<1x128xf32> to vector<640x128xf32>
    %mul3A_180 = arith.mulf %mul3A_178, %mul3A_179 : vector<640x128xf32>
    %add3A_181 = arith.addf %dot_general3A_177, %mul3A_180 : vector<640x128xf32>
    %ge3A_182 = arith.constant 0.000000e+00 : f32
    %ge3A_183 = vector.broadcast %ge3A_182 : f32 to vector<640x128xf32>
    %ge3A_184 = arith.cmpf oge, %add3A_181, %ge3A_183 : vector<640x128xf32>
    %mul3A_185 = arith.constant 2.000000e-01 : f32
    %mul3A_186 = vector.broadcast %mul3A_185 : f32 to vector<640x128xf32>
    %mul3A_187 = arith.mulf %mul3A_186, %add3A_181 : vector<640x128xf32>
    %select_n3A_188 = arith.select %ge3A_184, %add3A_181, %mul3A_187 : vector<640x128xi1>, vector<640x128xf32>
    %get3A_189 = arith.constant 0 : index
    %get3A_190 = arith.constant 0 : index
    %get3A_191 = vector.load %arg10[%get3A_189, %get3A_190] : memref<128x1xf32, #tpu.memory_space<vmem>>, vector<128x1xf32>
    %dot_general3A_192 = arith.constant dense<0.000000e+00> : vector<640x1xf32>
    %dot_general3A_193 = tpu.matmul %select_n3A_188, %get3A_191, %dot_general3A_192 {dimension_numbers = #tpu.dot_dimension_numbers<[1], [0], [0], [1], [0, 0, 1, 1], [], []>, transpose_lhs_hint = false} : vector<640x128xf32>, vector<128x1xf32>, vector<640x1xf32> -> vector<640x1xf32>
    %get3A_194 = arith.constant 0 : index
    %get3A_195 = arith.constant 4 : index
    %get3A_196 = arith.constant 0 : index
    %get3A_197 = vector.load %arg3[%get3A_194, %get3A_195, %get3A_196] : memref<640x12x128xf32, #tpu.memory_space<vmem>>, vector<640x1x128xf32>
    %get3A_198 = vector.shape_cast %get3A_197 : vector<640x1x128xf32> to vector<640x128xf32>
    %slice3A_199 = vector.extract_strided_slice %get3A_72 {offsets = [0, 16], sizes = [640, 1], strides = [1, 1]} : vector<640x128xi32> to vector<640x1xi32>
    %bitcast_convert_type3A_200 = tpu.bitcast %slice3A_199 : vector<640x1xi32> -> vector<640x1xf32>
    %mul3A_201 = arith.mulf %reshape3A_76, %get3A_198 : vector<640x128xf32>
    %get3A_202 = arith.constant 0 : index
    %get3A_203 = arith.constant 0 : index
    %get3A_204 = vector.load %arg8[%get3A_202, %get3A_203] : memref<128x128xf32, #tpu.memory_space<vmem>>, vector<128x128xf32>
    %dot_general3A_205 = arith.constant dense<0.000000e+00> : vector<640x128xf32>
    %dot_general3A_206 = tpu.matmul %mul3A_201, %get3A_204, %dot_general3A_205 {dimension_numbers = #tpu.dot_dimension_numbers<[1], [0], [0], [1], [0, 0, 1, 1], [], []>, transpose_lhs_hint = false} : vector<640x128xf32>, vector<128x128xf32>, vector<640x128xf32> -> vector<640x128xf32>
    %mul3A_207 = vector.broadcast %bitcast_convert_type3A_200 : vector<640x1xf32> to vector<640x128xf32>
    %mul3A_208 = vector.broadcast %get3A_79 : vector<1x128xf32> to vector<640x128xf32>
    %mul3A_209 = arith.mulf %mul3A_207, %mul3A_208 : vector<640x128xf32>
    %add3A_210 = arith.addf %dot_general3A_206, %mul3A_209 : vector<640x128xf32>
    %ge3A_211 = arith.constant 0.000000e+00 : f32
    %ge3A_212 = vector.broadcast %ge3A_211 : f32 to vector<640x128xf32>
    %ge3A_213 = arith.cmpf oge, %add3A_210, %ge3A_212 : vector<640x128xf32>
    %mul3A_214 = arith.constant 2.000000e-01 : f32
    %mul3A_215 = vector.broadcast %mul3A_214 : f32 to vector<640x128xf32>
    %mul3A_216 = arith.mulf %mul3A_215, %add3A_210 : vector<640x128xf32>
    %select_n3A_217 = arith.select %ge3A_213, %add3A_210, %mul3A_216 : vector<640x128xi1>, vector<640x128xf32>
    %get3A_218 = arith.constant 0 : index
    %get3A_219 = arith.constant 0 : index
    %get3A_220 = vector.load %arg10[%get3A_218, %get3A_219] : memref<128x1xf32, #tpu.memory_space<vmem>>, vector<128x1xf32>
    %dot_general3A_221 = arith.constant dense<0.000000e+00> : vector<640x1xf32>
    %dot_general3A_222 = tpu.matmul %select_n3A_217, %get3A_220, %dot_general3A_221 {dimension_numbers = #tpu.dot_dimension_numbers<[1], [0], [0], [1], [0, 0, 1, 1], [], []>, transpose_lhs_hint = false} : vector<640x128xf32>, vector<128x1xf32>, vector<640x1xf32> -> vector<640x1xf32>
    %get3A_223 = arith.constant 0 : index
    %get3A_224 = arith.constant 5 : index
    %get3A_225 = arith.constant 0 : index
    %get3A_226 = vector.load %arg3[%get3A_223, %get3A_224, %get3A_225] : memref<640x12x128xf32, #tpu.memory_space<vmem>>, vector<640x1x128xf32>
    %get3A_227 = vector.shape_cast %get3A_226 : vector<640x1x128xf32> to vector<640x128xf32>
    %slice3A_228 = vector.extract_strided_slice %get3A_72 {offsets = [0, 17], sizes = [640, 1], strides = [1, 1]} : vector<640x128xi32> to vector<640x1xi32>
    %bitcast_convert_type3A_229 = tpu.bitcast %slice3A_228 : vector<640x1xi32> -> vector<640x1xf32>
    %mul3A_230 = arith.mulf %reshape3A_76, %get3A_227 : vector<640x128xf32>
    %get3A_231 = arith.constant 0 : index
    %get3A_232 = arith.constant 0 : index
    %get3A_233 = vector.load %arg8[%get3A_231, %get3A_232] : memref<128x128xf32, #tpu.memory_space<vmem>>, vector<128x128xf32>
    %dot_general3A_234 = arith.constant dense<0.000000e+00> : vector<640x128xf32>
    %dot_general3A_235 = tpu.matmul %mul3A_230, %get3A_233, %dot_general3A_234 {dimension_numbers = #tpu.dot_dimension_numbers<[1], [0], [0], [1], [0, 0, 1, 1], [], []>, transpose_lhs_hint = false} : vector<640x128xf32>, vector<128x128xf32>, vector<640x128xf32> -> vector<640x128xf32>
    %mul3A_236 = vector.broadcast %bitcast_convert_type3A_229 : vector<640x1xf32> to vector<640x128xf32>
    %mul3A_237 = vector.broadcast %get3A_79 : vector<1x128xf32> to vector<640x128xf32>
    %mul3A_238 = arith.mulf %mul3A_236, %mul3A_237 : vector<640x128xf32>
    %add3A_239 = arith.addf %dot_general3A_235, %mul3A_238 : vector<640x128xf32>
    %ge3A_240 = arith.constant 0.000000e+00 : f32
    %ge3A_241 = vector.broadcast %ge3A_240 : f32 to vector<640x128xf32>
    %ge3A_242 = arith.cmpf oge, %add3A_239, %ge3A_241 : vector<640x128xf32>
    %mul3A_243 = arith.constant 2.000000e-01 : f32
    %mul3A_244 = vector.broadcast %mul3A_243 : f32 to vector<640x128xf32>
    %mul3A_245 = arith.mulf %mul3A_244, %add3A_239 : vector<640x128xf32>
    %select_n3A_246 = arith.select %ge3A_242, %add3A_239, %mul3A_245 : vector<640x128xi1>, vector<640x128xf32>
    %get3A_247 = arith.constant 0 : index
    %get3A_248 = arith.constant 0 : index
    %get3A_249 = vector.load %arg10[%get3A_247, %get3A_248] : memref<128x1xf32, #tpu.memory_space<vmem>>, vector<128x1xf32>
    %dot_general3A_250 = arith.constant dense<0.000000e+00> : vector<640x1xf32>
    %dot_general3A_251 = tpu.matmul %select_n3A_246, %get3A_249, %dot_general3A_250 {dimension_numbers = #tpu.dot_dimension_numbers<[1], [0], [0], [1], [0, 0, 1, 1], [], []>, transpose_lhs_hint = false} : vector<640x128xf32>, vector<128x1xf32>, vector<640x1xf32> -> vector<640x1xf32>
    %get3A_252 = arith.constant 0 : index
    %get3A_253 = arith.constant 6 : index
    %get3A_254 = arith.constant 0 : index
    %get3A_255 = vector.load %arg3[%get3A_252, %get3A_253, %get3A_254] : memref<640x12x128xf32, #tpu.memory_space<vmem>>, vector<640x1x128xf32>
    %get3A_256 = vector.shape_cast %get3A_255 : vector<640x1x128xf32> to vector<640x128xf32>
    %slice3A_257 = vector.extract_strided_slice %get3A_72 {offsets = [0, 18], sizes = [640, 1], strides = [1, 1]} : vector<640x128xi32> to vector<640x1xi32>
    %bitcast_convert_type3A_258 = tpu.bitcast %slice3A_257 : vector<640x1xi32> -> vector<640x1xf32>
    %mul3A_259 = arith.mulf %reshape3A_76, %get3A_256 : vector<640x128xf32>
    %get3A_260 = arith.constant 0 : index
    %get3A_261 = arith.constant 0 : index
    %get3A_262 = vector.load %arg8[%get3A_260, %get3A_261] : memref<128x128xf32, #tpu.memory_space<vmem>>, vector<128x128xf32>
    %dot_general3A_263 = arith.constant dense<0.000000e+00> : vector<640x128xf32>
    %dot_general3A_264 = tpu.matmul %mul3A_259, %get3A_262, %dot_general3A_263 {dimension_numbers = #tpu.dot_dimension_numbers<[1], [0], [0], [1], [0, 0, 1, 1], [], []>, transpose_lhs_hint = false} : vector<640x128xf32>, vector<128x128xf32>, vector<640x128xf32> -> vector<640x128xf32>
    %mul3A_265 = vector.broadcast %bitcast_convert_type3A_258 : vector<640x1xf32> to vector<640x128xf32>
    %mul3A_266 = vector.broadcast %get3A_79 : vector<1x128xf32> to vector<640x128xf32>
    %mul3A_267 = arith.mulf %mul3A_265, %mul3A_266 : vector<640x128xf32>
    %add3A_268 = arith.addf %dot_general3A_264, %mul3A_267 : vector<640x128xf32>
    %ge3A_269 = arith.constant 0.000000e+00 : f32
    %ge3A_270 = vector.broadcast %ge3A_269 : f32 to vector<640x128xf32>
    %ge3A_271 = arith.cmpf oge, %add3A_268, %ge3A_270 : vector<640x128xf32>
    %mul3A_272 = arith.constant 2.000000e-01 : f32
    %mul3A_273 = vector.broadcast %mul3A_272 : f32 to vector<640x128xf32>
    %mul3A_274 = arith.mulf %mul3A_273, %add3A_268 : vector<640x128xf32>
    %select_n3A_275 = arith.select %ge3A_271, %add3A_268, %mul3A_274 : vector<640x128xi1>, vector<640x128xf32>
    %get3A_276 = arith.constant 0 : index
    %get3A_277 = arith.constant 0 : index
    %get3A_278 = vector.load %arg10[%get3A_276, %get3A_277] : memref<128x1xf32, #tpu.memory_space<vmem>>, vector<128x1xf32>
    %dot_general3A_279 = arith.constant dense<0.000000e+00> : vector<640x1xf32>
    %dot_general3A_280 = tpu.matmul %select_n3A_275, %get3A_278, %dot_general3A_279 {dimension_numbers = #tpu.dot_dimension_numbers<[1], [0], [0], [1], [0, 0, 1, 1], [], []>, transpose_lhs_hint = false} : vector<640x128xf32>, vector<128x1xf32>, vector<640x1xf32> -> vector<640x1xf32>
    %get3A_281 = arith.constant 0 : index
    %get3A_282 = arith.constant 7 : index
    %get3A_283 = arith.constant 0 : index
    %get3A_284 = vector.load %arg3[%get3A_281, %get3A_282, %get3A_283] : memref<640x12x128xf32, #tpu.memory_space<vmem>>, vector<640x1x128xf32>
    %get3A_285 = vector.shape_cast %get3A_284 : vector<640x1x128xf32> to vector<640x128xf32>
    %slice3A_286 = vector.extract_strided_slice %get3A_72 {offsets = [0, 19], sizes = [640, 1], strides = [1, 1]} : vector<640x128xi32> to vector<640x1xi32>
    %bitcast_convert_type3A_287 = tpu.bitcast %slice3A_286 : vector<640x1xi32> -> vector<640x1xf32>
    %mul3A_288 = arith.mulf %reshape3A_76, %get3A_285 : vector<640x128xf32>
    %get3A_289 = arith.constant 0 : index
    %get3A_290 = arith.constant 0 : index
    %get3A_291 = vector.load %arg8[%get3A_289, %get3A_290] : memref<128x128xf32, #tpu.memory_space<vmem>>, vector<128x128xf32>
    %dot_general3A_292 = arith.constant dense<0.000000e+00> : vector<640x128xf32>
    %dot_general3A_293 = tpu.matmul %mul3A_288, %get3A_291, %dot_general3A_292 {dimension_numbers = #tpu.dot_dimension_numbers<[1], [0], [0], [1], [0, 0, 1, 1], [], []>, transpose_lhs_hint = false} : vector<640x128xf32>, vector<128x128xf32>, vector<640x128xf32> -> vector<640x128xf32>
    %mul3A_294 = vector.broadcast %bitcast_convert_type3A_287 : vector<640x1xf32> to vector<640x128xf32>
    %mul3A_295 = vector.broadcast %get3A_79 : vector<1x128xf32> to vector<640x128xf32>
    %mul3A_296 = arith.mulf %mul3A_294, %mul3A_295 : vector<640x128xf32>
    %add3A_297 = arith.addf %dot_general3A_293, %mul3A_296 : vector<640x128xf32>
    %ge3A_298 = arith.constant 0.000000e+00 : f32
    %ge3A_299 = vector.broadcast %ge3A_298 : f32 to vector<640x128xf32>
    %ge3A_300 = arith.cmpf oge, %add3A_297, %ge3A_299 : vector<640x128xf32>
    %mul3A_301 = arith.constant 2.000000e-01 : f32
    %mul3A_302 = vector.broadcast %mul3A_301 : f32 to vector<640x128xf32>
    %mul3A_303 = arith.mulf %mul3A_302, %add3A_297 : vector<640x128xf32>
    %select_n3A_304 = arith.select %ge3A_300, %add3A_297, %mul3A_303 : vector<640x128xi1>, vector<640x128xf32>
    %get3A_305 = arith.constant 0 : index
    %get3A_306 = arith.constant 0 : index
    %get3A_307 = vector.load %arg10[%get3A_305, %get3A_306] : memref<128x1xf32, #tpu.memory_space<vmem>>, vector<128x1xf32>
    %dot_general3A_308 = arith.constant dense<0.000000e+00> : vector<640x1xf32>
    %dot_general3A_309 = tpu.matmul %select_n3A_304, %get3A_307, %dot_general3A_308 {dimension_numbers = #tpu.dot_dimension_numbers<[1], [0], [0], [1], [0, 0, 1, 1], [], []>, transpose_lhs_hint = false} : vector<640x128xf32>, vector<128x1xf32>, vector<640x1xf32> -> vector<640x1xf32>
    %get3A_310 = arith.constant 0 : index
    %get3A_311 = arith.constant 8 : index
    %get3A_312 = arith.constant 0 : index
    %get3A_313 = vector.load %arg3[%get3A_310, %get3A_311, %get3A_312] : memref<640x12x128xf32, #tpu.memory_space<vmem>>, vector<640x1x128xf32>
    %get3A_314 = vector.shape_cast %get3A_313 : vector<640x1x128xf32> to vector<640x128xf32>
    %slice3A_315 = vector.extract_strided_slice %get3A_72 {offsets = [0, 20], sizes = [640, 1], strides = [1, 1]} : vector<640x128xi32> to vector<640x1xi32>
    %bitcast_convert_type3A_316 = tpu.bitcast %slice3A_315 : vector<640x1xi32> -> vector<640x1xf32>
    %mul3A_317 = arith.mulf %reshape3A_76, %get3A_314 : vector<640x128xf32>
    %get3A_318 = arith.constant 0 : index
    %get3A_319 = arith.constant 0 : index
    %get3A_320 = vector.load %arg8[%get3A_318, %get3A_319] : memref<128x128xf32, #tpu.memory_space<vmem>>, vector<128x128xf32>
    %dot_general3A_321 = arith.constant dense<0.000000e+00> : vector<640x128xf32>
    %dot_general3A_322 = tpu.matmul %mul3A_317, %get3A_320, %dot_general3A_321 {dimension_numbers = #tpu.dot_dimension_numbers<[1], [0], [0], [1], [0, 0, 1, 1], [], []>, transpose_lhs_hint = false} : vector<640x128xf32>, vector<128x128xf32>, vector<640x128xf32> -> vector<640x128xf32>
    %mul3A_323 = vector.broadcast %bitcast_convert_type3A_316 : vector<640x1xf32> to vector<640x128xf32>
    %mul3A_324 = vector.broadcast %get3A_79 : vector<1x128xf32> to vector<640x128xf32>
    %mul3A_325 = arith.mulf %mul3A_323, %mul3A_324 : vector<640x128xf32>
    %add3A_326 = arith.addf %dot_general3A_322, %mul3A_325 : vector<640x128xf32>
    %ge3A_327 = arith.constant 0.000000e+00 : f32
    %ge3A_328 = vector.broadcast %ge3A_327 : f32 to vector<640x128xf32>
    %ge3A_329 = arith.cmpf oge, %add3A_326, %ge3A_328 : vector<640x128xf32>
    %mul3A_330 = arith.constant 2.000000e-01 : f32
    %mul3A_331 = vector.broadcast %mul3A_330 : f32 to vector<640x128xf32>
    %mul3A_332 = arith.mulf %mul3A_331, %add3A_326 : vector<640x128xf32>
    %select_n3A_333 = arith.select %ge3A_329, %add3A_326, %mul3A_332 : vector<640x128xi1>, vector<640x128xf32>
    %get3A_334 = arith.constant 0 : index
    %get3A_335 = arith.constant 0 : index
    %get3A_336 = vector.load %arg10[%get3A_334, %get3A_335] : memref<128x1xf32, #tpu.memory_space<vmem>>, vector<128x1xf32>
    %dot_general3A_337 = arith.constant dense<0.000000e+00> : vector<640x1xf32>
    %dot_general3A_338 = tpu.matmul %select_n3A_333, %get3A_336, %dot_general3A_337 {dimension_numbers = #tpu.dot_dimension_numbers<[1], [0], [0], [1], [0, 0, 1, 1], [], []>, transpose_lhs_hint = false} : vector<640x128xf32>, vector<128x1xf32>, vector<640x1xf32> -> vector<640x1xf32>
    %get3A_339 = arith.constant 0 : index
    %get3A_340 = arith.constant 9 : index
    %get3A_341 = arith.constant 0 : index
    %get3A_342 = vector.load %arg3[%get3A_339, %get3A_340, %get3A_341] : memref<640x12x128xf32, #tpu.memory_space<vmem>>, vector<640x1x128xf32>
    %get3A_343 = vector.shape_cast %get3A_342 : vector<640x1x128xf32> to vector<640x128xf32>
    %slice3A_344 = vector.extract_strided_slice %get3A_72 {offsets = [0, 21], sizes = [640, 1], strides = [1, 1]} : vector<640x128xi32> to vector<640x1xi32>
    %bitcast_convert_type3A_345 = tpu.bitcast %slice3A_344 : vector<640x1xi32> -> vector<640x1xf32>
    %mul3A_346 = arith.mulf %reshape3A_76, %get3A_343 : vector<640x128xf32>
    %get3A_347 = arith.constant 0 : index
    %get3A_348 = arith.constant 0 : index
    %get3A_349 = vector.load %arg8[%get3A_347, %get3A_348] : memref<128x128xf32, #tpu.memory_space<vmem>>, vector<128x128xf32>
    %dot_general3A_350 = arith.constant dense<0.000000e+00> : vector<640x128xf32>
    %dot_general3A_351 = tpu.matmul %mul3A_346, %get3A_349, %dot_general3A_350 {dimension_numbers = #tpu.dot_dimension_numbers<[1], [0], [0], [1], [0, 0, 1, 1], [], []>, transpose_lhs_hint = false} : vector<640x128xf32>, vector<128x128xf32>, vector<640x128xf32> -> vector<640x128xf32>
    %mul3A_352 = vector.broadcast %bitcast_convert_type3A_345 : vector<640x1xf32> to vector<640x128xf32>
    %mul3A_353 = vector.broadcast %get3A_79 : vector<1x128xf32> to vector<640x128xf32>
    %mul3A_354 = arith.mulf %mul3A_352, %mul3A_353 : vector<640x128xf32>
    %add3A_355 = arith.addf %dot_general3A_351, %mul3A_354 : vector<640x128xf32>
    %ge3A_356 = arith.constant 0.000000e+00 : f32
    %ge3A_357 = vector.broadcast %ge3A_356 : f32 to vector<640x128xf32>
    %ge3A_358 = arith.cmpf oge, %add3A_355, %ge3A_357 : vector<640x128xf32>
    %mul3A_359 = arith.constant 2.000000e-01 : f32
    %mul3A_360 = vector.broadcast %mul3A_359 : f32 to vector<640x128xf32>
    %mul3A_361 = arith.mulf %mul3A_360, %add3A_355 : vector<640x128xf32>
    %select_n3A_362 = arith.select %ge3A_358, %add3A_355, %mul3A_361 : vector<640x128xi1>, vector<640x128xf32>
    %get3A_363 = arith.constant 0 : index
    %get3A_364 = arith.constant 0 : index
    %get3A_365 = vector.load %arg10[%get3A_363, %get3A_364] : memref<128x1xf32, #tpu.memory_space<vmem>>, vector<128x1xf32>
    %dot_general3A_366 = arith.constant dense<0.000000e+00> : vector<640x1xf32>
    %dot_general3A_367 = tpu.matmul %select_n3A_362, %get3A_365, %dot_general3A_366 {dimension_numbers = #tpu.dot_dimension_numbers<[1], [0], [0], [1], [0, 0, 1, 1], [], []>, transpose_lhs_hint = false} : vector<640x128xf32>, vector<128x1xf32>, vector<640x1xf32> -> vector<640x1xf32>
    %get3A_368 = arith.constant 0 : index
    %get3A_369 = arith.constant 10 : index
    %get3A_370 = arith.constant 0 : index
    %get3A_371 = vector.load %arg3[%get3A_368, %get3A_369, %get3A_370] : memref<640x12x128xf32, #tpu.memory_space<vmem>>, vector<640x1x128xf32>
    %get3A_372 = vector.shape_cast %get3A_371 : vector<640x1x128xf32> to vector<640x128xf32>
    %slice3A_373 = vector.extract_strided_slice %get3A_72 {offsets = [0, 22], sizes = [640, 1], strides = [1, 1]} : vector<640x128xi32> to vector<640x1xi32>
    %bitcast_convert_type3A_374 = tpu.bitcast %slice3A_373 : vector<640x1xi32> -> vector<640x1xf32>
    %mul3A_375 = arith.mulf %reshape3A_76, %get3A_372 : vector<640x128xf32>
    %get3A_376 = arith.constant 0 : index
    %get3A_377 = arith.constant 0 : index
    %get3A_378 = vector.load %arg8[%get3A_376, %get3A_377] : memref<128x128xf32, #tpu.memory_space<vmem>>, vector<128x128xf32>
    %dot_general3A_379 = arith.constant dense<0.000000e+00> : vector<640x128xf32>
    %dot_general3A_380 = tpu.matmul %mul3A_375, %get3A_378, %dot_general3A_379 {dimension_numbers = #tpu.dot_dimension_numbers<[1], [0], [0], [1], [0, 0, 1, 1], [], []>, transpose_lhs_hint = false} : vector<640x128xf32>, vector<128x128xf32>, vector<640x128xf32> -> vector<640x128xf32>
    %mul3A_381 = vector.broadcast %bitcast_convert_type3A_374 : vector<640x1xf32> to vector<640x128xf32>
    %mul3A_382 = vector.broadcast %get3A_79 : vector<1x128xf32> to vector<640x128xf32>
    %mul3A_383 = arith.mulf %mul3A_381, %mul3A_382 : vector<640x128xf32>
    %add3A_384 = arith.addf %dot_general3A_380, %mul3A_383 : vector<640x128xf32>
    %ge3A_385 = arith.constant 0.000000e+00 : f32
    %ge3A_386 = vector.broadcast %ge3A_385 : f32 to vector<640x128xf32>
    %ge3A_387 = arith.cmpf oge, %add3A_384, %ge3A_386 : vector<640x128xf32>
    %mul3A_388 = arith.constant 2.000000e-01 : f32
    %mul3A_389 = vector.broadcast %mul3A_388 : f32 to vector<640x128xf32>
    %mul3A_390 = arith.mulf %mul3A_389, %add3A_384 : vector<640x128xf32>
    %select_n3A_391 = arith.select %ge3A_387, %add3A_384, %mul3A_390 : vector<640x128xi1>, vector<640x128xf32>
    %get3A_392 = arith.constant 0 : index
    %get3A_393 = arith.constant 0 : index
    %get3A_394 = vector.load %arg10[%get3A_392, %get3A_393] : memref<128x1xf32, #tpu.memory_space<vmem>>, vector<128x1xf32>
    %dot_general3A_395 = arith.constant dense<0.000000e+00> : vector<640x1xf32>
    %dot_general3A_396 = tpu.matmul %select_n3A_391, %get3A_394, %dot_general3A_395 {dimension_numbers = #tpu.dot_dimension_numbers<[1], [0], [0], [1], [0, 0, 1, 1], [], []>, transpose_lhs_hint = false} : vector<640x128xf32>, vector<128x1xf32>, vector<640x1xf32> -> vector<640x1xf32>
    %get3A_397 = arith.constant 0 : index
    %get3A_398 = arith.constant 11 : index
    %get3A_399 = arith.constant 0 : index
    %get3A_400 = vector.load %arg3[%get3A_397, %get3A_398, %get3A_399] : memref<640x12x128xf32, #tpu.memory_space<vmem>>, vector<640x1x128xf32>
    %get3A_401 = vector.shape_cast %get3A_400 : vector<640x1x128xf32> to vector<640x128xf32>
    %slice3A_402 = vector.extract_strided_slice %get3A_72 {offsets = [0, 23], sizes = [640, 1], strides = [1, 1]} : vector<640x128xi32> to vector<640x1xi32>
    %bitcast_convert_type3A_403 = tpu.bitcast %slice3A_402 : vector<640x1xi32> -> vector<640x1xf32>
    %mul3A_404 = arith.mulf %reshape3A_76, %get3A_401 : vector<640x128xf32>
    %get3A_405 = arith.constant 0 : index
    %get3A_406 = arith.constant 0 : index
    %get3A_407 = vector.load %arg8[%get3A_405, %get3A_406] : memref<128x128xf32, #tpu.memory_space<vmem>>, vector<128x128xf32>
    %dot_general3A_408 = arith.constant dense<0.000000e+00> : vector<640x128xf32>
    %dot_general3A_409 = tpu.matmul %mul3A_404, %get3A_407, %dot_general3A_408 {dimension_numbers = #tpu.dot_dimension_numbers<[1], [0], [0], [1], [0, 0, 1, 1], [], []>, transpose_lhs_hint = false} : vector<640x128xf32>, vector<128x128xf32>, vector<640x128xf32> -> vector<640x128xf32>
    %mul3A_410 = vector.broadcast %bitcast_convert_type3A_403 : vector<640x1xf32> to vector<640x128xf32>
    %mul3A_411 = vector.broadcast %get3A_79 : vector<1x128xf32> to vector<640x128xf32>
    %mul3A_412 = arith.mulf %mul3A_410, %mul3A_411 : vector<640x128xf32>
    %add3A_413 = arith.addf %dot_general3A_409, %mul3A_412 : vector<640x128xf32>
    %ge3A_414 = arith.constant 0.000000e+00 : f32
    %ge3A_415 = vector.broadcast %ge3A_414 : f32 to vector<640x128xf32>
    %ge3A_416 = arith.cmpf oge, %add3A_413, %ge3A_415 : vector<640x128xf32>
    %mul3A_417 = arith.constant 2.000000e-01 : f32
    %mul3A_418 = vector.broadcast %mul3A_417 : f32 to vector<640x128xf32>
    %mul3A_419 = arith.mulf %mul3A_418, %add3A_413 : vector<640x128xf32>
    %select_n3A_420 = arith.select %ge3A_416, %add3A_413, %mul3A_419 : vector<640x128xi1>, vector<640x128xf32>
    %get3A_421 = arith.constant 0 : index
    %get3A_422 = arith.constant 0 : index
    %get3A_423 = vector.load %arg10[%get3A_421, %get3A_422] : memref<128x1xf32, #tpu.memory_space<vmem>>, vector<128x1xf32>
    %dot_general3A_424 = arith.constant dense<0.000000e+00> : vector<640x1xf32>
    %dot_general3A_425 = tpu.matmul %select_n3A_420, %get3A_423, %dot_general3A_424 {dimension_numbers = #tpu.dot_dimension_numbers<[1], [0], [0], [1], [0, 0, 1, 1], [], []>, transpose_lhs_hint = false} : vector<640x128xf32>, vector<128x1xf32>, vector<640x1xf32> -> vector<640x1xf32>
    %max3A = arith.maximumf %dot_general3A_106, %dot_general3A_135 : vector<640x1xf32>
    %max3A_426 = arith.maximumf %max3A, %dot_general3A_164 : vector<640x1xf32>
    %max3A_427 = arith.maximumf %max3A_426, %dot_general3A_193 : vector<640x1xf32>
    %max3A_428 = arith.maximumf %max3A_427, %dot_general3A_222 : vector<640x1xf32>
    %max3A_429 = arith.maximumf %max3A_428, %dot_general3A_251 : vector<640x1xf32>
    %max3A_430 = arith.maximumf %max3A_429, %dot_general3A_280 : vector<640x1xf32>
    %max3A_431 = arith.maximumf %max3A_430, %dot_general3A_309 : vector<640x1xf32>
    %max3A_432 = arith.maximumf %max3A_431, %dot_general3A_338 : vector<640x1xf32>
    %max3A_433 = arith.maximumf %max3A_432, %dot_general3A_367 : vector<640x1xf32>
    %max3A_434 = arith.maximumf %max3A_433, %dot_general3A_396 : vector<640x1xf32>
    %max3A_435 = arith.maximumf %max3A_434, %dot_general3A_425 : vector<640x1xf32>
    %sub3A_436 = arith.subf %dot_general3A_106, %max3A_435 : vector<640x1xf32>
    %exp3A_437 = math.exp %sub3A_436 : vector<640x1xf32>
    %sub3A_438 = arith.subf %dot_general3A_135, %max3A_435 : vector<640x1xf32>
    %exp3A_439 = math.exp %sub3A_438 : vector<640x1xf32>
    %sub3A_440 = arith.subf %dot_general3A_164, %max3A_435 : vector<640x1xf32>
    %exp3A_441 = math.exp %sub3A_440 : vector<640x1xf32>
    %sub3A_442 = arith.subf %dot_general3A_193, %max3A_435 : vector<640x1xf32>
    %exp3A_443 = math.exp %sub3A_442 : vector<640x1xf32>
    %sub3A_444 = arith.subf %dot_general3A_222, %max3A_435 : vector<640x1xf32>
    %exp3A_445 = math.exp %sub3A_444 : vector<640x1xf32>
    %sub3A_446 = arith.subf %dot_general3A_251, %max3A_435 : vector<640x1xf32>
    %exp3A_447 = math.exp %sub3A_446 : vector<640x1xf32>
    %sub3A_448 = arith.subf %dot_general3A_280, %max3A_435 : vector<640x1xf32>
    %exp3A_449 = math.exp %sub3A_448 : vector<640x1xf32>
    %sub3A_450 = arith.subf %dot_general3A_309, %max3A_435 : vector<640x1xf32>
    %exp3A_451 = math.exp %sub3A_450 : vector<640x1xf32>
    %sub3A_452 = arith.subf %dot_general3A_338, %max3A_435 : vector<640x1xf32>
    %exp3A_453 = math.exp %sub3A_452 : vector<640x1xf32>
    %sub3A_454 = arith.subf %dot_general3A_367, %max3A_435 : vector<640x1xf32>
    %exp3A_455 = math.exp %sub3A_454 : vector<640x1xf32>
    %sub3A_456 = arith.subf %dot_general3A_396, %max3A_435 : vector<640x1xf32>
    %exp3A_457 = math.exp %sub3A_456 : vector<640x1xf32>
    %sub3A_458 = arith.subf %dot_general3A_425, %max3A_435 : vector<640x1xf32>
    %exp3A_459 = math.exp %sub3A_458 : vector<640x1xf32>
    %add3A_460 = arith.addf %exp3A_437, %exp3A_439 : vector<640x1xf32>
    %add3A_461 = arith.addf %add3A_460, %exp3A_441 : vector<640x1xf32>
    %add3A_462 = arith.addf %add3A_461, %exp3A_443 : vector<640x1xf32>
    %add3A_463 = arith.addf %add3A_462, %exp3A_445 : vector<640x1xf32>
    %add3A_464 = arith.addf %add3A_463, %exp3A_447 : vector<640x1xf32>
    %add3A_465 = arith.addf %add3A_464, %exp3A_449 : vector<640x1xf32>
    %add3A_466 = arith.addf %add3A_465, %exp3A_451 : vector<640x1xf32>
    %add3A_467 = arith.addf %add3A_466, %exp3A_453 : vector<640x1xf32>
    %add3A_468 = arith.addf %add3A_467, %exp3A_455 : vector<640x1xf32>
    %add3A_469 = arith.addf %add3A_468, %exp3A_457 : vector<640x1xf32>
    %add3A_470 = arith.addf %add3A_469, %exp3A_459 : vector<640x1xf32>
    %div3A_471 = arith.constant 1.000000e+00 : f32
    %div3A_472 = vector.broadcast %div3A_471 : f32 to vector<640x1xf32>
    %div3A_473 = arith.divf %div3A_472, %add3A_470 : vector<640x1xf32>
    %mul3A_474 = arith.mulf %exp3A_437, %div3A_473 : vector<640x1xf32>
    %mul3A_475 = vector.broadcast %mul3A_474 : vector<640x1xf32> to vector<640x128xf32>
    %mul3A_476 = arith.mulf %mul3A_475, %get3A_84 : vector<640x128xf32>
    %mul3A_477 = arith.mulf %exp3A_439, %div3A_473 : vector<640x1xf32>
    %mul3A_478 = vector.broadcast %mul3A_477 : vector<640x1xf32> to vector<640x128xf32>
    %mul3A_479 = arith.mulf %mul3A_478, %get3A_111 : vector<640x128xf32>
    %add3A_480 = arith.addf %mul3A_476, %mul3A_479 : vector<640x128xf32>
    %mul3A_481 = arith.mulf %exp3A_441, %div3A_473 : vector<640x1xf32>
    %mul3A_482 = vector.broadcast %mul3A_481 : vector<640x1xf32> to vector<640x128xf32>
    %mul3A_483 = arith.mulf %mul3A_482, %get3A_140 : vector<640x128xf32>
    %add3A_484 = arith.addf %add3A_480, %mul3A_483 : vector<640x128xf32>
    %mul3A_485 = arith.mulf %exp3A_443, %div3A_473 : vector<640x1xf32>
    %mul3A_486 = vector.broadcast %mul3A_485 : vector<640x1xf32> to vector<640x128xf32>
    %mul3A_487 = arith.mulf %mul3A_486, %get3A_169 : vector<640x128xf32>
    %add3A_488 = arith.addf %add3A_484, %mul3A_487 : vector<640x128xf32>
    %mul3A_489 = arith.mulf %exp3A_445, %div3A_473 : vector<640x1xf32>
    %mul3A_490 = vector.broadcast %mul3A_489 : vector<640x1xf32> to vector<640x128xf32>
    %mul3A_491 = arith.mulf %mul3A_490, %get3A_198 : vector<640x128xf32>
    %add3A_492 = arith.addf %add3A_488, %mul3A_491 : vector<640x128xf32>
    %mul3A_493 = arith.mulf %exp3A_447, %div3A_473 : vector<640x1xf32>
    %mul3A_494 = vector.broadcast %mul3A_493 : vector<640x1xf32> to vector<640x128xf32>
    %mul3A_495 = arith.mulf %mul3A_494, %get3A_227 : vector<640x128xf32>
    %add3A_496 = arith.addf %add3A_492, %mul3A_495 : vector<640x128xf32>
    %mul3A_497 = arith.mulf %exp3A_449, %div3A_473 : vector<640x1xf32>
    %mul3A_498 = vector.broadcast %mul3A_497 : vector<640x1xf32> to vector<640x128xf32>
    %mul3A_499 = arith.mulf %mul3A_498, %get3A_256 : vector<640x128xf32>
    %add3A_500 = arith.addf %add3A_496, %mul3A_499 : vector<640x128xf32>
    %mul3A_501 = arith.mulf %exp3A_451, %div3A_473 : vector<640x1xf32>
    %mul3A_502 = vector.broadcast %mul3A_501 : vector<640x1xf32> to vector<640x128xf32>
    %mul3A_503 = arith.mulf %mul3A_502, %get3A_285 : vector<640x128xf32>
    %add3A_504 = arith.addf %add3A_500, %mul3A_503 : vector<640x128xf32>
    %mul3A_505 = arith.mulf %exp3A_453, %div3A_473 : vector<640x1xf32>
    %mul3A_506 = vector.broadcast %mul3A_505 : vector<640x1xf32> to vector<640x128xf32>
    %mul3A_507 = arith.mulf %mul3A_506, %get3A_314 : vector<640x128xf32>
    %add3A_508 = arith.addf %add3A_504, %mul3A_507 : vector<640x128xf32>
    %mul3A_509 = arith.mulf %exp3A_455, %div3A_473 : vector<640x1xf32>
    %mul3A_510 = vector.broadcast %mul3A_509 : vector<640x1xf32> to vector<640x128xf32>
    %mul3A_511 = arith.mulf %mul3A_510, %get3A_343 : vector<640x128xf32>
    %add3A_512 = arith.addf %add3A_508, %mul3A_511 : vector<640x128xf32>
    %mul3A_513 = arith.mulf %exp3A_457, %div3A_473 : vector<640x1xf32>
    %mul3A_514 = vector.broadcast %mul3A_513 : vector<640x1xf32> to vector<640x128xf32>
    %mul3A_515 = arith.mulf %mul3A_514, %get3A_372 : vector<640x128xf32>
    %add3A_516 = arith.addf %add3A_512, %mul3A_515 : vector<640x128xf32>
    %mul3A_517 = arith.mulf %exp3A_459, %div3A_473 : vector<640x1xf32>
    %mul3A_518 = vector.broadcast %mul3A_517 : vector<640x1xf32> to vector<640x128xf32>
    %mul3A_519 = arith.mulf %mul3A_518, %get3A_401 : vector<640x128xf32>
    %add3A_520 = arith.addf %add3A_516, %mul3A_519 : vector<640x128xf32>
    %concatenate3A = tpu.concatenate %get3A_1, %add3A_520 in 1 : vector<640x128xf32>, vector<640x128xf32> -> vector<640x256xf32>
    %get3A_521 = arith.constant 0 : index
    %get3A_522 = arith.constant 0 : index
    %get3A_523 = vector.load %arg11[%get3A_521, %get3A_522] : memref<256x128xf32, #tpu.memory_space<vmem>>, vector<256x128xf32>
    %dot_general3A_524 = arith.constant dense<0.000000e+00> : vector<640x128xf32>
    %dot_general3A_525 = tpu.matmul %concatenate3A, %get3A_523, %dot_general3A_524 {dimension_numbers = #tpu.dot_dimension_numbers<[1], [0], [0], [1], [0, 0, 1, 1], [], []>, transpose_lhs_hint = false} : vector<640x256xf32>, vector<256x128xf32>, vector<640x128xf32> -> vector<640x128xf32>
    %max3A_526 = arith.constant 0.000000e+00 : f32
    %max3A_527 = vector.broadcast %max3A_526 : f32 to vector<640x128xf32>
    %max3A_528 = arith.maximumf %dot_general3A_525, %max3A_527 : vector<640x128xf32>
    %reshape3A_529 = vector.shape_cast %max3A_528 : vector<640x128xf32> to vector<32x20x128xf32>
    %add3A_530 = arith.addf %dot_general3A_52, %reshape3A_529 : vector<32x20x128xf32>
    %swap3A = arith.constant 0 : index
    %swap3A_531 = arith.constant 0 : index
    %swap3A_532 = arith.constant 0 : index
    %swap3A_533 = vector.load %arg13[%swap3A, %swap3A_531, %swap3A_532] : memref<32x20x128xf32, #tpu.memory_space<vmem>>, vector<32x20x128xf32>
    tpu.vector_store %arg13[%swap3A, %swap3A_531, %swap3A_532], %add3A_530 {strides = array<i32>} : memref<32x20x128xf32, #tpu.memory_space<vmem>>, vector<32x20x128xf32>,
    return
  }
  func.func @transform_0(%arg0: i32) -> (i32, i32) {
    %c0_i32 = arith.constant 0 : i32
    %c0_i32_0 = arith.constant 0 : i32
    return %arg0, %c0_i32 : i32, i32
  }
  func.func @transform_1(%arg0: i32) -> (i32, i32) {
    %c0_i32 = arith.constant 0 : i32
    %c0_i32_0 = arith.constant 0 : i32
    return %arg0, %c0_i32 : i32, i32
  }
  func.func @transform_2(%arg0: i32) -> (i32, i32, i32) {
    %c0_i32 = arith.constant 0 : i32
    %c0_i32_0 = arith.constant 0 : i32
    %c0_i32_1 = arith.constant 0 : i32
    return %arg0, %c0_i32, %c0_i32_0 : i32, i32, i32
  }
  func.func @transform_3(%arg0: i32) -> (i32, i32) {
    %c0_i32 = arith.constant 0 : i32
    %c0_i32_0 = arith.constant 0 : i32
    return %arg0, %c0_i32 : i32, i32
  }
  func.func @transform_4(%arg0: i32) -> (i32, i32, i32) {
    %add3A = arith.constant 8 : i32
    %add3A_0 = arith.addi %arg0, %add3A : i32
    %c0_i32 = arith.constant 0 : i32
    %c0_i32_1 = arith.constant 0 : i32
    %c0_i32_2 = arith.constant 0 : i32
    return %add3A_0, %c0_i32, %c0_i32_1 : i32, i32, i32
  }
  func.func @transform_5(%arg0: i32) -> (i32, i32) {
    %add3A = arith.constant 8 : i32
    %add3A_0 = arith.addi %arg0, %add3A : i32
    %c0_i32 = arith.constant 0 : i32
    %c0_i32_1 = arith.constant 0 : i32
    return %add3A_0, %c0_i32 : i32, i32
  }
  func.func @transform_6(%arg0: i32) -> (i32, i32) {
    %c0_i32 = arith.constant 0 : i32
    %c0_i32_0 = arith.constant 0 : i32
    %c0_i32_1 = arith.constant 0 : i32
    return %c0_i32, %c0_i32_0 : i32, i32
  }
  func.func @transform_7(%arg0: i32) -> (i32, i32) {
    %c0_i32 = arith.constant 0 : i32
    %c0_i32_0 = arith.constant 0 : i32
    %c0_i32_1 = arith.constant 0 : i32
    return %c0_i32, %c0_i32_0 : i32, i32
  }
  func.func @transform_8(%arg0: i32) -> (i32, i32) {
    %c0_i32 = arith.constant 0 : i32
    %c0_i32_0 = arith.constant 0 : i32
    %c0_i32_1 = arith.constant 0 : i32
    return %c0_i32, %c0_i32_0 : i32, i32
  }
  func.func @transform_9(%arg0: i32) -> (i32, i32) {
    %c0_i32 = arith.constant 0 : i32
    %c0_i32_0 = arith.constant 0 : i32
    %c0_i32_1 = arith.constant 0 : i32
    return %c0_i32, %c0_i32_0 : i32, i32
  }
  func.func @transform_10(%arg0: i32) -> (i32, i32) {
    %c0_i32 = arith.constant 0 : i32
    %c0_i32_0 = arith.constant 0 : i32
    %c0_i32_1 = arith.constant 0 : i32
    return %c0_i32, %c0_i32_0 : i32, i32
  }
  func.func @transform_12(%arg0: i32) -> (i32, i32, i32) {
    %add3A = arith.constant 8 : i32
    %add3A_0 = arith.addi %arg0, %add3A : i32
    %c0_i32 = arith.constant 0 : i32
    %c0_i32_1 = arith.constant 0 : i32
    %c0_i32_2 = arith.constant 0 : i32
    return %add3A_0, %c0_i32, %c0_i32_1 : i32, i32, i32
  }
}

module attributes {stable_mosaic.version = 14 : i64} {
  func.func @_tc_body(%arg0: i32, %arg1: memref<640x128xf32, #tpu.memory_space<vmem>>, %arg2: memref<640x128xf32, #tpu.memory_space<vmem>>, %arg3: memref<640x12x128xf32, #tpu.memory_space<vmem>>, %arg4: memref<640x128xi32, #tpu.memory_space<vmem>>, %arg5: memref<32x20x20xi32, #tpu.memory_space<vmem>>, %arg6: memref<32x20xi32, #tpu.memory_space<vmem>>, %arg7: memref<4x128xf32, #tpu.memory_space<vmem>>, %arg8: memref<128x128xf32, #tpu.memory_space<vmem>>, %arg9: memref<1x128xf32, #tpu.memory_space<vmem>>, %arg10: memref<128x1xf32, #tpu.memory_space<vmem>>, %arg11: memref<256x128xf32, #tpu.memory_space<vmem>>, %arg12: memref<1024x20x128xf32, #tpu.memory_space<any>>, %arg13: memref<32x20x128xf32, #tpu.memory_space<vmem>>) attributes {dimension_semantics = [#tpu.dimension_semantics<arbitrary>], iteration_bounds = array<i64: 8>, scalar_prefetch = 0 : i64, scratch_operands = 0 : i64, tpu.core_type = #tpu.core_type<tc>, window_params = [{transform_indices = @transform_0, window_bounds = array<i64: 640, 128>}, {transform_indices = @transform_1, window_bounds = array<i64: 640, 128>}, {transform_indices = @transform_2, window_bounds = array<i64: 640, 12, 128>}, {transform_indices = @transform_3, window_bounds = array<i64: 640, 128>}, {transform_indices = @transform_4, window_bounds = array<i64: 32, 20, 20>}, {transform_indices = @transform_5, window_bounds = array<i64: 32, 20>}, {pipeline_mode = #tpu.pipeline_mode<synchronous>, transform_indices = @transform_6, window_bounds = array<i64: 4, 128>}, {pipeline_mode = #tpu.pipeline_mode<synchronous>, transform_indices = @transform_7, window_bounds = array<i64: 128, 128>}, {pipeline_mode = #tpu.pipeline_mode<synchronous>, transform_indices = @transform_8, window_bounds = array<i64: 1, 128>}, {pipeline_mode = #tpu.pipeline_mode<synchronous>, transform_indices = @transform_9, window_bounds = array<i64: 128, 1>}, {pipeline_mode = #tpu.pipeline_mode<synchronous>, transform_indices = @transform_10, window_bounds = array<i64: 256, 128>}, {}, {transform_indices = @transform_12, window_bounds = array<i64: 32, 20, 128>}]} {
    %get3A = arith.constant 0 : index
    %get3A_0 = arith.constant 0 : index
    %get3A_1 = vector.load %arg1[%get3A, %get3A_0] : memref<640x128xf32, #tpu.memory_space<vmem>>, vector<640x128xf32>
    %reshape3A = vector.shape_cast %get3A_1 : vector<640x128xf32> to vector<32x20x128xf32>
    %get3A_2 = arith.constant 0 : index
    %get3A_3 = arith.constant 0 : index
    %get3A_4 = vector.load %arg7[%get3A_2, %get3A_3] : memref<4x128xf32, #tpu.memory_space<vmem>>, vector<4x128xf32>
    %broadcast_in_dim3A = vector.shape_cast %reshape3A : vector<32x20x128xf32> to vector<32x20x1x128xf32>
    %broadcast_in_dim3A_5 = vector.shape_cast %get3A_4 : vector<4x128xf32> to vector<1x1x4x128xf32>
    %mul3A = vector.broadcast %broadcast_in_dim3A : vector<32x20x1x128xf32> to vector<32x20x4x128xf32>
    %mul3A_6 = vector.broadcast %broadcast_in_dim3A_5 : vector<1x1x4x128xf32> to vector<32x20x4x128xf32>
    %mul3A_7 = arith.mulf %mul3A, %mul3A_6 : vector<32x20x4x128xf32>
    %reshape3A_8 = vector.shape_cast %mul3A_7 : vector<32x20x4x128xf32> to vector<32x80x128xf32>
    %dot_general3A = arith.constant dense<0.000000e+00> : vector<32x80x20xf32>
    %dot_general3A_9 = tpu.matmul %reshape3A_8, %reshape3A, %dot_general3A {dimension_numbers = #tpu.dot_dimension_numbers<[2], [2], [1], [1], [0, 0, 0, 1, 1, 1], [0], [0]>, transpose_lhs_hint = false} : vector<32x80x128xf32>, vector<32x20x128xf32>, vector<32x80x20xf32> -> vector<32x80x20xf32>
    %ge3A = arith.constant 0.000000e+00 : f32
    %ge3A_10 = vector.broadcast %ge3A : f32 to vector<32x80x20xf32>
    %ge3A_11 = arith.cmpf oge, %dot_general3A_9, %ge3A_10 : vector<32x80x20xf32>
    %mul3A_12 = arith.constant 2.000000e-01 : f32
    %mul3A_13 = vector.broadcast %mul3A_12 : f32 to vector<32x80x20xf32>
    %mul3A_14 = arith.mulf %mul3A_13, %dot_general3A_9 : vector<32x80x20xf32>
    %select_n3A = arith.select %ge3A_11, %dot_general3A_9, %mul3A_14 : vector<32x80x20xi1>, vector<32x80x20xf32>
    %reshape3A_15 = vector.shape_cast %select_n3A : vector<32x80x20xf32> to vector<32x20x4x20xf32>
    %get3A_16 = arith.constant 0 : index
    %get3A_17 = arith.constant 0 : index
    %get3A_18 = arith.constant 0 : index
    %get3A_19 = vector.load %arg5[%get3A_16, %get3A_17, %get3A_18] : memref<32x20x20xi32, #tpu.memory_space<vmem>>, vector<32x20x20xi32>
    %eq3A = arith.constant 1 : i32
    %eq3A_20 = vector.broadcast %eq3A : i32 to vector<32x20x20xi32>
    %eq3A_21 = arith.cmpi eq, %get3A_19, %eq3A_20 : vector<32x20x20xi32>
    %slice3A = vector.extract_strided_slice %reshape3A_15 {offsets = [0, 0, 0, 0], sizes = [32, 20, 1, 20], strides = [1, 1, 1, 1]} : vector<32x20x4x20xf32> to vector<32x20x1x20xf32>
    %squeeze3A = vector.shape_cast %slice3A : vector<32x20x1x20xf32> to vector<32x20x20xf32>
    %jit3A = arith.constant -9.000000e+15 : f32
    %broadcast_in_dim3A_22 = vector.broadcast %jit3A : f32 to vector<32x20x20xf32>
    %select_n3A_23 = arith.select %eq3A_21, %squeeze3A, %broadcast_in_dim3A_22 : vector<32x20x20xi1>, vector<32x20x20xf32>
    %eq3A_24 = arith.constant 2 : i32
    %eq3A_25 = vector.broadcast %eq3A_24 : i32 to vector<32x20x20xi32>
    %eq3A_26 = arith.cmpi eq, %get3A_19, %eq3A_25 : vector<32x20x20xi32>
    %slice3A_27 = vector.extract_strided_slice %reshape3A_15 {offsets = [0, 0, 1, 0], sizes = [32, 20, 1, 20], strides = [1, 1, 1, 1]} : vector<32x20x4x20xf32> to vector<32x20x1x20xf32>
    %squeeze3A_28 = vector.shape_cast %slice3A_27 : vector<32x20x1x20xf32> to vector<32x20x20xf32>
    %select_n3A_29 = arith.select %eq3A_26, %squeeze3A_28, %select_n3A_23 : vector<32x20x20xi1>, vector<32x20x20xf32>
    %eq3A_30 = arith.constant 3 : i32
    %eq3A_31 = vector.broadcast %eq3A_30 : i32 to vector<32x20x20xi32>
    %eq3A_32 = arith.cmpi eq, %get3A_19, %eq3A_31 : vector<32x20x20xi32>
    %slice3A_33 = vector.extract_strided_slice %reshape3A_15 {offsets = [0, 0, 2, 0], sizes = [32, 20, 1, 20], strides = [1, 1, 1, 1]} : vector<32x20x4x20xf32> to vector<32x20x1x20xf32>
    %squeeze3A_34 = vector.shape_cast %slice3A_33 : vector<32x20x1x20xf32> to vector<32x20x20xf32>
    %select_n3A_35 = arith.select %eq3A_32, %squeeze3A_34, %select_n3A_29 : vector<32x20x20xi1>, vector<32x20x20xf32>
    %eq3A_36 = arith.constant 4 : i32
    %eq3A_37 = vector.broadcast %eq3A_36 : i32 to vector<32x20x20xi32>
    %eq3A_38 = arith.cmpi eq, %get3A_19, %eq3A_37 : vector<32x20x20xi32>
    %slice3A_39 = vector.extract_strided_slice %reshape3A_15 {offsets = [0, 0, 3, 0], sizes = [32, 20, 1, 20], strides = [1, 1, 1, 1]} : vector<32x20x4x20xf32> to vector<32x20x1x20xf32>
    %squeeze3A_40 = vector.shape_cast %slice3A_39 : vector<32x20x1x20xf32> to vector<32x20x20xf32>
    %select_n3A_41 = arith.select %eq3A_38, %squeeze3A_40, %select_n3A_35 : vector<32x20x20xi1>, vector<32x20x20xf32>
    %reduce_max3A = arith.constant dense<0xFF800000> : vector<32x20xf32>
    %reduce_max3A_42 = vector.multi_reduction <maximumf>, %select_n3A_41, %reduce_max3A [2] : vector<32x20x20xf32> to vector<32x20xf32>
    %broadcast_in_dim3A_43 = vector.shape_cast %reduce_max3A_42 : vector<32x20xf32> to vector<32x20x1xf32>
    %sub3A = vector.broadcast %broadcast_in_dim3A_43 : vector<32x20x1xf32> to vector<32x20x20xf32>
    %sub3A_44 = arith.subf %select_n3A_41, %sub3A : vector<32x20x20xf32>
    %exp3A = math.exp %sub3A_44 : vector<32x20x20xf32>
    %reduce_sum3A = arith.constant dense<0.000000e+00> : vector<32x20xf32>
    %reduce_sum3A_45 = vector.multi_reduction <add>, %exp3A, %reduce_sum3A [2] : vector<32x20x20xf32> to vector<32x20xf32>
    %broadcast_in_dim3A_46 = vector.shape_cast %reduce_sum3A_45 : vector<32x20xf32> to vector<32x20x1xf32>
    %div3A = arith.constant 1.000000e+00 : f32
    %div3A_47 = vector.broadcast %div3A : f32 to vector<32x20x1xf32>
    %div3A_48 = arith.divf %div3A_47, %broadcast_in_dim3A_46 : vector<32x20x1xf32>
    %mul3A_49 = vector.broadcast %div3A_48 : vector<32x20x1xf32> to vector<32x20x20xf32>
    %mul3A_50 = arith.mulf %exp3A, %mul3A_49 : vector<32x20x20xf32>
    %dot_general3A_51 = arith.constant dense<0.000000e+00> : vector<32x20x128xf32>
    %dot_general3A_52 = tpu.matmul %mul3A_50, %reshape3A, %dot_general3A_51 {dimension_numbers = #tpu.dot_dimension_numbers<[2], [1], [1], [2], [0, 0, 0, 1, 1, 2], [0], [0]>, transpose_lhs_hint = false} : vector<32x20x20xf32>, vector<32x20x128xf32>, vector<32x20x128xf32> -> vector<32x20x128xf32>
    %get3A_53 = arith.constant 0 : index
    %get3A_54 = arith.constant 0 : index
    %get3A_55 = vector.load %arg6[%get3A_53, %get3A_54] : memref<32x20xi32, #tpu.memory_space<vmem>>, vector<32x20xi32>
    %convert_element_type3A = arith.sitofp %get3A_55 : vector<32x20xi32> to vector<32x20xf32>
    %get3A_56 = arith.constant 0 : index
    %get3A_57 = arith.constant 0 : index
    %get3A_58 = vector.load %arg2[%get3A_56, %get3A_57] : memref<640x128xf32, #tpu.memory_space<vmem>>, vector<640x128xf32>
    %reshape3A_59 = vector.shape_cast %get3A_58 : vector<640x128xf32> to vector<32x20x128xf32>
    %broadcast_in_dim3A_60 = vector.shape_cast %convert_element_type3A : vector<32x20xf32> to vector<32x20x1xf32>
    %mul3A_61 = vector.broadcast %broadcast_in_dim3A_60 : vector<32x20x1xf32> to vector<32x20x128xf32>
    %mul3A_62 = arith.mulf %reshape3A_59, %mul3A_61 : vector<32x20x128xf32>
    %reduce_sum3A_63 = arith.constant dense<0.000000e+00> : vector<32x128xf32>
    %reduce_sum3A_64 = vector.multi_reduction <add>, %mul3A_62, %reduce_sum3A_63 [1] : vector<32x20x128xf32> to vector<32x128xf32>
    %reduce_sum3A_65 = arith.constant dense<0.000000e+00> : vector<32xf32>
    %reduce_sum3A_66 = vector.multi_reduction <add>, %convert_element_type3A, %reduce_sum3A_65 [1] : vector<32x20xf32> to vector<32xf32>
    %broadcast_in_dim3A_67 = vector.shape_cast %reduce_sum3A_66 : vector<32xf32> to vector<32x1xf32>
    %div3A_68 = vector.broadcast %broadcast_in_dim3A_67 : vector<32x1xf32> to vector<32x128xf32>
    %div3A_69 = arith.divf %reduce_sum3A_64, %div3A_68 : vector<32x128xf32>
    %get3A_70 = arith.constant 0 : index
    %get3A_71 = arith.constant 0 : index
    %get3A_72 = vector.load %arg4[%get3A_70, %get3A_71] : memref<640x128xi32, #tpu.memory_space<vmem>>, vector<640x128xi32>
    %broadcast_in_dim3A_73 = vector.shape_cast %div3A_69 : vector<32x128xf32> to vector<32x1x128xf32>
    %broadcast_in_dim3A_74 = vector.shape_cast %broadcast_in_dim3A_73 : vector<32x1x128xf32> to vector<32x1x128xf32>
    %broadcast_in_dim3A_75 = vector.broadcast %broadcast_in_dim3A_74 : vector<32x1x128xf32> to vector<32x20x128xf32>
    %reshape3A_76 = vector.shape_cast %broadcast_in_dim3A_75 : vector<32x20x128xf32> to vector<640x128xf32>
    %get3A_77 = arith.constant 0 : index
    %get3A_78 = arith.constant 0 : index
    %get3A_79 = vector.load %arg9[%get3A_77, %get3A_78] : memref<1x128xf32, #tpu.memory_space<vmem>>, vector<1x128xf32>
    %get3A_80 = arith.constant 0 : index
    %get3A_81 = arith.constant 0 : index
    %get3A_82 = arith.constant 0 : index
    %get3A_83 = vector.load %arg3[%get3A_80, %get3A_81, %get3A_82] : memref<640x12x128xf32, #tpu.memory_space<vmem>>, vector<640x1x128xf32>
    %get3A_84 = vector.shape_cast %get3A_83 : vector<640x1x128xf32> to vector<640x128xf32>
    %slice3A_85 = vector.extract_strided_slice %get3A_72 {offsets = [0, 12], sizes = [640, 1], strides = [1, 1]} : vector<640x128xi32> to vector<640x1xi32>
    %bitcast_convert_type3A = tpu.bitcast %slice3A_85 : vector<640x1xi32> -> vector<640x1xf32>
    %mul3A_86 = arith.mulf %reshape3A_76, %get3A_84 : vector<640x128xf32>
    %get3A_87 = arith.constant 0 : index
    %get3A_88 = arith.constant 0 : index
    %get3A_89 = vector.load %arg8[%get3A_87, %get3A_88] : memref<128x128xf32, #tpu.memory_space<vmem>>, vector<128x128xf32>
    %dot_general3A_90 = arith.constant dense<0.000000e+00> : vector<640x128xf32>
    %dot_general3A_91 = tpu.matmul %mul3A_86, %get3A_89, %dot_general3A_90 {dimension_numbers = #tpu.dot_dimension_numbers<[1], [0], [0], [1], [0, 0, 1, 1], [], []>, transpose_lhs_hint = false} : vector<640x128xf32>, vector<128x128xf32>, vector<640x128xf32> -> vector<640x128xf32>
    %mul3A_92 = vector.broadcast %bitcast_convert_type3A : vector<640x1xf32> to vector<640x128xf32>
    %mul3A_93 = vector.broadcast %get3A_79 : vector<1x128xf32> to vector<640x128xf32>
    %mul3A_94 = arith.mulf %mul3A_92, %mul3A_93 : vector<640x128xf32>
    %add3A = arith.addf %dot_general3A_91, %mul3A_94 : vector<640x128xf32>
    %ge3A_95 = arith.constant 0.000000e+00 : f32
    %ge3A_96 = vector.broadcast %ge3A_95 : f32 to vector<640x128xf32>
    %ge3A_97 = arith.cmpf oge, %add3A, %ge3A_96 : vector<640x128xf32>
    %mul3A_98 = arith.constant 2.000000e-01 : f32
    %mul3A_99 = vector.broadcast %mul3A_98 : f32 to vector<640x128xf32>
    %mul3A_100 = arith.mulf %mul3A_99, %add3A : vector<640x128xf32>
    %select_n3A_101 = arith.select %ge3A_97, %add3A, %mul3A_100 : vector<640x128xi1>, vector<640x128xf32>
    %get3A_102 = arith.constant 0 : index
    %get3A_103 = arith.constant 0 : index
    %get3A_104 = vector.load %arg10[%get3A_102, %get3A_103] : memref<128x1xf32, #tpu.memory_space<vmem>>, vector<128x1xf32>
    %dot_general3A_105 = arith.constant dense<0.000000e+00> : vector<640x1xf32>
    %dot_general3A_106 = tpu.matmul %select_n3A_101, %get3A_104, %dot_general3A_105 {dimension_numbers = #tpu.dot_dimension_numbers<[1], [0], [0], [1], [0, 0, 1, 1], [], []>, transpose_lhs_hint = false} : vector<640x128xf32>, vector<128x1xf32>, vector<640x1xf32> -> vector<640x1xf32>
    %get3A_107 = arith.constant 0 : index
    %get3A_108 = arith.constant 1 : index
    %get3A_109 = arith.constant 0 : index
    %get3A_110 = vector.load %arg3[%get3A_107, %get3A_108, %get3A_109] : memref<640x12x128xf32, #tpu.memory_space<vmem>>, vector<640x1x128xf32>
    %get3A_111 = vector.shape_cast %get3A_110 : vector<640x1x128xf32> to vector<640x128xf32>
    %slice3A_112 = vector.extract_strided_slice %get3A_72 {offsets = [0, 13], sizes = [640, 1], strides = [1, 1]} : vector<640x128xi32> to vector<640x1xi32>
    %bitcast_convert_type3A_113 = tpu.bitcast %slice3A_112 : vector<640x1xi32> -> vector<640x1xf32>
    %mul3A_114 = arith.mulf %reshape3A_76, %get3A_111 : vector<640x128xf32>
    %get3A_115 = arith.constant 0 : index
    %get3A_116 = arith.constant 0 : index
    %get3A_117 = vector.load %arg8[%get3A_115, %get3A_116] : memref<128x128xf32, #tpu.memory_space<vmem>>, vector<128x128xf32>
    %dot_general3A_118 = arith.constant dense<0.000000e+00> : vector<640x128xf32>
    %dot_general3A_119 = tpu.matmul %mul3A_114, %get3A_117, %dot_general3A_118 {dimension_numbers = #tpu.dot_dimension_numbers<[1], [0], [0], [1], [0, 0, 1, 1], [], []>, transpose_lhs_hint = false} : vector<640x128xf32>, vector<128x128xf32>, vector<640x128xf32> -> vector<640x128xf32>
    %mul3A_120 = vector.broadcast %bitcast_convert_type3A_113 : vector<640x1xf32> to vector<640x128xf32>
    %mul3A_121 = vector.broadcast %get3A_79 : vector<1x128xf32> to vector<640x128xf32>
    %mul3A_122 = arith.mulf %mul3A_120, %mul3A_121 : vector<640x128xf32>
    %add3A_123 = arith.addf %dot_general3A_119, %mul3A_122 : vector<640x128xf32>
    %ge3A_124 = arith.constant 0.000000e+00 : f32
    %ge3A_125 = vector.broadcast %ge3A_124 : f32 to vector<640x128xf32>
    %ge3A_126 = arith.cmpf oge, %add3A_123, %ge3A_125 : vector<640x128xf32>
    %mul3A_127 = arith.constant 2.000000e-01 : f32
    %mul3A_128 = vector.broadcast %mul3A_127 : f32 to vector<640x128xf32>
    %mul3A_129 = arith.mulf %mul3A_128, %add3A_123 : vector<640x128xf32>
    %select_n3A_130 = arith.select %ge3A_126, %add3A_123, %mul3A_129 : vector<640x128xi1>, vector<640x128xf32>
    %get3A_131 = arith.constant 0 : index
    %get3A_132 = arith.constant 0 : index
    %get3A_133 = vector.load %arg10[%get3A_131, %get3A_132] : memref<128x1xf32, #tpu.memory_space<vmem>>, vector<128x1xf32>
    %dot_general3A_134 = arith.constant dense<0.000000e+00> : vector<640x1xf32>
    %dot_general3A_135 = tpu.matmul %select_n3A_130, %get3A_133, %dot_general3A_134 {dimension_numbers = #tpu.dot_dimension_numbers<[1], [0], [0], [1], [0, 0, 1, 1], [], []>, transpose_lhs_hint = false} : vector<640x128xf32>, vector<128x1xf32>, vector<640x1xf32> -> vector<640x1xf32>
    %get3A_136 = arith.constant 0 : index
    %get3A_137 = arith.constant 2 : index
    %get3A_138 = arith.constant 0 : index
    %get3A_139 = vector.load %arg3[%get3A_136, %get3A_137, %get3A_138] : memref<640x12x128xf32, #tpu.memory_space<vmem>>, vector<640x1x128xf32>
    %get3A_140 = vector.shape_cast %get3A_139 : vector<640x1x128xf32> to vector<640x128xf32>
    %slice3A_141 = vector.extract_strided_slice %get3A_72 {offsets = [0, 14], sizes = [640, 1], strides = [1, 1]} : vector<640x128xi32> to vector<640x1xi32>
    %bitcast_convert_type3A_142 = tpu.bitcast %slice3A_141 : vector<640x1xi32> -> vector<640x1xf32>
    %mul3A_143 = arith.mulf %reshape3A_76, %get3A_140 : vector<640x128xf32>
    %get3A_144 = arith.constant 0 : index
    %get3A_145 = arith.constant 0 : index
    %get3A_146 = vector.load %arg8[%get3A_144, %get3A_145] : memref<128x128xf32, #tpu.memory_space<vmem>>, vector<128x128xf32>
    %dot_general3A_147 = arith.constant dense<0.000000e+00> : vector<640x128xf32>
    %dot_general3A_148 = tpu.matmul %mul3A_143, %get3A_146, %dot_general3A_147 {dimension_numbers = #tpu.dot_dimension_numbers<[1], [0], [0], [1], [0, 0, 1, 1], [], []>, transpose_lhs_hint = false} : vector<640x128xf32>, vector<128x128xf32>, vector<640x128xf32> -> vector<640x128xf32>
    %mul3A_149 = vector.broadcast %bitcast_convert_type3A_142 : vector<640x1xf32> to vector<640x128xf32>
    %mul3A_150 = vector.broadcast %get3A_79 : vector<1x128xf32> to vector<640x128xf32>
    %mul3A_151 = arith.mulf %mul3A_149, %mul3A_150 : vector<640x128xf32>
    %add3A_152 = arith.addf %dot_general3A_148, %mul3A_151 : vector<640x128xf32>
    %ge3A_153 = arith.constant 0.000000e+00 : f32
    %ge3A_154 = vector.broadcast %ge3A_153 : f32 to vector<640x128xf32>
    %ge3A_155 = arith.cmpf oge, %add3A_152, %ge3A_154 : vector<640x128xf32>
    %mul3A_156 = arith.constant 2.000000e-01 : f32
    %mul3A_157 = vector.broadcast %mul3A_156 : f32 to vector<640x128xf32>
    %mul3A_158 = arith.mulf %mul3A_157, %add3A_152 : vector<640x128xf32>
    %select_n3A_159 = arith.select %ge3A_155, %add3A_152, %mul3A_158 : vector<640x128xi1>, vector<640x128xf32>
    %get3A_160 = arith.constant 0 : index
    %get3A_161 = arith.constant 0 : index
    %get3A_162 = vector.load %arg10[%get3A_160, %get3A_161] : memref<128x1xf32, #tpu.memory_space<vmem>>, vector<128x1xf32>
    %dot_general3A_163 = arith.constant dense<0.000000e+00> : vector<640x1xf32>
    %dot_general3A_164 = tpu.matmul %select_n3A_159, %get3A_162, %dot_general3A_163 {dimension_numbers = #tpu.dot_dimension_numbers<[1], [0], [0], [1], [0, 0, 1, 1], [], []>, transpose_lhs_hint = false} : vector<640x128xf32>, vector<128x1xf32>, vector<640x1xf32> -> vector<640x1xf32>
    %get3A_165 = arith.constant 0 : index
    %get3A_166 = arith.constant 3 : index
    %get3A_167 = arith.constant 0 : index
    %get3A_168 = vector.load %arg3[%get3A_165, %get3A_166, %get3A_167] : memref<640x12x128xf32, #tpu.memory_space<vmem>>, vector<640x1x128xf32>
    %get3A_169 = vector.shape_cast %get3A_168 : vector<640x1x128xf32> to vector<640x128xf32>
    %slice3A_170 = vector.extract_strided_slice %get3A_72 {offsets = [0, 15], sizes = [640, 1], strides = [1, 1]} : vector<640x128xi32> to vector<640x1xi32>
    %bitcast_convert_type3A_171 = tpu.bitcast %slice3A_170 : vector<640x1xi32> -> vector<640x1xf32>
    %mul3A_172 = arith.mulf %reshape3A_76, %get3A_169 : vector<640x128xf32>
    %get3A_173 = arith.constant 0 : index
    %get3A_174 = arith.constant 0 : index
    %get3A_175 = vector.load %arg8[%get3A_173, %get3A_174] : memref<128x128xf32, #tpu.memory_space<vmem>>, vector<128x128xf32>
    %dot_general3A_176 = arith.constant dense<0.000000e+00> : vector<640x128xf32>
    %dot_general3A_177 = tpu.matmul %mul3A_172, %get3A_175, %dot_general3A_176 {dimension_numbers = #tpu.dot_dimension_numbers<[1], [0], [0], [1], [0, 0, 1, 1], [], []>, transpose_lhs_hint = false} : vector<640x128xf32>, vector<128x128xf32>, vector<640x128xf32> -> vector<640x128xf32>
    %mul3A_178 = vector.broadcast %bitcast_convert_type3A_171 : vector<640x1xf32> to vector<640x128xf32>
    %mul3A_179 = vector.broadcast %get3A_79 : vector<1x128xf32> to vector<640x128xf32>
    %mul3A_180 = arith.mulf %mul3A_178, %mul3A_179 : vector<640x128xf32>
    %add3A_181 = arith.addf %dot_general3A_177, %mul3A_180 : vector<640x128xf32>
    %ge3A_182 = arith.constant 0.000000e+00 : f32
    %ge3A_183 = vector.broadcast %ge3A_182 : f32 to vector<640x128xf32>
    %ge3A_184 = arith.cmpf oge, %add3A_181, %ge3A_183 : vector<640x128xf32>
    %mul3A_185 = arith.constant 2.000000e-01 : f32
    %mul3A_186 = vector.broadcast %mul3A_185 : f32 to vector<640x128xf32>
    %mul3A_187 = arith.mulf %mul3A_186, %add3A_181 : vector<640x128xf32>
    %select_n3A_188 = arith.select %ge3A_184, %add3A_181, %mul3A_187 : vector<640x128xi1>, vector<640x128xf32>
    %get3A_189 = arith.constant 0 : index
    %get3A_190 = arith.constant 0 : index
    %get3A_191 = vector.load %arg10[%get3A_189, %get3A_190] : memref<128x1xf32, #tpu.memory_space<vmem>>, vector<128x1xf32>
    %dot_general3A_192 = arith.constant dense<0.000000e+00> : vector<640x1xf32>
    %dot_general3A_193 = tpu.matmul %select_n3A_188, %get3A_191, %dot_general3A_192 {dimension_numbers = #tpu.dot_dimension_numbers<[1], [0], [0], [1], [0, 0, 1, 1], [], []>, transpose_lhs_hint = false} : vector<640x128xf32>, vector<128x1xf32>, vector<640x1xf32> -> vector<640x1xf32>
    %get3A_194 = arith.constant 0 : index
    %get3A_195 = arith.constant 4 : index
    %get3A_196 = arith.constant 0 : index
    %get3A_197 = vector.load %arg3[%get3A_194, %get3A_195, %get3A_196] : memref<640x12x128xf32, #tpu.memory_space<vmem>>, vector<640x1x128xf32>
    %get3A_198 = vector.shape_cast %get3A_197 : vector<640x1x128xf32> to vector<640x128xf32>
    %slice3A_199 = vector.extract_strided_slice %get3A_72 {offsets = [0, 16], sizes = [640, 1], strides = [1, 1]} : vector<640x128xi32> to vector<640x1xi32>
    %bitcast_convert_type3A_200 = tpu.bitcast %slice3A_199 : vector<640x1xi32> -> vector<640x1xf32>
    %mul3A_201 = arith.mulf %reshape3A_76, %get3A_198 : vector<640x128xf32>
    %get3A_202 = arith.constant 0 : index
    %get3A_203 = arith.constant 0 : index
    %get3A_204 = vector.load %arg8[%get3A_202, %get3A_203] : memref<128x128xf32, #tpu.memory_space<vmem>>, vector<128x128xf32>
    %dot_general3A_205 = arith.constant dense<0.000000e+00> : vector<640x128xf32>
    %dot_general3A_206 = tpu.matmul %mul3A_201, %get3A_204, %dot_general3A_205 {dimension_numbers = #tpu.dot_dimension_numbers<[1], [0], [0], [1], [0, 0, 1, 1], [], []>, transpose_lhs_hint = false} : vector<640x128xf32>, vector<128x128xf32>, vector<640x128xf32> -> vector<640x128xf32>
    %mul3A_207 = vector.broadcast %bitcast_convert_type3A_200 : vector<640x1xf32> to vector<640x128xf32>
    %mul3A_208 = vector.broadcast %get3A_79 : vector<1x128xf32> to vector<640x128xf32>
    %mul3A_209 = arith.mulf %mul3A_207, %mul3A_208 : vector<640x128xf32>
    %add3A_210 = arith.addf %dot_general3A_206, %mul3A_209 : vector<640x128xf32>
    %ge3A_211 = arith.constant 0.000000e+00 : f32
    %ge3A_212 = vector.broadcast %ge3A_211 : f32 to vector<640x128xf32>
    %ge3A_213 = arith.cmpf oge, %add3A_210, %ge3A_212 : vector<640x128xf32>
    %mul3A_214 = arith.constant 2.000000e-01 : f32
    %mul3A_215 = vector.broadcast %mul3A_214 : f32 to vector<640x128xf32>
    %mul3A_216 = arith.mulf %mul3A_215, %add3A_210 : vector<640x128xf32>
    %select_n3A_217 = arith.select %ge3A_213, %add3A_210, %mul3A_216 : vector<640x128xi1>, vector<640x128xf32>
    %get3A_218 = arith.constant 0 : index
    %get3A_219 = arith.constant 0 : index
    %get3A_220 = vector.load %arg10[%get3A_218, %get3A_219] : memref<128x1xf32, #tpu.memory_space<vmem>>, vector<128x1xf32>
    %dot_general3A_221 = arith.constant dense<0.000000e+00> : vector<640x1xf32>
    %dot_general3A_222 = tpu.matmul %select_n3A_217, %get3A_220, %dot_general3A_221 {dimension_numbers = #tpu.dot_dimension_numbers<[1], [0], [0], [1], [0, 0, 1, 1], [], []>, transpose_lhs_hint = false} : vector<640x128xf32>, vector<128x1xf32>, vector<640x1xf32> -> vector<640x1xf32>
    %get3A_223 = arith.constant 0 : index
    %get3A_224 = arith.constant 5 : index
    %get3A_225 = arith.constant 0 : index
    %get3A_226 = vector.load %arg3[%get3A_223, %get3A_224, %get3A_225] : memref<640x12x128xf32, #tpu.memory_space<vmem>>, vector<640x1x128xf32>
    %get3A_227 = vector.shape_cast %get3A_226 : vector<640x1x128xf32> to vector<640x128xf32>
    %slice3A_228 = vector.extract_strided_slice %get3A_72 {offsets = [0, 17], sizes = [640, 1], strides = [1, 1]} : vector<640x128xi32> to vector<640x1xi32>
    %bitcast_convert_type3A_229 = tpu.bitcast %slice3A_228 : vector<640x1xi32> -> vector<640x1xf32>
    %mul3A_230 = arith.mulf %reshape3A_76, %get3A_227 : vector<640x128xf32>
    %get3A_231 = arith.constant 0 : index
    %get3A_232 = arith.constant 0 : index
    %get3A_233 = vector.load %arg8[%get3A_231, %get3A_232] : memref<128x128xf32, #tpu.memory_space<vmem>>, vector<128x128xf32>
    %dot_general3A_234 = arith.constant dense<0.000000e+00> : vector<640x128xf32>
    %dot_general3A_235 = tpu.matmul %mul3A_230, %get3A_233, %dot_general3A_234 {dimension_numbers = #tpu.dot_dimension_numbers<[1], [0], [0], [1], [0, 0, 1, 1], [], []>, transpose_lhs_hint = false} : vector<640x128xf32>, vector<128x128xf32>, vector<640x128xf32> -> vector<640x128xf32>
    %mul3A_236 = vector.broadcast %bitcast_convert_type3A_229 : vector<640x1xf32> to vector<640x128xf32>
    %mul3A_237 = vector.broadcast %get3A_79 : vector<1x128xf32> to vector<640x128xf32>
    %mul3A_238 = arith.mulf %mul3A_236, %mul3A_237 : vector<640x128xf32>
    %add3A_239 = arith.addf %dot_general3A_235, %mul3A_238 : vector<640x128xf32>
    %ge3A_240 = arith.constant 0.000000e+00 : f32
    %ge3A_241 = vector.broadcast %ge3A_240 : f32 to vector<640x128xf32>
    %ge3A_242 = arith.cmpf oge, %add3A_239, %ge3A_241 : vector<640x128xf32>
    %mul3A_243 = arith.constant 2.000000e-01 : f32
    %mul3A_244 = vector.broadcast %mul3A_243 : f32 to vector<640x128xf32>
    %mul3A_245 = arith.mulf %mul3A_244, %add3A_239 : vector<640x128xf32>
    %select_n3A_246 = arith.select %ge3A_242, %add3A_239, %mul3A_245 : vector<640x128xi1>, vector<640x128xf32>
    %get3A_247 = arith.constant 0 : index
    %get3A_248 = arith.constant 0 : index
    %get3A_249 = vector.load %arg10[%get3A_247, %get3A_248] : memref<128x1xf32, #tpu.memory_space<vmem>>, vector<128x1xf32>
    %dot_general3A_250 = arith.constant dense<0.000000e+00> : vector<640x1xf32>
    %dot_general3A_251 = tpu.matmul %select_n3A_246, %get3A_249, %dot_general3A_250 {dimension_numbers = #tpu.dot_dimension_numbers<[1], [0], [0], [1], [0, 0, 1, 1], [], []>, transpose_lhs_hint = false} : vector<640x128xf32>, vector<128x1xf32>, vector<640x1xf32> -> vector<640x1xf32>
    %get3A_252 = arith.constant 0 : index
    %get3A_253 = arith.constant 6 : index
    %get3A_254 = arith.constant 0 : index
    %get3A_255 = vector.load %arg3[%get3A_252, %get3A_253, %get3A_254] : memref<640x12x128xf32, #tpu.memory_space<vmem>>, vector<640x1x128xf32>
    %get3A_256 = vector.shape_cast %get3A_255 : vector<640x1x128xf32> to vector<640x128xf32>
    %slice3A_257 = vector.extract_strided_slice %get3A_72 {offsets = [0, 18], sizes = [640, 1], strides = [1, 1]} : vector<640x128xi32> to vector<640x1xi32>
    %bitcast_convert_type3A_258 = tpu.bitcast %slice3A_257 : vector<640x1xi32> -> vector<640x1xf32>
    %mul3A_259 = arith.mulf %reshape3A_76, %get3A_256 : vector<640x128xf32>
    %get3A_260 = arith.constant 0 : index
    %get3A_261 = arith.constant 0 : index
    %get3A_262 = vector.load %arg8[%get3A_260, %get3A_261] : memref<128x128xf32, #tpu.memory_space<vmem>>, vector<128x128xf32>
    %dot_general3A_263 = arith.constant dense<0.000000e+00> : vector<640x128xf32>
    %dot_general3A_264 = tpu.matmul %mul3A_259, %get3A_262, %dot_general3A_263 {dimension_numbers = #tpu.dot_dimension_numbers<[1], [0], [0], [1], [0, 0, 1, 1], [], []>, transpose_lhs_hint = false} : vector<640x128xf32>, vector<128x128xf32>, vector<640x128xf32> -> vector<640x128xf32>
    %mul3A_265 = vector.broadcast %bitcast_convert_type3A_258 : vector<640x1xf32> to vector<640x128xf32>
    %mul3A_266 = vector.broadcast %get3A_79 : vector<1x128xf32> to vector<640x128xf32>
    %mul3A_267 = arith.mulf %mul3A_265, %mul3A_266 : vector<640x128xf32>
    %add3A_268 = arith.addf %dot_general3A_264, %mul3A_267 : vector<640x128xf32>
    %ge3A_269 = arith.constant 0.000000e+00 : f32
    %ge3A_270 = vector.broadcast %ge3A_269 : f32 to vector<640x128xf32>
    %ge3A_271 = arith.cmpf oge, %add3A_268, %ge3A_270 : vector<640x128xf32>
    %mul3A_272 = arith.constant 2.000000e-01 : f32
    %mul3A_273 = vector.broadcast %mul3A_272 : f32 to vector<640x128xf32>
    %mul3A_274 = arith.mulf %mul3A_273, %add3A_268 : vector<640x128xf32>
    %select_n3A_275 = arith.select %ge3A_271, %add3A_268, %mul3A_274 : vector<640x128xi1>, vector<640x128xf32>
    %get3A_276 = arith.constant 0 : index
    %get3A_277 = arith.constant 0 : index
    %get3A_278 = vector.load %arg10[%get3A_276, %get3A_277] : memref<128x1xf32, #tpu.memory_space<vmem>>, vector<128x1xf32>
    %dot_general3A_279 = arith.constant dense<0.000000e+00> : vector<640x1xf32>
    %dot_general3A_280 = tpu.matmul %select_n3A_275, %get3A_278, %dot_general3A_279 {dimension_numbers = #tpu.dot_dimension_numbers<[1], [0], [0], [1], [0, 0, 1, 1], [], []>, transpose_lhs_hint = false} : vector<640x128xf32>, vector<128x1xf32>, vector<640x1xf32> -> vector<640x1xf32>
    %get3A_281 = arith.constant 0 : index
    %get3A_282 = arith.constant 7 : index
    %get3A_283 = arith.constant 0 : index
    %get3A_284 = vector.load %arg3[%get3A_281, %get3A_282, %get3A_283] : memref<640x12x128xf32, #tpu.memory_space<vmem>>, vector<640x1x128xf32>
    %get3A_285 = vector.shape_cast %get3A_284 : vector<640x1x128xf32> to vector<640x128xf32>
    %slice3A_286 = vector.extract_strided_slice %get3A_72 {offsets = [0, 19], sizes = [640, 1], strides = [1, 1]} : vector<640x128xi32> to vector<640x1xi32>
    %bitcast_convert_type3A_287 = tpu.bitcast %slice3A_286 : vector<640x1xi32> -> vector<640x1xf32>
    %mul3A_288 = arith.mulf %reshape3A_76, %get3A_285 : vector<640x128xf32>
    %get3A_289 = arith.constant 0 : index
    %get3A_290 = arith.constant 0 : index
    %get3A_291 = vector.load %arg8[%get3A_289, %get3A_290] : memref<128x128xf32, #tpu.memory_space<vmem>>, vector<128x128xf32>
    %dot_general3A_292 = arith.constant dense<0.000000e+00> : vector<640x128xf32>
    %dot_general3A_293 = tpu.matmul %mul3A_288, %get3A_291, %dot_general3A_292 {dimension_numbers = #tpu.dot_dimension_numbers<[1], [0], [0], [1], [0, 0, 1, 1], [], []>, transpose_lhs_hint = false} : vector<640x128xf32>, vector<128x128xf32>, vector<640x128xf32> -> vector<640x128xf32>
    %mul3A_294 = vector.broadcast %bitcast_convert_type3A_287 : vector<640x1xf32> to vector<640x128xf32>
    %mul3A_295 = vector.broadcast %get3A_79 : vector<1x128xf32> to vector<640x128xf32>
    %mul3A_296 = arith.mulf %mul3A_294, %mul3A_295 : vector<640x128xf32>
    %add3A_297 = arith.addf %dot_general3A_293, %mul3A_296 : vector<640x128xf32>
    %ge3A_298 = arith.constant 0.000000e+00 : f32
    %ge3A_299 = vector.broadcast %ge3A_298 : f32 to vector<640x128xf32>
    %ge3A_300 = arith.cmpf oge, %add3A_297, %ge3A_299 : vector<640x128xf32>
    %mul3A_301 = arith.constant 2.000000e-01 : f32
    %mul3A_302 = vector.broadcast %mul3A_301 : f32 to vector<640x128xf32>
    %mul3A_303 = arith.mulf %mul3A_302, %add3A_297 : vector<640x128xf32>
    %select_n3A_304 = arith.select %ge3A_300, %add3A_297, %mul3A_303 : vector<640x128xi1>, vector<640x128xf32>
    %get3A_305 = arith.constant 0 : index
    %get3A_306 = arith.constant 0 : index
    %get3A_307 = vector.load %arg10[%get3A_305, %get3A_306] : memref<128x1xf32, #tpu.memory_space<vmem>>, vector<128x1xf32>
    %dot_general3A_308 = arith.constant dense<0.000000e+00> : vector<640x1xf32>
    %dot_general3A_309 = tpu.matmul %select_n3A_304, %get3A_307, %dot_general3A_308 {dimension_numbers = #tpu.dot_dimension_numbers<[1], [0], [0], [1], [0, 0, 1, 1], [], []>, transpose_lhs_hint = false} : vector<640x128xf32>, vector<128x1xf32>, vector<640x1xf32> -> vector<640x1xf32>
    %get3A_310 = arith.constant 0 : index
    %get3A_311 = arith.constant 8 : index
    %get3A_312 = arith.constant 0 : index
    %get3A_313 = vector.load %arg3[%get3A_310, %get3A_311, %get3A_312] : memref<640x12x128xf32, #tpu.memory_space<vmem>>, vector<640x1x128xf32>
    %get3A_314 = vector.shape_cast %get3A_313 : vector<640x1x128xf32> to vector<640x128xf32>
    %slice3A_315 = vector.extract_strided_slice %get3A_72 {offsets = [0, 20], sizes = [640, 1], strides = [1, 1]} : vector<640x128xi32> to vector<640x1xi32>
    %bitcast_convert_type3A_316 = tpu.bitcast %slice3A_315 : vector<640x1xi32> -> vector<640x1xf32>
    %mul3A_317 = arith.mulf %reshape3A_76, %get3A_314 : vector<640x128xf32>
    %get3A_318 = arith.constant 0 : index
    %get3A_319 = arith.constant 0 : index
    %get3A_320 = vector.load %arg8[%get3A_318, %get3A_319] : memref<128x128xf32, #tpu.memory_space<vmem>>, vector<128x128xf32>
    %dot_general3A_321 = arith.constant dense<0.000000e+00> : vector<640x128xf32>
    %dot_general3A_322 = tpu.matmul %mul3A_317, %get3A_320, %dot_general3A_321 {dimension_numbers = #tpu.dot_dimension_numbers<[1], [0], [0], [1], [0, 0, 1, 1], [], []>, transpose_lhs_hint = false} : vector<640x128xf32>, vector<128x128xf32>, vector<640x128xf32> -> vector<640x128xf32>
    %mul3A_323 = vector.broadcast %bitcast_convert_type3A_316 : vector<640x1xf32> to vector<640x128xf32>
    %mul3A_324 = vector.broadcast %get3A_79 : vector<1x128xf32> to vector<640x128xf32>
    %mul3A_325 = arith.mulf %mul3A_323, %mul3A_324 : vector<640x128xf32>
    %add3A_326 = arith.addf %dot_general3A_322, %mul3A_325 : vector<640x128xf32>
    %ge3A_327 = arith.constant 0.000000e+00 : f32
    %ge3A_328 = vector.broadcast %ge3A_327 : f32 to vector<640x128xf32>
    %ge3A_329 = arith.cmpf oge, %add3A_326, %ge3A_328 : vector<640x128xf32>
    %mul3A_330 = arith.constant 2.000000e-01 : f32
    %mul3A_331 = vector.broadcast %mul3A_330 : f32 to vector<640x128xf32>
    %mul3A_332 = arith.mulf %mul3A_331, %add3A_326 : vector<640x128xf32>
    %select_n3A_333 = arith.select %ge3A_329, %add3A_326, %mul3A_332 : vector<640x128xi1>, vector<640x128xf32>
    %get3A_334 = arith.constant 0 : index
    %get3A_335 = arith.constant 0 : index
    %get3A_336 = vector.load %arg10[%get3A_334, %get3A_335] : memref<128x1xf32, #tpu.memory_space<vmem>>, vector<128x1xf32>
    %dot_general3A_337 = arith.constant dense<0.000000e+00> : vector<640x1xf32>
    %dot_general3A_338 = tpu.matmul %select_n3A_333, %get3A_336, %dot_general3A_337 {dimension_numbers = #tpu.dot_dimension_numbers<[1], [0], [0], [1], [0, 0, 1, 1], [], []>, transpose_lhs_hint = false} : vector<640x128xf32>, vector<128x1xf32>, vector<640x1xf32> -> vector<640x1xf32>
    %get3A_339 = arith.constant 0 : index
    %get3A_340 = arith.constant 9 : index
    %get3A_341 = arith.constant 0 : index
    %get3A_342 = vector.load %arg3[%get3A_339, %get3A_340, %get3A_341] : memref<640x12x128xf32, #tpu.memory_space<vmem>>, vector<640x1x128xf32>
    %get3A_343 = vector.shape_cast %get3A_342 : vector<640x1x128xf32> to vector<640x128xf32>
    %slice3A_344 = vector.extract_strided_slice %get3A_72 {offsets = [0, 21], sizes = [640, 1], strides = [1, 1]} : vector<640x128xi32> to vector<640x1xi32>
    %bitcast_convert_type3A_345 = tpu.bitcast %slice3A_344 : vector<640x1xi32> -> vector<640x1xf32>
    %mul3A_346 = arith.mulf %reshape3A_76, %get3A_343 : vector<640x128xf32>
    %get3A_347 = arith.constant 0 : index
    %get3A_348 = arith.constant 0 : index
    %get3A_349 = vector.load %arg8[%get3A_347, %get3A_348] : memref<128x128xf32, #tpu.memory_space<vmem>>, vector<128x128xf32>
    %dot_general3A_350 = arith.constant dense<0.000000e+00> : vector<640x128xf32>
    %dot_general3A_351 = tpu.matmul %mul3A_346, %get3A_349, %dot_general3A_350 {dimension_numbers = #tpu.dot_dimension_numbers<[1], [0], [0], [1], [0, 0, 1, 1], [], []>, transpose_lhs_hint = false} : vector<640x128xf32>, vector<128x128xf32>, vector<640x128xf32> -> vector<640x128xf32>
    %mul3A_352 = vector.broadcast %bitcast_convert_type3A_345 : vector<640x1xf32> to vector<640x128xf32>
    %mul3A_353 = vector.broadcast %get3A_79 : vector<1x128xf32> to vector<640x128xf32>
    %mul3A_354 = arith.mulf %mul3A_352, %mul3A_353 : vector<640x128xf32>
    %add3A_355 = arith.addf %dot_general3A_351, %mul3A_354 : vector<640x128xf32>
    %ge3A_356 = arith.constant 0.000000e+00 : f32
    %ge3A_357 = vector.broadcast %ge3A_356 : f32 to vector<640x128xf32>
    %ge3A_358 = arith.cmpf oge, %add3A_355, %ge3A_357 : vector<640x128xf32>
    %mul3A_359 = arith.constant 2.000000e-01 : f32
    %mul3A_360 = vector.broadcast %mul3A_359 : f32 to vector<640x128xf32>
    %mul3A_361 = arith.mulf %mul3A_360, %add3A_355 : vector<640x128xf32>
    %select_n3A_362 = arith.select %ge3A_358, %add3A_355, %mul3A_361 : vector<640x128xi1>, vector<640x128xf32>
    %get3A_363 = arith.constant 0 : index
    %get3A_364 = arith.constant 0 : index
    %get3A_365 = vector.load %arg10[%get3A_363, %get3A_364] : memref<128x1xf32, #tpu.memory_space<vmem>>, vector<128x1xf32>
    %dot_general3A_366 = arith.constant dense<0.000000e+00> : vector<640x1xf32>
    %dot_general3A_367 = tpu.matmul %select_n3A_362, %get3A_365, %dot_general3A_366 {dimension_numbers = #tpu.dot_dimension_numbers<[1], [0], [0], [1], [0, 0, 1, 1], [], []>, transpose_lhs_hint = false} : vector<640x128xf32>, vector<128x1xf32>, vector<640x1xf32> -> vector<640x1xf32>
    %get3A_368 = arith.constant 0 : index
    %get3A_369 = arith.constant 10 : index
    %get3A_370 = arith.constant 0 : index
    %get3A_371 = vector.load %arg3[%get3A_368, %get3A_369, %get3A_370] : memref<640x12x128xf32, #tpu.memory_space<vmem>>, vector<640x1x128xf32>
    %get3A_372 = vector.shape_cast %get3A_371 : vector<640x1x128xf32> to vector<640x128xf32>
    %slice3A_373 = vector.extract_strided_slice %get3A_72 {offsets = [0, 22], sizes = [640, 1], strides = [1, 1]} : vector<640x128xi32> to vector<640x1xi32>
    %bitcast_convert_type3A_374 = tpu.bitcast %slice3A_373 : vector<640x1xi32> -> vector<640x1xf32>
    %mul3A_375 = arith.mulf %reshape3A_76, %get3A_372 : vector<640x128xf32>
    %get3A_376 = arith.constant 0 : index
    %get3A_377 = arith.constant 0 : index
    %get3A_378 = vector.load %arg8[%get3A_376, %get3A_377] : memref<128x128xf32, #tpu.memory_space<vmem>>, vector<128x128xf32>
    %dot_general3A_379 = arith.constant dense<0.000000e+00> : vector<640x128xf32>
    %dot_general3A_380 = tpu.matmul %mul3A_375, %get3A_378, %dot_general3A_379 {dimension_numbers = #tpu.dot_dimension_numbers<[1], [0], [0], [1], [0, 0, 1, 1], [], []>, transpose_lhs_hint = false} : vector<640x128xf32>, vector<128x128xf32>, vector<640x128xf32> -> vector<640x128xf32>
    %mul3A_381 = vector.broadcast %bitcast_convert_type3A_374 : vector<640x1xf32> to vector<640x128xf32>
    %mul3A_382 = vector.broadcast %get3A_79 : vector<1x128xf32> to vector<640x128xf32>
    %mul3A_383 = arith.mulf %mul3A_381, %mul3A_382 : vector<640x128xf32>
    %add3A_384 = arith.addf %dot_general3A_380, %mul3A_383 : vector<640x128xf32>
    %ge3A_385 = arith.constant 0.000000e+00 : f32
    %ge3A_386 = vector.broadcast %ge3A_385 : f32 to vector<640x128xf32>
    %ge3A_387 = arith.cmpf oge, %add3A_384, %ge3A_386 : vector<640x128xf32>
    %mul3A_388 = arith.constant 2.000000e-01 : f32
    %mul3A_389 = vector.broadcast %mul3A_388 : f32 to vector<640x128xf32>
    %mul3A_390 = arith.mulf %mul3A_389, %add3A_384 : vector<640x128xf32>
    %select_n3A_391 = arith.select %ge3A_387, %add3A_384, %mul3A_390 : vector<640x128xi1>, vector<640x128xf32>
    %get3A_392 = arith.constant 0 : index
    %get3A_393 = arith.constant 0 : index
    %get3A_394 = vector.load %arg10[%get3A_392, %get3A_393] : memref<128x1xf32, #tpu.memory_space<vmem>>, vector<128x1xf32>
    %dot_general3A_395 = arith.constant dense<0.000000e+00> : vector<640x1xf32>
    %dot_general3A_396 = tpu.matmul %select_n3A_391, %get3A_394, %dot_general3A_395 {dimension_numbers = #tpu.dot_dimension_numbers<[1], [0], [0], [1], [0, 0, 1, 1], [], []>, transpose_lhs_hint = false} : vector<640x128xf32>, vector<128x1xf32>, vector<640x1xf32> -> vector<640x1xf32>
    %get3A_397 = arith.constant 0 : index
    %get3A_398 = arith.constant 11 : index
    %get3A_399 = arith.constant 0 : index
    %get3A_400 = vector.load %arg3[%get3A_397, %get3A_398, %get3A_399] : memref<640x12x128xf32, #tpu.memory_space<vmem>>, vector<640x1x128xf32>
    %get3A_401 = vector.shape_cast %get3A_400 : vector<640x1x128xf32> to vector<640x128xf32>
    %slice3A_402 = vector.extract_strided_slice %get3A_72 {offsets = [0, 23], sizes = [640, 1], strides = [1, 1]} : vector<640x128xi32> to vector<640x1xi32>
    %bitcast_convert_type3A_403 = tpu.bitcast %slice3A_402 : vector<640x1xi32> -> vector<640x1xf32>
    %mul3A_404 = arith.mulf %reshape3A_76, %get3A_401 : vector<640x128xf32>
    %get3A_405 = arith.constant 0 : index
    %get3A_406 = arith.constant 0 : index
    %get3A_407 = vector.load %arg8[%get3A_405, %get3A_406] : memref<128x128xf32, #tpu.memory_space<vmem>>, vector<128x128xf32>
    %dot_general3A_408 = arith.constant dense<0.000000e+00> : vector<640x128xf32>
    %dot_general3A_409 = tpu.matmul %mul3A_404, %get3A_407, %dot_general3A_408 {dimension_numbers = #tpu.dot_dimension_numbers<[1], [0], [0], [1], [0, 0, 1, 1], [], []>, transpose_lhs_hint = false} : vector<640x128xf32>, vector<128x128xf32>, vector<640x128xf32> -> vector<640x128xf32>
    %mul3A_410 = vector.broadcast %bitcast_convert_type3A_403 : vector<640x1xf32> to vector<640x128xf32>
    %mul3A_411 = vector.broadcast %get3A_79 : vector<1x128xf32> to vector<640x128xf32>
    %mul3A_412 = arith.mulf %mul3A_410, %mul3A_411 : vector<640x128xf32>
    %add3A_413 = arith.addf %dot_general3A_409, %mul3A_412 : vector<640x128xf32>
    %ge3A_414 = arith.constant 0.000000e+00 : f32
    %ge3A_415 = vector.broadcast %ge3A_414 : f32 to vector<640x128xf32>
    %ge3A_416 = arith.cmpf oge, %add3A_413, %ge3A_415 : vector<640x128xf32>
    %mul3A_417 = arith.constant 2.000000e-01 : f32
    %mul3A_418 = vector.broadcast %mul3A_417 : f32 to vector<640x128xf32>
    %mul3A_419 = arith.mulf %mul3A_418, %add3A_413 : vector<640x128xf32>
    %select_n3A_420 = arith.select %ge3A_416, %add3A_413, %mul3A_419 : vector<640x128xi1>, vector<640x128xf32>
    %get3A_421 = arith.constant 0 : index
    %get3A_422 = arith.constant 0 : index
    %get3A_423 = vector.load %arg10[%get3A_421, %get3A_422] : memref<128x1xf32, #tpu.memory_space<vmem>>, vector<128x1xf32>
    %dot_general3A_424 = arith.constant dense<0.000000e+00> : vector<640x1xf32>
    %dot_general3A_425 = tpu.matmul %select_n3A_420, %get3A_423, %dot_general3A_424 {dimension_numbers = #tpu.dot_dimension_numbers<[1], [0], [0], [1], [0, 0, 1, 1], [], []>, transpose_lhs_hint = false} : vector<640x128xf32>, vector<128x1xf32>, vector<640x1xf32> -> vector<640x1xf32>
    %max3A = arith.maximumf %dot_general3A_106, %dot_general3A_135 : vector<640x1xf32>
    %max3A_426 = arith.maximumf %max3A, %dot_general3A_164 : vector<640x1xf32>
    %max3A_427 = arith.maximumf %max3A_426, %dot_general3A_193 : vector<640x1xf32>
    %max3A_428 = arith.maximumf %max3A_427, %dot_general3A_222 : vector<640x1xf32>
    %max3A_429 = arith.maximumf %max3A_428, %dot_general3A_251 : vector<640x1xf32>
    %max3A_430 = arith.maximumf %max3A_429, %dot_general3A_280 : vector<640x1xf32>
    %max3A_431 = arith.maximumf %max3A_430, %dot_general3A_309 : vector<640x1xf32>
    %max3A_432 = arith.maximumf %max3A_431, %dot_general3A_338 : vector<640x1xf32>
    %max3A_433 = arith.maximumf %max3A_432, %dot_general3A_367 : vector<640x1xf32>
    %max3A_434 = arith.maximumf %max3A_433, %dot_general3A_396 : vector<640x1xf32>
    %max3A_435 = arith.maximumf %max3A_434, %dot_general3A_425 : vector<640x1xf32>
    %sub3A_436 = arith.subf %dot_general3A_106, %max3A_435 : vector<640x1xf32>
    %exp3A_437 = math.exp %sub3A_436 : vector<640x1xf32>
    %sub3A_438 = arith.subf %dot_general3A_135, %max3A_435 : vector<640x1xf32>
    %exp3A_439 = math.exp %sub3A_438 : vector<640x1xf32>
    %sub3A_440 = arith.subf %dot_general3A_164, %max3A_435 : vector<640x1xf32>
    %exp3A_441 = math.exp %sub3A_440 : vector<640x1xf32>
    %sub3A_442 = arith.subf %dot_general3A_193, %max3A_435 : vector<640x1xf32>
    %exp3A_443 = math.exp %sub3A_442 : vector<640x1xf32>
    %sub3A_444 = arith.subf %dot_general3A_222, %max3A_435 : vector<640x1xf32>
    %exp3A_445 = math.exp %sub3A_444 : vector<640x1xf32>
    %sub3A_446 = arith.subf %dot_general3A_251, %max3A_435 : vector<640x1xf32>
    %exp3A_447 = math.exp %sub3A_446 : vector<640x1xf32>
    %sub3A_448 = arith.subf %dot_general3A_280, %max3A_435 : vector<640x1xf32>
    %exp3A_449 = math.exp %sub3A_448 : vector<640x1xf32>
    %sub3A_450 = arith.subf %dot_general3A_309, %max3A_435 : vector<640x1xf32>
    %exp3A_451 = math.exp %sub3A_450 : vector<640x1xf32>
    %sub3A_452 = arith.subf %dot_general3A_338, %max3A_435 : vector<640x1xf32>
    %exp3A_453 = math.exp %sub3A_452 : vector<640x1xf32>
    %sub3A_454 = arith.subf %dot_general3A_367, %max3A_435 : vector<640x1xf32>
    %exp3A_455 = math.exp %sub3A_454 : vector<640x1xf32>
    %sub3A_456 = arith.subf %dot_general3A_396, %max3A_435 : vector<640x1xf32>
    %exp3A_457 = math.exp %sub3A_456 : vector<640x1xf32>
    %sub3A_458 = arith.subf %dot_general3A_425, %max3A_435 : vector<640x1xf32>
    %exp3A_459 = math.exp %sub3A_458 : vector<640x1xf32>
    %add3A_460 = arith.addf %exp3A_437, %exp3A_439 : vector<640x1xf32>
    %add3A_461 = arith.addf %add3A_460, %exp3A_441 : vector<640x1xf32>
    %add3A_462 = arith.addf %add3A_461, %exp3A_443 : vector<640x1xf32>
    %add3A_463 = arith.addf %add3A_462, %exp3A_445 : vector<640x1xf32>
    %add3A_464 = arith.addf %add3A_463, %exp3A_447 : vector<640x1xf32>
    %add3A_465 = arith.addf %add3A_464, %exp3A_449 : vector<640x1xf32>
    %add3A_466 = arith.addf %add3A_465, %exp3A_451 : vector<640x1xf32>
    %add3A_467 = arith.addf %add3A_466, %exp3A_453 : vector<640x1xf32>
    %add3A_468 = arith.addf %add3A_467, %exp3A_455 : vector<640x1xf32>
    %add3A_469 = arith.addf %add3A_468, %exp3A_457 : vector<640x1xf32>
    %add3A_470 = arith.addf %add3A_469, %exp3A_459 : vector<640x1xf32>
    %div3A_471 = arith.constant 1.000000e+00 : f32
    %div3A_472 = vector.broadcast %div3A_471 : f32 to vector<640x1xf32>
    %div3A_473 = arith.divf %div3A_472, %add3A_470 : vector<640x1xf32>
    %mul3A_474 = arith.mulf %exp3A_437, %div3A_473 : vector<640x1xf32>
    %mul3A_475 = vector.broadcast %mul3A_474 : vector<640x1xf32> to vector<640x128xf32>
    %mul3A_476 = arith.mulf %mul3A_475, %get3A_84 : vector<640x128xf32>
    %mul3A_477 = arith.mulf %exp3A_439, %div3A_473 : vector<640x1xf32>
    %mul3A_478 = vector.broadcast %mul3A_477 : vector<640x1xf32> to vector<640x128xf32>
    %mul3A_479 = arith.mulf %mul3A_478, %get3A_111 : vector<640x128xf32>
    %add3A_480 = arith.addf %mul3A_476, %mul3A_479 : vector<640x128xf32>
    %mul3A_481 = arith.mulf %exp3A_441, %div3A_473 : vector<640x1xf32>
    %mul3A_482 = vector.broadcast %mul3A_481 : vector<640x1xf32> to vector<640x128xf32>
    %mul3A_483 = arith.mulf %mul3A_482, %get3A_140 : vector<640x128xf32>
    %add3A_484 = arith.addf %add3A_480, %mul3A_483 : vector<640x128xf32>
    %mul3A_485 = arith.mulf %exp3A_443, %div3A_473 : vector<640x1xf32>
    %mul3A_486 = vector.broadcast %mul3A_485 : vector<640x1xf32> to vector<640x128xf32>
    %mul3A_487 = arith.mulf %mul3A_486, %get3A_169 : vector<640x128xf32>
    %add3A_488 = arith.addf %add3A_484, %mul3A_487 : vector<640x128xf32>
    %mul3A_489 = arith.mulf %exp3A_445, %div3A_473 : vector<640x1xf32>
    %mul3A_490 = vector.broadcast %mul3A_489 : vector<640x1xf32> to vector<640x128xf32>
    %mul3A_491 = arith.mulf %mul3A_490, %get3A_198 : vector<640x128xf32>
    %add3A_492 = arith.addf %add3A_488, %mul3A_491 : vector<640x128xf32>
    %mul3A_493 = arith.mulf %exp3A_447, %div3A_473 : vector<640x1xf32>
    %mul3A_494 = vector.broadcast %mul3A_493 : vector<640x1xf32> to vector<640x128xf32>
    %mul3A_495 = arith.mulf %mul3A_494, %get3A_227 : vector<640x128xf32>
    %add3A_496 = arith.addf %add3A_492, %mul3A_495 : vector<640x128xf32>
    %mul3A_497 = arith.mulf %exp3A_449, %div3A_473 : vector<640x1xf32>
    %mul3A_498 = vector.broadcast %mul3A_497 : vector<640x1xf32> to vector<640x128xf32>
    %mul3A_499 = arith.mulf %mul3A_498, %get3A_256 : vector<640x128xf32>
    %add3A_500 = arith.addf %add3A_496, %mul3A_499 : vector<640x128xf32>
    %mul3A_501 = arith.mulf %exp3A_451, %div3A_473 : vector<640x1xf32>
    %mul3A_502 = vector.broadcast %mul3A_501 : vector<640x1xf32> to vector<640x128xf32>
    %mul3A_503 = arith.mulf %mul3A_502, %get3A_285 : vector<640x128xf32>
    %add3A_504 = arith.addf %add3A_500, %mul3A_503 : vector<640x128xf32>
    %mul3A_505 = arith.mulf %exp3A_453, %div3A_473 : vector<640x1xf32>
    %mul3A_506 = vector.broadcast %mul3A_505 : vector<640x1xf32> to vector<640x128xf32>
    %mul3A_507 = arith.mulf %mul3A_506, %get3A_314 : vector<640x128xf32>
    %add3A_508 = arith.addf %add3A_504, %mul3A_507 : vector<640x128xf32>
    %mul3A_509 = arith.mulf %exp3A_455, %div3A_473 : vector<640x1xf32>
    %mul3A_510 = vector.broadcast %mul3A_509 : vector<640x1xf32> to vector<640x128xf32>
    %mul3A_511 = arith.mulf %mul3A_510, %get3A_343 : vector<640x128xf32>
    %add3A_512 = arith.addf %add3A_508, %mul3A_511 : vector<640x128xf32>
    %mul3A_513 = arith.mulf %exp3A_457, %div3A_473 : vector<640x1xf32>
    %mul3A_514 = vector.broadcast %mul3A_513 : vector<640x1xf32> to vector<640x128xf32>
    %mul3A_515 = arith.mulf %mul3A_514, %get3A_372 : vector<640x128xf32>
    %add3A_516 = arith.addf %add3A_512, %mul3A_515 : vector<640x128xf32>
    %mul3A_517 = arith.mulf %exp3A_459, %div3A_473 : vector<640x1xf32>
    %mul3A_518 = vector.broadcast %mul3A_517 : vector<640x1xf32> to vector<640x128xf32>
    %mul3A_519 = arith.mulf %mul3A_518, %get3A_401 : vector<640x128xf32>
    %add3A_520 = arith.addf %add3A_516, %mul3A_519 : vector<640x128xf32>
    %concatenate3A = tpu.concatenate %get3A_1, %add3A_520 in 1 : vector<640x128xf32>, vector<640x128xf32> -> vector<640x256xf32>
    %get3A_521 = arith.constant 0 : index
    %get3A_522 = arith.constant 0 : index
    %get3A_523 = vector.load %arg11[%get3A_521, %get3A_522] : memref<256x128xf32, #tpu.memory_space<vmem>>, vector<256x128xf32>
    %dot_general3A_524 = arith.constant dense<0.000000e+00> : vector<640x128xf32>
    %dot_general3A_525 = tpu.matmul %concatenate3A, %get3A_523, %dot_general3A_524 {dimension_numbers = #tpu.dot_dimension_numbers<[1], [0], [0], [1], [0, 0, 1, 1], [], []>, transpose_lhs_hint = false} : vector<640x256xf32>, vector<256x128xf32>, vector<640x128xf32> -> vector<640x128xf32>
    %max3A_526 = arith.constant 0.000000e+00 : f32
    %max3A_527 = vector.broadcast %max3A_526 : f32 to vector<640x128xf32>
    %max3A_528 = arith.maximumf %dot_general3A_525, %max3A_527 : vector<640x128xf32>
    %reshape3A_529 = vector.shape_cast %max3A_528 : vector<640x128xf32> to vector<32x20x128xf32>
    %add3A_530 = arith.addf %dot_general3A_52, %reshape3A_529 : vector<32x20x128xf32>
    %swap3A = arith.constant 0 : index
    %swap3A_531 = arith.constant 0 : index
    %swap3A_532 = arith.constant 0 : index
    %swap3A_533 = vector.load %arg13[%swap3A, %swap3A_531, %swap3A_532] : memref<32x20x128xf32, #tpu.memory_space<vmem>>, vector<32x20x128xf32>
    tpu.vector_store %arg13[%swap3A, %swap3A_531, %swap3A_532], %add3A_530 {strides = array<i32>} : memref<32x20x128xf32, #tpu.memory_space<vmem>>, vector<32x20x128xf32>,
    return
  }
  func.func @transform_0(%arg0: i32) -> (i32, i32) {
    %c0_i32 = arith.constant 0 : i32
    %c0_i32_0 = arith.constant 0 : i32
    return %arg0, %c0_i32 : i32, i32
  }
  func.func @transform_1(%arg0: i32) -> (i32, i32) {
    %c0_i32 = arith.constant 0 : i32
    %c0_i32_0 = arith.constant 0 : i32
    return %arg0, %c0_i32 : i32, i32
  }
  func.func @transform_2(%arg0: i32) -> (i32, i32, i32) {
    %c0_i32 = arith.constant 0 : i32
    %c0_i32_0 = arith.constant 0 : i32
    %c0_i32_1 = arith.constant 0 : i32
    return %arg0, %c0_i32, %c0_i32_0 : i32, i32, i32
  }
  func.func @transform_3(%arg0: i32) -> (i32, i32) {
    %c0_i32 = arith.constant 0 : i32
    %c0_i32_0 = arith.constant 0 : i32
    return %arg0, %c0_i32 : i32, i32
  }
  func.func @transform_4(%arg0: i32) -> (i32, i32, i32) {
    %add3A = arith.constant 16 : i32
    %add3A_0 = arith.addi %arg0, %add3A : i32
    %c0_i32 = arith.constant 0 : i32
    %c0_i32_1 = arith.constant 0 : i32
    %c0_i32_2 = arith.constant 0 : i32
    return %add3A_0, %c0_i32, %c0_i32_1 : i32, i32, i32
  }
  func.func @transform_5(%arg0: i32) -> (i32, i32) {
    %add3A = arith.constant 16 : i32
    %add3A_0 = arith.addi %arg0, %add3A : i32
    %c0_i32 = arith.constant 0 : i32
    %c0_i32_1 = arith.constant 0 : i32
    return %add3A_0, %c0_i32 : i32, i32
  }
  func.func @transform_6(%arg0: i32) -> (i32, i32) {
    %c0_i32 = arith.constant 0 : i32
    %c0_i32_0 = arith.constant 0 : i32
    %c0_i32_1 = arith.constant 0 : i32
    return %c0_i32, %c0_i32_0 : i32, i32
  }
  func.func @transform_7(%arg0: i32) -> (i32, i32) {
    %c0_i32 = arith.constant 0 : i32
    %c0_i32_0 = arith.constant 0 : i32
    %c0_i32_1 = arith.constant 0 : i32
    return %c0_i32, %c0_i32_0 : i32, i32
  }
  func.func @transform_8(%arg0: i32) -> (i32, i32) {
    %c0_i32 = arith.constant 0 : i32
    %c0_i32_0 = arith.constant 0 : i32
    %c0_i32_1 = arith.constant 0 : i32
    return %c0_i32, %c0_i32_0 : i32, i32
  }
  func.func @transform_9(%arg0: i32) -> (i32, i32) {
    %c0_i32 = arith.constant 0 : i32
    %c0_i32_0 = arith.constant 0 : i32
    %c0_i32_1 = arith.constant 0 : i32
    return %c0_i32, %c0_i32_0 : i32, i32
  }
  func.func @transform_10(%arg0: i32) -> (i32, i32) {
    %c0_i32 = arith.constant 0 : i32
    %c0_i32_0 = arith.constant 0 : i32
    %c0_i32_1 = arith.constant 0 : i32
    return %c0_i32, %c0_i32_0 : i32, i32
  }
  func.func @transform_12(%arg0: i32) -> (i32, i32, i32) {
    %add3A = arith.constant 16 : i32
    %add3A_0 = arith.addi %arg0, %add3A : i32
    %c0_i32 = arith.constant 0 : i32
    %c0_i32_1 = arith.constant 0 : i32
    %c0_i32_2 = arith.constant 0 : i32
    return %add3A_0, %c0_i32, %c0_i32_1 : i32, i32, i32
  }
}

module attributes {stable_mosaic.version = 14 : i64} {
  func.func @_tc_body(%arg0: i32, %arg1: memref<640x128xf32, #tpu.memory_space<vmem>>, %arg2: memref<640x128xf32, #tpu.memory_space<vmem>>, %arg3: memref<640x12x128xf32, #tpu.memory_space<vmem>>, %arg4: memref<640x128xi32, #tpu.memory_space<vmem>>, %arg5: memref<32x20x20xi32, #tpu.memory_space<vmem>>, %arg6: memref<32x20xi32, #tpu.memory_space<vmem>>, %arg7: memref<4x128xf32, #tpu.memory_space<vmem>>, %arg8: memref<128x128xf32, #tpu.memory_space<vmem>>, %arg9: memref<1x128xf32, #tpu.memory_space<vmem>>, %arg10: memref<128x1xf32, #tpu.memory_space<vmem>>, %arg11: memref<256x128xf32, #tpu.memory_space<vmem>>, %arg12: memref<1024x20x128xf32, #tpu.memory_space<any>>, %arg13: memref<32x20x128xf32, #tpu.memory_space<vmem>>) attributes {dimension_semantics = [#tpu.dimension_semantics<arbitrary>], iteration_bounds = array<i64: 8>, scalar_prefetch = 0 : i64, scratch_operands = 0 : i64, tpu.core_type = #tpu.core_type<tc>, window_params = [{transform_indices = @transform_0, window_bounds = array<i64: 640, 128>}, {transform_indices = @transform_1, window_bounds = array<i64: 640, 128>}, {transform_indices = @transform_2, window_bounds = array<i64: 640, 12, 128>}, {transform_indices = @transform_3, window_bounds = array<i64: 640, 128>}, {transform_indices = @transform_4, window_bounds = array<i64: 32, 20, 20>}, {transform_indices = @transform_5, window_bounds = array<i64: 32, 20>}, {pipeline_mode = #tpu.pipeline_mode<synchronous>, transform_indices = @transform_6, window_bounds = array<i64: 4, 128>}, {pipeline_mode = #tpu.pipeline_mode<synchronous>, transform_indices = @transform_7, window_bounds = array<i64: 128, 128>}, {pipeline_mode = #tpu.pipeline_mode<synchronous>, transform_indices = @transform_8, window_bounds = array<i64: 1, 128>}, {pipeline_mode = #tpu.pipeline_mode<synchronous>, transform_indices = @transform_9, window_bounds = array<i64: 128, 1>}, {pipeline_mode = #tpu.pipeline_mode<synchronous>, transform_indices = @transform_10, window_bounds = array<i64: 256, 128>}, {}, {transform_indices = @transform_12, window_bounds = array<i64: 32, 20, 128>}]} {
    %get3A = arith.constant 0 : index
    %get3A_0 = arith.constant 0 : index
    %get3A_1 = vector.load %arg1[%get3A, %get3A_0] : memref<640x128xf32, #tpu.memory_space<vmem>>, vector<640x128xf32>
    %reshape3A = vector.shape_cast %get3A_1 : vector<640x128xf32> to vector<32x20x128xf32>
    %get3A_2 = arith.constant 0 : index
    %get3A_3 = arith.constant 0 : index
    %get3A_4 = vector.load %arg7[%get3A_2, %get3A_3] : memref<4x128xf32, #tpu.memory_space<vmem>>, vector<4x128xf32>
    %broadcast_in_dim3A = vector.shape_cast %reshape3A : vector<32x20x128xf32> to vector<32x20x1x128xf32>
    %broadcast_in_dim3A_5 = vector.shape_cast %get3A_4 : vector<4x128xf32> to vector<1x1x4x128xf32>
    %mul3A = vector.broadcast %broadcast_in_dim3A : vector<32x20x1x128xf32> to vector<32x20x4x128xf32>
    %mul3A_6 = vector.broadcast %broadcast_in_dim3A_5 : vector<1x1x4x128xf32> to vector<32x20x4x128xf32>
    %mul3A_7 = arith.mulf %mul3A, %mul3A_6 : vector<32x20x4x128xf32>
    %reshape3A_8 = vector.shape_cast %mul3A_7 : vector<32x20x4x128xf32> to vector<32x80x128xf32>
    %dot_general3A = arith.constant dense<0.000000e+00> : vector<32x80x20xf32>
    %dot_general3A_9 = tpu.matmul %reshape3A_8, %reshape3A, %dot_general3A {dimension_numbers = #tpu.dot_dimension_numbers<[2], [2], [1], [1], [0, 0, 0, 1, 1, 1], [0], [0]>, transpose_lhs_hint = false} : vector<32x80x128xf32>, vector<32x20x128xf32>, vector<32x80x20xf32> -> vector<32x80x20xf32>
    %ge3A = arith.constant 0.000000e+00 : f32
    %ge3A_10 = vector.broadcast %ge3A : f32 to vector<32x80x20xf32>
    %ge3A_11 = arith.cmpf oge, %dot_general3A_9, %ge3A_10 : vector<32x80x20xf32>
    %mul3A_12 = arith.constant 2.000000e-01 : f32
    %mul3A_13 = vector.broadcast %mul3A_12 : f32 to vector<32x80x20xf32>
    %mul3A_14 = arith.mulf %mul3A_13, %dot_general3A_9 : vector<32x80x20xf32>
    %select_n3A = arith.select %ge3A_11, %dot_general3A_9, %mul3A_14 : vector<32x80x20xi1>, vector<32x80x20xf32>
    %reshape3A_15 = vector.shape_cast %select_n3A : vector<32x80x20xf32> to vector<32x20x4x20xf32>
    %get3A_16 = arith.constant 0 : index
    %get3A_17 = arith.constant 0 : index
    %get3A_18 = arith.constant 0 : index
    %get3A_19 = vector.load %arg5[%get3A_16, %get3A_17, %get3A_18] : memref<32x20x20xi32, #tpu.memory_space<vmem>>, vector<32x20x20xi32>
    %eq3A = arith.constant 1 : i32
    %eq3A_20 = vector.broadcast %eq3A : i32 to vector<32x20x20xi32>
    %eq3A_21 = arith.cmpi eq, %get3A_19, %eq3A_20 : vector<32x20x20xi32>
    %slice3A = vector.extract_strided_slice %reshape3A_15 {offsets = [0, 0, 0, 0], sizes = [32, 20, 1, 20], strides = [1, 1, 1, 1]} : vector<32x20x4x20xf32> to vector<32x20x1x20xf32>
    %squeeze3A = vector.shape_cast %slice3A : vector<32x20x1x20xf32> to vector<32x20x20xf32>
    %jit3A = arith.constant -9.000000e+15 : f32
    %broadcast_in_dim3A_22 = vector.broadcast %jit3A : f32 to vector<32x20x20xf32>
    %select_n3A_23 = arith.select %eq3A_21, %squeeze3A, %broadcast_in_dim3A_22 : vector<32x20x20xi1>, vector<32x20x20xf32>
    %eq3A_24 = arith.constant 2 : i32
    %eq3A_25 = vector.broadcast %eq3A_24 : i32 to vector<32x20x20xi32>
    %eq3A_26 = arith.cmpi eq, %get3A_19, %eq3A_25 : vector<32x20x20xi32>
    %slice3A_27 = vector.extract_strided_slice %reshape3A_15 {offsets = [0, 0, 1, 0], sizes = [32, 20, 1, 20], strides = [1, 1, 1, 1]} : vector<32x20x4x20xf32> to vector<32x20x1x20xf32>
    %squeeze3A_28 = vector.shape_cast %slice3A_27 : vector<32x20x1x20xf32> to vector<32x20x20xf32>
    %select_n3A_29 = arith.select %eq3A_26, %squeeze3A_28, %select_n3A_23 : vector<32x20x20xi1>, vector<32x20x20xf32>
    %eq3A_30 = arith.constant 3 : i32
    %eq3A_31 = vector.broadcast %eq3A_30 : i32 to vector<32x20x20xi32>
    %eq3A_32 = arith.cmpi eq, %get3A_19, %eq3A_31 : vector<32x20x20xi32>
    %slice3A_33 = vector.extract_strided_slice %reshape3A_15 {offsets = [0, 0, 2, 0], sizes = [32, 20, 1, 20], strides = [1, 1, 1, 1]} : vector<32x20x4x20xf32> to vector<32x20x1x20xf32>
    %squeeze3A_34 = vector.shape_cast %slice3A_33 : vector<32x20x1x20xf32> to vector<32x20x20xf32>
    %select_n3A_35 = arith.select %eq3A_32, %squeeze3A_34, %select_n3A_29 : vector<32x20x20xi1>, vector<32x20x20xf32>
    %eq3A_36 = arith.constant 4 : i32
    %eq3A_37 = vector.broadcast %eq3A_36 : i32 to vector<32x20x20xi32>
    %eq3A_38 = arith.cmpi eq, %get3A_19, %eq3A_37 : vector<32x20x20xi32>
    %slice3A_39 = vector.extract_strided_slice %reshape3A_15 {offsets = [0, 0, 3, 0], sizes = [32, 20, 1, 20], strides = [1, 1, 1, 1]} : vector<32x20x4x20xf32> to vector<32x20x1x20xf32>
    %squeeze3A_40 = vector.shape_cast %slice3A_39 : vector<32x20x1x20xf32> to vector<32x20x20xf32>
    %select_n3A_41 = arith.select %eq3A_38, %squeeze3A_40, %select_n3A_35 : vector<32x20x20xi1>, vector<32x20x20xf32>
    %reduce_max3A = arith.constant dense<0xFF800000> : vector<32x20xf32>
    %reduce_max3A_42 = vector.multi_reduction <maximumf>, %select_n3A_41, %reduce_max3A [2] : vector<32x20x20xf32> to vector<32x20xf32>
    %broadcast_in_dim3A_43 = vector.shape_cast %reduce_max3A_42 : vector<32x20xf32> to vector<32x20x1xf32>
    %sub3A = vector.broadcast %broadcast_in_dim3A_43 : vector<32x20x1xf32> to vector<32x20x20xf32>
    %sub3A_44 = arith.subf %select_n3A_41, %sub3A : vector<32x20x20xf32>
    %exp3A = math.exp %sub3A_44 : vector<32x20x20xf32>
    %reduce_sum3A = arith.constant dense<0.000000e+00> : vector<32x20xf32>
    %reduce_sum3A_45 = vector.multi_reduction <add>, %exp3A, %reduce_sum3A [2] : vector<32x20x20xf32> to vector<32x20xf32>
    %broadcast_in_dim3A_46 = vector.shape_cast %reduce_sum3A_45 : vector<32x20xf32> to vector<32x20x1xf32>
    %div3A = arith.constant 1.000000e+00 : f32
    %div3A_47 = vector.broadcast %div3A : f32 to vector<32x20x1xf32>
    %div3A_48 = arith.divf %div3A_47, %broadcast_in_dim3A_46 : vector<32x20x1xf32>
    %mul3A_49 = vector.broadcast %div3A_48 : vector<32x20x1xf32> to vector<32x20x20xf32>
    %mul3A_50 = arith.mulf %exp3A, %mul3A_49 : vector<32x20x20xf32>
    %dot_general3A_51 = arith.constant dense<0.000000e+00> : vector<32x20x128xf32>
    %dot_general3A_52 = tpu.matmul %mul3A_50, %reshape3A, %dot_general3A_51 {dimension_numbers = #tpu.dot_dimension_numbers<[2], [1], [1], [2], [0, 0, 0, 1, 1, 2], [0], [0]>, transpose_lhs_hint = false} : vector<32x20x20xf32>, vector<32x20x128xf32>, vector<32x20x128xf32> -> vector<32x20x128xf32>
    %get3A_53 = arith.constant 0 : index
    %get3A_54 = arith.constant 0 : index
    %get3A_55 = vector.load %arg6[%get3A_53, %get3A_54] : memref<32x20xi32, #tpu.memory_space<vmem>>, vector<32x20xi32>
    %convert_element_type3A = arith.sitofp %get3A_55 : vector<32x20xi32> to vector<32x20xf32>
    %get3A_56 = arith.constant 0 : index
    %get3A_57 = arith.constant 0 : index
    %get3A_58 = vector.load %arg2[%get3A_56, %get3A_57] : memref<640x128xf32, #tpu.memory_space<vmem>>, vector<640x128xf32>
    %reshape3A_59 = vector.shape_cast %get3A_58 : vector<640x128xf32> to vector<32x20x128xf32>
    %broadcast_in_dim3A_60 = vector.shape_cast %convert_element_type3A : vector<32x20xf32> to vector<32x20x1xf32>
    %mul3A_61 = vector.broadcast %broadcast_in_dim3A_60 : vector<32x20x1xf32> to vector<32x20x128xf32>
    %mul3A_62 = arith.mulf %reshape3A_59, %mul3A_61 : vector<32x20x128xf32>
    %reduce_sum3A_63 = arith.constant dense<0.000000e+00> : vector<32x128xf32>
    %reduce_sum3A_64 = vector.multi_reduction <add>, %mul3A_62, %reduce_sum3A_63 [1] : vector<32x20x128xf32> to vector<32x128xf32>
    %reduce_sum3A_65 = arith.constant dense<0.000000e+00> : vector<32xf32>
    %reduce_sum3A_66 = vector.multi_reduction <add>, %convert_element_type3A, %reduce_sum3A_65 [1] : vector<32x20xf32> to vector<32xf32>
    %broadcast_in_dim3A_67 = vector.shape_cast %reduce_sum3A_66 : vector<32xf32> to vector<32x1xf32>
    %div3A_68 = vector.broadcast %broadcast_in_dim3A_67 : vector<32x1xf32> to vector<32x128xf32>
    %div3A_69 = arith.divf %reduce_sum3A_64, %div3A_68 : vector<32x128xf32>
    %get3A_70 = arith.constant 0 : index
    %get3A_71 = arith.constant 0 : index
    %get3A_72 = vector.load %arg4[%get3A_70, %get3A_71] : memref<640x128xi32, #tpu.memory_space<vmem>>, vector<640x128xi32>
    %broadcast_in_dim3A_73 = vector.shape_cast %div3A_69 : vector<32x128xf32> to vector<32x1x128xf32>
    %broadcast_in_dim3A_74 = vector.shape_cast %broadcast_in_dim3A_73 : vector<32x1x128xf32> to vector<32x1x128xf32>
    %broadcast_in_dim3A_75 = vector.broadcast %broadcast_in_dim3A_74 : vector<32x1x128xf32> to vector<32x20x128xf32>
    %reshape3A_76 = vector.shape_cast %broadcast_in_dim3A_75 : vector<32x20x128xf32> to vector<640x128xf32>
    %get3A_77 = arith.constant 0 : index
    %get3A_78 = arith.constant 0 : index
    %get3A_79 = vector.load %arg9[%get3A_77, %get3A_78] : memref<1x128xf32, #tpu.memory_space<vmem>>, vector<1x128xf32>
    %get3A_80 = arith.constant 0 : index
    %get3A_81 = arith.constant 0 : index
    %get3A_82 = arith.constant 0 : index
    %get3A_83 = vector.load %arg3[%get3A_80, %get3A_81, %get3A_82] : memref<640x12x128xf32, #tpu.memory_space<vmem>>, vector<640x1x128xf32>
    %get3A_84 = vector.shape_cast %get3A_83 : vector<640x1x128xf32> to vector<640x128xf32>
    %slice3A_85 = vector.extract_strided_slice %get3A_72 {offsets = [0, 12], sizes = [640, 1], strides = [1, 1]} : vector<640x128xi32> to vector<640x1xi32>
    %bitcast_convert_type3A = tpu.bitcast %slice3A_85 : vector<640x1xi32> -> vector<640x1xf32>
    %mul3A_86 = arith.mulf %reshape3A_76, %get3A_84 : vector<640x128xf32>
    %get3A_87 = arith.constant 0 : index
    %get3A_88 = arith.constant 0 : index
    %get3A_89 = vector.load %arg8[%get3A_87, %get3A_88] : memref<128x128xf32, #tpu.memory_space<vmem>>, vector<128x128xf32>
    %dot_general3A_90 = arith.constant dense<0.000000e+00> : vector<640x128xf32>
    %dot_general3A_91 = tpu.matmul %mul3A_86, %get3A_89, %dot_general3A_90 {dimension_numbers = #tpu.dot_dimension_numbers<[1], [0], [0], [1], [0, 0, 1, 1], [], []>, transpose_lhs_hint = false} : vector<640x128xf32>, vector<128x128xf32>, vector<640x128xf32> -> vector<640x128xf32>
    %mul3A_92 = vector.broadcast %bitcast_convert_type3A : vector<640x1xf32> to vector<640x128xf32>
    %mul3A_93 = vector.broadcast %get3A_79 : vector<1x128xf32> to vector<640x128xf32>
    %mul3A_94 = arith.mulf %mul3A_92, %mul3A_93 : vector<640x128xf32>
    %add3A = arith.addf %dot_general3A_91, %mul3A_94 : vector<640x128xf32>
    %ge3A_95 = arith.constant 0.000000e+00 : f32
    %ge3A_96 = vector.broadcast %ge3A_95 : f32 to vector<640x128xf32>
    %ge3A_97 = arith.cmpf oge, %add3A, %ge3A_96 : vector<640x128xf32>
    %mul3A_98 = arith.constant 2.000000e-01 : f32
    %mul3A_99 = vector.broadcast %mul3A_98 : f32 to vector<640x128xf32>
    %mul3A_100 = arith.mulf %mul3A_99, %add3A : vector<640x128xf32>
    %select_n3A_101 = arith.select %ge3A_97, %add3A, %mul3A_100 : vector<640x128xi1>, vector<640x128xf32>
    %get3A_102 = arith.constant 0 : index
    %get3A_103 = arith.constant 0 : index
    %get3A_104 = vector.load %arg10[%get3A_102, %get3A_103] : memref<128x1xf32, #tpu.memory_space<vmem>>, vector<128x1xf32>
    %dot_general3A_105 = arith.constant dense<0.000000e+00> : vector<640x1xf32>
    %dot_general3A_106 = tpu.matmul %select_n3A_101, %get3A_104, %dot_general3A_105 {dimension_numbers = #tpu.dot_dimension_numbers<[1], [0], [0], [1], [0, 0, 1, 1], [], []>, transpose_lhs_hint = false} : vector<640x128xf32>, vector<128x1xf32>, vector<640x1xf32> -> vector<640x1xf32>
    %get3A_107 = arith.constant 0 : index
    %get3A_108 = arith.constant 1 : index
    %get3A_109 = arith.constant 0 : index
    %get3A_110 = vector.load %arg3[%get3A_107, %get3A_108, %get3A_109] : memref<640x12x128xf32, #tpu.memory_space<vmem>>, vector<640x1x128xf32>
    %get3A_111 = vector.shape_cast %get3A_110 : vector<640x1x128xf32> to vector<640x128xf32>
    %slice3A_112 = vector.extract_strided_slice %get3A_72 {offsets = [0, 13], sizes = [640, 1], strides = [1, 1]} : vector<640x128xi32> to vector<640x1xi32>
    %bitcast_convert_type3A_113 = tpu.bitcast %slice3A_112 : vector<640x1xi32> -> vector<640x1xf32>
    %mul3A_114 = arith.mulf %reshape3A_76, %get3A_111 : vector<640x128xf32>
    %get3A_115 = arith.constant 0 : index
    %get3A_116 = arith.constant 0 : index
    %get3A_117 = vector.load %arg8[%get3A_115, %get3A_116] : memref<128x128xf32, #tpu.memory_space<vmem>>, vector<128x128xf32>
    %dot_general3A_118 = arith.constant dense<0.000000e+00> : vector<640x128xf32>
    %dot_general3A_119 = tpu.matmul %mul3A_114, %get3A_117, %dot_general3A_118 {dimension_numbers = #tpu.dot_dimension_numbers<[1], [0], [0], [1], [0, 0, 1, 1], [], []>, transpose_lhs_hint = false} : vector<640x128xf32>, vector<128x128xf32>, vector<640x128xf32> -> vector<640x128xf32>
    %mul3A_120 = vector.broadcast %bitcast_convert_type3A_113 : vector<640x1xf32> to vector<640x128xf32>
    %mul3A_121 = vector.broadcast %get3A_79 : vector<1x128xf32> to vector<640x128xf32>
    %mul3A_122 = arith.mulf %mul3A_120, %mul3A_121 : vector<640x128xf32>
    %add3A_123 = arith.addf %dot_general3A_119, %mul3A_122 : vector<640x128xf32>
    %ge3A_124 = arith.constant 0.000000e+00 : f32
    %ge3A_125 = vector.broadcast %ge3A_124 : f32 to vector<640x128xf32>
    %ge3A_126 = arith.cmpf oge, %add3A_123, %ge3A_125 : vector<640x128xf32>
    %mul3A_127 = arith.constant 2.000000e-01 : f32
    %mul3A_128 = vector.broadcast %mul3A_127 : f32 to vector<640x128xf32>
    %mul3A_129 = arith.mulf %mul3A_128, %add3A_123 : vector<640x128xf32>
    %select_n3A_130 = arith.select %ge3A_126, %add3A_123, %mul3A_129 : vector<640x128xi1>, vector<640x128xf32>
    %get3A_131 = arith.constant 0 : index
    %get3A_132 = arith.constant 0 : index
    %get3A_133 = vector.load %arg10[%get3A_131, %get3A_132] : memref<128x1xf32, #tpu.memory_space<vmem>>, vector<128x1xf32>
    %dot_general3A_134 = arith.constant dense<0.000000e+00> : vector<640x1xf32>
    %dot_general3A_135 = tpu.matmul %select_n3A_130, %get3A_133, %dot_general3A_134 {dimension_numbers = #tpu.dot_dimension_numbers<[1], [0], [0], [1], [0, 0, 1, 1], [], []>, transpose_lhs_hint = false} : vector<640x128xf32>, vector<128x1xf32>, vector<640x1xf32> -> vector<640x1xf32>
    %get3A_136 = arith.constant 0 : index
    %get3A_137 = arith.constant 2 : index
    %get3A_138 = arith.constant 0 : index
    %get3A_139 = vector.load %arg3[%get3A_136, %get3A_137, %get3A_138] : memref<640x12x128xf32, #tpu.memory_space<vmem>>, vector<640x1x128xf32>
    %get3A_140 = vector.shape_cast %get3A_139 : vector<640x1x128xf32> to vector<640x128xf32>
    %slice3A_141 = vector.extract_strided_slice %get3A_72 {offsets = [0, 14], sizes = [640, 1], strides = [1, 1]} : vector<640x128xi32> to vector<640x1xi32>
    %bitcast_convert_type3A_142 = tpu.bitcast %slice3A_141 : vector<640x1xi32> -> vector<640x1xf32>
    %mul3A_143 = arith.mulf %reshape3A_76, %get3A_140 : vector<640x128xf32>
    %get3A_144 = arith.constant 0 : index
    %get3A_145 = arith.constant 0 : index
    %get3A_146 = vector.load %arg8[%get3A_144, %get3A_145] : memref<128x128xf32, #tpu.memory_space<vmem>>, vector<128x128xf32>
    %dot_general3A_147 = arith.constant dense<0.000000e+00> : vector<640x128xf32>
    %dot_general3A_148 = tpu.matmul %mul3A_143, %get3A_146, %dot_general3A_147 {dimension_numbers = #tpu.dot_dimension_numbers<[1], [0], [0], [1], [0, 0, 1, 1], [], []>, transpose_lhs_hint = false} : vector<640x128xf32>, vector<128x128xf32>, vector<640x128xf32> -> vector<640x128xf32>
    %mul3A_149 = vector.broadcast %bitcast_convert_type3A_142 : vector<640x1xf32> to vector<640x128xf32>
    %mul3A_150 = vector.broadcast %get3A_79 : vector<1x128xf32> to vector<640x128xf32>
    %mul3A_151 = arith.mulf %mul3A_149, %mul3A_150 : vector<640x128xf32>
    %add3A_152 = arith.addf %dot_general3A_148, %mul3A_151 : vector<640x128xf32>
    %ge3A_153 = arith.constant 0.000000e+00 : f32
    %ge3A_154 = vector.broadcast %ge3A_153 : f32 to vector<640x128xf32>
    %ge3A_155 = arith.cmpf oge, %add3A_152, %ge3A_154 : vector<640x128xf32>
    %mul3A_156 = arith.constant 2.000000e-01 : f32
    %mul3A_157 = vector.broadcast %mul3A_156 : f32 to vector<640x128xf32>
    %mul3A_158 = arith.mulf %mul3A_157, %add3A_152 : vector<640x128xf32>
    %select_n3A_159 = arith.select %ge3A_155, %add3A_152, %mul3A_158 : vector<640x128xi1>, vector<640x128xf32>
    %get3A_160 = arith.constant 0 : index
    %get3A_161 = arith.constant 0 : index
    %get3A_162 = vector.load %arg10[%get3A_160, %get3A_161] : memref<128x1xf32, #tpu.memory_space<vmem>>, vector<128x1xf32>
    %dot_general3A_163 = arith.constant dense<0.000000e+00> : vector<640x1xf32>
    %dot_general3A_164 = tpu.matmul %select_n3A_159, %get3A_162, %dot_general3A_163 {dimension_numbers = #tpu.dot_dimension_numbers<[1], [0], [0], [1], [0, 0, 1, 1], [], []>, transpose_lhs_hint = false} : vector<640x128xf32>, vector<128x1xf32>, vector<640x1xf32> -> vector<640x1xf32>
    %get3A_165 = arith.constant 0 : index
    %get3A_166 = arith.constant 3 : index
    %get3A_167 = arith.constant 0 : index
    %get3A_168 = vector.load %arg3[%get3A_165, %get3A_166, %get3A_167] : memref<640x12x128xf32, #tpu.memory_space<vmem>>, vector<640x1x128xf32>
    %get3A_169 = vector.shape_cast %get3A_168 : vector<640x1x128xf32> to vector<640x128xf32>
    %slice3A_170 = vector.extract_strided_slice %get3A_72 {offsets = [0, 15], sizes = [640, 1], strides = [1, 1]} : vector<640x128xi32> to vector<640x1xi32>
    %bitcast_convert_type3A_171 = tpu.bitcast %slice3A_170 : vector<640x1xi32> -> vector<640x1xf32>
    %mul3A_172 = arith.mulf %reshape3A_76, %get3A_169 : vector<640x128xf32>
    %get3A_173 = arith.constant 0 : index
    %get3A_174 = arith.constant 0 : index
    %get3A_175 = vector.load %arg8[%get3A_173, %get3A_174] : memref<128x128xf32, #tpu.memory_space<vmem>>, vector<128x128xf32>
    %dot_general3A_176 = arith.constant dense<0.000000e+00> : vector<640x128xf32>
    %dot_general3A_177 = tpu.matmul %mul3A_172, %get3A_175, %dot_general3A_176 {dimension_numbers = #tpu.dot_dimension_numbers<[1], [0], [0], [1], [0, 0, 1, 1], [], []>, transpose_lhs_hint = false} : vector<640x128xf32>, vector<128x128xf32>, vector<640x128xf32> -> vector<640x128xf32>
    %mul3A_178 = vector.broadcast %bitcast_convert_type3A_171 : vector<640x1xf32> to vector<640x128xf32>
    %mul3A_179 = vector.broadcast %get3A_79 : vector<1x128xf32> to vector<640x128xf32>
    %mul3A_180 = arith.mulf %mul3A_178, %mul3A_179 : vector<640x128xf32>
    %add3A_181 = arith.addf %dot_general3A_177, %mul3A_180 : vector<640x128xf32>
    %ge3A_182 = arith.constant 0.000000e+00 : f32
    %ge3A_183 = vector.broadcast %ge3A_182 : f32 to vector<640x128xf32>
    %ge3A_184 = arith.cmpf oge, %add3A_181, %ge3A_183 : vector<640x128xf32>
    %mul3A_185 = arith.constant 2.000000e-01 : f32
    %mul3A_186 = vector.broadcast %mul3A_185 : f32 to vector<640x128xf32>
    %mul3A_187 = arith.mulf %mul3A_186, %add3A_181 : vector<640x128xf32>
    %select_n3A_188 = arith.select %ge3A_184, %add3A_181, %mul3A_187 : vector<640x128xi1>, vector<640x128xf32>
    %get3A_189 = arith.constant 0 : index
    %get3A_190 = arith.constant 0 : index
    %get3A_191 = vector.load %arg10[%get3A_189, %get3A_190] : memref<128x1xf32, #tpu.memory_space<vmem>>, vector<128x1xf32>
    %dot_general3A_192 = arith.constant dense<0.000000e+00> : vector<640x1xf32>
    %dot_general3A_193 = tpu.matmul %select_n3A_188, %get3A_191, %dot_general3A_192 {dimension_numbers = #tpu.dot_dimension_numbers<[1], [0], [0], [1], [0, 0, 1, 1], [], []>, transpose_lhs_hint = false} : vector<640x128xf32>, vector<128x1xf32>, vector<640x1xf32> -> vector<640x1xf32>
    %get3A_194 = arith.constant 0 : index
    %get3A_195 = arith.constant 4 : index
    %get3A_196 = arith.constant 0 : index
    %get3A_197 = vector.load %arg3[%get3A_194, %get3A_195, %get3A_196] : memref<640x12x128xf32, #tpu.memory_space<vmem>>, vector<640x1x128xf32>
    %get3A_198 = vector.shape_cast %get3A_197 : vector<640x1x128xf32> to vector<640x128xf32>
    %slice3A_199 = vector.extract_strided_slice %get3A_72 {offsets = [0, 16], sizes = [640, 1], strides = [1, 1]} : vector<640x128xi32> to vector<640x1xi32>
    %bitcast_convert_type3A_200 = tpu.bitcast %slice3A_199 : vector<640x1xi32> -> vector<640x1xf32>
    %mul3A_201 = arith.mulf %reshape3A_76, %get3A_198 : vector<640x128xf32>
    %get3A_202 = arith.constant 0 : index
    %get3A_203 = arith.constant 0 : index
    %get3A_204 = vector.load %arg8[%get3A_202, %get3A_203] : memref<128x128xf32, #tpu.memory_space<vmem>>, vector<128x128xf32>
    %dot_general3A_205 = arith.constant dense<0.000000e+00> : vector<640x128xf32>
    %dot_general3A_206 = tpu.matmul %mul3A_201, %get3A_204, %dot_general3A_205 {dimension_numbers = #tpu.dot_dimension_numbers<[1], [0], [0], [1], [0, 0, 1, 1], [], []>, transpose_lhs_hint = false} : vector<640x128xf32>, vector<128x128xf32>, vector<640x128xf32> -> vector<640x128xf32>
    %mul3A_207 = vector.broadcast %bitcast_convert_type3A_200 : vector<640x1xf32> to vector<640x128xf32>
    %mul3A_208 = vector.broadcast %get3A_79 : vector<1x128xf32> to vector<640x128xf32>
    %mul3A_209 = arith.mulf %mul3A_207, %mul3A_208 : vector<640x128xf32>
    %add3A_210 = arith.addf %dot_general3A_206, %mul3A_209 : vector<640x128xf32>
    %ge3A_211 = arith.constant 0.000000e+00 : f32
    %ge3A_212 = vector.broadcast %ge3A_211 : f32 to vector<640x128xf32>
    %ge3A_213 = arith.cmpf oge, %add3A_210, %ge3A_212 : vector<640x128xf32>
    %mul3A_214 = arith.constant 2.000000e-01 : f32
    %mul3A_215 = vector.broadcast %mul3A_214 : f32 to vector<640x128xf32>
    %mul3A_216 = arith.mulf %mul3A_215, %add3A_210 : vector<640x128xf32>
    %select_n3A_217 = arith.select %ge3A_213, %add3A_210, %mul3A_216 : vector<640x128xi1>, vector<640x128xf32>
    %get3A_218 = arith.constant 0 : index
    %get3A_219 = arith.constant 0 : index
    %get3A_220 = vector.load %arg10[%get3A_218, %get3A_219] : memref<128x1xf32, #tpu.memory_space<vmem>>, vector<128x1xf32>
    %dot_general3A_221 = arith.constant dense<0.000000e+00> : vector<640x1xf32>
    %dot_general3A_222 = tpu.matmul %select_n3A_217, %get3A_220, %dot_general3A_221 {dimension_numbers = #tpu.dot_dimension_numbers<[1], [0], [0], [1], [0, 0, 1, 1], [], []>, transpose_lhs_hint = false} : vector<640x128xf32>, vector<128x1xf32>, vector<640x1xf32> -> vector<640x1xf32>
    %get3A_223 = arith.constant 0 : index
    %get3A_224 = arith.constant 5 : index
    %get3A_225 = arith.constant 0 : index
    %get3A_226 = vector.load %arg3[%get3A_223, %get3A_224, %get3A_225] : memref<640x12x128xf32, #tpu.memory_space<vmem>>, vector<640x1x128xf32>
    %get3A_227 = vector.shape_cast %get3A_226 : vector<640x1x128xf32> to vector<640x128xf32>
    %slice3A_228 = vector.extract_strided_slice %get3A_72 {offsets = [0, 17], sizes = [640, 1], strides = [1, 1]} : vector<640x128xi32> to vector<640x1xi32>
    %bitcast_convert_type3A_229 = tpu.bitcast %slice3A_228 : vector<640x1xi32> -> vector<640x1xf32>
    %mul3A_230 = arith.mulf %reshape3A_76, %get3A_227 : vector<640x128xf32>
    %get3A_231 = arith.constant 0 : index
    %get3A_232 = arith.constant 0 : index
    %get3A_233 = vector.load %arg8[%get3A_231, %get3A_232] : memref<128x128xf32, #tpu.memory_space<vmem>>, vector<128x128xf32>
    %dot_general3A_234 = arith.constant dense<0.000000e+00> : vector<640x128xf32>
    %dot_general3A_235 = tpu.matmul %mul3A_230, %get3A_233, %dot_general3A_234 {dimension_numbers = #tpu.dot_dimension_numbers<[1], [0], [0], [1], [0, 0, 1, 1], [], []>, transpose_lhs_hint = false} : vector<640x128xf32>, vector<128x128xf32>, vector<640x128xf32> -> vector<640x128xf32>
    %mul3A_236 = vector.broadcast %bitcast_convert_type3A_229 : vector<640x1xf32> to vector<640x128xf32>
    %mul3A_237 = vector.broadcast %get3A_79 : vector<1x128xf32> to vector<640x128xf32>
    %mul3A_238 = arith.mulf %mul3A_236, %mul3A_237 : vector<640x128xf32>
    %add3A_239 = arith.addf %dot_general3A_235, %mul3A_238 : vector<640x128xf32>
    %ge3A_240 = arith.constant 0.000000e+00 : f32
    %ge3A_241 = vector.broadcast %ge3A_240 : f32 to vector<640x128xf32>
    %ge3A_242 = arith.cmpf oge, %add3A_239, %ge3A_241 : vector<640x128xf32>
    %mul3A_243 = arith.constant 2.000000e-01 : f32
    %mul3A_244 = vector.broadcast %mul3A_243 : f32 to vector<640x128xf32>
    %mul3A_245 = arith.mulf %mul3A_244, %add3A_239 : vector<640x128xf32>
    %select_n3A_246 = arith.select %ge3A_242, %add3A_239, %mul3A_245 : vector<640x128xi1>, vector<640x128xf32>
    %get3A_247 = arith.constant 0 : index
    %get3A_248 = arith.constant 0 : index
    %get3A_249 = vector.load %arg10[%get3A_247, %get3A_248] : memref<128x1xf32, #tpu.memory_space<vmem>>, vector<128x1xf32>
    %dot_general3A_250 = arith.constant dense<0.000000e+00> : vector<640x1xf32>
    %dot_general3A_251 = tpu.matmul %select_n3A_246, %get3A_249, %dot_general3A_250 {dimension_numbers = #tpu.dot_dimension_numbers<[1], [0], [0], [1], [0, 0, 1, 1], [], []>, transpose_lhs_hint = false} : vector<640x128xf32>, vector<128x1xf32>, vector<640x1xf32> -> vector<640x1xf32>
    %get3A_252 = arith.constant 0 : index
    %get3A_253 = arith.constant 6 : index
    %get3A_254 = arith.constant 0 : index
    %get3A_255 = vector.load %arg3[%get3A_252, %get3A_253, %get3A_254] : memref<640x12x128xf32, #tpu.memory_space<vmem>>, vector<640x1x128xf32>
    %get3A_256 = vector.shape_cast %get3A_255 : vector<640x1x128xf32> to vector<640x128xf32>
    %slice3A_257 = vector.extract_strided_slice %get3A_72 {offsets = [0, 18], sizes = [640, 1], strides = [1, 1]} : vector<640x128xi32> to vector<640x1xi32>
    %bitcast_convert_type3A_258 = tpu.bitcast %slice3A_257 : vector<640x1xi32> -> vector<640x1xf32>
    %mul3A_259 = arith.mulf %reshape3A_76, %get3A_256 : vector<640x128xf32>
    %get3A_260 = arith.constant 0 : index
    %get3A_261 = arith.constant 0 : index
    %get3A_262 = vector.load %arg8[%get3A_260, %get3A_261] : memref<128x128xf32, #tpu.memory_space<vmem>>, vector<128x128xf32>
    %dot_general3A_263 = arith.constant dense<0.000000e+00> : vector<640x128xf32>
    %dot_general3A_264 = tpu.matmul %mul3A_259, %get3A_262, %dot_general3A_263 {dimension_numbers = #tpu.dot_dimension_numbers<[1], [0], [0], [1], [0, 0, 1, 1], [], []>, transpose_lhs_hint = false} : vector<640x128xf32>, vector<128x128xf32>, vector<640x128xf32> -> vector<640x128xf32>
    %mul3A_265 = vector.broadcast %bitcast_convert_type3A_258 : vector<640x1xf32> to vector<640x128xf32>
    %mul3A_266 = vector.broadcast %get3A_79 : vector<1x128xf32> to vector<640x128xf32>
    %mul3A_267 = arith.mulf %mul3A_265, %mul3A_266 : vector<640x128xf32>
    %add3A_268 = arith.addf %dot_general3A_264, %mul3A_267 : vector<640x128xf32>
    %ge3A_269 = arith.constant 0.000000e+00 : f32
    %ge3A_270 = vector.broadcast %ge3A_269 : f32 to vector<640x128xf32>
    %ge3A_271 = arith.cmpf oge, %add3A_268, %ge3A_270 : vector<640x128xf32>
    %mul3A_272 = arith.constant 2.000000e-01 : f32
    %mul3A_273 = vector.broadcast %mul3A_272 : f32 to vector<640x128xf32>
    %mul3A_274 = arith.mulf %mul3A_273, %add3A_268 : vector<640x128xf32>
    %select_n3A_275 = arith.select %ge3A_271, %add3A_268, %mul3A_274 : vector<640x128xi1>, vector<640x128xf32>
    %get3A_276 = arith.constant 0 : index
    %get3A_277 = arith.constant 0 : index
    %get3A_278 = vector.load %arg10[%get3A_276, %get3A_277] : memref<128x1xf32, #tpu.memory_space<vmem>>, vector<128x1xf32>
    %dot_general3A_279 = arith.constant dense<0.000000e+00> : vector<640x1xf32>
    %dot_general3A_280 = tpu.matmul %select_n3A_275, %get3A_278, %dot_general3A_279 {dimension_numbers = #tpu.dot_dimension_numbers<[1], [0], [0], [1], [0, 0, 1, 1], [], []>, transpose_lhs_hint = false} : vector<640x128xf32>, vector<128x1xf32>, vector<640x1xf32> -> vector<640x1xf32>
    %get3A_281 = arith.constant 0 : index
    %get3A_282 = arith.constant 7 : index
    %get3A_283 = arith.constant 0 : index
    %get3A_284 = vector.load %arg3[%get3A_281, %get3A_282, %get3A_283] : memref<640x12x128xf32, #tpu.memory_space<vmem>>, vector<640x1x128xf32>
    %get3A_285 = vector.shape_cast %get3A_284 : vector<640x1x128xf32> to vector<640x128xf32>
    %slice3A_286 = vector.extract_strided_slice %get3A_72 {offsets = [0, 19], sizes = [640, 1], strides = [1, 1]} : vector<640x128xi32> to vector<640x1xi32>
    %bitcast_convert_type3A_287 = tpu.bitcast %slice3A_286 : vector<640x1xi32> -> vector<640x1xf32>
    %mul3A_288 = arith.mulf %reshape3A_76, %get3A_285 : vector<640x128xf32>
    %get3A_289 = arith.constant 0 : index
    %get3A_290 = arith.constant 0 : index
    %get3A_291 = vector.load %arg8[%get3A_289, %get3A_290] : memref<128x128xf32, #tpu.memory_space<vmem>>, vector<128x128xf32>
    %dot_general3A_292 = arith.constant dense<0.000000e+00> : vector<640x128xf32>
    %dot_general3A_293 = tpu.matmul %mul3A_288, %get3A_291, %dot_general3A_292 {dimension_numbers = #tpu.dot_dimension_numbers<[1], [0], [0], [1], [0, 0, 1, 1], [], []>, transpose_lhs_hint = false} : vector<640x128xf32>, vector<128x128xf32>, vector<640x128xf32> -> vector<640x128xf32>
    %mul3A_294 = vector.broadcast %bitcast_convert_type3A_287 : vector<640x1xf32> to vector<640x128xf32>
    %mul3A_295 = vector.broadcast %get3A_79 : vector<1x128xf32> to vector<640x128xf32>
    %mul3A_296 = arith.mulf %mul3A_294, %mul3A_295 : vector<640x128xf32>
    %add3A_297 = arith.addf %dot_general3A_293, %mul3A_296 : vector<640x128xf32>
    %ge3A_298 = arith.constant 0.000000e+00 : f32
    %ge3A_299 = vector.broadcast %ge3A_298 : f32 to vector<640x128xf32>
    %ge3A_300 = arith.cmpf oge, %add3A_297, %ge3A_299 : vector<640x128xf32>
    %mul3A_301 = arith.constant 2.000000e-01 : f32
    %mul3A_302 = vector.broadcast %mul3A_301 : f32 to vector<640x128xf32>
    %mul3A_303 = arith.mulf %mul3A_302, %add3A_297 : vector<640x128xf32>
    %select_n3A_304 = arith.select %ge3A_300, %add3A_297, %mul3A_303 : vector<640x128xi1>, vector<640x128xf32>
    %get3A_305 = arith.constant 0 : index
    %get3A_306 = arith.constant 0 : index
    %get3A_307 = vector.load %arg10[%get3A_305, %get3A_306] : memref<128x1xf32, #tpu.memory_space<vmem>>, vector<128x1xf32>
    %dot_general3A_308 = arith.constant dense<0.000000e+00> : vector<640x1xf32>
    %dot_general3A_309 = tpu.matmul %select_n3A_304, %get3A_307, %dot_general3A_308 {dimension_numbers = #tpu.dot_dimension_numbers<[1], [0], [0], [1], [0, 0, 1, 1], [], []>, transpose_lhs_hint = false} : vector<640x128xf32>, vector<128x1xf32>, vector<640x1xf32> -> vector<640x1xf32>
    %get3A_310 = arith.constant 0 : index
    %get3A_311 = arith.constant 8 : index
    %get3A_312 = arith.constant 0 : index
    %get3A_313 = vector.load %arg3[%get3A_310, %get3A_311, %get3A_312] : memref<640x12x128xf32, #tpu.memory_space<vmem>>, vector<640x1x128xf32>
    %get3A_314 = vector.shape_cast %get3A_313 : vector<640x1x128xf32> to vector<640x128xf32>
    %slice3A_315 = vector.extract_strided_slice %get3A_72 {offsets = [0, 20], sizes = [640, 1], strides = [1, 1]} : vector<640x128xi32> to vector<640x1xi32>
    %bitcast_convert_type3A_316 = tpu.bitcast %slice3A_315 : vector<640x1xi32> -> vector<640x1xf32>
    %mul3A_317 = arith.mulf %reshape3A_76, %get3A_314 : vector<640x128xf32>
    %get3A_318 = arith.constant 0 : index
    %get3A_319 = arith.constant 0 : index
    %get3A_320 = vector.load %arg8[%get3A_318, %get3A_319] : memref<128x128xf32, #tpu.memory_space<vmem>>, vector<128x128xf32>
    %dot_general3A_321 = arith.constant dense<0.000000e+00> : vector<640x128xf32>
    %dot_general3A_322 = tpu.matmul %mul3A_317, %get3A_320, %dot_general3A_321 {dimension_numbers = #tpu.dot_dimension_numbers<[1], [0], [0], [1], [0, 0, 1, 1], [], []>, transpose_lhs_hint = false} : vector<640x128xf32>, vector<128x128xf32>, vector<640x128xf32> -> vector<640x128xf32>
    %mul3A_323 = vector.broadcast %bitcast_convert_type3A_316 : vector<640x1xf32> to vector<640x128xf32>
    %mul3A_324 = vector.broadcast %get3A_79 : vector<1x128xf32> to vector<640x128xf32>
    %mul3A_325 = arith.mulf %mul3A_323, %mul3A_324 : vector<640x128xf32>
    %add3A_326 = arith.addf %dot_general3A_322, %mul3A_325 : vector<640x128xf32>
    %ge3A_327 = arith.constant 0.000000e+00 : f32
    %ge3A_328 = vector.broadcast %ge3A_327 : f32 to vector<640x128xf32>
    %ge3A_329 = arith.cmpf oge, %add3A_326, %ge3A_328 : vector<640x128xf32>
    %mul3A_330 = arith.constant 2.000000e-01 : f32
    %mul3A_331 = vector.broadcast %mul3A_330 : f32 to vector<640x128xf32>
    %mul3A_332 = arith.mulf %mul3A_331, %add3A_326 : vector<640x128xf32>
    %select_n3A_333 = arith.select %ge3A_329, %add3A_326, %mul3A_332 : vector<640x128xi1>, vector<640x128xf32>
    %get3A_334 = arith.constant 0 : index
    %get3A_335 = arith.constant 0 : index
    %get3A_336 = vector.load %arg10[%get3A_334, %get3A_335] : memref<128x1xf32, #tpu.memory_space<vmem>>, vector<128x1xf32>
    %dot_general3A_337 = arith.constant dense<0.000000e+00> : vector<640x1xf32>
    %dot_general3A_338 = tpu.matmul %select_n3A_333, %get3A_336, %dot_general3A_337 {dimension_numbers = #tpu.dot_dimension_numbers<[1], [0], [0], [1], [0, 0, 1, 1], [], []>, transpose_lhs_hint = false} : vector<640x128xf32>, vector<128x1xf32>, vector<640x1xf32> -> vector<640x1xf32>
    %get3A_339 = arith.constant 0 : index
    %get3A_340 = arith.constant 9 : index
    %get3A_341 = arith.constant 0 : index
    %get3A_342 = vector.load %arg3[%get3A_339, %get3A_340, %get3A_341] : memref<640x12x128xf32, #tpu.memory_space<vmem>>, vector<640x1x128xf32>
    %get3A_343 = vector.shape_cast %get3A_342 : vector<640x1x128xf32> to vector<640x128xf32>
    %slice3A_344 = vector.extract_strided_slice %get3A_72 {offsets = [0, 21], sizes = [640, 1], strides = [1, 1]} : vector<640x128xi32> to vector<640x1xi32>
    %bitcast_convert_type3A_345 = tpu.bitcast %slice3A_344 : vector<640x1xi32> -> vector<640x1xf32>
    %mul3A_346 = arith.mulf %reshape3A_76, %get3A_343 : vector<640x128xf32>
    %get3A_347 = arith.constant 0 : index
    %get3A_348 = arith.constant 0 : index
    %get3A_349 = vector.load %arg8[%get3A_347, %get3A_348] : memref<128x128xf32, #tpu.memory_space<vmem>>, vector<128x128xf32>
    %dot_general3A_350 = arith.constant dense<0.000000e+00> : vector<640x128xf32>
    %dot_general3A_351 = tpu.matmul %mul3A_346, %get3A_349, %dot_general3A_350 {dimension_numbers = #tpu.dot_dimension_numbers<[1], [0], [0], [1], [0, 0, 1, 1], [], []>, transpose_lhs_hint = false} : vector<640x128xf32>, vector<128x128xf32>, vector<640x128xf32> -> vector<640x128xf32>
    %mul3A_352 = vector.broadcast %bitcast_convert_type3A_345 : vector<640x1xf32> to vector<640x128xf32>
    %mul3A_353 = vector.broadcast %get3A_79 : vector<1x128xf32> to vector<640x128xf32>
    %mul3A_354 = arith.mulf %mul3A_352, %mul3A_353 : vector<640x128xf32>
    %add3A_355 = arith.addf %dot_general3A_351, %mul3A_354 : vector<640x128xf32>
    %ge3A_356 = arith.constant 0.000000e+00 : f32
    %ge3A_357 = vector.broadcast %ge3A_356 : f32 to vector<640x128xf32>
    %ge3A_358 = arith.cmpf oge, %add3A_355, %ge3A_357 : vector<640x128xf32>
    %mul3A_359 = arith.constant 2.000000e-01 : f32
    %mul3A_360 = vector.broadcast %mul3A_359 : f32 to vector<640x128xf32>
    %mul3A_361 = arith.mulf %mul3A_360, %add3A_355 : vector<640x128xf32>
    %select_n3A_362 = arith.select %ge3A_358, %add3A_355, %mul3A_361 : vector<640x128xi1>, vector<640x128xf32>
    %get3A_363 = arith.constant 0 : index
    %get3A_364 = arith.constant 0 : index
    %get3A_365 = vector.load %arg10[%get3A_363, %get3A_364] : memref<128x1xf32, #tpu.memory_space<vmem>>, vector<128x1xf32>
    %dot_general3A_366 = arith.constant dense<0.000000e+00> : vector<640x1xf32>
    %dot_general3A_367 = tpu.matmul %select_n3A_362, %get3A_365, %dot_general3A_366 {dimension_numbers = #tpu.dot_dimension_numbers<[1], [0], [0], [1], [0, 0, 1, 1], [], []>, transpose_lhs_hint = false} : vector<640x128xf32>, vector<128x1xf32>, vector<640x1xf32> -> vector<640x1xf32>
    %get3A_368 = arith.constant 0 : index
    %get3A_369 = arith.constant 10 : index
    %get3A_370 = arith.constant 0 : index
    %get3A_371 = vector.load %arg3[%get3A_368, %get3A_369, %get3A_370] : memref<640x12x128xf32, #tpu.memory_space<vmem>>, vector<640x1x128xf32>
    %get3A_372 = vector.shape_cast %get3A_371 : vector<640x1x128xf32> to vector<640x128xf32>
    %slice3A_373 = vector.extract_strided_slice %get3A_72 {offsets = [0, 22], sizes = [640, 1], strides = [1, 1]} : vector<640x128xi32> to vector<640x1xi32>
    %bitcast_convert_type3A_374 = tpu.bitcast %slice3A_373 : vector<640x1xi32> -> vector<640x1xf32>
    %mul3A_375 = arith.mulf %reshape3A_76, %get3A_372 : vector<640x128xf32>
    %get3A_376 = arith.constant 0 : index
    %get3A_377 = arith.constant 0 : index
    %get3A_378 = vector.load %arg8[%get3A_376, %get3A_377] : memref<128x128xf32, #tpu.memory_space<vmem>>, vector<128x128xf32>
    %dot_general3A_379 = arith.constant dense<0.000000e+00> : vector<640x128xf32>
    %dot_general3A_380 = tpu.matmul %mul3A_375, %get3A_378, %dot_general3A_379 {dimension_numbers = #tpu.dot_dimension_numbers<[1], [0], [0], [1], [0, 0, 1, 1], [], []>, transpose_lhs_hint = false} : vector<640x128xf32>, vector<128x128xf32>, vector<640x128xf32> -> vector<640x128xf32>
    %mul3A_381 = vector.broadcast %bitcast_convert_type3A_374 : vector<640x1xf32> to vector<640x128xf32>
    %mul3A_382 = vector.broadcast %get3A_79 : vector<1x128xf32> to vector<640x128xf32>
    %mul3A_383 = arith.mulf %mul3A_381, %mul3A_382 : vector<640x128xf32>
    %add3A_384 = arith.addf %dot_general3A_380, %mul3A_383 : vector<640x128xf32>
    %ge3A_385 = arith.constant 0.000000e+00 : f32
    %ge3A_386 = vector.broadcast %ge3A_385 : f32 to vector<640x128xf32>
    %ge3A_387 = arith.cmpf oge, %add3A_384, %ge3A_386 : vector<640x128xf32>
    %mul3A_388 = arith.constant 2.000000e-01 : f32
    %mul3A_389 = vector.broadcast %mul3A_388 : f32 to vector<640x128xf32>
    %mul3A_390 = arith.mulf %mul3A_389, %add3A_384 : vector<640x128xf32>
    %select_n3A_391 = arith.select %ge3A_387, %add3A_384, %mul3A_390 : vector<640x128xi1>, vector<640x128xf32>
    %get3A_392 = arith.constant 0 : index
    %get3A_393 = arith.constant 0 : index
    %get3A_394 = vector.load %arg10[%get3A_392, %get3A_393] : memref<128x1xf32, #tpu.memory_space<vmem>>, vector<128x1xf32>
    %dot_general3A_395 = arith.constant dense<0.000000e+00> : vector<640x1xf32>
    %dot_general3A_396 = tpu.matmul %select_n3A_391, %get3A_394, %dot_general3A_395 {dimension_numbers = #tpu.dot_dimension_numbers<[1], [0], [0], [1], [0, 0, 1, 1], [], []>, transpose_lhs_hint = false} : vector<640x128xf32>, vector<128x1xf32>, vector<640x1xf32> -> vector<640x1xf32>
    %get3A_397 = arith.constant 0 : index
    %get3A_398 = arith.constant 11 : index
    %get3A_399 = arith.constant 0 : index
    %get3A_400 = vector.load %arg3[%get3A_397, %get3A_398, %get3A_399] : memref<640x12x128xf32, #tpu.memory_space<vmem>>, vector<640x1x128xf32>
    %get3A_401 = vector.shape_cast %get3A_400 : vector<640x1x128xf32> to vector<640x128xf32>
    %slice3A_402 = vector.extract_strided_slice %get3A_72 {offsets = [0, 23], sizes = [640, 1], strides = [1, 1]} : vector<640x128xi32> to vector<640x1xi32>
    %bitcast_convert_type3A_403 = tpu.bitcast %slice3A_402 : vector<640x1xi32> -> vector<640x1xf32>
    %mul3A_404 = arith.mulf %reshape3A_76, %get3A_401 : vector<640x128xf32>
    %get3A_405 = arith.constant 0 : index
    %get3A_406 = arith.constant 0 : index
    %get3A_407 = vector.load %arg8[%get3A_405, %get3A_406] : memref<128x128xf32, #tpu.memory_space<vmem>>, vector<128x128xf32>
    %dot_general3A_408 = arith.constant dense<0.000000e+00> : vector<640x128xf32>
    %dot_general3A_409 = tpu.matmul %mul3A_404, %get3A_407, %dot_general3A_408 {dimension_numbers = #tpu.dot_dimension_numbers<[1], [0], [0], [1], [0, 0, 1, 1], [], []>, transpose_lhs_hint = false} : vector<640x128xf32>, vector<128x128xf32>, vector<640x128xf32> -> vector<640x128xf32>
    %mul3A_410 = vector.broadcast %bitcast_convert_type3A_403 : vector<640x1xf32> to vector<640x128xf32>
    %mul3A_411 = vector.broadcast %get3A_79 : vector<1x128xf32> to vector<640x128xf32>
    %mul3A_412 = arith.mulf %mul3A_410, %mul3A_411 : vector<640x128xf32>
    %add3A_413 = arith.addf %dot_general3A_409, %mul3A_412 : vector<640x128xf32>
    %ge3A_414 = arith.constant 0.000000e+00 : f32
    %ge3A_415 = vector.broadcast %ge3A_414 : f32 to vector<640x128xf32>
    %ge3A_416 = arith.cmpf oge, %add3A_413, %ge3A_415 : vector<640x128xf32>
    %mul3A_417 = arith.constant 2.000000e-01 : f32
    %mul3A_418 = vector.broadcast %mul3A_417 : f32 to vector<640x128xf32>
    %mul3A_419 = arith.mulf %mul3A_418, %add3A_413 : vector<640x128xf32>
    %select_n3A_420 = arith.select %ge3A_416, %add3A_413, %mul3A_419 : vector<640x128xi1>, vector<640x128xf32>
    %get3A_421 = arith.constant 0 : index
    %get3A_422 = arith.constant 0 : index
    %get3A_423 = vector.load %arg10[%get3A_421, %get3A_422] : memref<128x1xf32, #tpu.memory_space<vmem>>, vector<128x1xf32>
    %dot_general3A_424 = arith.constant dense<0.000000e+00> : vector<640x1xf32>
    %dot_general3A_425 = tpu.matmul %select_n3A_420, %get3A_423, %dot_general3A_424 {dimension_numbers = #tpu.dot_dimension_numbers<[1], [0], [0], [1], [0, 0, 1, 1], [], []>, transpose_lhs_hint = false} : vector<640x128xf32>, vector<128x1xf32>, vector<640x1xf32> -> vector<640x1xf32>
    %max3A = arith.maximumf %dot_general3A_106, %dot_general3A_135 : vector<640x1xf32>
    %max3A_426 = arith.maximumf %max3A, %dot_general3A_164 : vector<640x1xf32>
    %max3A_427 = arith.maximumf %max3A_426, %dot_general3A_193 : vector<640x1xf32>
    %max3A_428 = arith.maximumf %max3A_427, %dot_general3A_222 : vector<640x1xf32>
    %max3A_429 = arith.maximumf %max3A_428, %dot_general3A_251 : vector<640x1xf32>
    %max3A_430 = arith.maximumf %max3A_429, %dot_general3A_280 : vector<640x1xf32>
    %max3A_431 = arith.maximumf %max3A_430, %dot_general3A_309 : vector<640x1xf32>
    %max3A_432 = arith.maximumf %max3A_431, %dot_general3A_338 : vector<640x1xf32>
    %max3A_433 = arith.maximumf %max3A_432, %dot_general3A_367 : vector<640x1xf32>
    %max3A_434 = arith.maximumf %max3A_433, %dot_general3A_396 : vector<640x1xf32>
    %max3A_435 = arith.maximumf %max3A_434, %dot_general3A_425 : vector<640x1xf32>
    %sub3A_436 = arith.subf %dot_general3A_106, %max3A_435 : vector<640x1xf32>
    %exp3A_437 = math.exp %sub3A_436 : vector<640x1xf32>
    %sub3A_438 = arith.subf %dot_general3A_135, %max3A_435 : vector<640x1xf32>
    %exp3A_439 = math.exp %sub3A_438 : vector<640x1xf32>
    %sub3A_440 = arith.subf %dot_general3A_164, %max3A_435 : vector<640x1xf32>
    %exp3A_441 = math.exp %sub3A_440 : vector<640x1xf32>
    %sub3A_442 = arith.subf %dot_general3A_193, %max3A_435 : vector<640x1xf32>
    %exp3A_443 = math.exp %sub3A_442 : vector<640x1xf32>
    %sub3A_444 = arith.subf %dot_general3A_222, %max3A_435 : vector<640x1xf32>
    %exp3A_445 = math.exp %sub3A_444 : vector<640x1xf32>
    %sub3A_446 = arith.subf %dot_general3A_251, %max3A_435 : vector<640x1xf32>
    %exp3A_447 = math.exp %sub3A_446 : vector<640x1xf32>
    %sub3A_448 = arith.subf %dot_general3A_280, %max3A_435 : vector<640x1xf32>
    %exp3A_449 = math.exp %sub3A_448 : vector<640x1xf32>
    %sub3A_450 = arith.subf %dot_general3A_309, %max3A_435 : vector<640x1xf32>
    %exp3A_451 = math.exp %sub3A_450 : vector<640x1xf32>
    %sub3A_452 = arith.subf %dot_general3A_338, %max3A_435 : vector<640x1xf32>
    %exp3A_453 = math.exp %sub3A_452 : vector<640x1xf32>
    %sub3A_454 = arith.subf %dot_general3A_367, %max3A_435 : vector<640x1xf32>
    %exp3A_455 = math.exp %sub3A_454 : vector<640x1xf32>
    %sub3A_456 = arith.subf %dot_general3A_396, %max3A_435 : vector<640x1xf32>
    %exp3A_457 = math.exp %sub3A_456 : vector<640x1xf32>
    %sub3A_458 = arith.subf %dot_general3A_425, %max3A_435 : vector<640x1xf32>
    %exp3A_459 = math.exp %sub3A_458 : vector<640x1xf32>
    %add3A_460 = arith.addf %exp3A_437, %exp3A_439 : vector<640x1xf32>
    %add3A_461 = arith.addf %add3A_460, %exp3A_441 : vector<640x1xf32>
    %add3A_462 = arith.addf %add3A_461, %exp3A_443 : vector<640x1xf32>
    %add3A_463 = arith.addf %add3A_462, %exp3A_445 : vector<640x1xf32>
    %add3A_464 = arith.addf %add3A_463, %exp3A_447 : vector<640x1xf32>
    %add3A_465 = arith.addf %add3A_464, %exp3A_449 : vector<640x1xf32>
    %add3A_466 = arith.addf %add3A_465, %exp3A_451 : vector<640x1xf32>
    %add3A_467 = arith.addf %add3A_466, %exp3A_453 : vector<640x1xf32>
    %add3A_468 = arith.addf %add3A_467, %exp3A_455 : vector<640x1xf32>
    %add3A_469 = arith.addf %add3A_468, %exp3A_457 : vector<640x1xf32>
    %add3A_470 = arith.addf %add3A_469, %exp3A_459 : vector<640x1xf32>
    %div3A_471 = arith.constant 1.000000e+00 : f32
    %div3A_472 = vector.broadcast %div3A_471 : f32 to vector<640x1xf32>
    %div3A_473 = arith.divf %div3A_472, %add3A_470 : vector<640x1xf32>
    %mul3A_474 = arith.mulf %exp3A_437, %div3A_473 : vector<640x1xf32>
    %mul3A_475 = vector.broadcast %mul3A_474 : vector<640x1xf32> to vector<640x128xf32>
    %mul3A_476 = arith.mulf %mul3A_475, %get3A_84 : vector<640x128xf32>
    %mul3A_477 = arith.mulf %exp3A_439, %div3A_473 : vector<640x1xf32>
    %mul3A_478 = vector.broadcast %mul3A_477 : vector<640x1xf32> to vector<640x128xf32>
    %mul3A_479 = arith.mulf %mul3A_478, %get3A_111 : vector<640x128xf32>
    %add3A_480 = arith.addf %mul3A_476, %mul3A_479 : vector<640x128xf32>
    %mul3A_481 = arith.mulf %exp3A_441, %div3A_473 : vector<640x1xf32>
    %mul3A_482 = vector.broadcast %mul3A_481 : vector<640x1xf32> to vector<640x128xf32>
    %mul3A_483 = arith.mulf %mul3A_482, %get3A_140 : vector<640x128xf32>
    %add3A_484 = arith.addf %add3A_480, %mul3A_483 : vector<640x128xf32>
    %mul3A_485 = arith.mulf %exp3A_443, %div3A_473 : vector<640x1xf32>
    %mul3A_486 = vector.broadcast %mul3A_485 : vector<640x1xf32> to vector<640x128xf32>
    %mul3A_487 = arith.mulf %mul3A_486, %get3A_169 : vector<640x128xf32>
    %add3A_488 = arith.addf %add3A_484, %mul3A_487 : vector<640x128xf32>
    %mul3A_489 = arith.mulf %exp3A_445, %div3A_473 : vector<640x1xf32>
    %mul3A_490 = vector.broadcast %mul3A_489 : vector<640x1xf32> to vector<640x128xf32>
    %mul3A_491 = arith.mulf %mul3A_490, %get3A_198 : vector<640x128xf32>
    %add3A_492 = arith.addf %add3A_488, %mul3A_491 : vector<640x128xf32>
    %mul3A_493 = arith.mulf %exp3A_447, %div3A_473 : vector<640x1xf32>
    %mul3A_494 = vector.broadcast %mul3A_493 : vector<640x1xf32> to vector<640x128xf32>
    %mul3A_495 = arith.mulf %mul3A_494, %get3A_227 : vector<640x128xf32>
    %add3A_496 = arith.addf %add3A_492, %mul3A_495 : vector<640x128xf32>
    %mul3A_497 = arith.mulf %exp3A_449, %div3A_473 : vector<640x1xf32>
    %mul3A_498 = vector.broadcast %mul3A_497 : vector<640x1xf32> to vector<640x128xf32>
    %mul3A_499 = arith.mulf %mul3A_498, %get3A_256 : vector<640x128xf32>
    %add3A_500 = arith.addf %add3A_496, %mul3A_499 : vector<640x128xf32>
    %mul3A_501 = arith.mulf %exp3A_451, %div3A_473 : vector<640x1xf32>
    %mul3A_502 = vector.broadcast %mul3A_501 : vector<640x1xf32> to vector<640x128xf32>
    %mul3A_503 = arith.mulf %mul3A_502, %get3A_285 : vector<640x128xf32>
    %add3A_504 = arith.addf %add3A_500, %mul3A_503 : vector<640x128xf32>
    %mul3A_505 = arith.mulf %exp3A_453, %div3A_473 : vector<640x1xf32>
    %mul3A_506 = vector.broadcast %mul3A_505 : vector<640x1xf32> to vector<640x128xf32>
    %mul3A_507 = arith.mulf %mul3A_506, %get3A_314 : vector<640x128xf32>
    %add3A_508 = arith.addf %add3A_504, %mul3A_507 : vector<640x128xf32>
    %mul3A_509 = arith.mulf %exp3A_455, %div3A_473 : vector<640x1xf32>
    %mul3A_510 = vector.broadcast %mul3A_509 : vector<640x1xf32> to vector<640x128xf32>
    %mul3A_511 = arith.mulf %mul3A_510, %get3A_343 : vector<640x128xf32>
    %add3A_512 = arith.addf %add3A_508, %mul3A_511 : vector<640x128xf32>
    %mul3A_513 = arith.mulf %exp3A_457, %div3A_473 : vector<640x1xf32>
    %mul3A_514 = vector.broadcast %mul3A_513 : vector<640x1xf32> to vector<640x128xf32>
    %mul3A_515 = arith.mulf %mul3A_514, %get3A_372 : vector<640x128xf32>
    %add3A_516 = arith.addf %add3A_512, %mul3A_515 : vector<640x128xf32>
    %mul3A_517 = arith.mulf %exp3A_459, %div3A_473 : vector<640x1xf32>
    %mul3A_518 = vector.broadcast %mul3A_517 : vector<640x1xf32> to vector<640x128xf32>
    %mul3A_519 = arith.mulf %mul3A_518, %get3A_401 : vector<640x128xf32>
    %add3A_520 = arith.addf %add3A_516, %mul3A_519 : vector<640x128xf32>
    %concatenate3A = tpu.concatenate %get3A_1, %add3A_520 in 1 : vector<640x128xf32>, vector<640x128xf32> -> vector<640x256xf32>
    %get3A_521 = arith.constant 0 : index
    %get3A_522 = arith.constant 0 : index
    %get3A_523 = vector.load %arg11[%get3A_521, %get3A_522] : memref<256x128xf32, #tpu.memory_space<vmem>>, vector<256x128xf32>
    %dot_general3A_524 = arith.constant dense<0.000000e+00> : vector<640x128xf32>
    %dot_general3A_525 = tpu.matmul %concatenate3A, %get3A_523, %dot_general3A_524 {dimension_numbers = #tpu.dot_dimension_numbers<[1], [0], [0], [1], [0, 0, 1, 1], [], []>, transpose_lhs_hint = false} : vector<640x256xf32>, vector<256x128xf32>, vector<640x128xf32> -> vector<640x128xf32>
    %max3A_526 = arith.constant 0.000000e+00 : f32
    %max3A_527 = vector.broadcast %max3A_526 : f32 to vector<640x128xf32>
    %max3A_528 = arith.maximumf %dot_general3A_525, %max3A_527 : vector<640x128xf32>
    %reshape3A_529 = vector.shape_cast %max3A_528 : vector<640x128xf32> to vector<32x20x128xf32>
    %add3A_530 = arith.addf %dot_general3A_52, %reshape3A_529 : vector<32x20x128xf32>
    %swap3A = arith.constant 0 : index
    %swap3A_531 = arith.constant 0 : index
    %swap3A_532 = arith.constant 0 : index
    %swap3A_533 = vector.load %arg13[%swap3A, %swap3A_531, %swap3A_532] : memref<32x20x128xf32, #tpu.memory_space<vmem>>, vector<32x20x128xf32>
    tpu.vector_store %arg13[%swap3A, %swap3A_531, %swap3A_532], %add3A_530 {strides = array<i32>} : memref<32x20x128xf32, #tpu.memory_space<vmem>>, vector<32x20x128xf32>,
    return
  }
  func.func @transform_0(%arg0: i32) -> (i32, i32) {
    %c0_i32 = arith.constant 0 : i32
    %c0_i32_0 = arith.constant 0 : i32
    return %arg0, %c0_i32 : i32, i32
  }
  func.func @transform_1(%arg0: i32) -> (i32, i32) {
    %c0_i32 = arith.constant 0 : i32
    %c0_i32_0 = arith.constant 0 : i32
    return %arg0, %c0_i32 : i32, i32
  }
  func.func @transform_2(%arg0: i32) -> (i32, i32, i32) {
    %c0_i32 = arith.constant 0 : i32
    %c0_i32_0 = arith.constant 0 : i32
    %c0_i32_1 = arith.constant 0 : i32
    return %arg0, %c0_i32, %c0_i32_0 : i32, i32, i32
  }
  func.func @transform_3(%arg0: i32) -> (i32, i32) {
    %c0_i32 = arith.constant 0 : i32
    %c0_i32_0 = arith.constant 0 : i32
    return %arg0, %c0_i32 : i32, i32
  }
  func.func @transform_4(%arg0: i32) -> (i32, i32, i32) {
    %add3A = arith.constant 24 : i32
    %add3A_0 = arith.addi %arg0, %add3A : i32
    %c0_i32 = arith.constant 0 : i32
    %c0_i32_1 = arith.constant 0 : i32
    %c0_i32_2 = arith.constant 0 : i32
    return %add3A_0, %c0_i32, %c0_i32_1 : i32, i32, i32
  }
  func.func @transform_5(%arg0: i32) -> (i32, i32) {
    %add3A = arith.constant 24 : i32
    %add3A_0 = arith.addi %arg0, %add3A : i32
    %c0_i32 = arith.constant 0 : i32
    %c0_i32_1 = arith.constant 0 : i32
    return %add3A_0, %c0_i32 : i32, i32
  }
  func.func @transform_6(%arg0: i32) -> (i32, i32) {
    %c0_i32 = arith.constant 0 : i32
    %c0_i32_0 = arith.constant 0 : i32
    %c0_i32_1 = arith.constant 0 : i32
    return %c0_i32, %c0_i32_0 : i32, i32
  }
  func.func @transform_7(%arg0: i32) -> (i32, i32) {
    %c0_i32 = arith.constant 0 : i32
    %c0_i32_0 = arith.constant 0 : i32
    %c0_i32_1 = arith.constant 0 : i32
    return %c0_i32, %c0_i32_0 : i32, i32
  }
  func.func @transform_8(%arg0: i32) -> (i32, i32) {
    %c0_i32 = arith.constant 0 : i32
    %c0_i32_0 = arith.constant 0 : i32
    %c0_i32_1 = arith.constant 0 : i32
    return %c0_i32, %c0_i32_0 : i32, i32
  }
  func.func @transform_9(%arg0: i32) -> (i32, i32) {
    %c0_i32 = arith.constant 0 : i32
    %c0_i32_0 = arith.constant 0 : i32
    %c0_i32_1 = arith.constant 0 : i32
    return %c0_i32, %c0_i32_0 : i32, i32
  }
  func.func @transform_10(%arg0: i32) -> (i32, i32) {
    %c0_i32 = arith.constant 0 : i32
    %c0_i32_0 = arith.constant 0 : i32
    %c0_i32_1 = arith.constant 0 : i32
    return %c0_i32, %c0_i32_0 : i32, i32
  }
  func.func @transform_12(%arg0: i32) -> (i32, i32, i32) {
    %add3A = arith.constant 24 : i32
    %add3A_0 = arith.addi %arg0, %add3A : i32
    %c0_i32 = arith.constant 0 : i32
    %c0_i32_1 = arith.constant 0 : i32
    %c0_i32_2 = arith.constant 0 : i32
    return %add3A_0, %c0_i32, %c0_i32_1 : i32, i32, i32
  }
}

</mosaic_0001>

<sc_bundles>
// kernel: kernel.10.cloned.1.call-start
scs
__scs_entry_jumppad:
0x0: {  	(pc) =	sbr.rel $0x88, $3  }
0x1: {  	(tag) =	ssettag $0x0;
	lr =	simm.s32 $0x1  }
0x2: {  	[smem:$0x3F93] =	sst lr;
	_ =	strace $0xD0000000  }
0x3: {  	_ = 	snop  }
0x4: {  	_ = 	snop  }
0x5: {  	_ = 	snop  }
0x6: {  	_ = 	snop  }
0x7: {  	_ = 	snop  }
__scs_overlays_trampoline_lowered:
0x8: {  	[smem:$0x3FA2] =	sst s0  }
0x9: {  	[smem:$0x3FA3] =	sst s1  }
0xa: {  	[smem:$0x3FA4] =	sst s2  }
0xb: {  	[smem:$0x3FA5] =	sst s3  }
0xc: {  	[smem:$0x3FA6] =	sst s4  }
0xd: {  	[smem:$0x3FA7] =	sst s5  }
0xe: {  	[smem:$0x3FA8] =	sst s6  }
0xf: {  	[smem:$0x3FA9] =	sst s7  }
0x10: {  	[smem:$0x3FAA] =	sst s8  }
0x11: {  	[smem:$0x3FAB] =	sst s9;
	s0 =	simm.s32 @!p0 $0x0  }
0x12: {  	s1 =	sld [smem:$0x3F91];
	s0 =	simm.s32 @p0 $0x1  }
0x13: {  	[smem:$0x3FAC] =	sst s0;
	s0 =	simm.s32 @!p1 $0x0  }
0x14: {  	s2 =	sld [smem:$0x3F90];
	s0 =	simm.s32 @p1 $0x1  }
0x15: {  	[smem:$0x3FAD] =	sst s0;
	s0 =	simm.s32 @!p2 $0x0  }
0x16: {  	s3 =	sld [smem:$0x3FDB];
	s0 =	simm.s32 @p2 $0x1  }
0x17: {  	s4 =	simm.s32 $0x1BF5;
	[smem:$0x3FAF] =	sst s0  }
0x18: {  	s0 =	sld [smem:$0x3F92];
	_ =	swait.ge [sflag:s4], $0x0  }
0x19: {  	s7 =	sld [smem:$0x3F93]  }
0x1a: {  	s8 =	sadd.s32 $0xFFFFE003, lr  }
0x1b: {  	s9 =	sadd.s32 $0xFFFFFEF7, lr;
	s5 =	simm.s32 $0xFFFFFFFF;
	p2 =	slt.u32 s8, $0xFFFFF086  }
0x1c: {  	p1 =	slt.u32 s9, $0xF7A;
	s5 =	simm.s32 @!p2 $0x0  }
0x1d: {  	s5 =	simm.s32 @p1 $0x1;
	p0 =	seq.s32 s7, s2  }
0x1e: {  	s7 =	smul.u32 @!p0 $0xF7A, s2;
	p2 =	seq.s32 @!p0 s5, $0x0  }
0x1f: {  	s9 =	smul.u32 $0xF7A, s1;
	s8 =	simm.s32 @!p0 $0x1BF5;
	p2 =	por !p2, p0  }
0x20: {  	[sflag:s8] =	ssyncset.s32 @!p0 $0xFFFFF086;
	s6 =	sadd.s32 @!p0 s3, s7;
	s7 =	simm.s32 @!p0 $0x108  }
0x21: {  	s3 =	sadd.s32 s3, s9;
	s6 =	sadd.s32 @!p0 $0x88, s6;
	s7 =	simm.s32 @p2 $0x1082  }
0x22: {  	[simem:s7], [sflag:s8] =	dma.local @!p0 [hbm:s6], $0xF7A  }
0x23: {  	s9 =	sor.u32 $0xD0000000, s2;
	s6 =	simm.s32 $0x108;
	_ =	swait.ge @!p0 [sflag:s8], $0x0  }
0x24: {  	s3 =	sadd.s32 $0x88, s3;
	s6 =	simm.s32 @!p1 $0x1082;
	[sflag:s4] =	ssyncset.s32 $0xFFFFF086  }
0x25: {  	[simem:s6], [sflag:s4] =	dma.local [hbm:s3], $0xF7A  }
0x26: {  	[smem:$0x3F93] =	sst s1;
	(tag) =	ssettag s2;
	_ =	strace s9  }
0x27: {  	s1 =	sld [smem:$0x3FA3]  }
0x28: {  	s2 =	sld [smem:$0x3FA4]  }
0x29: {  	s4 =	sld [smem:$0x3FA6]  }
0x2a: {  	p0 =	seq.s32 s5, $0x0;
	s5 =	sld [smem:$0x3FA7]  }
0x2b: {  	s6 =	sld [smem:$0x3FA8]  }
0x2c: {  	s7 =	sld [smem:$0x3FA9]  }
0x2d: {  	s3 =	simm.s32 $0x108;
	s8 =	sld [smem:$0x3FAA]  }
0x2e: {  	s3 =	simm.s32 @!p0 $0x1082;
	s9 =	sld [smem:$0x3FAB]  }
0x2f: {  	lr =	sadd.s32 s0, s3;
	s0 =	sld [smem:$0x3FA2]  }
0x30: {  	s3 =	sld [smem:$0x3FA5]  }
0x31: {  	[smem:$0x3FAE] =	sst s10  }
0x32: {  	s10 =	sld [smem:$0x3FAC];
	_ =	sdelay $0x3  }
0x33: {  	p0 =	seq.s32 s10, $0x1;
	s10 =	sld [smem:$0x3FAE];
	_ =	sdelay $0x3  }
0x34: {  	[smem:$0x3FAE] =	sst s10  }
0x35: {  	s10 =	sld [smem:$0x3FAD];
	_ =	sdelay $0x3  }
0x36: {  	p1 =	seq.s32 s10, $0x1;
	s10 =	sld [smem:$0x3FAE];
	_ =	sdelay $0x3  }
0x37: {  	[smem:$0x3FAE] =	sst s10  }
0x38: {  	s10 =	sld [smem:$0x3FAF]  }
0x39: {  	_ = 	snop;
	(pc) =	sbr.ind lr, $3  }
0x3a: {  	_ = 	snop  }
0x3b: {  	_ = 	snop  }
0x3c: {  	p2 =	seq.s32 s10, $0x1;
	s10 =	sld [smem:$0x3FAE]  }
0x3d: {  	_ =	shalt  }
0x3e: {  	_ =	shalt  }
0x3f: {  	_ =	shalt  }
0x40: {  	_ =	shalt  }
0x41: {  	_ =	shalt  }
0x42: {  	_ =	shalt  }
0x43: {  	_ =	shalt  }
0x44: {  	_ =	shalt  }
0x45: {  	_ =	shalt  }
0x46: {  	_ =	shalt  }
0x47: {  	_ =	shalt  }
0x48: {  	_ =	shalt  }
0x49: {  	_ =	shalt  }
0x4a: {  	_ =	shalt  }
0x4b: {  	_ =	shalt  }
0x4c: {  	_ =	shalt  }
0x4d: {  	_ =	shalt  }
0x4e: {  	_ =	shalt  }
0x4f: {  	_ =	shalt  }
0x50: {  	_ =	shalt  }
0x51: {  	_ =	shalt  }
0x52: {  	_ =	shalt  }
0x53: {  	_ =	shalt  }
0x54: {  	_ =	shalt  }
0x55: {  	_ =	shalt  }
0x56: {  	_ =	shalt  }
0x57: {  	_ =	shalt  }
0x58: {  	_ =	shalt  }
0x59: {  	_ =	shalt  }
0x5a: {  	_ =	shalt  }
0x5b: {  	_ =	shalt  }
0x5c: {  	_ =	shalt  }
0x5d: {  	_ =	shalt  }
0x5e: {  	_ =	shalt  }
0x5f: {  	_ =	shalt  }
0x60: {  	_ =	shalt  }
0x61: {  	_ =	shalt  }
0x62: {  	_ =	shalt  }
0x63: {  	_ =	shalt  }
0x64: {  	_ =	shalt  }
0x65: {  	_ =	shalt  }
0x66: {  	_ =	shalt  }
0x67: {  	_ =	shalt  }
0x68: {  	_ =	shalt  }
0x69: {  	_ =	shalt  }
0x6a: {  	_ =	shalt  }
0x6b: {  	_ =	shalt  }
0x6c: {  	_ =	shalt  }
0x6d: {  	_ =	shalt  }
0x6e: {  	_ =	shalt  }
0x6f: {  	_ =	shalt  }
0x70: {  	_ =	shalt  }
0x71: {  	_ =	shalt  }
0x72: {  	_ =	shalt  }
0x73: {  	_ =	shalt  }
0x74: {  	_ =	shalt  }
0x75: {  	_ =	shalt  }
0x76: {  	_ =	shalt  }
0x77: {  	_ =	shalt  }
0x78: {  	_ =	shalt  }
0x79: {  	_ =	shalt  }
0x7a: {  	_ =	shalt  }
0x7b: {  	_ =	shalt  }
0x7c: {  	_ =	shalt  }
0x7d: {  	_ =	shalt  }
0x7e: {  	_ =	shalt  }
0x7f: {  	_ =	shalt  }
0x80: {  	_ =	shalt  }
0x81: {  	_ =	shalt  }
0x82: {  	_ =	shalt  }
0x83: {  	_ =	shalt  }
0x84: {  	_ =	shalt  }
0x85: {  	_ =	shalt  }
0x86: {  	_ =	shalt  }
0x87: {  	_ =	shalt  }
.Lfunc_end0:
.L_simem_size_0:
called_computation_lowered:
.L_overlay_start_0:
0x88: {  	s2 =	sld [smem:$0x3FD9]  }
0x89: {  	s3 =	sld [smem:$0x3FFE];
	_ =	sdelay $0x1  }
0x8a: {  	s1 =	srdreg.scid  }
0x8b: {  	s0 =	sand.u32 $0x1, s1  }
0x8c: {  	s17 =	sshll.u32 s0, $0xA;
	s2 =	sadd.s32 s3, s2  }
0x8d: {  	s2 =	sadd.s32 s2, s17  }
0x8e: {  	[smem:$0x3FBA] =	sst s2  }
0x8f: {  	_ = 	snop  }
0x90: {  	s2 =	sld [smem:$0x3FC3];
	(tm) =	ssettm $0x1  }
0x91: {  	s18 =	sld [smem:$0x3FFB];
	_ =	sdelay $0x3  }
0x92: {  	_ =	strace s18  }
0x93: {  	s3 =	sld [smem:$0x3FFC];
	_ =	sdelay $0x3  }
0x94: {  	_ =	strace s3  }
0x95: {  	s3 =	sld [smem:$0x3FFD];
	_ =	sdelay $0x3  }
0x96: {  	_ =	strace s3  }
0x97: {  	_ =	strace $0x8FFFFFFF  }
0x98: {  	s19 =	sld [smem:$0x3FDB];
	_ =	sdelay $0x1  }
0x99: {  	s4 =	simm.s32 $_scs_section_size  }
0x9a: {  	s5 =	simm.s32 $_size__tile_overlayer_lowered;
	s6 =	simm.s32 $_tile_overlayer_lowered  }
0x9b: {  	s22 =	simm.s32 $0x1BFF;
	s21 =	sshll.u32 s6, $0x1;
	s3 =	sadd.s32 s4, s19  }
0x9c: {  	s7 =	simm.s32 $0x0;
	s20 =	sshll.u32 s5, $0x1;
	s5 =	sadd.s32 s21, s3  }
0x9d: {  	[timem:s7], [sflag:s22] =	dma.local [hbm:s5], s20  }
0x9e: {  	_ =	swait.ge [sflag:s22], s20  }
0x9f: {  	s4 =	ssub.s32 $0x0, s20;
	[sflag:s22] =	ssyncset.done $0x0  }
0xa0: {  	[sflag:s22] =	ssyncadd.s32 s4;
	_ =	sdelay $0x1  }
0xa1: {  	s23 =	simm.s32 $0x1B8B  }
0xa2: {  	_ =	swait.ge [sflag:s23], $0x1  }
0xa3: {  	[sflag:s23] =	ssyncset.done $0x0  }
0xa4: {  	s25 =	simm.s32 $0x1B8E;
	s24 =	sld [smem:$0x3FFE];
	[sflag:s23] =	ssyncadd.s32 $0xFFFFFFFF  }
0xa5: {  	s26 =	simm.s32 $execute0_lowered;
	[smem:$0x3FD2] =	sst s25  }
0xa6: {  	s5 =	sshll.u32 s26, $0x1;
	_ =	strace $0x80000046;
	[dreg:$0x1] =	wrdreg $0xFFFFFFFF  }
0xa7: {  	s28 =	simm.s32 $_size_execute0_lowered;
	s3 =	sadd.s32 s3, s5;
	[dreg:$0x0] =	wrdreg $0x0  }
0xa8: {  	s5 =	sshll.u32 s28, $0x1;
	[dreg:$0x2] =	wrdreg s3  }
0xa9: {  	[dreg:$0x3] =	wrdreg s5  }
0xaa: {  	[dreg:$0x4] =	wrdreg $0xC0  }
0xab: {  	_ =	task [dreg:s7], $0x5FFFF  }
0xac: {  	[dreg:$0x1] =	wrdreg $0xFFFFFFFF  }
0xad: {  	[dreg:$0x0] =	wrdreg $0x60  }
0xae: {  	[dreg:$0x2] =	wrdreg s24  }
0xaf: {  	[dreg:$0x3] =	wrdreg s2  }
0xb0: {  	[dreg:$0x4] =	wrdreg $0x9  }
0xb1: {  	_ =	task.clear_ibuf [dreg:s7], $0x5FFFF;
	_ =	strace $0x90000046  }
0xb2: {  	s29 =	simm.s32 $0x9;
	_ =	strace $0x80000048  }
0xb3: {  	_ =	swait.ge [sflag:s29], $0x1  }
0xb4: {  	[sflag:s29] =	ssyncadd.s32 $0xFFFFFFFF  }
0xb5: {  	_ =	strace $0x90000048  }
0xb6: {  	_ =	sfence  }
0xb7: {  	s30 =	sld [smem:$0x0];
	_ =	sdelay $0x2  }
0xb8: {  	s31 =	sshll.u32 s1, $0xD;
	s1 =	sshrl.u32 s1, $0x2  }
0xb9: {  	s3 =	sand.u32 $0x4000, s31;
	s1 =	sadd.s32 s1, s30  }
0xba: {  	s0 =	sor.u32 s3, s0;
	s1 =	sshll.u32 s1, $0x11  }
0xbb: {  	s0 =	sor.u32 s1, s0  }
0xbc: {  	s0 =	sadd.s32 $0x8F2B, s0  }
0xbd: {  	[sflag:s0] =	ssyncadd.remote.s32 $0x1  }
0xbe: {  	_ =	sfence.sel $0xFFFF  }
0xbf: {  	[dreg:$0x0] =	wrdreg $0xFFFFFFFF;
	(pc) =	sbr.abs _section_cstart, $3  }
0xc0: {  	[dreg:$0x1] =	wrdreg $0xFFFFFFFF  }
0xc1: {  	_ =	task.clear_ibuf [dreg:s7], $0x2FFFF;
	_ =	strace $0x9FFFFFFF  }
0xc2: {  	(tm) =	ssettm $0x7FFFFFFF  }
0xc3: {  	_ =	shalt  }
tec
execute0_lowered:
.L_overlay_start_1:
0x0: {  	(tag) =	ssettag $0x1  }
0x1: {  	s0 =	rddreg [dreg:$0x0]  }
0x2: {  	s1 =	rddreg [dreg:$0x1];
	s2 =	simm.s32 $0x0  }
0x3: {  	s4 =	srdreg.scid;
	s9 =	stileid.u32;
	s14 =	simm.s32 $0x80  }
0x4: {  	s15 =	simm.s32 $0x28;
	s16 =	simm.s32 $0x100;
	s17 =	simm.s32 $0x1500  }
0x5: {  	s18 =	simm.s32 $0x2900;
	s19 =	simm.s32 $0x2;
	s20 =	simm.s32 $0xC  }
0x6: {  	s31 =	simm.s32 $0x16500;
	s21 =	simm.s32 $0x17500;
	s22 =	simm.s32 $0x1  }
0x7: {  	s23 =	simm.s32 $0x3;
	[smem:$0x7FF] =	sst s2;
	s3 =	sadd.s32 $0x312A00, s0  }
0x8: {  	s25 =	simm.s32 $0x0;
	s5 =	sadd.s32 $0x313400, s0;
	s6 =	sadd.s32 $0x313E00, s0  }
0x9: {  	s4 =	sand.u32 $0x1, s4;
	s7 =	sadd.s32 $0x5600, s0;
	s8 =	sadd.s32 $0x19600, s0  }
0xa: {  	s12 =	sshll.u32 s9, $0x1;
	s9 =	sadd.s32 $0x2D600, s0;
	s10 =	ssub.s32 $0x2, s4  }
0xb: {  	_ =	strace $0x80000047;
	s4 =	sor.u32 s4, s12;
	s11 =	sshrl.u32 s10, $0x1  }
0xc: {  	s12 =	simm.s32 $0x3C80;
	s13 =	ssub.s32 s10, s11;
	s10 =	sadd.s32 $0x41600, s0  }
0xd: {  	s11 =	smul.u32 $0xA0, s4;
	s0 =	simm.s32 $0x3C00;
	s30 =	smax.u32 s13, $0x1  }
0xe: {  	s4 =	simm.s32 $0x16D00;
	s13 =	simm.s32 $0x4;
	[dreg:$0x3] =	wrdreg s30  }
.LBB2_1:
0xf: {  	[dreg:$0x4] =	wrdreg s25;
	s24 =	simm.s32 $0x0  }
.LBB2_2:
0x10: {  	s25 =	smul.u32 $0x28, s24;
	_ =	sdelay $0x1  }
0x11: {  	s25 =	sadd.s32 s11, s25  }
0x12: {  	s26 =	sshrl.u32 s25, $0x3  }
0x13: {  	s28 =	sadd.s32 s3, s26  }
0x14: {  	[tilespmem:s2], [sflag:$0x4] =	stream.linear.gather [hbm4b:s28+s2], $0x28, $0x38;
	[tilespmem:$0x17D00] =	vst v63  }
0x15: {  	_ =	swait.ge [sflag:s13], $0x28  }
0x16: {  	[sflag:s13] =	ssyncset.done $0x0  }
0x17: {  	s26 =	sadd.s32 s5, s26;
	[sflag:s13] =	ssyncadd.s32 $0xFFFFFFD8  }
0x18: {  	[tilespmem:s14], [sflag:$0x4] =	stream.linear.gather [hbm4b:s26+s2], $0x28, $0x38;
	[tilespmem:$0x17D00] =	vst v63  }
0x19: {  	_ =	swait.ge [sflag:s13], $0x28  }
0x1a: {  	[sflag:s13] =	ssyncset.done $0x0  }
0x1b: {  	[sflag:s13] =	ssyncadd.s32 $0xFFFFFFD8  }
0x1c: {  	[tilespmem:s16], [sflag:$0x1] =	stream.indirect.gather [hbm4b:s1+s15], $0x80, s2, s15, $0xb8;
	[tilespmem:$0x17D00] =	vst v63  }
0x1d: {  	_ = 	snop  }
0x1e: {  	[tilespmem:s17], [sflag:$0x1] =	stream.indirect.gather [hbm4b:s1+s15], $0x80, s14, s15, $0xb8;
	[tilespmem:$0x17D00] =	vst v63  }
0x1f: {  	_ = 	snop  }
0x20: {  	[tilespmem:s18], [sflag:$0x2] =	stream.indirect.gather [hbm4b:s6+s15], $0x80, s2, s15, $0xb8;
	[tilespmem:$0x17D00] =	vst v63  }
0x21: {  	_ =	swait.ge [sflag:s19], $0x1400  }
0x22: {  	[sflag:s19] =	ssyncset.done $0x0  }
0x23: {  	s28 =	simm.s32 $0x3D00;
	[sflag:s19] =	ssyncadd.s32 $0xFFFFEC00  }
0x24: {  	[tilespmem:s28], [sflag:$0x3] =	stream.indirect.gather [hbm4b:s1+s20], $0x80, s18, s20, $0xb8;
	[tilespmem:$0x17D00] =	vst v63  }
0x25: {  	s29 =	simm.s32 $0x2980;
	s30 =	simm.s32 $0x4500  }
0x26: {  	[tilespmem:s30], [sflag:$0x3] =	stream.indirect.gather [hbm4b:s1+s20], $0x80, s29, s20, $0xb8;
	[tilespmem:$0x17D00] =	vst v63  }
0x27: {  	s29 =	simm.s32 $0x2A00;
	s30 =	simm.s32 $0x4D00  }
0x28: {  	[tilespmem:s30], [sflag:$0x3] =	stream.indirect.gather [hbm4b:s1+s20], $0x80, s29, s20, $0xb8;
	[tilespmem:$0x17D00] =	vst v63  }
0x29: {  	s29 =	simm.s32 $0x2A80;
	s30 =	simm.s32 $0x5500  }
0x2a: {  	[tilespmem:s30], [sflag:$0x3] =	stream.indirect.gather [hbm4b:s1+s20], $0x80, s29, s20, $0xb8;
	[tilespmem:$0x17D00] =	vst v63  }
0x2b: {  	s29 =	simm.s32 $0x2B00;
	s30 =	simm.s32 $0x5D00  }
0x2c: {  	[tilespmem:s30], [sflag:$0x3] =	stream.indirect.gather [hbm4b:s1+s20], $0x80, s29, s20, $0xb8;
	[tilespmem:$0x17D00] =	vst v63  }
0x2d: {  	s29 =	simm.s32 $0x2B80;
	s30 =	simm.s32 $0x6500  }
0x2e: {  	[tilespmem:s30], [sflag:$0x3] =	stream.indirect.gather [hbm4b:s1+s20], $0x80, s29, s20, $0xb8;
	[tilespmem:$0x17D00] =	vst v63  }
0x2f: {  	s29 =	simm.s32 $0x2C00;
	s30 =	simm.s32 $0x6D00  }
0x30: {  	[tilespmem:s30], [sflag:$0x3] =	stream.indirect.gather [hbm4b:s1+s20], $0x80, s29, s20, $0xb8;
	[tilespmem:$0x17D00] =	vst v63  }
0x31: {  	s29 =	simm.s32 $0x2C80;
	s30 =	simm.s32 $0x7500  }
0x32: {  	[tilespmem:s30], [sflag:$0x3] =	stream.indirect.gather [hbm4b:s1+s20], $0x80, s29, s20, $0xb8;
	[tilespmem:$0x17D00] =	vst v63  }
0x33: {  	s29 =	simm.s32 $0x2D00;
	s30 =	simm.s32 $0x7D00  }
0x34: {  	[tilespmem:s30], [sflag:$0x3] =	stream.indirect.gather [hbm4b:s1+s20], $0x80, s29, s20, $0xb8;
	[tilespmem:$0x17D00] =	vst v63  }
0x35: {  	s29 =	simm.s32 $0x2D80;
	s30 =	simm.s32 $0x8500  }
0x36: {  	[tilespmem:s30], [sflag:$0x3] =	stream.indirect.gather [hbm4b:s1+s20], $0x80, s29, s20, $0xb8;
	[tilespmem:$0x17D00] =	vst v63  }
0x37: {  	s29 =	simm.s32 $0x2E00;
	s30 =	simm.s32 $0x8D00  }
0x38: {  	[tilespmem:s30], [sflag:$0x3] =	stream.indirect.gather [hbm4b:s1+s20], $0x80, s29, s20, $0xb8;
	[tilespmem:$0x17D00] =	vst v63  }
0x39: {  	s29 =	simm.s32 $0x2E80;
	s30 =	simm.s32 $0x9500  }
0x3a: {  	[tilespmem:s30], [sflag:$0x3] =	stream.indirect.gather [hbm4b:s1+s20], $0x80, s29, s20, $0xb8;
	[tilespmem:$0x17D00] =	vst v63  }
0x3b: {  	s29 =	simm.s32 $0x2F00;
	s30 =	simm.s32 $0x9D00  }
0x3c: {  	[tilespmem:s30], [sflag:$0x3] =	stream.indirect.gather [hbm4b:s1+s20], $0x80, s29, s20, $0xb8;
	[tilespmem:$0x17D00] =	vst v63  }
0x3d: {  	s29 =	simm.s32 $0x2F80;
	s30 =	simm.s32 $0xA500  }
0x3e: {  	[tilespmem:s30], [sflag:$0x3] =	stream.indirect.gather [hbm4b:s1+s20], $0x80, s29, s20, $0xb8;
	[tilespmem:$0x17D00] =	vst v63  }
0x3f: {  	s29 =	simm.s32 $0x3000;
	s30 =	simm.s32 $0xAD00  }
0x40: {  	[tilespmem:s30], [sflag:$0x3] =	stream.indirect.gather [hbm4b:s1+s20], $0x80, s29, s20, $0xb8;
	[tilespmem:$0x17D00] =	vst v63  }
0x41: {  	s29 =	simm.s32 $0x3080;
	s30 =	simm.s32 $0xB500  }
0x42: {  	[tilespmem:s30], [sflag:$0x3] =	stream.indirect.gather [hbm4b:s1+s20], $0x80, s29, s20, $0xb8;
	[tilespmem:$0x17D00] =	vst v63  }
0x43: {  	s29 =	simm.s32 $0x3100;
	s30 =	simm.s32 $0xBD00  }
0x44: {  	[tilespmem:s30], [sflag:$0x3] =	stream.indirect.gather [hbm4b:s1+s20], $0x80, s29, s20, $0xb8;
	[tilespmem:$0x17D00] =	vst v63  }
0x45: {  	s29 =	simm.s32 $0x3180;
	s30 =	simm.s32 $0xC500  }
0x46: {  	[tilespmem:s30], [sflag:$0x3] =	stream.indirect.gather [hbm4b:s1+s20], $0x80, s29, s20, $0xb8;
	[tilespmem:$0x17D00] =	vst v63  }
0x47: {  	s29 =	simm.s32 $0x3200;
	s30 =	simm.s32 $0xCD00  }
0x48: {  	[tilespmem:s30], [sflag:$0x3] =	stream.indirect.gather [hbm4b:s1+s20], $0x80, s29, s20, $0xb8;
	[tilespmem:$0x17D00] =	vst v63  }
0x49: {  	s29 =	simm.s32 $0x3280;
	s30 =	simm.s32 $0xD500  }
0x4a: {  	[tilespmem:s30], [sflag:$0x3] =	stream.indirect.gather [hbm4b:s1+s20], $0x80, s29, s20, $0xb8;
	[tilespmem:$0x17D00] =	vst v63  }
0x4b: {  	s29 =	simm.s32 $0x3300;
	s30 =	simm.s32 $0xDD00  }
0x4c: {  	[tilespmem:s30], [sflag:$0x3] =	stream.indirect.gather [hbm4b:s1+s20], $0x80, s29, s20, $0xb8;
	[tilespmem:$0x17D00] =	vst v63  }
0x4d: {  	s29 =	simm.s32 $0x3380;
	s30 =	simm.s32 $0xE500  }
0x4e: {  	[tilespmem:s30], [sflag:$0x3] =	stream.indirect.gather [hbm4b:s1+s20], $0x80, s29, s20, $0xb8;
	[tilespmem:$0x17D00] =	vst v63  }
0x4f: {  	s29 =	simm.s32 $0x3400;
	s30 =	simm.s32 $0xED00  }
0x50: {  	[tilespmem:s30], [sflag:$0x3] =	stream.indirect.gather [hbm4b:s1+s20], $0x80, s29, s20, $0xb8;
	[tilespmem:$0x17D00] =	vst v63  }
0x51: {  	s29 =	simm.s32 $0x3480;
	s30 =	simm.s32 $0xF500  }
0x52: {  	[tilespmem:s30], [sflag:$0x3] =	stream.indirect.gather [hbm4b:s1+s20], $0x80, s29, s20, $0xb8;
	[tilespmem:$0x17D00] =	vst v63  }
0x53: {  	s29 =	simm.s32 $0x3500;
	s30 =	simm.s32 $0xFD00  }
0x54: {  	[tilespmem:s30], [sflag:$0x3] =	stream.indirect.gather [hbm4b:s1+s20], $0x80, s29, s20, $0xb8;
	[tilespmem:$0x17D00] =	vst v63  }
0x55: {  	s29 =	simm.s32 $0x3580;
	s30 =	simm.s32 $0x10500  }
0x56: {  	[tilespmem:s30], [sflag:$0x3] =	stream.indirect.gather [hbm4b:s1+s20], $0x80, s29, s20, $0xb8;
	[tilespmem:$0x17D00] =	vst v63  }
0x57: {  	s29 =	simm.s32 $0x3600;
	s30 =	simm.s32 $0x10D00  }
0x58: {  	[tilespmem:s30], [sflag:$0x3] =	stream.indirect.gather [hbm4b:s1+s20], $0x80, s29, s20, $0xb8;
	[tilespmem:$0x17D00] =	vst v63  }
0x59: {  	s29 =	simm.s32 $0x3680;
	s30 =	simm.s32 $0x11500  }
0x5a: {  	[tilespmem:s30], [sflag:$0x3] =	stream.indirect.gather [hbm4b:s1+s20], $0x80, s29, s20, $0xb8;
	[tilespmem:$0x17D00] =	vst v63  }
0x5b: {  	s29 =	simm.s32 $0x3700;
	s30 =	simm.s32 $0x11D00  }
0x5c: {  	[tilespmem:s30], [sflag:$0x3] =	stream.indirect.gather [hbm4b:s1+s20], $0x80, s29, s20, $0xb8;
	[tilespmem:$0x17D00] =	vst v63  }
0x5d: {  	s29 =	simm.s32 $0x3780;
	s30 =	simm.s32 $0x12500  }
0x5e: {  	[tilespmem:s30], [sflag:$0x3] =	stream.indirect.gather [hbm4b:s1+s20], $0x80, s29, s20, $0xb8;
	[tilespmem:$0x17D00] =	vst v63  }
0x5f: {  	s29 =	simm.s32 $0x3800;
	s30 =	simm.s32 $0x12D00  }
0x60: {  	[tilespmem:s30], [sflag:$0x3] =	stream.indirect.gather [hbm4b:s1+s20], $0x80, s29, s20, $0xb8;
	[tilespmem:$0x17D00] =	vst v63  }
0x61: {  	s29 =	simm.s32 $0x3880;
	s30 =	simm.s32 $0x13500  }
0x62: {  	[tilespmem:s30], [sflag:$0x3] =	stream.indirect.gather [hbm4b:s1+s20], $0x80, s29, s20, $0xb8;
	[tilespmem:$0x17D00] =	vst v63  }
0x63: {  	s29 =	simm.s32 $0x3900;
	s30 =	simm.s32 $0x13D00  }
0x64: {  	[tilespmem:s30], [sflag:$0x3] =	stream.indirect.gather [hbm4b:s1+s20], $0x80, s29, s20, $0xb8;
	[tilespmem:$0x17D00] =	vst v63  }
0x65: {  	s29 =	simm.s32 $0x3980;
	s30 =	simm.s32 $0x14500  }
0x66: {  	[tilespmem:s30], [sflag:$0x3] =	stream.indirect.gather [hbm4b:s1+s20], $0x80, s29, s20, $0xb8;
	[tilespmem:$0x17D00] =	vst v63  }
0x67: {  	s29 =	simm.s32 $0x3A00;
	s30 =	simm.s32 $0x14D00  }
0x68: {  	[tilespmem:s30], [sflag:$0x3] =	stream.indirect.gather [hbm4b:s1+s20], $0x80, s29, s20, $0xb8;
	[tilespmem:$0x17D00] =	vst v63  }
0x69: {  	s29 =	simm.s32 $0x3A80;
	s30 =	simm.s32 $0x15500  }
0x6a: {  	[tilespmem:s30], [sflag:$0x3] =	stream.indirect.gather [hbm4b:s1+s20], $0x80, s29, s20, $0xb8;
	[tilespmem:$0x17D00] =	vst v63  }
0x6b: {  	s29 =	simm.s32 $0x3B00;
	s30 =	simm.s32 $0x15D00  }
0x6c: {  	[tilespmem:s30], [sflag:$0x3] =	stream.indirect.gather [hbm4b:s1+s20], $0x80, s29, s20, $0xb8;
	[tilespmem:$0x17D00] =	vst v63  }
0x6d: {  	s28 =	simm.s32 $0x3B80  }
0x6e: {  	[tilespmem:s31], [sflag:$0x3] =	stream.indirect.gather [hbm4b:s1+s20], $0x80, s28, s20, $0xb8;
	[tilespmem:$0x17D00] =	vst v63  }
0x6f: {  	_ = 	snop  }
0x70: {  	[tilespmem:s4], [sflag:$0x3] =	stream.indirect.gather [hbm4b:s1+s20], $0x80, s0, s20, $0xb8;
	[tilespmem:$0x17D00] =	vst v63  }
0x71: {  	_ = 	snop  }
0x72: {  	[tilespmem:s21], [sflag:$0x3] =	stream.indirect.gather [hbm4b:s1+s20], $0x80, s12, s20, $0xb8;
	[tilespmem:$0x17D00] =	vst v63  }
0x73: {  	_ =	swait.ge [sflag:s22], $0x1400  }
0x74: {  	[sflag:s22] =	ssyncset.done $0x0  }
0x75: {  	[sflag:s22] =	ssyncadd.s32 $0xFFFFEC00  }
0x76: {  	_ =	swait.ge [sflag:s22], $0x1400  }
0x77: {  	s26 =	sshll.u32 s25, $0x4;
	[sflag:s22] =	ssyncset.done $0x0  }
0x78: {  	s29 =	sadd.s32 s7, s26;
	[sflag:s22] =	ssyncadd.s32 $0xFFFFEC00  }
0x79: {  	[hbm4b:s29+s2] =	stream.linear.scatter [tilespmem:s16], [sflag:$0x4], $0x1400, $0x38;
	[tilespmem:$0x17D00] =	vst v63  }
0x7a: {  	_ =	swait.ge [sflag:s13], $0x1400  }
0x7b: {  	[sflag:s13] =	ssyncset.done $0x0  }
0x7c: {  	s30 =	sadd.s32 s8, s26;
	[sflag:s13] =	ssyncadd.s32 $0xFFFFEC00  }
0x7d: {  	[hbm4b:s30+s2] =	stream.linear.scatter [tilespmem:s17], [sflag:$0x4], $0x1400, $0x38;
	[tilespmem:$0x17D00] =	vst v63  }
0x7e: {  	_ =	swait.ge [sflag:s13], $0x1400  }
0x7f: {  	[sflag:s13] =	ssyncset.done $0x0  }
0x80: {  	s26 =	sadd.s32 s9, s26;
	[sflag:s13] =	ssyncadd.s32 $0xFFFFEC00  }
0x81: {  	[hbm4b:s26+s2] =	stream.linear.scatter [tilespmem:s18], [sflag:$0x4], $0x1400, $0x38;
	[tilespmem:$0x17D00] =	vst v63  }
0x82: {  	_ =	swait.ge [sflag:s13], $0x1400  }
0x83: {  	[sflag:s13] =	ssyncset.done $0x0  }
0x84: {  	[sflag:s13] =	ssyncadd.s32 $0xFFFFEC00  }
0x85: {  	_ =	swait.ge [sflag:s23], $0x400  }
0x86: {  	s26 =	simm.s32 $0x3B;
	[sflag:s23] =	ssyncset.done $0x0  }
.LBB2_3:
0x87: {  	p0 =	sne.s32 s26, $0x1;
	s26 =	sadd.s32 $0xFFFFFFFF, s26;
	[sflag:s23] =	ssyncadd.s32 $0xFFFFFC00  }
.Ltmp0:
0x88: {  	(pc) =	sbr.rel @p0 .LBB2_3-.Ltmp0, $3  }
0x89: {  	_ =	sdelay $0x1  }
0x8a: {  	_ =	swait.ge [sflag:s23], $0x400  }
0x8b: {  	[sflag:s23] =	ssyncset.done $0x0  }
0x8c: {  	s25 =	sshll.u32 s25, $0x8  }
0x8d: {  	[sflag:s23] =	ssyncadd.s32 $0xFFFFFC00;
	s26 =	simm.s32 $0x3D00;
	s25 =	sadd.s32 s10, s25  }
0x8e: {  	s28 =	simm.s32 $0x100;
	s29 =	simm.s32 $0x4500;
	s30 =	sadd.s32 $0x0, s25  }
.LBB2_5:
0x8f: {  	[hbm4b:s30+s2] =	stream.linear.scatter [tilespmem:s26], [sflag:$0x4], $0x600, $0x38;
	[tilespmem:$0x17D00] =	vst v63  }
0x90: {  	s30 =	smov.u32 s28;
	s26 =	smov.u32 s29;
	p0 =	sne.s32 s28, $0x2700  }
.Ltmp1:
0x91: {  	s28 =	sadd.s32 $0x100, s28;
	(pc) =	sbr.rel @p0 .LBB2_5-.Ltmp1, $2  }
0x92: {  	_ =	sdelay $0x2  }
0x93: {  	s29 =	sadd.s32 $0x800, s29;
	s30 =	sadd.s32 s30, s25  }
0x94: {  	s24 =	sadd.s32 $0x1, s24  }
0x95: {  	p0 =	sne.s32 s24, $0x4  }
.Ltmp2:
0x96: {  	_ = 	snop;
	(pc) =	sbr.rel @p0 .LBB2_2-.Ltmp2, $4  }
0x97: {  	[hbm4b:s30+s2] =	stream.linear.scatter [tilespmem:s26], [sflag:$0x4], $0x600, $0x38;
	[tilespmem:$0x17D00] =	vst v63  }
0x98: {  	_ =	swait.ge [sflag:s13], $0xF000  }
0x99: {  	[sflag:s13] =	ssyncset.done $0x0  }
0x9a: {  	[sflag:s13] =	ssyncadd.s32 $0xFFFF1000  }
0x9b: {  	s25 =	rddreg [dreg:$0x4]  }
0x9c: {  	s24 =	rddreg [dreg:$0x3];
	s25 =	sadd.s32 $0x1, s25  }
0x9d: {  	p0 =	sne.s32 s25, s24  }
.Ltmp3:
0x9e: {  	_ = 	snop;
	(pc) =	sbr.rel @p0 .LBB2_1-.Ltmp3, $1  }
0x9f: {  	_ =	sdelay $0x3  }
0xa0: {  	_ =	sfence.sel $0x180000  }
0xa1: {  	[bflag:$0x0] =	sbarrier.arrive $0xFFFF  }
0xa2: {  	_ =	strace $0x90000047  }
0xa3: {  	s0 =	stileid.u32;
	[bflag:$0x2] =	sbarrier.arrive $0xFFFF  }
0xa4: {  	p0 =	sne.s32 s0, $0x0;
	s0 =	rddreg [dreg:$0x2]  }
0xa5: {  	s0 =	sadd.s32 @!p0 $0x100000, s0  }
0xa6: {  	[sflag:s0] =	ssyncadd.tile.s32 @!p0 $0x1;
	_ =	shalt  }
.Lfunc_end2:
_tile_overlayer_lowered:
.L_overlay_start_2:
0xa7: {  	(tag) =	ssettag $0x2  }
0xa8: {  	s0 =	rddreg [dreg:$0x0];
	s2 =	stileid.u32  }
0xa9: {  	s1 =	rddreg [dreg:$0x1];
	p0 =	sne.s32 s2, $0x0  }
0xaa: {  	s3 =	rddreg [dreg:$0x2];
	[bflag:$0x3] =	sbarrier.arrive $0xFFFF;
	s2 =	simm.s32 @!p0 $0x1C04  }
0xab: {  	[timem:s3], [sflag:s2] =	dma.local @!p0 [hbm:s0], s1  }
0xac: {  	s0 =	simm.s32 @!p0 $0x4  }
0xad: {  	_ =	swait.ge @!p0 [sflag:s0], s1  }
0xae: {  	s1 =	ssub.s32 @!p0 $0x0, s1;
	[sflag:s0] =	ssyncset.done @!p0 $0x0  }
0xaf: {  	[sflag:s0] =	ssyncadd.s32 @!p0 s1  }
0xb0: {  	[bflag:$0x3] =	sbarrier.arrive $0xFFFF  }
0xb1: {  	_ =	shalt  }

// kernel: kernel.13.cloned.1.call-start
scs
__scs_entry_jumppad:
0x0: {  	(pc) =	sbr.rel $0x88, $3  }
0x1: {  	(tag) =	ssettag $0x0;
	lr =	simm.s32 $0x1  }
0x2: {  	[smem:$0x3F93] =	sst lr;
	_ =	strace $0xD0000000  }
0x3: {  	_ = 	snop  }
0x4: {  	_ = 	snop  }
0x5: {  	_ = 	snop  }
0x6: {  	_ = 	snop  }
0x7: {  	_ = 	snop  }
__scs_overlays_trampoline_lowered:
0x8: {  	[smem:$0x3FA2] =	sst s0  }
0x9: {  	[smem:$0x3FA3] =	sst s1  }
0xa: {  	[smem:$0x3FA4] =	sst s2  }
0xb: {  	[smem:$0x3FA5] =	sst s3  }
0xc: {  	[smem:$0x3FA6] =	sst s4  }
0xd: {  	[smem:$0x3FA7] =	sst s5  }
0xe: {  	[smem:$0x3FA8] =	sst s6  }
0xf: {  	[smem:$0x3FA9] =	sst s7  }
0x10: {  	[smem:$0x3FAA] =	sst s8  }
0x11: {  	[smem:$0x3FAB] =	sst s9;
	s0 =	simm.s32 @!p0 $0x0  }
0x12: {  	s1 =	sld [smem:$0x3F91];
	s0 =	simm.s32 @p0 $0x1  }
0x13: {  	[smem:$0x3FAC] =	sst s0;
	s0 =	simm.s32 @!p1 $0x0  }
0x14: {  	s2 =	sld [smem:$0x3F90];
	s0 =	simm.s32 @p1 $0x1  }
0x15: {  	[smem:$0x3FAD] =	sst s0;
	s0 =	simm.s32 @!p2 $0x0  }
0x16: {  	s3 =	sld [smem:$0x3FDB];
	s0 =	simm.s32 @p2 $0x1  }
0x17: {  	s4 =	simm.s32 $0x1BF5;
	[smem:$0x3FAF] =	sst s0  }
0x18: {  	s0 =	sld [smem:$0x3F92];
	_ =	swait.ge [sflag:s4], $0x0  }
0x19: {  	s7 =	sld [smem:$0x3F93]  }
0x1a: {  	s8 =	sadd.s32 $0xFFFFE003, lr  }
0x1b: {  	s9 =	sadd.s32 $0xFFFFFEF7, lr;
	s5 =	simm.s32 $0xFFFFFFFF;
	p2 =	slt.u32 s8, $0xFFFFF086  }
0x1c: {  	p1 =	slt.u32 s9, $0xF7A;
	s5 =	simm.s32 @!p2 $0x0  }
0x1d: {  	s5 =	simm.s32 @p1 $0x1;
	p0 =	seq.s32 s7, s2  }
0x1e: {  	s7 =	smul.u32 @!p0 $0xF7A, s2;
	p2 =	seq.s32 @!p0 s5, $0x0  }
0x1f: {  	s9 =	smul.u32 $0xF7A, s1;
	s8 =	simm.s32 @!p0 $0x1BF5;
	p2 =	por !p2, p0  }
0x20: {  	[sflag:s8] =	ssyncset.s32 @!p0 $0xFFFFF086;
	s6 =	sadd.s32 @!p0 s3, s7;
	s7 =	simm.s32 @!p0 $0x108  }
0x21: {  	s3 =	sadd.s32 s3, s9;
	s6 =	sadd.s32 @!p0 $0x88, s6;
	s7 =	simm.s32 @p2 $0x1082  }
0x22: {  	[simem:s7], [sflag:s8] =	dma.local @!p0 [hbm:s6], $0xF7A  }
0x23: {  	s9 =	sor.u32 $0xD0000000, s2;
	s6 =	simm.s32 $0x108;
	_ =	swait.ge @!p0 [sflag:s8], $0x0  }
0x24: {  	s3 =	sadd.s32 $0x88, s3;
	s6 =	simm.s32 @!p1 $0x1082;
	[sflag:s4] =	ssyncset.s32 $0xFFFFF086  }
0x25: {  	[simem:s6], [sflag:s4] =	dma.local [hbm:s3], $0xF7A  }
0x26: {  	[smem:$0x3F93] =	sst s1;
	(tag) =	ssettag s2;
	_ =	strace s9  }
0x27: {  	s1 =	sld [smem:$0x3FA3]  }
0x28: {  	s2 =	sld [smem:$0x3FA4]  }
0x29: {  	s4 =	sld [smem:$0x3FA6]  }
0x2a: {  	p0 =	seq.s32 s5, $0x0;
	s5 =	sld [smem:$0x3FA7]  }
0x2b: {  	s6 =	sld [smem:$0x3FA8]  }
0x2c: {  	s7 =	sld [smem:$0x3FA9]  }
0x2d: {  	s3 =	simm.s32 $0x108;
	s8 =	sld [smem:$0x3FAA]  }
0x2e: {  	s3 =	simm.s32 @!p0 $0x1082;
	s9 =	sld [smem:$0x3FAB]  }
0x2f: {  	lr =	sadd.s32 s0, s3;
	s0 =	sld [smem:$0x3FA2]  }
0x30: {  	s3 =	sld [smem:$0x3FA5]  }
0x31: {  	[smem:$0x3FAE] =	sst s10  }
0x32: {  	s10 =	sld [smem:$0x3FAC];
	_ =	sdelay $0x3  }
0x33: {  	p0 =	seq.s32 s10, $0x1;
	s10 =	sld [smem:$0x3FAE];
	_ =	sdelay $0x3  }
0x34: {  	[smem:$0x3FAE] =	sst s10  }
0x35: {  	s10 =	sld [smem:$0x3FAD];
	_ =	sdelay $0x3  }
0x36: {  	p1 =	seq.s32 s10, $0x1;
	s10 =	sld [smem:$0x3FAE];
	_ =	sdelay $0x3  }
0x37: {  	[smem:$0x3FAE] =	sst s10  }
0x38: {  	s10 =	sld [smem:$0x3FAF]  }
0x39: {  	_ = 	snop;
	(pc) =	sbr.ind lr, $3  }
0x3a: {  	_ = 	snop  }
0x3b: {  	_ = 	snop  }
0x3c: {  	p2 =	seq.s32 s10, $0x1;
	s10 =	sld [smem:$0x3FAE]  }
0x3d: {  	_ =	shalt  }
0x3e: {  	_ =	shalt  }
0x3f: {  	_ =	shalt  }
0x40: {  	_ =	shalt  }
0x41: {  	_ =	shalt  }
0x42: {  	_ =	shalt  }
0x43: {  	_ =	shalt  }
0x44: {  	_ =	shalt  }
0x45: {  	_ =	shalt  }
0x46: {  	_ =	shalt  }
0x47: {  	_ =	shalt  }
0x48: {  	_ =	shalt  }
0x49: {  	_ =	shalt  }
0x4a: {  	_ =	shalt  }
0x4b: {  	_ =	shalt  }
0x4c: {  	_ =	shalt  }
0x4d: {  	_ =	shalt  }
0x4e: {  	_ =	shalt  }
0x4f: {  	_ =	shalt  }
0x50: {  	_ =	shalt  }
0x51: {  	_ =	shalt  }
0x52: {  	_ =	shalt  }
0x53: {  	_ =	shalt  }
0x54: {  	_ =	shalt  }
0x55: {  	_ =	shalt  }
0x56: {  	_ =	shalt  }
0x57: {  	_ =	shalt  }
0x58: {  	_ =	shalt  }
0x59: {  	_ =	shalt  }
0x5a: {  	_ =	shalt  }
0x5b: {  	_ =	shalt  }
0x5c: {  	_ =	shalt  }
0x5d: {  	_ =	shalt  }
0x5e: {  	_ =	shalt  }
0x5f: {  	_ =	shalt  }
0x60: {  	_ =	shalt  }
0x61: {  	_ =	shalt  }
0x62: {  	_ =	shalt  }
0x63: {  	_ =	shalt  }
0x64: {  	_ =	shalt  }
0x65: {  	_ =	shalt  }
0x66: {  	_ =	shalt  }
0x67: {  	_ =	shalt  }
0x68: {  	_ =	shalt  }
0x69: {  	_ =	shalt  }
0x6a: {  	_ =	shalt  }
0x6b: {  	_ =	shalt  }
0x6c: {  	_ =	shalt  }
0x6d: {  	_ =	shalt  }
0x6e: {  	_ =	shalt  }
0x6f: {  	_ =	shalt  }
0x70: {  	_ =	shalt  }
0x71: {  	_ =	shalt  }
0x72: {  	_ =	shalt  }
0x73: {  	_ =	shalt  }
0x74: {  	_ =	shalt  }
0x75: {  	_ =	shalt  }
0x76: {  	_ =	shalt  }
0x77: {  	_ =	shalt  }
0x78: {  	_ =	shalt  }
0x79: {  	_ =	shalt  }
0x7a: {  	_ =	shalt  }
0x7b: {  	_ =	shalt  }
0x7c: {  	_ =	shalt  }
0x7d: {  	_ =	shalt  }
0x7e: {  	_ =	shalt  }
0x7f: {  	_ =	shalt  }
0x80: {  	_ =	shalt  }
0x81: {  	_ =	shalt  }
0x82: {  	_ =	shalt  }
0x83: {  	_ =	shalt  }
0x84: {  	_ =	shalt  }
0x85: {  	_ =	shalt  }
0x86: {  	_ =	shalt  }
0x87: {  	_ =	shalt  }
.Lfunc_end0:
.L_simem_size_0:
called_computation.1_lowered:
.L_overlay_start_0:
0x88: {  	s2 =	sld [smem:$0x3FD9]  }
0x89: {  	s3 =	sld [smem:$0x3FFE];
	_ =	sdelay $0x1  }
0x8a: {  	s1 =	srdreg.scid  }
0x8b: {  	s0 =	sand.u32 $0x1, s1  }
0x8c: {  	s17 =	sshll.u32 s0, $0xA;
	s2 =	sadd.s32 s3, s2  }
0x8d: {  	s2 =	sadd.s32 s2, s17  }
0x8e: {  	[smem:$0x3FBA] =	sst s2  }
0x8f: {  	_ = 	snop  }
0x90: {  	s18 =	sld [smem:$0x3FC3];
	(tm) =	ssettm $0x1  }
0x91: {  	s19 =	sld [smem:$0x3FFB];
	_ =	sdelay $0x3  }
0x92: {  	_ =	strace s19  }
0x93: {  	s2 =	sld [smem:$0x3FFC];
	_ =	sdelay $0x3  }
0x94: {  	_ =	strace s2  }
0x95: {  	s2 =	sld [smem:$0x3FFD];
	_ =	sdelay $0x3  }
0x96: {  	_ =	strace s2  }
0x97: {  	_ =	strace $0x8FFFFFFF  }
0x98: {  	s20 =	sld [smem:$0x3FDB];
	_ =	sdelay $0x1  }
0x99: {  	s4 =	simm.s32 $_scs_section_size  }
0x9a: {  	s5 =	simm.s32 $_size__tile_overlayer_lowered;
	s6 =	simm.s32 $_tile_overlayer_lowered  }
0x9b: {  	s7 =	simm.s32 $0x1BFF;
	s21 =	sshll.u32 s6, $0x1;
	s4 =	sadd.s32 s4, s20  }
0x9c: {  	s22 =	simm.s32 $0x0;
	s5 =	sshll.u32 s5, $0x1;
	s6 =	sadd.s32 s21, s4  }
0x9d: {  	[timem:s22], [sflag:s7] =	dma.local [hbm:s6], s5  }
0x9e: {  	_ =	swait.ge [sflag:s7], s5  }
0x9f: {  	s5 =	ssub.s32 $0x0, s5;
	[sflag:s7] =	ssyncset.done $0x0  }
0xa0: {  	[sflag:s7] =	ssyncadd.s32 s5;
	_ =	sdelay $0x1  }
0xa1: {  	s23 =	simm.s32 $0x1B8B  }
0xa2: {  	_ =	swait.ge [sflag:s23], $0x1  }
0xa3: {  	[sflag:s23] =	ssyncset.done $0x0  }
0xa4: {  	[sflag:s23] =	ssyncadd.s32 $0xFFFFFFFF  }
0xa5: {  	s5 =	sld [smem:$0x0]  }
0xa6: {  	s6 =	sand.u32 $0xFFFFFFFE, s1  }
0xa7: {  	p0 =	sne.s32 s1, s6  }
0xa8: {  	s6 =	sshll.u32 @p0 s6, $0xE  }
0xa9: {  	s6 =	sadd.s32 @p0 $0x11B8D, s6;
	s7 =	sshll.u32 @p0 s5, $0x11  }
0xaa: {  	s6 =	sor.u32 @p0 s7, s6  }
0xab: {  	[sflag:s6] =	ssyncadd.remote.s32 @p0 $0x1;
	_ =	sdelay $0x1  }
0xac: {  	s6 =	simm.s32 @p0 $0x1B8D  }
0xad: {  	_ =	swait.eq @p0 [sflag:s6], $0x1  }
0xae: {  	[sflag:s6] =	ssyncadd.s32 @p0 $0xFFFFFFFF  }
0xaf: {  	s7 =	sshll.u32 @!p0 s1, $0xE  }
0xb0: {  	s7 =	sor.u32 @!p0 $0x4000, s7;
	s6 =	simm.s32 @!p0 $0x1B8D  }
0xb1: {  	s5 =	sshll.u32 @!p0 s5, $0x11;
	s7 =	sadd.s32 @!p0 $0x11B8D, s7;
	_ =	swait.eq @!p0 [sflag:s6], $0x1  }
0xb2: {  	s5 =	sor.u32 @!p0 s5, s7;
	[sflag:s6] =	ssyncadd.s32 @!p0 $0xFFFFFFFF  }
0xb3: {  	s25 =	simm.s32 $0x1B8E;
	s24 =	sld [smem:$0x3FFE];
	[sflag:s5] =	ssyncadd.remote.s32 @!p0 $0x1  }
0xb4: {  	s26 =	simm.s32 $execute0_lowered;
	[smem:$0x3FD2] =	sst s25  }
0xb5: {  	s6 =	sshll.u32 s26, $0x1;
	_ =	strace $0x80000049;
	[dreg:$0x1] =	wrdreg $0xFFFFFFFF  }
0xb6: {  	s28 =	simm.s32 $_size_execute0_lowered;
	s4 =	sadd.s32 s4, s6;
	[dreg:$0x0] =	wrdreg $0x0  }
0xb7: {  	s6 =	sshll.u32 s28, $0x1;
	[dreg:$0x2] =	wrdreg s4  }
0xb8: {  	[dreg:$0x3] =	wrdreg s6  }
0xb9: {  	[dreg:$0x4] =	wrdreg $0xC0  }
0xba: {  	_ =	task [dreg:s22], $0x5FFFF  }
0xbb: {  	[dreg:$0x1] =	wrdreg $0xFFFFFFFF  }
0xbc: {  	[dreg:$0x0] =	wrdreg $0x60  }
0xbd: {  	[dreg:$0x2] =	wrdreg s24  }
0xbe: {  	[dreg:$0x3] =	wrdreg s18  }
0xbf: {  	[dreg:$0x4] =	wrdreg $0xA  }
0xc0: {  	_ =	task.clear_ibuf [dreg:s22], $0x5FFFF;
	_ =	strace $0x90000049  }
0xc1: {  	s29 =	simm.s32 $0xA;
	_ =	strace $0x8000004B  }
0xc2: {  	_ =	swait.ge [sflag:s29], $0x1  }
0xc3: {  	[sflag:s29] =	ssyncadd.s32 $0xFFFFFFFF  }
0xc4: {  	_ =	strace $0x9000004B  }
0xc5: {  	_ =	sfence  }
0xc6: {  	s30 =	sld [smem:$0x0];
	_ =	sdelay $0x2  }
0xc7: {  	s31 =	sshll.u32 s1, $0xD;
	s1 =	sshrl.u32 s1, $0x2  }
0xc8: {  	s4 =	sand.u32 $0x4000, s31;
	s1 =	sadd.s32 s1, s30  }
0xc9: {  	s0 =	sor.u32 s4, s0;
	s1 =	sshll.u32 s1, $0x11  }
0xca: {  	s0 =	sor.u32 s1, s0  }
0xcb: {  	s0 =	sadd.s32 $0x8F2B, s0  }
0xcc: {  	[sflag:s0] =	ssyncadd.remote.s32 $0x1  }
0xcd: {  	_ =	sfence.sel $0xFFFF  }
0xce: {  	[dreg:$0x0] =	wrdreg $0xFFFFFFFF;
	(pc) =	sbr.abs _section_cstart, $3  }
0xcf: {  	[dreg:$0x1] =	wrdreg $0xFFFFFFFF  }
0xd0: {  	_ =	task.clear_ibuf [dreg:s22], $0x2FFFF;
	_ =	strace $0x9FFFFFFF  }
0xd1: {  	(tm) =	ssettm $0x7FFFFFFF  }
tec
execute0_lowered:
.L_overlay_start_1:
0x0: {  	(tag) =	ssettag $0x1  }
0x1: {  	s0 =	rddreg [dreg:$0x0]  }
0x2: {  	s1 =	rddreg [dreg:$0x1];
	s2 =	simm.s32 $0x0  }
0x3: {  	s4 =	srdreg.scid;
	s9 =	stileid.u32;
	s14 =	simm.s32 $0x80  }
0x4: {  	s15 =	simm.s32 $0x28;
	s16 =	simm.s32 $0x100;
	s17 =	simm.s32 $0x1500  }
0x5: {  	s18 =	simm.s32 $0x2900;
	s19 =	simm.s32 $0x2;
	s20 =	simm.s32 $0xC  }
0x6: {  	s31 =	simm.s32 $0x16500;
	s21 =	simm.s32 $0x17500;
	s22 =	simm.s32 $0x1  }
0x7: {  	s23 =	simm.s32 $0x3;
	[smem:$0x7FF] =	sst s2;
	s3 =	sadd.s32 $0x312A00, s0  }
0x8: {  	s25 =	simm.s32 $0x0;
	s5 =	sadd.s32 $0x313400, s0;
	s6 =	sadd.s32 $0x313E00, s0  }
0x9: {  	s4 =	sand.u32 $0x1, s4;
	s7 =	sadd.s32 $0x181600, s0;
	s8 =	sadd.s32 $0x195600, s0  }
0xa: {  	s12 =	sshll.u32 s9, $0x1;
	s9 =	sadd.s32 $0x1A9600, s0;
	s10 =	ssub.s32 $0x2, s4  }
0xb: {  	_ =	strace $0x8000004A;
	s4 =	sor.u32 s4, s12;
	s11 =	sshrl.u32 s10, $0x1  }
0xc: {  	s12 =	simm.s32 $0x3C80;
	s13 =	ssub.s32 s10, s11;
	s10 =	sadd.s32 $0x1BD600, s0  }
0xd: {  	s11 =	smul.u32 $0xA0, s4;
	s0 =	simm.s32 $0x3C00;
	s30 =	smax.u32 s13, $0x1  }
0xe: {  	s4 =	simm.s32 $0x16D00;
	s13 =	simm.s32 $0x4;
	[dreg:$0x3] =	wrdreg s30  }
.LBB2_1:
0xf: {  	[dreg:$0x4] =	wrdreg s25;
	s24 =	simm.s32 $0x0  }
.LBB2_2:
0x10: {  	s25 =	smul.u32 $0x28, s24;
	_ =	sdelay $0x1  }
0x11: {  	s25 =	sadd.s32 s11, s25  }
0x12: {  	s26 =	sshrl.u32 s25, $0x3  }
0x13: {  	s26 =	sadd.s32 $0x280, s26  }
0x14: {  	s28 =	sadd.s32 s3, s26  }
0x15: {  	[tilespmem:s2], [sflag:$0x4] =	stream.linear.gather [hbm4b:s28+s2], $0x28, $0x38;
	[tilespmem:$0x17D00] =	vst v63  }
0x16: {  	_ =	swait.ge [sflag:s13], $0x28  }
0x17: {  	[sflag:s13] =	ssyncset.done $0x0  }
0x18: {  	s26 =	sadd.s32 s5, s26;
	[sflag:s13] =	ssyncadd.s32 $0xFFFFFFD8  }
0x19: {  	[tilespmem:s14], [sflag:$0x4] =	stream.linear.gather [hbm4b:s26+s2], $0x28, $0x38;
	[tilespmem:$0x17D00] =	vst v63  }
0x1a: {  	_ =	swait.ge [sflag:s13], $0x28  }
0x1b: {  	[sflag:s13] =	ssyncset.done $0x0  }
0x1c: {  	[sflag:s13] =	ssyncadd.s32 $0xFFFFFFD8  }
0x1d: {  	[tilespmem:s16], [sflag:$0x1] =	stream.indirect.gather [hbm4b:s1+s15], $0x80, s2, s15, $0xb8;
	[tilespmem:$0x17D00] =	vst v63  }
0x1e: {  	_ = 	snop  }
0x1f: {  	[tilespmem:s17], [sflag:$0x1] =	stream.indirect.gather [hbm4b:s1+s15], $0x80, s14, s15, $0xb8;
	[tilespmem:$0x17D00] =	vst v63  }
0x20: {  	_ = 	snop  }
0x21: {  	[tilespmem:s18], [sflag:$0x2] =	stream.indirect.gather [hbm4b:s6+s15], $0x80, s2, s15, $0xb8;
	[tilespmem:$0x17D00] =	vst v63  }
0x22: {  	_ =	swait.ge [sflag:s19], $0x1400  }
0x23: {  	[sflag:s19] =	ssyncset.done $0x0  }
0x24: {  	s28 =	simm.s32 $0x3D00;
	[sflag:s19] =	ssyncadd.s32 $0xFFFFEC00  }
0x25: {  	[tilespmem:s28], [sflag:$0x3] =	stream.indirect.gather [hbm4b:s1+s20], $0x80, s18, s20, $0xb8;
	[tilespmem:$0x17D00] =	vst v63  }
0x26: {  	s29 =	simm.s32 $0x2980;
	s30 =	simm.s32 $0x4500  }
0x27: {  	[tilespmem:s30], [sflag:$0x3] =	stream.indirect.gather [hbm4b:s1+s20], $0x80, s29, s20, $0xb8;
	[tilespmem:$0x17D00] =	vst v63  }
0x28: {  	s29 =	simm.s32 $0x2A00;
	s30 =	simm.s32 $0x4D00  }
0x29: {  	[tilespmem:s30], [sflag:$0x3] =	stream.indirect.gather [hbm4b:s1+s20], $0x80, s29, s20, $0xb8;
	[tilespmem:$0x17D00] =	vst v63  }
0x2a: {  	s29 =	simm.s32 $0x2A80;
	s30 =	simm.s32 $0x5500  }
0x2b: {  	[tilespmem:s30], [sflag:$0x3] =	stream.indirect.gather [hbm4b:s1+s20], $0x80, s29, s20, $0xb8;
	[tilespmem:$0x17D00] =	vst v63  }
0x2c: {  	s29 =	simm.s32 $0x2B00;
	s30 =	simm.s32 $0x5D00  }
0x2d: {  	[tilespmem:s30], [sflag:$0x3] =	stream.indirect.gather [hbm4b:s1+s20], $0x80, s29, s20, $0xb8;
	[tilespmem:$0x17D00] =	vst v63  }
0x2e: {  	s29 =	simm.s32 $0x2B80;
	s30 =	simm.s32 $0x6500  }
0x2f: {  	[tilespmem:s30], [sflag:$0x3] =	stream.indirect.gather [hbm4b:s1+s20], $0x80, s29, s20, $0xb8;
	[tilespmem:$0x17D00] =	vst v63  }
0x30: {  	s29 =	simm.s32 $0x2C00;
	s30 =	simm.s32 $0x6D00  }
0x31: {  	[tilespmem:s30], [sflag:$0x3] =	stream.indirect.gather [hbm4b:s1+s20], $0x80, s29, s20, $0xb8;
	[tilespmem:$0x17D00] =	vst v63  }
0x32: {  	s29 =	simm.s32 $0x2C80;
	s30 =	simm.s32 $0x7500  }
0x33: {  	[tilespmem:s30], [sflag:$0x3] =	stream.indirect.gather [hbm4b:s1+s20], $0x80, s29, s20, $0xb8;
	[tilespmem:$0x17D00] =	vst v63  }
0x34: {  	s29 =	simm.s32 $0x2D00;
	s30 =	simm.s32 $0x7D00  }
0x35: {  	[tilespmem:s30], [sflag:$0x3] =	stream.indirect.gather [hbm4b:s1+s20], $0x80, s29, s20, $0xb8;
	[tilespmem:$0x17D00] =	vst v63  }
0x36: {  	s29 =	simm.s32 $0x2D80;
	s30 =	simm.s32 $0x8500  }
0x37: {  	[tilespmem:s30], [sflag:$0x3] =	stream.indirect.gather [hbm4b:s1+s20], $0x80, s29, s20, $0xb8;
	[tilespmem:$0x17D00] =	vst v63  }
0x38: {  	s29 =	simm.s32 $0x2E00;
	s30 =	simm.s32 $0x8D00  }
0x39: {  	[tilespmem:s30], [sflag:$0x3] =	stream.indirect.gather [hbm4b:s1+s20], $0x80, s29, s20, $0xb8;
	[tilespmem:$0x17D00] =	vst v63  }
0x3a: {  	s29 =	simm.s32 $0x2E80;
	s30 =	simm.s32 $0x9500  }
0x3b: {  	[tilespmem:s30], [sflag:$0x3] =	stream.indirect.gather [hbm4b:s1+s20], $0x80, s29, s20, $0xb8;
	[tilespmem:$0x17D00] =	vst v63  }
0x3c: {  	s29 =	simm.s32 $0x2F00;
	s30 =	simm.s32 $0x9D00  }
0x3d: {  	[tilespmem:s30], [sflag:$0x3] =	stream.indirect.gather [hbm4b:s1+s20], $0x80, s29, s20, $0xb8;
	[tilespmem:$0x17D00] =	vst v63  }
0x3e: {  	s29 =	simm.s32 $0x2F80;
	s30 =	simm.s32 $0xA500  }
0x3f: {  	[tilespmem:s30], [sflag:$0x3] =	stream.indirect.gather [hbm4b:s1+s20], $0x80, s29, s20, $0xb8;
	[tilespmem:$0x17D00] =	vst v63  }
0x40: {  	s29 =	simm.s32 $0x3000;
	s30 =	simm.s32 $0xAD00  }
0x41: {  	[tilespmem:s30], [sflag:$0x3] =	stream.indirect.gather [hbm4b:s1+s20], $0x80, s29, s20, $0xb8;
	[tilespmem:$0x17D00] =	vst v63  }
0x42: {  	s29 =	simm.s32 $0x3080;
	s30 =	simm.s32 $0xB500  }
0x43: {  	[tilespmem:s30], [sflag:$0x3] =	stream.indirect.gather [hbm4b:s1+s20], $0x80, s29, s20, $0xb8;
	[tilespmem:$0x17D00] =	vst v63  }
0x44: {  	s29 =	simm.s32 $0x3100;
	s30 =	simm.s32 $0xBD00  }
0x45: {  	[tilespmem:s30], [sflag:$0x3] =	stream.indirect.gather [hbm4b:s1+s20], $0x80, s29, s20, $0xb8;
	[tilespmem:$0x17D00] =	vst v63  }
0x46: {  	s29 =	simm.s32 $0x3180;
	s30 =	simm.s32 $0xC500  }
0x47: {  	[tilespmem:s30], [sflag:$0x3] =	stream.indirect.gather [hbm4b:s1+s20], $0x80, s29, s20, $0xb8;
	[tilespmem:$0x17D00] =	vst v63  }
0x48: {  	s29 =	simm.s32 $0x3200;
	s30 =	simm.s32 $0xCD00  }
0x49: {  	[tilespmem:s30], [sflag:$0x3] =	stream.indirect.gather [hbm4b:s1+s20], $0x80, s29, s20, $0xb8;
	[tilespmem:$0x17D00] =	vst v63  }
0x4a: {  	s29 =	simm.s32 $0x3280;
	s30 =	simm.s32 $0xD500  }
0x4b: {  	[tilespmem:s30], [sflag:$0x3] =	stream.indirect.gather [hbm4b:s1+s20], $0x80, s29, s20, $0xb8;
	[tilespmem:$0x17D00] =	vst v63  }
0x4c: {  	s29 =	simm.s32 $0x3300;
	s30 =	simm.s32 $0xDD00  }
0x4d: {  	[tilespmem:s30], [sflag:$0x3] =	stream.indirect.gather [hbm4b:s1+s20], $0x80, s29, s20, $0xb8;
	[tilespmem:$0x17D00] =	vst v63  }
0x4e: {  	s29 =	simm.s32 $0x3380;
	s30 =	simm.s32 $0xE500  }
0x4f: {  	[tilespmem:s30], [sflag:$0x3] =	stream.indirect.gather [hbm4b:s1+s20], $0x80, s29, s20, $0xb8;
	[tilespmem:$0x17D00] =	vst v63  }
0x50: {  	s29 =	simm.s32 $0x3400;
	s30 =	simm.s32 $0xED00  }
0x51: {  	[tilespmem:s30], [sflag:$0x3] =	stream.indirect.gather [hbm4b:s1+s20], $0x80, s29, s20, $0xb8;
	[tilespmem:$0x17D00] =	vst v63  }
0x52: {  	s29 =	simm.s32 $0x3480;
	s30 =	simm.s32 $0xF500  }
0x53: {  	[tilespmem:s30], [sflag:$0x3] =	stream.indirect.gather [hbm4b:s1+s20], $0x80, s29, s20, $0xb8;
	[tilespmem:$0x17D00] =	vst v63  }
0x54: {  	s29 =	simm.s32 $0x3500;
	s30 =	simm.s32 $0xFD00  }
0x55: {  	[tilespmem:s30], [sflag:$0x3] =	stream.indirect.gather [hbm4b:s1+s20], $0x80, s29, s20, $0xb8;
	[tilespmem:$0x17D00] =	vst v63  }
0x56: {  	s29 =	simm.s32 $0x3580;
	s30 =	simm.s32 $0x10500  }
0x57: {  	[tilespmem:s30], [sflag:$0x3] =	stream.indirect.gather [hbm4b:s1+s20], $0x80, s29, s20, $0xb8;
	[tilespmem:$0x17D00] =	vst v63  }
0x58: {  	s29 =	simm.s32 $0x3600;
	s30 =	simm.s32 $0x10D00  }
0x59: {  	[tilespmem:s30], [sflag:$0x3] =	stream.indirect.gather [hbm4b:s1+s20], $0x80, s29, s20, $0xb8;
	[tilespmem:$0x17D00] =	vst v63  }
0x5a: {  	s29 =	simm.s32 $0x3680;
	s30 =	simm.s32 $0x11500  }
0x5b: {  	[tilespmem:s30], [sflag:$0x3] =	stream.indirect.gather [hbm4b:s1+s20], $0x80, s29, s20, $0xb8;
	[tilespmem:$0x17D00] =	vst v63  }
0x5c: {  	s29 =	simm.s32 $0x3700;
	s30 =	simm.s32 $0x11D00  }
0x5d: {  	[tilespmem:s30], [sflag:$0x3] =	stream.indirect.gather [hbm4b:s1+s20], $0x80, s29, s20, $0xb8;
	[tilespmem:$0x17D00] =	vst v63  }
0x5e: {  	s29 =	simm.s32 $0x3780;
	s30 =	simm.s32 $0x12500  }
0x5f: {  	[tilespmem:s30], [sflag:$0x3] =	stream.indirect.gather [hbm4b:s1+s20], $0x80, s29, s20, $0xb8;
	[tilespmem:$0x17D00] =	vst v63  }
0x60: {  	s29 =	simm.s32 $0x3800;
	s30 =	simm.s32 $0x12D00  }
0x61: {  	[tilespmem:s30], [sflag:$0x3] =	stream.indirect.gather [hbm4b:s1+s20], $0x80, s29, s20, $0xb8;
	[tilespmem:$0x17D00] =	vst v63  }
0x62: {  	s29 =	simm.s32 $0x3880;
	s30 =	simm.s32 $0x13500  }
0x63: {  	[tilespmem:s30], [sflag:$0x3] =	stream.indirect.gather [hbm4b:s1+s20], $0x80, s29, s20, $0xb8;
	[tilespmem:$0x17D00] =	vst v63  }
0x64: {  	s29 =	simm.s32 $0x3900;
	s30 =	simm.s32 $0x13D00  }
0x65: {  	[tilespmem:s30], [sflag:$0x3] =	stream.indirect.gather [hbm4b:s1+s20], $0x80, s29, s20, $0xb8;
	[tilespmem:$0x17D00] =	vst v63  }
0x66: {  	s29 =	simm.s32 $0x3980;
	s30 =	simm.s32 $0x14500  }
0x67: {  	[tilespmem:s30], [sflag:$0x3] =	stream.indirect.gather [hbm4b:s1+s20], $0x80, s29, s20, $0xb8;
	[tilespmem:$0x17D00] =	vst v63  }
0x68: {  	s29 =	simm.s32 $0x3A00;
	s30 =	simm.s32 $0x14D00  }
0x69: {  	[tilespmem:s30], [sflag:$0x3] =	stream.indirect.gather [hbm4b:s1+s20], $0x80, s29, s20, $0xb8;
	[tilespmem:$0x17D00] =	vst v63  }
0x6a: {  	s29 =	simm.s32 $0x3A80;
	s30 =	simm.s32 $0x15500  }
0x6b: {  	[tilespmem:s30], [sflag:$0x3] =	stream.indirect.gather [hbm4b:s1+s20], $0x80, s29, s20, $0xb8;
	[tilespmem:$0x17D00] =	vst v63  }
0x6c: {  	s29 =	simm.s32 $0x3B00;
	s30 =	simm.s32 $0x15D00  }
0x6d: {  	[tilespmem:s30], [sflag:$0x3] =	stream.indirect.gather [hbm4b:s1+s20], $0x80, s29, s20, $0xb8;
	[tilespmem:$0x17D00] =	vst v63  }
0x6e: {  	s28 =	simm.s32 $0x3B80  }
0x6f: {  	[tilespmem:s31], [sflag:$0x3] =	stream.indirect.gather [hbm4b:s1+s20], $0x80, s28, s20, $0xb8;
	[tilespmem:$0x17D00] =	vst v63  }
0x70: {  	_ = 	snop  }
0x71: {  	[tilespmem:s4], [sflag:$0x3] =	stream.indirect.gather [hbm4b:s1+s20], $0x80, s0, s20, $0xb8;
	[tilespmem:$0x17D00] =	vst v63  }
0x72: {  	_ = 	snop  }
0x73: {  	[tilespmem:s21], [sflag:$0x3] =	stream.indirect.gather [hbm4b:s1+s20], $0x80, s12, s20, $0xb8;
	[tilespmem:$0x17D00] =	vst v63  }
0x74: {  	_ =	swait.ge [sflag:s22], $0x1400  }
0x75: {  	[sflag:s22] =	ssyncset.done $0x0  }
0x76: {  	[sflag:s22] =	ssyncadd.s32 $0xFFFFEC00  }
0x77: {  	_ =	swait.ge [sflag:s22], $0x1400  }
0x78: {  	s26 =	sshll.u32 s25, $0x4;
	[sflag:s22] =	ssyncset.done $0x0  }
0x79: {  	s29 =	sadd.s32 s7, s26;
	[sflag:s22] =	ssyncadd.s32 $0xFFFFEC00  }
0x7a: {  	[hbm4b:s29+s2] =	stream.linear.scatter [tilespmem:s16], [sflag:$0x4], $0x1400, $0x38;
	[tilespmem:$0x17D00] =	vst v63  }
0x7b: {  	_ =	swait.ge [sflag:s13], $0x1400  }
0x7c: {  	[sflag:s13] =	ssyncset.done $0x0  }
0x7d: {  	s30 =	sadd.s32 s8, s26;
	[sflag:s13] =	ssyncadd.s32 $0xFFFFEC00  }
0x7e: {  	[hbm4b:s30+s2] =	stream.linear.scatter [tilespmem:s17], [sflag:$0x4], $0x1400, $0x38;
	[tilespmem:$0x17D00] =	vst v63  }
0x7f: {  	_ =	swait.ge [sflag:s13], $0x1400  }
0x80: {  	[sflag:s13] =	ssyncset.done $0x0  }
0x81: {  	s26 =	sadd.s32 s9, s26;
	[sflag:s13] =	ssyncadd.s32 $0xFFFFEC00  }
0x82: {  	[hbm4b:s26+s2] =	stream.linear.scatter [tilespmem:s18], [sflag:$0x4], $0x1400, $0x38;
	[tilespmem:$0x17D00] =	vst v63  }
0x83: {  	_ =	swait.ge [sflag:s13], $0x1400  }
0x84: {  	[sflag:s13] =	ssyncset.done $0x0  }
0x85: {  	[sflag:s13] =	ssyncadd.s32 $0xFFFFEC00  }
0x86: {  	_ =	swait.ge [sflag:s23], $0x400  }
0x87: {  	s26 =	simm.s32 $0x3B;
	[sflag:s23] =	ssyncset.done $0x0  }
.LBB2_3:
0x88: {  	p0 =	sne.s32 s26, $0x1;
	s26 =	sadd.s32 $0xFFFFFFFF, s26;
	[sflag:s23] =	ssyncadd.s32 $0xFFFFFC00  }
.Ltmp0:
0x89: {  	(pc) =	sbr.rel @p0 .LBB2_3-.Ltmp0, $3  }
0x8a: {  	_ =	sdelay $0x1  }
0x8b: {  	_ =	swait.ge [sflag:s23], $0x400  }
0x8c: {  	[sflag:s23] =	ssyncset.done $0x0  }
0x8d: {  	s25 =	sshll.u32 s25, $0x8  }
0x8e: {  	[sflag:s23] =	ssyncadd.s32 $0xFFFFFC00;
	s26 =	simm.s32 $0x3D00;
	s25 =	sadd.s32 s10, s25  }
0x8f: {  	s28 =	simm.s32 $0x100;
	s29 =	simm.s32 $0x4500;
	s30 =	sadd.s32 $0x0, s25  }
.LBB2_5:
0x90: {  	[hbm4b:s30+s2] =	stream.linear.scatter [tilespmem:s26], [sflag:$0x4], $0x600, $0x38;
	[tilespmem:$0x17D00] =	vst v63  }
0x91: {  	s30 =	smov.u32 s28;
	s26 =	smov.u32 s29;
	p0 =	sne.s32 s28, $0x2700  }
.Ltmp1:
0x92: {  	s28 =	sadd.s32 $0x100, s28;
	(pc) =	sbr.rel @p0 .LBB2_5-.Ltmp1, $2  }
0x93: {  	_ =	sdelay $0x2  }
0x94: {  	s29 =	sadd.s32 $0x800, s29;
	s30 =	sadd.s32 s30, s25  }
0x95: {  	s24 =	sadd.s32 $0x1, s24  }
0x96: {  	p0 =	sne.s32 s24, $0x4  }
.Ltmp2:
0x97: {  	_ = 	snop;
	(pc) =	sbr.rel @p0 .LBB2_2-.Ltmp2, $4  }
0x98: {  	[hbm4b:s30+s2] =	stream.linear.scatter [tilespmem:s26], [sflag:$0x4], $0x600, $0x38;
	[tilespmem:$0x17D00] =	vst v63  }
0x99: {  	_ =	swait.ge [sflag:s13], $0xF000  }
0x9a: {  	[sflag:s13] =	ssyncset.done $0x0  }
0x9b: {  	[sflag:s13] =	ssyncadd.s32 $0xFFFF1000  }
0x9c: {  	s25 =	rddreg [dreg:$0x4]  }
0x9d: {  	s24 =	rddreg [dreg:$0x3];
	s25 =	sadd.s32 $0x1, s25  }
0x9e: {  	p0 =	sne.s32 s25, s24  }
.Ltmp3:
0x9f: {  	_ = 	snop;
	(pc) =	sbr.rel @p0 .LBB2_1-.Ltmp3, $1  }
0xa0: {  	_ =	sdelay $0x3  }
0xa1: {  	_ =	sfence.sel $0x180000  }
0xa2: {  	[bflag:$0x0] =	sbarrier.arrive $0xFFFF  }
0xa3: {  	_ =	strace $0x9000004A  }
0xa4: {  	s0 =	stileid.u32;
	[bflag:$0x2] =	sbarrier.arrive $0xFFFF  }
0xa5: {  	p0 =	sne.s32 s0, $0x0;
	s0 =	rddreg [dreg:$0x2]  }
0xa6: {  	s0 =	sadd.s32 @!p0 $0x100000, s0  }
0xa7: {  	[sflag:s0] =	ssyncadd.tile.s32 @!p0 $0x1;
	_ =	shalt  }
.Lfunc_end2:
_tile_overlayer_lowered:
.L_overlay_start_2:
0xa8: {  	(tag) =	ssettag $0x2  }
0xa9: {  	s0 =	rddreg [dreg:$0x0];
	s2 =	stileid.u32  }
0xaa: {  	s1 =	rddreg [dreg:$0x1];
	p0 =	sne.s32 s2, $0x0  }
0xab: {  	s3 =	rddreg [dreg:$0x2];
	[bflag:$0x3] =	sbarrier.arrive $0xFFFF;
	s2 =	simm.s32 @!p0 $0x1C04  }
0xac: {  	[timem:s3], [sflag:s2] =	dma.local @!p0 [hbm:s0], s1  }
0xad: {  	s0 =	simm.s32 @!p0 $0x4  }
0xae: {  	_ =	swait.ge @!p0 [sflag:s0], s1  }
0xaf: {  	s1 =	ssub.s32 @!p0 $0x0, s1;
	[sflag:s0] =	ssyncset.done @!p0 $0x0  }
0xb0: {  	[sflag:s0] =	ssyncadd.s32 @!p0 s1  }
0xb1: {  	[bflag:$0x3] =	sbarrier.arrive $0xFFFF  }
0xb2: {  	_ =	shalt  }

// kernel: kernel.16.cloned.1.call-start
scs
__scs_entry_jumppad:
0x0: {  	(pc) =	sbr.rel $0x88, $3  }
0x1: {  	(tag) =	ssettag $0x0;
	lr =	simm.s32 $0x1  }
0x2: {  	[smem:$0x3F93] =	sst lr;
	_ =	strace $0xD0000000  }
0x3: {  	_ = 	snop  }
0x4: {  	_ = 	snop  }
0x5: {  	_ = 	snop  }
0x6: {  	_ = 	snop  }
0x7: {  	_ = 	snop  }
__scs_overlays_trampoline_lowered:
0x8: {  	[smem:$0x3FA2] =	sst s0  }
0x9: {  	[smem:$0x3FA3] =	sst s1  }
0xa: {  	[smem:$0x3FA4] =	sst s2  }
0xb: {  	[smem:$0x3FA5] =	sst s3  }
0xc: {  	[smem:$0x3FA6] =	sst s4  }
0xd: {  	[smem:$0x3FA7] =	sst s5  }
0xe: {  	[smem:$0x3FA8] =	sst s6  }
0xf: {  	[smem:$0x3FA9] =	sst s7  }
0x10: {  	[smem:$0x3FAA] =	sst s8  }
0x11: {  	[smem:$0x3FAB] =	sst s9;
	s0 =	simm.s32 @!p0 $0x0  }
0x12: {  	s1 =	sld [smem:$0x3F91];
	s0 =	simm.s32 @p0 $0x1  }
0x13: {  	[smem:$0x3FAC] =	sst s0;
	s0 =	simm.s32 @!p1 $0x0  }
0x14: {  	s2 =	sld [smem:$0x3F90];
	s0 =	simm.s32 @p1 $0x1  }
0x15: {  	[smem:$0x3FAD] =	sst s0;
	s0 =	simm.s32 @!p2 $0x0  }
0x16: {  	s3 =	sld [smem:$0x3FDB];
	s0 =	simm.s32 @p2 $0x1  }
0x17: {  	s4 =	simm.s32 $0x1BF5;
	[smem:$0x3FAF] =	sst s0  }
0x18: {  	s0 =	sld [smem:$0x3F92];
	_ =	swait.ge [sflag:s4], $0x0  }
0x19: {  	s7 =	sld [smem:$0x3F93]  }
0x1a: {  	s8 =	sadd.s32 $0xFFFFE003, lr  }
0x1b: {  	s9 =	sadd.s32 $0xFFFFFEF7, lr;
	s5 =	simm.s32 $0xFFFFFFFF;
	p2 =	slt.u32 s8, $0xFFFFF086  }
0x1c: {  	p1 =	slt.u32 s9, $0xF7A;
	s5 =	simm.s32 @!p2 $0x0  }
0x1d: {  	s5 =	simm.s32 @p1 $0x1;
	p0 =	seq.s32 s7, s2  }
0x1e: {  	s7 =	smul.u32 @!p0 $0xF7A, s2;
	p2 =	seq.s32 @!p0 s5, $0x0  }
0x1f: {  	s9 =	smul.u32 $0xF7A, s1;
	s8 =	simm.s32 @!p0 $0x1BF5;
	p2 =	por !p2, p0  }
0x20: {  	[sflag:s8] =	ssyncset.s32 @!p0 $0xFFFFF086;
	s6 =	sadd.s32 @!p0 s3, s7;
	s7 =	simm.s32 @!p0 $0x108  }
0x21: {  	s3 =	sadd.s32 s3, s9;
	s6 =	sadd.s32 @!p0 $0x88, s6;
	s7 =	simm.s32 @p2 $0x1082  }
0x22: {  	[simem:s7], [sflag:s8] =	dma.local @!p0 [hbm:s6], $0xF7A  }
0x23: {  	s9 =	sor.u32 $0xD0000000, s2;
	s6 =	simm.s32 $0x108;
	_ =	swait.ge @!p0 [sflag:s8], $0x0  }
0x24: {  	s3 =	sadd.s32 $0x88, s3;
	s6 =	simm.s32 @!p1 $0x1082;
	[sflag:s4] =	ssyncset.s32 $0xFFFFF086  }
0x25: {  	[simem:s6], [sflag:s4] =	dma.local [hbm:s3], $0xF7A  }
0x26: {  	[smem:$0x3F93] =	sst s1;
	(tag) =	ssettag s2;
	_ =	strace s9  }
0x27: {  	s1 =	sld [smem:$0x3FA3]  }
0x28: {  	s2 =	sld [smem:$0x3FA4]  }
0x29: {  	s4 =	sld [smem:$0x3FA6]  }
0x2a: {  	p0 =	seq.s32 s5, $0x0;
	s5 =	sld [smem:$0x3FA7]  }
0x2b: {  	s6 =	sld [smem:$0x3FA8]  }
0x2c: {  	s7 =	sld [smem:$0x3FA9]  }
0x2d: {  	s3 =	simm.s32 $0x108;
	s8 =	sld [smem:$0x3FAA]  }
0x2e: {  	s3 =	simm.s32 @!p0 $0x1082;
	s9 =	sld [smem:$0x3FAB]  }
0x2f: {  	lr =	sadd.s32 s0, s3;
	s0 =	sld [smem:$0x3FA2]  }
0x30: {  	s3 =	sld [smem:$0x3FA5]  }
0x31: {  	[smem:$0x3FAE] =	sst s10  }
0x32: {  	s10 =	sld [smem:$0x3FAC];
	_ =	sdelay $0x3  }
0x33: {  	p0 =	seq.s32 s10, $0x1;
	s10 =	sld [smem:$0x3FAE];
	_ =	sdelay $0x3  }
0x34: {  	[smem:$0x3FAE] =	sst s10  }
0x35: {  	s10 =	sld [smem:$0x3FAD];
	_ =	sdelay $0x3  }
0x36: {  	p1 =	seq.s32 s10, $0x1;
	s10 =	sld [smem:$0x3FAE];
	_ =	sdelay $0x3  }
0x37: {  	[smem:$0x3FAE] =	sst s10  }
0x38: {  	s10 =	sld [smem:$0x3FAF]  }
0x39: {  	_ = 	snop;
	(pc) =	sbr.ind lr, $3  }
0x3a: {  	_ = 	snop  }
0x3b: {  	_ = 	snop  }
0x3c: {  	p2 =	seq.s32 s10, $0x1;
	s10 =	sld [smem:$0x3FAE]  }
0x3d: {  	_ =	shalt  }
0x3e: {  	_ =	shalt  }
0x3f: {  	_ =	shalt  }
0x40: {  	_ =	shalt  }
0x41: {  	_ =	shalt  }
0x42: {  	_ =	shalt  }
0x43: {  	_ =	shalt  }
0x44: {  	_ =	shalt  }
0x45: {  	_ =	shalt  }
0x46: {  	_ =	shalt  }
0x47: {  	_ =	shalt  }
0x48: {  	_ =	shalt  }
0x49: {  	_ =	shalt  }
0x4a: {  	_ =	shalt  }
0x4b: {  	_ =	shalt  }
0x4c: {  	_ =	shalt  }
0x4d: {  	_ =	shalt  }
0x4e: {  	_ =	shalt  }
0x4f: {  	_ =	shalt  }
0x50: {  	_ =	shalt  }
0x51: {  	_ =	shalt  }
0x52: {  	_ =	shalt  }
0x53: {  	_ =	shalt  }
0x54: {  	_ =	shalt  }
0x55: {  	_ =	shalt  }
0x56: {  	_ =	shalt  }
0x57: {  	_ =	shalt  }
0x58: {  	_ =	shalt  }
0x59: {  	_ =	shalt  }
0x5a: {  	_ =	shalt  }
0x5b: {  	_ =	shalt  }
0x5c: {  	_ =	shalt  }
0x5d: {  	_ =	shalt  }
0x5e: {  	_ =	shalt  }
0x5f: {  	_ =	shalt  }
0x60: {  	_ =	shalt  }
0x61: {  	_ =	shalt  }
0x62: {  	_ =	shalt  }
0x63: {  	_ =	shalt  }
0x64: {  	_ =	shalt  }
0x65: {  	_ =	shalt  }
0x66: {  	_ =	shalt  }
0x67: {  	_ =	shalt  }
0x68: {  	_ =	shalt  }
0x69: {  	_ =	shalt  }
0x6a: {  	_ =	shalt  }
0x6b: {  	_ =	shalt  }
0x6c: {  	_ =	shalt  }
0x6d: {  	_ =	shalt  }
0x6e: {  	_ =	shalt  }
0x6f: {  	_ =	shalt  }
0x70: {  	_ =	shalt  }
0x71: {  	_ =	shalt  }
0x72: {  	_ =	shalt  }
0x73: {  	_ =	shalt  }
0x74: {  	_ =	shalt  }
0x75: {  	_ =	shalt  }
0x76: {  	_ =	shalt  }
0x77: {  	_ =	shalt  }
0x78: {  	_ =	shalt  }
0x79: {  	_ =	shalt  }
0x7a: {  	_ =	shalt  }
0x7b: {  	_ =	shalt  }
0x7c: {  	_ =	shalt  }
0x7d: {  	_ =	shalt  }
0x7e: {  	_ =	shalt  }
0x7f: {  	_ =	shalt  }
0x80: {  	_ =	shalt  }
0x81: {  	_ =	shalt  }
0x82: {  	_ =	shalt  }
0x83: {  	_ =	shalt  }
0x84: {  	_ =	shalt  }
0x85: {  	_ =	shalt  }
0x86: {  	_ =	shalt  }
0x87: {  	_ =	shalt  }
.Lfunc_end0:
.L_simem_size_0:
called_computation.2_lowered:
.L_overlay_start_0:
0x88: {  	s2 =	sld [smem:$0x3FD9]  }
0x89: {  	s3 =	sld [smem:$0x3FFE];
	_ =	sdelay $0x1  }
0x8a: {  	s1 =	srdreg.scid  }
0x8b: {  	s0 =	sand.u32 $0x1, s1  }
0x8c: {  	s17 =	sshll.u32 s0, $0xA;
	s2 =	sadd.s32 s3, s2  }
0x8d: {  	s2 =	sadd.s32 s2, s17  }
0x8e: {  	[smem:$0x3FBA] =	sst s2  }
0x8f: {  	_ = 	snop  }
0x90: {  	s18 =	sld [smem:$0x3FC3];
	(tm) =	ssettm $0x1  }
0x91: {  	s19 =	sld [smem:$0x3FFB];
	_ =	sdelay $0x3  }
0x92: {  	_ =	strace s19  }
0x93: {  	s2 =	sld [smem:$0x3FFC];
	_ =	sdelay $0x3  }
0x94: {  	_ =	strace s2  }
0x95: {  	s2 =	sld [smem:$0x3FFD];
	_ =	sdelay $0x3  }
0x96: {  	_ =	strace s2  }
0x97: {  	_ =	strace $0x8FFFFFFF  }
0x98: {  	s20 =	sld [smem:$0x3FDB];
	_ =	sdelay $0x1  }
0x99: {  	s4 =	simm.s32 $_scs_section_size  }
0x9a: {  	s5 =	simm.s32 $_size__tile_overlayer_lowered;
	s6 =	simm.s32 $_tile_overlayer_lowered  }
0x9b: {  	s7 =	simm.s32 $0x1BFF;
	s21 =	sshll.u32 s6, $0x1;
	s4 =	sadd.s32 s4, s20  }
0x9c: {  	s22 =	simm.s32 $0x0;
	s5 =	sshll.u32 s5, $0x1;
	s6 =	sadd.s32 s21, s4  }
0x9d: {  	[timem:s22], [sflag:s7] =	dma.local [hbm:s6], s5  }
0x9e: {  	_ =	swait.ge [sflag:s7], s5  }
0x9f: {  	s5 =	ssub.s32 $0x0, s5;
	[sflag:s7] =	ssyncset.done $0x0  }
0xa0: {  	[sflag:s7] =	ssyncadd.s32 s5;
	_ =	sdelay $0x1  }
0xa1: {  	s23 =	simm.s32 $0x1B8B  }
0xa2: {  	_ =	swait.ge [sflag:s23], $0x1  }
0xa3: {  	[sflag:s23] =	ssyncset.done $0x0  }
0xa4: {  	[sflag:s23] =	ssyncadd.s32 $0xFFFFFFFF  }
0xa5: {  	s5 =	sld [smem:$0x0]  }
0xa6: {  	s6 =	sand.u32 $0xFFFFFFFE, s1  }
0xa7: {  	p0 =	sne.s32 s1, s6  }
0xa8: {  	s6 =	sshll.u32 @p0 s6, $0xE  }
0xa9: {  	s6 =	sadd.s32 @p0 $0x11B8D, s6;
	s7 =	sshll.u32 @p0 s5, $0x11  }
0xaa: {  	s6 =	sor.u32 @p0 s7, s6  }
0xab: {  	[sflag:s6] =	ssyncadd.remote.s32 @p0 $0x1;
	_ =	sdelay $0x1  }
0xac: {  	s6 =	simm.s32 @p0 $0x1B8D  }
0xad: {  	_ =	swait.eq @p0 [sflag:s6], $0x1  }
0xae: {  	[sflag:s6] =	ssyncadd.s32 @p0 $0xFFFFFFFF  }
0xaf: {  	s7 =	sshll.u32 @!p0 s1, $0xE  }
0xb0: {  	s7 =	sor.u32 @!p0 $0x4000, s7;
	s6 =	simm.s32 @!p0 $0x1B8D  }
0xb1: {  	s5 =	sshll.u32 @!p0 s5, $0x11;
	s7 =	sadd.s32 @!p0 $0x11B8D, s7;
	_ =	swait.eq @!p0 [sflag:s6], $0x1  }
0xb2: {  	s5 =	sor.u32 @!p0 s5, s7;
	[sflag:s6] =	ssyncadd.s32 @!p0 $0xFFFFFFFF  }
0xb3: {  	s25 =	simm.s32 $0x1B8E;
	s24 =	sld [smem:$0x3FFE];
	[sflag:s5] =	ssyncadd.remote.s32 @!p0 $0x1  }
0xb4: {  	s26 =	simm.s32 $execute0_lowered;
	[smem:$0x3FD2] =	sst s25  }
0xb5: {  	s6 =	sshll.u32 s26, $0x1;
	_ =	strace $0x8000004C;
	[dreg:$0x1] =	wrdreg $0xFFFFFFFF  }
0xb6: {  	s28 =	simm.s32 $_size_execute0_lowered;
	s4 =	sadd.s32 s4, s6;
	[dreg:$0x0] =	wrdreg $0x0  }
0xb7: {  	s6 =	sshll.u32 s28, $0x1;
	[dreg:$0x2] =	wrdreg s4  }
0xb8: {  	[dreg:$0x3] =	wrdreg s6  }
0xb9: {  	[dreg:$0x4] =	wrdreg $0xC0  }
0xba: {  	_ =	task [dreg:s22], $0x5FFFF  }
0xbb: {  	[dreg:$0x1] =	wrdreg $0xFFFFFFFF  }
0xbc: {  	[dreg:$0x0] =	wrdreg $0x60  }
0xbd: {  	[dreg:$0x2] =	wrdreg s24  }
0xbe: {  	[dreg:$0x3] =	wrdreg s18  }
0xbf: {  	[dreg:$0x4] =	wrdreg $0xB  }
0xc0: {  	_ =	task.clear_ibuf [dreg:s22], $0x5FFFF;
	_ =	strace $0x9000004C  }
0xc1: {  	s29 =	simm.s32 $0xB;
	_ =	strace $0x8000004E  }
0xc2: {  	_ =	swait.ge [sflag:s29], $0x1  }
0xc3: {  	[sflag:s29] =	ssyncadd.s32 $0xFFFFFFFF  }
0xc4: {  	_ =	strace $0x9000004E  }
0xc5: {  	_ =	sfence  }
0xc6: {  	s30 =	sld [smem:$0x0];
	_ =	sdelay $0x2  }
0xc7: {  	s31 =	sshll.u32 s1, $0xD;
	s1 =	sshrl.u32 s1, $0x2  }
0xc8: {  	s4 =	sand.u32 $0x4000, s31;
	s1 =	sadd.s32 s1, s30  }
0xc9: {  	s0 =	sor.u32 s4, s0;
	s1 =	sshll.u32 s1, $0x11  }
0xca: {  	s0 =	sor.u32 s1, s0  }
0xcb: {  	s0 =	sadd.s32 $0x8F2B, s0  }
0xcc: {  	[sflag:s0] =	ssyncadd.remote.s32 $0x1  }
0xcd: {  	_ =	sfence.sel $0xFFFF  }
0xce: {  	[dreg:$0x0] =	wrdreg $0xFFFFFFFF;
	(pc) =	sbr.abs _section_cstart, $3  }
0xcf: {  	[dreg:$0x1] =	wrdreg $0xFFFFFFFF  }
0xd0: {  	_ =	task.clear_ibuf [dreg:s22], $0x2FFFF;
	_ =	strace $0x9FFFFFFF  }
0xd1: {  	(tm) =	ssettm $0x7FFFFFFF  }
tec
execute0_lowered:
.L_overlay_start_1:
0x0: {  	(tag) =	ssettag $0x1  }
0x1: {  	s0 =	rddreg [dreg:$0x0]  }
0x2: {  	s1 =	rddreg [dreg:$0x1];
	s2 =	simm.s32 $0x0  }
0x3: {  	s4 =	srdreg.scid;
	s9 =	stileid.u32;
	s14 =	simm.s32 $0x80  }
0x4: {  	s15 =	simm.s32 $0x28;
	s16 =	simm.s32 $0x100;
	s17 =	simm.s32 $0x1500  }
0x5: {  	s18 =	simm.s32 $0x2900;
	s19 =	simm.s32 $0x2;
	s20 =	simm.s32 $0xC  }
0x6: {  	s31 =	simm.s32 $0x16500;
	s21 =	simm.s32 $0x17500;
	s22 =	simm.s32 $0x1  }
0x7: {  	s23 =	simm.s32 $0x3;
	[smem:$0x7FF] =	sst s2;
	s3 =	sadd.s32 $0x312A00, s0  }
0x8: {  	s25 =	simm.s32 $0x0;
	s5 =	sadd.s32 $0x313400, s0;
	s6 =	sadd.s32 $0x313E00, s0  }
0x9: {  	s4 =	sand.u32 $0x1, s4;
	s7 =	sadd.s32 $0x2FD600, s0;
	s8 =	sadd.s32 $0x49A800, s0  }
0xa: {  	s12 =	sshll.u32 s9, $0x1;
	s9 =	sadd.s32 $0x4AE800, s0;
	s10 =	ssub.s32 $0x2, s4  }
0xb: {  	_ =	strace $0x8000004D;
	s4 =	sor.u32 s4, s12;
	s11 =	sshrl.u32 s10, $0x1  }
0xc: {  	s12 =	simm.s32 $0x3C80;
	s13 =	ssub.s32 s10, s11;
	s10 =	sadd.s32 $0x4C2800, s0  }
0xd: {  	s11 =	smul.u32 $0xA0, s4;
	s0 =	simm.s32 $0x3C00;
	s30 =	smax.u32 s13, $0x1  }
0xe: {  	s4 =	simm.s32 $0x16D00;
	s13 =	simm.s32 $0x4;
	[dreg:$0x3] =	wrdreg s30  }
.LBB2_1:
0xf: {  	[dreg:$0x4] =	wrdreg s25;
	s24 =	simm.s32 $0x0  }
.LBB2_2:
0x10: {  	s25 =	smul.u32 $0x28, s24;
	_ =	sdelay $0x1  }
0x11: {  	s25 =	sadd.s32 s11, s25  }
0x12: {  	s26 =	sshrl.u32 s25, $0x3  }
0x13: {  	s26 =	sadd.s32 $0x500, s26  }
0x14: {  	s28 =	sadd.s32 s3, s26  }
0x15: {  	[tilespmem:s2], [sflag:$0x4] =	stream.linear.gather [hbm4b:s28+s2], $0x28, $0x38;
	[tilespmem:$0x17D00] =	vst v63  }
0x16: {  	_ =	swait.ge [sflag:s13], $0x28  }
0x17: {  	[sflag:s13] =	ssyncset.done $0x0  }
0x18: {  	s26 =	sadd.s32 s5, s26;
	[sflag:s13] =	ssyncadd.s32 $0xFFFFFFD8  }
0x19: {  	[tilespmem:s14], [sflag:$0x4] =	stream.linear.gather [hbm4b:s26+s2], $0x28, $0x38;
	[tilespmem:$0x17D00] =	vst v63  }
0x1a: {  	_ =	swait.ge [sflag:s13], $0x28  }
0x1b: {  	[sflag:s13] =	ssyncset.done $0x0  }
0x1c: {  	[sflag:s13] =	ssyncadd.s32 $0xFFFFFFD8  }
0x1d: {  	[tilespmem:s16], [sflag:$0x1] =	stream.indirect.gather [hbm4b:s1+s15], $0x80, s2, s15, $0xb8;
	[tilespmem:$0x17D00] =	vst v63  }
0x1e: {  	_ = 	snop  }
0x1f: {  	[tilespmem:s17], [sflag:$0x1] =	stream.indirect.gather [hbm4b:s1+s15], $0x80, s14, s15, $0xb8;
	[tilespmem:$0x17D00] =	vst v63  }
0x20: {  	_ = 	snop  }
0x21: {  	[tilespmem:s18], [sflag:$0x2] =	stream.indirect.gather [hbm4b:s6+s15], $0x80, s2, s15, $0xb8;
	[tilespmem:$0x17D00] =	vst v63  }
0x22: {  	_ =	swait.ge [sflag:s19], $0x1400  }
0x23: {  	[sflag:s19] =	ssyncset.done $0x0  }
0x24: {  	s28 =	simm.s32 $0x3D00;
	[sflag:s19] =	ssyncadd.s32 $0xFFFFEC00  }
0x25: {  	[tilespmem:s28], [sflag:$0x3] =	stream.indirect.gather [hbm4b:s1+s20], $0x80, s18, s20, $0xb8;
	[tilespmem:$0x17D00] =	vst v63  }
0x26: {  	s29 =	simm.s32 $0x2980;
	s30 =	simm.s32 $0x4500  }
0x27: {  	[tilespmem:s30], [sflag:$0x3] =	stream.indirect.gather [hbm4b:s1+s20], $0x80, s29, s20, $0xb8;
	[tilespmem:$0x17D00] =	vst v63  }
0x28: {  	s29 =	simm.s32 $0x2A00;
	s30 =	simm.s32 $0x4D00  }
0x29: {  	[tilespmem:s30], [sflag:$0x3] =	stream.indirect.gather [hbm4b:s1+s20], $0x80, s29, s20, $0xb8;
	[tilespmem:$0x17D00] =	vst v63  }
0x2a: {  	s29 =	simm.s32 $0x2A80;
	s30 =	simm.s32 $0x5500  }
0x2b: {  	[tilespmem:s30], [sflag:$0x3] =	stream.indirect.gather [hbm4b:s1+s20], $0x80, s29, s20, $0xb8;
	[tilespmem:$0x17D00] =	vst v63  }
0x2c: {  	s29 =	simm.s32 $0x2B00;
	s30 =	simm.s32 $0x5D00  }
0x2d: {  	[tilespmem:s30], [sflag:$0x3] =	stream.indirect.gather [hbm4b:s1+s20], $0x80, s29, s20, $0xb8;
	[tilespmem:$0x17D00] =	vst v63  }
0x2e: {  	s29 =	simm.s32 $0x2B80;
	s30 =	simm.s32 $0x6500  }
0x2f: {  	[tilespmem:s30], [sflag:$0x3] =	stream.indirect.gather [hbm4b:s1+s20], $0x80, s29, s20, $0xb8;
	[tilespmem:$0x17D00] =	vst v63  }
0x30: {  	s29 =	simm.s32 $0x2C00;
	s30 =	simm.s32 $0x6D00  }
0x31: {  	[tilespmem:s30], [sflag:$0x3] =	stream.indirect.gather [hbm4b:s1+s20], $0x80, s29, s20, $0xb8;
	[tilespmem:$0x17D00] =	vst v63  }
0x32: {  	s29 =	simm.s32 $0x2C80;
	s30 =	simm.s32 $0x7500  }
0x33: {  	[tilespmem:s30], [sflag:$0x3] =	stream.indirect.gather [hbm4b:s1+s20], $0x80, s29, s20, $0xb8;
	[tilespmem:$0x17D00] =	vst v63  }
0x34: {  	s29 =	simm.s32 $0x2D00;
	s30 =	simm.s32 $0x7D00  }
0x35: {  	[tilespmem:s30], [sflag:$0x3] =	stream.indirect.gather [hbm4b:s1+s20], $0x80, s29, s20, $0xb8;
	[tilespmem:$0x17D00] =	vst v63  }
0x36: {  	s29 =	simm.s32 $0x2D80;
	s30 =	simm.s32 $0x8500  }
0x37: {  	[tilespmem:s30], [sflag:$0x3] =	stream.indirect.gather [hbm4b:s1+s20], $0x80, s29, s20, $0xb8;
	[tilespmem:$0x17D00] =	vst v63  }
0x38: {  	s29 =	simm.s32 $0x2E00;
	s30 =	simm.s32 $0x8D00  }
0x39: {  	[tilespmem:s30], [sflag:$0x3] =	stream.indirect.gather [hbm4b:s1+s20], $0x80, s29, s20, $0xb8;
	[tilespmem:$0x17D00] =	vst v63  }
0x3a: {  	s29 =	simm.s32 $0x2E80;
	s30 =	simm.s32 $0x9500  }
0x3b: {  	[tilespmem:s30], [sflag:$0x3] =	stream.indirect.gather [hbm4b:s1+s20], $0x80, s29, s20, $0xb8;
	[tilespmem:$0x17D00] =	vst v63  }
0x3c: {  	s29 =	simm.s32 $0x2F00;
	s30 =	simm.s32 $0x9D00  }
0x3d: {  	[tilespmem:s30], [sflag:$0x3] =	stream.indirect.gather [hbm4b:s1+s20], $0x80, s29, s20, $0xb8;
	[tilespmem:$0x17D00] =	vst v63  }
0x3e: {  	s29 =	simm.s32 $0x2F80;
	s30 =	simm.s32 $0xA500  }
0x3f: {  	[tilespmem:s30], [sflag:$0x3] =	stream.indirect.gather [hbm4b:s1+s20], $0x80, s29, s20, $0xb8;
	[tilespmem:$0x17D00] =	vst v63  }
0x40: {  	s29 =	simm.s32 $0x3000;
	s30 =	simm.s32 $0xAD00  }
0x41: {  	[tilespmem:s30], [sflag:$0x3] =	stream.indirect.gather [hbm4b:s1+s20], $0x80, s29, s20, $0xb8;
	[tilespmem:$0x17D00] =	vst v63  }
0x42: {  	s29 =	simm.s32 $0x3080;
	s30 =	simm.s32 $0xB500  }
0x43: {  	[tilespmem:s30], [sflag:$0x3] =	stream.indirect.gather [hbm4b:s1+s20], $0x80, s29, s20, $0xb8;
	[tilespmem:$0x17D00] =	vst v63  }
0x44: {  	s29 =	simm.s32 $0x3100;
	s30 =	simm.s32 $0xBD00  }
0x45: {  	[tilespmem:s30], [sflag:$0x3] =	stream.indirect.gather [hbm4b:s1+s20], $0x80, s29, s20, $0xb8;
	[tilespmem:$0x17D00] =	vst v63  }
0x46: {  	s29 =	simm.s32 $0x3180;
	s30 =	simm.s32 $0xC500  }
0x47: {  	[tilespmem:s30], [sflag:$0x3] =	stream.indirect.gather [hbm4b:s1+s20], $0x80, s29, s20, $0xb8;
	[tilespmem:$0x17D00] =	vst v63  }
0x48: {  	s29 =	simm.s32 $0x3200;
	s30 =	simm.s32 $0xCD00  }
0x49: {  	[tilespmem:s30], [sflag:$0x3] =	stream.indirect.gather [hbm4b:s1+s20], $0x80, s29, s20, $0xb8;
	[tilespmem:$0x17D00] =	vst v63  }
0x4a: {  	s29 =	simm.s32 $0x3280;
	s30 =	simm.s32 $0xD500  }
0x4b: {  	[tilespmem:s30], [sflag:$0x3] =	stream.indirect.gather [hbm4b:s1+s20], $0x80, s29, s20, $0xb8;
	[tilespmem:$0x17D00] =	vst v63  }
0x4c: {  	s29 =	simm.s32 $0x3300;
	s30 =	simm.s32 $0xDD00  }
0x4d: {  	[tilespmem:s30], [sflag:$0x3] =	stream.indirect.gather [hbm4b:s1+s20], $0x80, s29, s20, $0xb8;
	[tilespmem:$0x17D00] =	vst v63  }
0x4e: {  	s29 =	simm.s32 $0x3380;
	s30 =	simm.s32 $0xE500  }
0x4f: {  	[tilespmem:s30], [sflag:$0x3] =	stream.indirect.gather [hbm4b:s1+s20], $0x80, s29, s20, $0xb8;
	[tilespmem:$0x17D00] =	vst v63  }
0x50: {  	s29 =	simm.s32 $0x3400;
	s30 =	simm.s32 $0xED00  }
0x51: {  	[tilespmem:s30], [sflag:$0x3] =	stream.indirect.gather [hbm4b:s1+s20], $0x80, s29, s20, $0xb8;
	[tilespmem:$0x17D00] =	vst v63  }
0x52: {  	s29 =	simm.s32 $0x3480;
	s30 =	simm.s32 $0xF500  }
0x53: {  	[tilespmem:s30], [sflag:$0x3] =	stream.indirect.gather [hbm4b:s1+s20], $0x80, s29, s20, $0xb8;
	[tilespmem:$0x17D00] =	vst v63  }
0x54: {  	s29 =	simm.s32 $0x3500;
	s30 =	simm.s32 $0xFD00  }
0x55: {  	[tilespmem:s30], [sflag:$0x3] =	stream.indirect.gather [hbm4b:s1+s20], $0x80, s29, s20, $0xb8;
	[tilespmem:$0x17D00] =	vst v63  }
0x56: {  	s29 =	simm.s32 $0x3580;
	s30 =	simm.s32 $0x10500  }
0x57: {  	[tilespmem:s30], [sflag:$0x3] =	stream.indirect.gather [hbm4b:s1+s20], $0x80, s29, s20, $0xb8;
	[tilespmem:$0x17D00] =	vst v63  }
0x58: {  	s29 =	simm.s32 $0x3600;
	s30 =	simm.s32 $0x10D00  }
0x59: {  	[tilespmem:s30], [sflag:$0x3] =	stream.indirect.gather [hbm4b:s1+s20], $0x80, s29, s20, $0xb8;
	[tilespmem:$0x17D00] =	vst v63  }
0x5a: {  	s29 =	simm.s32 $0x3680;
	s30 =	simm.s32 $0x11500  }
0x5b: {  	[tilespmem:s30], [sflag:$0x3] =	stream.indirect.gather [hbm4b:s1+s20], $0x80, s29, s20, $0xb8;
	[tilespmem:$0x17D00] =	vst v63  }
0x5c: {  	s29 =	simm.s32 $0x3700;
	s30 =	simm.s32 $0x11D00  }
0x5d: {  	[tilespmem:s30], [sflag:$0x3] =	stream.indirect.gather [hbm4b:s1+s20], $0x80, s29, s20, $0xb8;
	[tilespmem:$0x17D00] =	vst v63  }
0x5e: {  	s29 =	simm.s32 $0x3780;
	s30 =	simm.s32 $0x12500  }
0x5f: {  	[tilespmem:s30], [sflag:$0x3] =	stream.indirect.gather [hbm4b:s1+s20], $0x80, s29, s20, $0xb8;
	[tilespmem:$0x17D00] =	vst v63  }
0x60: {  	s29 =	simm.s32 $0x3800;
	s30 =	simm.s32 $0x12D00  }
0x61: {  	[tilespmem:s30], [sflag:$0x3] =	stream.indirect.gather [hbm4b:s1+s20], $0x80, s29, s20, $0xb8;
	[tilespmem:$0x17D00] =	vst v63  }
0x62: {  	s29 =	simm.s32 $0x3880;
	s30 =	simm.s32 $0x13500  }
0x63: {  	[tilespmem:s30], [sflag:$0x3] =	stream.indirect.gather [hbm4b:s1+s20], $0x80, s29, s20, $0xb8;
	[tilespmem:$0x17D00] =	vst v63  }
0x64: {  	s29 =	simm.s32 $0x3900;
	s30 =	simm.s32 $0x13D00  }
0x65: {  	[tilespmem:s30], [sflag:$0x3] =	stream.indirect.gather [hbm4b:s1+s20], $0x80, s29, s20, $0xb8;
	[tilespmem:$0x17D00] =	vst v63  }
0x66: {  	s29 =	simm.s32 $0x3980;
	s30 =	simm.s32 $0x14500  }
0x67: {  	[tilespmem:s30], [sflag:$0x3] =	stream.indirect.gather [hbm4b:s1+s20], $0x80, s29, s20, $0xb8;
	[tilespmem:$0x17D00] =	vst v63  }
0x68: {  	s29 =	simm.s32 $0x3A00;
	s30 =	simm.s32 $0x14D00  }
0x69: {  	[tilespmem:s30], [sflag:$0x3] =	stream.indirect.gather [hbm4b:s1+s20], $0x80, s29, s20, $0xb8;
	[tilespmem:$0x17D00] =	vst v63  }
0x6a: {  	s29 =	simm.s32 $0x3A80;
	s30 =	simm.s32 $0x15500  }
0x6b: {  	[tilespmem:s30], [sflag:$0x3] =	stream.indirect.gather [hbm4b:s1+s20], $0x80, s29, s20, $0xb8;
	[tilespmem:$0x17D00] =	vst v63  }
0x6c: {  	s29 =	simm.s32 $0x3B00;
	s30 =	simm.s32 $0x15D00  }
0x6d: {  	[tilespmem:s30], [sflag:$0x3] =	stream.indirect.gather [hbm4b:s1+s20], $0x80, s29, s20, $0xb8;
	[tilespmem:$0x17D00] =	vst v63  }
0x6e: {  	s28 =	simm.s32 $0x3B80  }
0x6f: {  	[tilespmem:s31], [sflag:$0x3] =	stream.indirect.gather [hbm4b:s1+s20], $0x80, s28, s20, $0xb8;
	[tilespmem:$0x17D00] =	vst v63  }
0x70: {  	_ = 	snop  }
0x71: {  	[tilespmem:s4], [sflag:$0x3] =	stream.indirect.gather [hbm4b:s1+s20], $0x80, s0, s20, $0xb8;
	[tilespmem:$0x17D00] =	vst v63  }
0x72: {  	_ = 	snop  }
0x73: {  	[tilespmem:s21], [sflag:$0x3] =	stream.indirect.gather [hbm4b:s1+s20], $0x80, s12, s20, $0xb8;
	[tilespmem:$0x17D00] =	vst v63  }
0x74: {  	_ =	swait.ge [sflag:s22], $0x1400  }
0x75: {  	[sflag:s22] =	ssyncset.done $0x0  }
0x76: {  	[sflag:s22] =	ssyncadd.s32 $0xFFFFEC00  }
0x77: {  	_ =	swait.ge [sflag:s22], $0x1400  }
0x78: {  	s26 =	sshll.u32 s25, $0x4;
	[sflag:s22] =	ssyncset.done $0x0  }
0x79: {  	s29 =	sadd.s32 s7, s26;
	[sflag:s22] =	ssyncadd.s32 $0xFFFFEC00  }
0x7a: {  	[hbm4b:s29+s2] =	stream.linear.scatter [tilespmem:s16], [sflag:$0x4], $0x1400, $0x38;
	[tilespmem:$0x17D00] =	vst v63  }
0x7b: {  	_ =	swait.ge [sflag:s13], $0x1400  }
0x7c: {  	[sflag:s13] =	ssyncset.done $0x0  }
0x7d: {  	s30 =	sadd.s32 s8, s26;
	[sflag:s13] =	ssyncadd.s32 $0xFFFFEC00  }
0x7e: {  	[hbm4b:s30+s2] =	stream.linear.scatter [tilespmem:s17], [sflag:$0x4], $0x1400, $0x38;
	[tilespmem:$0x17D00] =	vst v63  }
0x7f: {  	_ =	swait.ge [sflag:s13], $0x1400  }
0x80: {  	[sflag:s13] =	ssyncset.done $0x0  }
0x81: {  	s26 =	sadd.s32 s9, s26;
	[sflag:s13] =	ssyncadd.s32 $0xFFFFEC00  }
0x82: {  	[hbm4b:s26+s2] =	stream.linear.scatter [tilespmem:s18], [sflag:$0x4], $0x1400, $0x38;
	[tilespmem:$0x17D00] =	vst v63  }
0x83: {  	_ =	swait.ge [sflag:s13], $0x1400  }
0x84: {  	[sflag:s13] =	ssyncset.done $0x0  }
0x85: {  	[sflag:s13] =	ssyncadd.s32 $0xFFFFEC00  }
0x86: {  	_ =	swait.ge [sflag:s23], $0x400  }
0x87: {  	s26 =	simm.s32 $0x3B;
	[sflag:s23] =	ssyncset.done $0x0  }
.LBB2_3:
0x88: {  	p0 =	sne.s32 s26, $0x1;
	s26 =	sadd.s32 $0xFFFFFFFF, s26;
	[sflag:s23] =	ssyncadd.s32 $0xFFFFFC00  }
.Ltmp0:
0x89: {  	(pc) =	sbr.rel @p0 .LBB2_3-.Ltmp0, $3  }
0x8a: {  	_ =	sdelay $0x1  }
0x8b: {  	_ =	swait.ge [sflag:s23], $0x400  }
0x8c: {  	[sflag:s23] =	ssyncset.done $0x0  }
0x8d: {  	s25 =	sshll.u32 s25, $0x8  }
0x8e: {  	[sflag:s23] =	ssyncadd.s32 $0xFFFFFC00;
	s26 =	simm.s32 $0x3D00;
	s25 =	sadd.s32 s10, s25  }
0x8f: {  	s28 =	simm.s32 $0x100;
	s29 =	simm.s32 $0x4500;
	s30 =	sadd.s32 $0x0, s25  }
.LBB2_5:
0x90: {  	[hbm4b:s30+s2] =	stream.linear.scatter [tilespmem:s26], [sflag:$0x4], $0x600, $0x38;
	[tilespmem:$0x17D00] =	vst v63  }
0x91: {  	s30 =	smov.u32 s28;
	s26 =	smov.u32 s29;
	p0 =	sne.s32 s28, $0x2700  }
.Ltmp1:
0x92: {  	s28 =	sadd.s32 $0x100, s28;
	(pc) =	sbr.rel @p0 .LBB2_5-.Ltmp1, $2  }
0x93: {  	_ =	sdelay $0x2  }
0x94: {  	s29 =	sadd.s32 $0x800, s29;
	s30 =	sadd.s32 s30, s25  }
0x95: {  	s24 =	sadd.s32 $0x1, s24  }
0x96: {  	p0 =	sne.s32 s24, $0x4  }
.Ltmp2:
0x97: {  	_ = 	snop;
	(pc) =	sbr.rel @p0 .LBB2_2-.Ltmp2, $4  }
0x98: {  	[hbm4b:s30+s2] =	stream.linear.scatter [tilespmem:s26], [sflag:$0x4], $0x600, $0x38;
	[tilespmem:$0x17D00] =	vst v63  }
0x99: {  	_ =	swait.ge [sflag:s13], $0xF000  }
0x9a: {  	[sflag:s13] =	ssyncset.done $0x0  }
0x9b: {  	[sflag:s13] =	ssyncadd.s32 $0xFFFF1000  }
0x9c: {  	s25 =	rddreg [dreg:$0x4]  }
0x9d: {  	s24 =	rddreg [dreg:$0x3];
	s25 =	sadd.s32 $0x1, s25  }
0x9e: {  	p0 =	sne.s32 s25, s24  }
.Ltmp3:
0x9f: {  	_ = 	snop;
	(pc) =	sbr.rel @p0 .LBB2_1-.Ltmp3, $1  }
0xa0: {  	_ =	sdelay $0x3  }
0xa1: {  	_ =	sfence.sel $0x180000  }
0xa2: {  	[bflag:$0x0] =	sbarrier.arrive $0xFFFF  }
0xa3: {  	_ =	strace $0x9000004D  }
0xa4: {  	s0 =	stileid.u32;
	[bflag:$0x2] =	sbarrier.arrive $0xFFFF  }
0xa5: {  	p0 =	sne.s32 s0, $0x0;
	s0 =	rddreg [dreg:$0x2]  }
0xa6: {  	s0 =	sadd.s32 @!p0 $0x100000, s0  }
0xa7: {  	[sflag:s0] =	ssyncadd.tile.s32 @!p0 $0x1;
	_ =	shalt  }
.Lfunc_end2:
_tile_overlayer_lowered:
.L_overlay_start_2:
0xa8: {  	(tag) =	ssettag $0x2  }
0xa9: {  	s0 =	rddreg [dreg:$0x0];
	s2 =	stileid.u32  }
0xaa: {  	s1 =	rddreg [dreg:$0x1];
	p0 =	sne.s32 s2, $0x0  }
0xab: {  	s3 =	rddreg [dreg:$0x2];
	[bflag:$0x3] =	sbarrier.arrive $0xFFFF;
	s2 =	simm.s32 @!p0 $0x1C04  }
0xac: {  	[timem:s3], [sflag:s2] =	dma.local @!p0 [hbm:s0], s1  }
0xad: {  	s0 =	simm.s32 @!p0 $0x4  }
0xae: {  	_ =	swait.ge @!p0 [sflag:s0], s1  }
0xaf: {  	s1 =	ssub.s32 @!p0 $0x0, s1;
	[sflag:s0] =	ssyncset.done @!p0 $0x0  }
0xb0: {  	[sflag:s0] =	ssyncadd.s32 @!p0 s1  }
0xb1: {  	[bflag:$0x3] =	sbarrier.arrive $0xFFFF  }
0xb2: {  	_ =	shalt  }

// kernel: kernel.19.cloned.1.call-start
scs
__scs_entry_jumppad:
0x0: {  	(pc) =	sbr.rel $0x88, $3  }
0x1: {  	(tag) =	ssettag $0x0;
	lr =	simm.s32 $0x1  }
0x2: {  	[smem:$0x3F93] =	sst lr;
	_ =	strace $0xD0000000  }
0x3: {  	_ = 	snop  }
0x4: {  	_ = 	snop  }
0x5: {  	_ = 	snop  }
0x6: {  	_ = 	snop  }
0x7: {  	_ = 	snop  }
__scs_overlays_trampoline_lowered:
0x8: {  	[smem:$0x3FA2] =	sst s0  }
0x9: {  	[smem:$0x3FA3] =	sst s1  }
0xa: {  	[smem:$0x3FA4] =	sst s2  }
0xb: {  	[smem:$0x3FA5] =	sst s3  }
0xc: {  	[smem:$0x3FA6] =	sst s4  }
0xd: {  	[smem:$0x3FA7] =	sst s5  }
0xe: {  	[smem:$0x3FA8] =	sst s6  }
0xf: {  	[smem:$0x3FA9] =	sst s7  }
0x10: {  	[smem:$0x3FAA] =	sst s8  }
0x11: {  	[smem:$0x3FAB] =	sst s9;
	s0 =	simm.s32 @!p0 $0x0  }
0x12: {  	s1 =	sld [smem:$0x3F91];
	s0 =	simm.s32 @p0 $0x1  }
0x13: {  	[smem:$0x3FAC] =	sst s0;
	s0 =	simm.s32 @!p1 $0x0  }
0x14: {  	s2 =	sld [smem:$0x3F90];
	s0 =	simm.s32 @p1 $0x1  }
0x15: {  	[smem:$0x3FAD] =	sst s0;
	s0 =	simm.s32 @!p2 $0x0  }
0x16: {  	s3 =	sld [smem:$0x3FDB];
	s0 =	simm.s32 @p2 $0x1  }
0x17: {  	s4 =	simm.s32 $0x1BF5;
	[smem:$0x3FAF] =	sst s0  }
0x18: {  	s0 =	sld [smem:$0x3F92];
	_ =	swait.ge [sflag:s4], $0x0  }
0x19: {  	s7 =	sld [smem:$0x3F93]  }
0x1a: {  	s8 =	sadd.s32 $0xFFFFE003, lr  }
0x1b: {  	s9 =	sadd.s32 $0xFFFFFEF7, lr;
	s5 =	simm.s32 $0xFFFFFFFF;
	p2 =	slt.u32 s8, $0xFFFFF086  }
0x1c: {  	p1 =	slt.u32 s9, $0xF7A;
	s5 =	simm.s32 @!p2 $0x0  }
0x1d: {  	s5 =	simm.s32 @p1 $0x1;
	p0 =	seq.s32 s7, s2  }
0x1e: {  	s7 =	smul.u32 @!p0 $0xF7A, s2;
	p2 =	seq.s32 @!p0 s5, $0x0  }
0x1f: {  	s9 =	smul.u32 $0xF7A, s1;
	s8 =	simm.s32 @!p0 $0x1BF5;
	p2 =	por !p2, p0  }
0x20: {  	[sflag:s8] =	ssyncset.s32 @!p0 $0xFFFFF086;
	s6 =	sadd.s32 @!p0 s3, s7;
	s7 =	simm.s32 @!p0 $0x108  }
0x21: {  	s3 =	sadd.s32 s3, s9;
	s6 =	sadd.s32 @!p0 $0x88, s6;
	s7 =	simm.s32 @p2 $0x1082  }
0x22: {  	[simem:s7], [sflag:s8] =	dma.local @!p0 [hbm:s6], $0xF7A  }
0x23: {  	s9 =	sor.u32 $0xD0000000, s2;
	s6 =	simm.s32 $0x108;
	_ =	swait.ge @!p0 [sflag:s8], $0x0  }
0x24: {  	s3 =	sadd.s32 $0x88, s3;
	s6 =	simm.s32 @!p1 $0x1082;
	[sflag:s4] =	ssyncset.s32 $0xFFFFF086  }
0x25: {  	[simem:s6], [sflag:s4] =	dma.local [hbm:s3], $0xF7A  }
0x26: {  	[smem:$0x3F93] =	sst s1;
	(tag) =	ssettag s2;
	_ =	strace s9  }
0x27: {  	s1 =	sld [smem:$0x3FA3]  }
0x28: {  	s2 =	sld [smem:$0x3FA4]  }
0x29: {  	s4 =	sld [smem:$0x3FA6]  }
0x2a: {  	p0 =	seq.s32 s5, $0x0;
	s5 =	sld [smem:$0x3FA7]  }
0x2b: {  	s6 =	sld [smem:$0x3FA8]  }
0x2c: {  	s7 =	sld [smem:$0x3FA9]  }
0x2d: {  	s3 =	simm.s32 $0x108;
	s8 =	sld [smem:$0x3FAA]  }
0x2e: {  	s3 =	simm.s32 @!p0 $0x1082;
	s9 =	sld [smem:$0x3FAB]  }
0x2f: {  	lr =	sadd.s32 s0, s3;
	s0 =	sld [smem:$0x3FA2]  }
0x30: {  	s3 =	sld [smem:$0x3FA5]  }
0x31: {  	[smem:$0x3FAE] =	sst s10  }
0x32: {  	s10 =	sld [smem:$0x3FAC];
	_ =	sdelay $0x3  }
0x33: {  	p0 =	seq.s32 s10, $0x1;
	s10 =	sld [smem:$0x3FAE];
	_ =	sdelay $0x3  }
0x34: {  	[smem:$0x3FAE] =	sst s10  }
0x35: {  	s10 =	sld [smem:$0x3FAD];
	_ =	sdelay $0x3  }
0x36: {  	p1 =	seq.s32 s10, $0x1;
	s10 =	sld [smem:$0x3FAE];
	_ =	sdelay $0x3  }
0x37: {  	[smem:$0x3FAE] =	sst s10  }
0x38: {  	s10 =	sld [smem:$0x3FAF]  }
0x39: {  	_ = 	snop;
	(pc) =	sbr.ind lr, $3  }
0x3a: {  	_ = 	snop  }
0x3b: {  	_ = 	snop  }
0x3c: {  	p2 =	seq.s32 s10, $0x1;
	s10 =	sld [smem:$0x3FAE]  }
0x3d: {  	_ =	shalt  }
0x3e: {  	_ =	shalt  }
0x3f: {  	_ =	shalt  }
0x40: {  	_ =	shalt  }
0x41: {  	_ =	shalt  }
0x42: {  	_ =	shalt  }
0x43: {  	_ =	shalt  }
0x44: {  	_ =	shalt  }
0x45: {  	_ =	shalt  }
0x46: {  	_ =	shalt  }
0x47: {  	_ =	shalt  }
0x48: {  	_ =	shalt  }
0x49: {  	_ =	shalt  }
0x4a: {  	_ =	shalt  }
0x4b: {  	_ =	shalt  }
0x4c: {  	_ =	shalt  }
0x4d: {  	_ =	shalt  }
0x4e: {  	_ =	shalt  }
0x4f: {  	_ =	shalt  }
0x50: {  	_ =	shalt  }
0x51: {  	_ =	shalt  }
0x52: {  	_ =	shalt  }
0x53: {  	_ =	shalt  }
0x54: {  	_ =	shalt  }
0x55: {  	_ =	shalt  }
0x56: {  	_ =	shalt  }
0x57: {  	_ =	shalt  }
0x58: {  	_ =	shalt  }
0x59: {  	_ =	shalt  }
0x5a: {  	_ =	shalt  }
0x5b: {  	_ =	shalt  }
0x5c: {  	_ =	shalt  }
0x5d: {  	_ =	shalt  }
0x5e: {  	_ =	shalt  }
0x5f: {  	_ =	shalt  }
0x60: {  	_ =	shalt  }
0x61: {  	_ =	shalt  }
0x62: {  	_ =	shalt  }
0x63: {  	_ =	shalt  }
0x64: {  	_ =	shalt  }
0x65: {  	_ =	shalt  }
0x66: {  	_ =	shalt  }
0x67: {  	_ =	shalt  }
0x68: {  	_ =	shalt  }
0x69: {  	_ =	shalt  }
0x6a: {  	_ =	shalt  }
0x6b: {  	_ =	shalt  }
0x6c: {  	_ =	shalt  }
0x6d: {  	_ =	shalt  }
0x6e: {  	_ =	shalt  }
0x6f: {  	_ =	shalt  }
0x70: {  	_ =	shalt  }
0x71: {  	_ =	shalt  }
0x72: {  	_ =	shalt  }
0x73: {  	_ =	shalt  }
0x74: {  	_ =	shalt  }
0x75: {  	_ =	shalt  }
0x76: {  	_ =	shalt  }
0x77: {  	_ =	shalt  }
0x78: {  	_ =	shalt  }
0x79: {  	_ =	shalt  }
0x7a: {  	_ =	shalt  }
0x7b: {  	_ =	shalt  }
0x7c: {  	_ =	shalt  }
0x7d: {  	_ =	shalt  }
0x7e: {  	_ =	shalt  }
0x7f: {  	_ =	shalt  }
0x80: {  	_ =	shalt  }
0x81: {  	_ =	shalt  }
0x82: {  	_ =	shalt  }
0x83: {  	_ =	shalt  }
0x84: {  	_ =	shalt  }
0x85: {  	_ =	shalt  }
0x86: {  	_ =	shalt  }
0x87: {  	_ =	shalt  }
.Lfunc_end0:
.L_simem_size_0:
called_computation.3_lowered:
.L_overlay_start_0:
0x88: {  	s2 =	sld [smem:$0x3FD9]  }
0x89: {  	s3 =	sld [smem:$0x3FFE];
	_ =	sdelay $0x1  }
0x8a: {  	s1 =	srdreg.scid  }
0x8b: {  	s0 =	sand.u32 $0x1, s1  }
0x8c: {  	s17 =	sshll.u32 s0, $0xA;
	s2 =	sadd.s32 s3, s2  }
0x8d: {  	s2 =	sadd.s32 s2, s17  }
0x8e: {  	[smem:$0x3FBA] =	sst s2  }
0x8f: {  	_ = 	snop  }
0x90: {  	s18 =	sld [smem:$0x3FC3]  }
0x91: {  	s4 =	sld [smem:$0x3FD0];
	(tm) =	ssettm $0x1  }
0x92: {  	s19 =	sld [smem:$0x3FFB];
	_ =	sdelay $0x3  }
0x93: {  	_ =	strace s19  }
0x94: {  	s2 =	sld [smem:$0x3FFC];
	_ =	sdelay $0x3  }
0x95: {  	_ =	strace s2  }
0x96: {  	s2 =	sld [smem:$0x3FFD];
	_ =	sdelay $0x3  }
0x97: {  	_ =	strace s2  }
0x98: {  	_ =	strace $0x8FFFFFFF  }
0x99: {  	s20 =	sld [smem:$0x3FDB];
	_ =	sdelay $0x1  }
0x9a: {  	s5 =	simm.s32 $_scs_section_size  }
0x9b: {  	s6 =	simm.s32 $_size__tile_overlayer_lowered;
	s7 =	simm.s32 $_tile_overlayer_lowered  }
0x9c: {  	s8 =	simm.s32 $0x1BFF;
	s21 =	sshll.u32 s7, $0x1;
	s5 =	sadd.s32 s5, s20  }
0x9d: {  	s22 =	simm.s32 $0x0;
	s6 =	sshll.u32 s6, $0x1;
	s7 =	sadd.s32 s21, s5  }
0x9e: {  	[timem:s22], [sflag:s8] =	dma.local [hbm:s7], s6  }
0x9f: {  	_ =	swait.ge [sflag:s8], s6  }
0xa0: {  	s6 =	ssub.s32 $0x0, s6;
	[sflag:s8] =	ssyncset.done $0x0  }
0xa1: {  	[sflag:s8] =	ssyncadd.s32 s6;
	_ =	sdelay $0x1  }
0xa2: {  	s23 =	simm.s32 $0x1B8B  }
0xa3: {  	_ =	swait.ge [sflag:s23], $0x1  }
0xa4: {  	[sflag:s23] =	ssyncset.done $0x0  }
0xa5: {  	[sflag:s23] =	ssyncadd.s32 $0xFFFFFFFF  }
0xa6: {  	s6 =	sld [smem:$0x0]  }
0xa7: {  	s7 =	sand.u32 $0xFFFFFFFE, s1  }
0xa8: {  	p0 =	sne.s32 s1, s7  }
0xa9: {  	s7 =	sshll.u32 @p0 s7, $0xE  }
0xaa: {  	s7 =	sadd.s32 @p0 $0x11B8D, s7;
	s8 =	sshll.u32 @p0 s6, $0x11  }
0xab: {  	s7 =	sor.u32 @p0 s8, s7  }
0xac: {  	[sflag:s7] =	ssyncadd.remote.s32 @p0 $0x1;
	_ =	sdelay $0x1  }
0xad: {  	s7 =	simm.s32 @p0 $0x1B8D  }
0xae: {  	_ =	swait.eq @p0 [sflag:s7], $0x1  }
0xaf: {  	[sflag:s7] =	ssyncadd.s32 @p0 $0xFFFFFFFF  }
0xb0: {  	s8 =	sshll.u32 @!p0 s1, $0xE  }
0xb1: {  	s8 =	sor.u32 @!p0 $0x4000, s8;
	s7 =	simm.s32 @!p0 $0x1B8D  }
0xb2: {  	s6 =	sshll.u32 @!p0 s6, $0x11;
	s8 =	sadd.s32 @!p0 $0x11B8D, s8;
	_ =	swait.eq @!p0 [sflag:s7], $0x1  }
0xb3: {  	s6 =	sor.u32 @!p0 s6, s8;
	[sflag:s7] =	ssyncadd.s32 @!p0 $0xFFFFFFFF  }
0xb4: {  	s25 =	simm.s32 $0x1B8E;
	s24 =	sld [smem:$0x3FFE];
	[sflag:s6] =	ssyncadd.remote.s32 @!p0 $0x1  }
0xb5: {  	s26 =	simm.s32 $execute0_lowered;
	[smem:$0x3FD2] =	sst s25  }
0xb6: {  	s7 =	sshll.u32 s26, $0x1;
	_ =	strace $0x8000004F;
	[dreg:$0x1] =	wrdreg $0xFFFFFFFF  }
0xb7: {  	s28 =	simm.s32 $_size_execute0_lowered;
	s5 =	sadd.s32 s5, s7;
	[dreg:$0x0] =	wrdreg $0x0  }
0xb8: {  	s7 =	sshll.u32 s28, $0x1;
	[dreg:$0x2] =	wrdreg s5  }
0xb9: {  	[dreg:$0x3] =	wrdreg s7  }
0xba: {  	[dreg:$0x4] =	wrdreg $0xC0  }
0xbb: {  	_ =	task [dreg:s22], $0x5FFFF  }
0xbc: {  	[dreg:$0x1] =	wrdreg $0xFFFFFFFF  }
0xbd: {  	[dreg:$0x0] =	wrdreg $0x60  }
0xbe: {  	[dreg:$0x2] =	wrdreg s24  }
0xbf: {  	[dreg:$0x3] =	wrdreg s18  }
0xc0: {  	[dreg:$0x4] =	wrdreg s4  }
0xc1: {  	[dreg:$0x5] =	wrdreg $0xC  }
0xc2: {  	_ =	task.clear_ibuf [dreg:s22], $0x6FFFF;
	_ =	strace $0x9000004F  }
0xc3: {  	s29 =	simm.s32 $0xC;
	_ =	strace $0x80000051  }
0xc4: {  	_ =	swait.ge [sflag:s29], $0x1  }
0xc5: {  	[sflag:s29] =	ssyncadd.s32 $0xFFFFFFFF  }
0xc6: {  	_ =	strace $0x90000051  }
0xc7: {  	_ =	sfence  }
0xc8: {  	s30 =	sld [smem:$0x0];
	_ =	sdelay $0x2  }
0xc9: {  	s31 =	sshll.u32 s1, $0xD;
	s1 =	sshrl.u32 s1, $0x2  }
0xca: {  	s4 =	sand.u32 $0x4000, s31;
	s1 =	sadd.s32 s1, s30  }
0xcb: {  	s0 =	sor.u32 s4, s0;
	s1 =	sshll.u32 s1, $0x11  }
0xcc: {  	s0 =	sor.u32 s1, s0  }
0xcd: {  	s0 =	sadd.s32 $0x8F2B, s0  }
0xce: {  	[sflag:s0] =	ssyncadd.remote.s32 $0x1  }
0xcf: {  	_ =	sfence.sel $0xFFFF  }
0xd0: {  	[dreg:$0x0] =	wrdreg $0xFFFFFFFF;
	(pc) =	sbr.abs _section_cstart, $3  }
0xd1: {  	[dreg:$0x1] =	wrdreg $0xFFFFFFFF  }
0xd2: {  	_ =	task.clear_ibuf [dreg:s22], $0x2FFFF;
	_ =	strace $0x9FFFFFFF  }
0xd3: {  	(tm) =	ssettm $0x7FFFFFFF  }
tec
execute0_lowered:
.L_overlay_start_1:
0x0: {  	(tag) =	ssettag $0x1  }
0x1: {  	s0 =	rddreg [dreg:$0x0]  }
0x2: {  	s1 =	rddreg [dreg:$0x1];
	s3 =	simm.s32 $0x0  }
0x3: {  	s2 =	srdreg.scid;
	s9 =	stileid.u32;
	s13 =	simm.s32 $0x4  }
0x4: {  	s14 =	simm.s32 $0x80;
	s15 =	simm.s32 $0x28;
	s16 =	simm.s32 $0x100  }
0x5: {  	s17 =	simm.s32 $0x1500;
	s18 =	simm.s32 $0x2900;
	s19 =	simm.s32 $0x2  }
0x6: {  	s20 =	simm.s32 $0xC;
	s24 =	simm.s32 $0x3B80;
	s25 =	simm.s32 $0x16500  }
0x7: {  	s28 =	simm.s32 $0x16D00;
	s29 =	simm.s32 $0x3C80;
	s30 =	simm.s32 $0x17500  }
0x8: {  	s31 =	simm.s32 $0x1;
	[smem:$0x7FF] =	sst s3;
	s5 =	sadd.s32 $0x312A00, s0  }
0x9: {  	s6 =	sadd.s32 $0x313400, s0;
	s2 =	sand.u32 $0x1, s2;
	s7 =	sadd.s32 $0x313E00, s0  }
0xa: {  	s8 =	sadd.s32 $0x602800, s0;
	s11 =	sshll.u32 s9, $0x1;
	s4 =	ssub.s32 $0x2, s2  }
0xb: {  	s9 =	sadd.s32 $0x616800, s0;
	s2 =	sor.u32 s2, s11;
	s10 =	sshrl.u32 s4, $0x1  }
0xc: {  	_ =	strace $0x80000050;
	s11 =	smul.u32 $0xA0, s2;
	s4 =	ssub.s32 s4, s10  }
0xd: {  	s10 =	sadd.s32 $0x62A800, s0;
	s0 =	simm.s32 $0x3;
	s26 =	smax.u32 s4, $0x1  }
0xe: {  	s4 =	simm.s32 $0x0;
	[dreg:$0x4] =	wrdreg s26;
	s26 =	simm.s32 $0x3C00  }
.LBB2_1:
0xf: {  	[dreg:$0x5] =	wrdreg s4;
	s4 =	simm.s32 $0x0  }
.LBB2_2:
0x10: {  	s2 =	smul.u32 $0x28, s4;
	_ =	sdelay $0x1  }
0x11: {  	s12 =	sadd.s32 s11, s2  }
0x12: {  	s2 =	sshrl.u32 s12, $0x3  }
0x13: {  	s2 =	sadd.s32 $0x780, s2  }
0x14: {  	s21 =	sadd.s32 s5, s2  }
0x15: {  	[tilespmem:s3], [sflag:$0x4] =	stream.linear.gather [hbm4b:s21+s3], $0x28, $0x38;
	[tilespmem:$0x17D00] =	vst v63  }
0x16: {  	_ =	swait.ge [sflag:s13], $0x28  }
0x17: {  	[sflag:s13] =	ssyncset.done $0x0  }
0x18: {  	s2 =	sadd.s32 s6, s2;
	[sflag:s13] =	ssyncadd.s32 $0xFFFFFFD8  }
0x19: {  	[tilespmem:s14], [sflag:$0x4] =	stream.linear.gather [hbm4b:s2+s3], $0x28, $0x38;
	[tilespmem:$0x17D00] =	vst v63  }
0x1a: {  	_ =	swait.ge [sflag:s13], $0x28  }
0x1b: {  	[sflag:s13] =	ssyncset.done $0x0  }
0x1c: {  	[sflag:s13] =	ssyncadd.s32 $0xFFFFFFD8  }
0x1d: {  	[tilespmem:s16], [sflag:$0x1] =	stream.indirect.gather [hbm4b:s1+s15], $0x80, s3, s15, $0xb8;
	[tilespmem:$0x17D00] =	vst v63  }
0x1e: {  	_ = 	snop  }
0x1f: {  	[tilespmem:s17], [sflag:$0x1] =	stream.indirect.gather [hbm4b:s1+s15], $0x80, s14, s15, $0xb8;
	[tilespmem:$0x17D00] =	vst v63  }
0x20: {  	_ = 	snop  }
0x21: {  	[tilespmem:s18], [sflag:$0x2] =	stream.indirect.gather [hbm4b:s7+s15], $0x80, s3, s15, $0xb8;
	[tilespmem:$0x17D00] =	vst v63  }
0x22: {  	_ =	swait.ge [sflag:s19], $0x1400  }
0x23: {  	[sflag:s19] =	ssyncset.done $0x0  }
0x24: {  	s21 =	simm.s32 $0x3D00;
	[sflag:s19] =	ssyncadd.s32 $0xFFFFEC00  }
0x25: {  	[tilespmem:s21], [sflag:$0x3] =	stream.indirect.gather [hbm4b:s1+s20], $0x80, s18, s20, $0xb8;
	[tilespmem:$0x17D00] =	vst v63  }
0x26: {  	s22 =	simm.s32 $0x2980;
	s23 =	simm.s32 $0x4500  }
0x27: {  	[tilespmem:s23], [sflag:$0x3] =	stream.indirect.gather [hbm4b:s1+s20], $0x80, s22, s20, $0xb8;
	[tilespmem:$0x17D00] =	vst v63  }
0x28: {  	s22 =	simm.s32 $0x2A00;
	s23 =	simm.s32 $0x4D00  }
0x29: {  	[tilespmem:s23], [sflag:$0x3] =	stream.indirect.gather [hbm4b:s1+s20], $0x80, s22, s20, $0xb8;
	[tilespmem:$0x17D00] =	vst v63  }
0x2a: {  	s22 =	simm.s32 $0x2A80;
	s23 =	simm.s32 $0x5500  }
0x2b: {  	[tilespmem:s23], [sflag:$0x3] =	stream.indirect.gather [hbm4b:s1+s20], $0x80, s22, s20, $0xb8;
	[tilespmem:$0x17D00] =	vst v63  }
0x2c: {  	s22 =	simm.s32 $0x2B00;
	s23 =	simm.s32 $0x5D00  }
0x2d: {  	[tilespmem:s23], [sflag:$0x3] =	stream.indirect.gather [hbm4b:s1+s20], $0x80, s22, s20, $0xb8;
	[tilespmem:$0x17D00] =	vst v63  }
0x2e: {  	s22 =	simm.s32 $0x2B80;
	s23 =	simm.s32 $0x6500  }
0x2f: {  	[tilespmem:s23], [sflag:$0x3] =	stream.indirect.gather [hbm4b:s1+s20], $0x80, s22, s20, $0xb8;
	[tilespmem:$0x17D00] =	vst v63  }
0x30: {  	s22 =	simm.s32 $0x2C00;
	s23 =	simm.s32 $0x6D00  }
0x31: {  	[tilespmem:s23], [sflag:$0x3] =	stream.indirect.gather [hbm4b:s1+s20], $0x80, s22, s20, $0xb8;
	[tilespmem:$0x17D00] =	vst v63  }
0x32: {  	s22 =	simm.s32 $0x2C80;
	s23 =	simm.s32 $0x7500  }
0x33: {  	[tilespmem:s23], [sflag:$0x3] =	stream.indirect.gather [hbm4b:s1+s20], $0x80, s22, s20, $0xb8;
	[tilespmem:$0x17D00] =	vst v63  }
0x34: {  	s22 =	simm.s32 $0x2D00;
	s23 =	simm.s32 $0x7D00  }
0x35: {  	[tilespmem:s23], [sflag:$0x3] =	stream.indirect.gather [hbm4b:s1+s20], $0x80, s22, s20, $0xb8;
	[tilespmem:$0x17D00] =	vst v63  }
0x36: {  	s22 =	simm.s32 $0x2D80;
	s23 =	simm.s32 $0x8500  }
0x37: {  	[tilespmem:s23], [sflag:$0x3] =	stream.indirect.gather [hbm4b:s1+s20], $0x80, s22, s20, $0xb8;
	[tilespmem:$0x17D00] =	vst v63  }
0x38: {  	s22 =	simm.s32 $0x2E00;
	s23 =	simm.s32 $0x8D00  }
0x39: {  	[tilespmem:s23], [sflag:$0x3] =	stream.indirect.gather [hbm4b:s1+s20], $0x80, s22, s20, $0xb8;
	[tilespmem:$0x17D00] =	vst v63  }
0x3a: {  	s22 =	simm.s32 $0x2E80;
	s23 =	simm.s32 $0x9500  }
0x3b: {  	[tilespmem:s23], [sflag:$0x3] =	stream.indirect.gather [hbm4b:s1+s20], $0x80, s22, s20, $0xb8;
	[tilespmem:$0x17D00] =	vst v63  }
0x3c: {  	s22 =	simm.s32 $0x2F00;
	s23 =	simm.s32 $0x9D00  }
0x3d: {  	[tilespmem:s23], [sflag:$0x3] =	stream.indirect.gather [hbm4b:s1+s20], $0x80, s22, s20, $0xb8;
	[tilespmem:$0x17D00] =	vst v63  }
0x3e: {  	s22 =	simm.s32 $0x2F80;
	s23 =	simm.s32 $0xA500  }
0x3f: {  	[tilespmem:s23], [sflag:$0x3] =	stream.indirect.gather [hbm4b:s1+s20], $0x80, s22, s20, $0xb8;
	[tilespmem:$0x17D00] =	vst v63  }
0x40: {  	s22 =	simm.s32 $0x3000;
	s23 =	simm.s32 $0xAD00  }
0x41: {  	[tilespmem:s23], [sflag:$0x3] =	stream.indirect.gather [hbm4b:s1+s20], $0x80, s22, s20, $0xb8;
	[tilespmem:$0x17D00] =	vst v63  }
0x42: {  	s22 =	simm.s32 $0x3080;
	s23 =	simm.s32 $0xB500  }
0x43: {  	[tilespmem:s23], [sflag:$0x3] =	stream.indirect.gather [hbm4b:s1+s20], $0x80, s22, s20, $0xb8;
	[tilespmem:$0x17D00] =	vst v63  }
0x44: {  	s22 =	simm.s32 $0x3100;
	s23 =	simm.s32 $0xBD00  }
0x45: {  	[tilespmem:s23], [sflag:$0x3] =	stream.indirect.gather [hbm4b:s1+s20], $0x80, s22, s20, $0xb8;
	[tilespmem:$0x17D00] =	vst v63  }
0x46: {  	s22 =	simm.s32 $0x3180;
	s23 =	simm.s32 $0xC500  }
0x47: {  	[tilespmem:s23], [sflag:$0x3] =	stream.indirect.gather [hbm4b:s1+s20], $0x80, s22, s20, $0xb8;
	[tilespmem:$0x17D00] =	vst v63  }
0x48: {  	s22 =	simm.s32 $0x3200;
	s23 =	simm.s32 $0xCD00  }
0x49: {  	[tilespmem:s23], [sflag:$0x3] =	stream.indirect.gather [hbm4b:s1+s20], $0x80, s22, s20, $0xb8;
	[tilespmem:$0x17D00] =	vst v63  }
0x4a: {  	s22 =	simm.s32 $0x3280;
	s23 =	simm.s32 $0xD500  }
0x4b: {  	[tilespmem:s23], [sflag:$0x3] =	stream.indirect.gather [hbm4b:s1+s20], $0x80, s22, s20, $0xb8;
	[tilespmem:$0x17D00] =	vst v63  }
0x4c: {  	s22 =	simm.s32 $0x3300;
	s23 =	simm.s32 $0xDD00  }
0x4d: {  	[tilespmem:s23], [sflag:$0x3] =	stream.indirect.gather [hbm4b:s1+s20], $0x80, s22, s20, $0xb8;
	[tilespmem:$0x17D00] =	vst v63  }
0x4e: {  	s22 =	simm.s32 $0x3380;
	s23 =	simm.s32 $0xE500  }
0x4f: {  	[tilespmem:s23], [sflag:$0x3] =	stream.indirect.gather [hbm4b:s1+s20], $0x80, s22, s20, $0xb8;
	[tilespmem:$0x17D00] =	vst v63  }
0x50: {  	s22 =	simm.s32 $0x3400;
	s23 =	simm.s32 $0xED00  }
0x51: {  	[tilespmem:s23], [sflag:$0x3] =	stream.indirect.gather [hbm4b:s1+s20], $0x80, s22, s20, $0xb8;
	[tilespmem:$0x17D00] =	vst v63  }
0x52: {  	s22 =	simm.s32 $0x3480;
	s23 =	simm.s32 $0xF500  }
0x53: {  	[tilespmem:s23], [sflag:$0x3] =	stream.indirect.gather [hbm4b:s1+s20], $0x80, s22, s20, $0xb8;
	[tilespmem:$0x17D00] =	vst v63  }
0x54: {  	s22 =	simm.s32 $0x3500;
	s23 =	simm.s32 $0xFD00  }
0x55: {  	[tilespmem:s23], [sflag:$0x3] =	stream.indirect.gather [hbm4b:s1+s20], $0x80, s22, s20, $0xb8;
	[tilespmem:$0x17D00] =	vst v63  }
0x56: {  	s22 =	simm.s32 $0x3580;
	s23 =	simm.s32 $0x10500  }
0x57: {  	[tilespmem:s23], [sflag:$0x3] =	stream.indirect.gather [hbm4b:s1+s20], $0x80, s22, s20, $0xb8;
	[tilespmem:$0x17D00] =	vst v63  }
0x58: {  	s22 =	simm.s32 $0x3600;
	s23 =	simm.s32 $0x10D00  }
0x59: {  	[tilespmem:s23], [sflag:$0x3] =	stream.indirect.gather [hbm4b:s1+s20], $0x80, s22, s20, $0xb8;
	[tilespmem:$0x17D00] =	vst v63  }
0x5a: {  	s22 =	simm.s32 $0x3680;
	s23 =	simm.s32 $0x11500  }
0x5b: {  	[tilespmem:s23], [sflag:$0x3] =	stream.indirect.gather [hbm4b:s1+s20], $0x80, s22, s20, $0xb8;
	[tilespmem:$0x17D00] =	vst v63  }
0x5c: {  	s22 =	simm.s32 $0x3700;
	s23 =	simm.s32 $0x11D00  }
0x5d: {  	[tilespmem:s23], [sflag:$0x3] =	stream.indirect.gather [hbm4b:s1+s20], $0x80, s22, s20, $0xb8;
	[tilespmem:$0x17D00] =	vst v63  }
0x5e: {  	s22 =	simm.s32 $0x3780;
	s23 =	simm.s32 $0x12500  }
0x5f: {  	[tilespmem:s23], [sflag:$0x3] =	stream.indirect.gather [hbm4b:s1+s20], $0x80, s22, s20, $0xb8;
	[tilespmem:$0x17D00] =	vst v63  }
0x60: {  	s22 =	simm.s32 $0x3800;
	s23 =	simm.s32 $0x12D00  }
0x61: {  	[tilespmem:s23], [sflag:$0x3] =	stream.indirect.gather [hbm4b:s1+s20], $0x80, s22, s20, $0xb8;
	[tilespmem:$0x17D00] =	vst v63  }
0x62: {  	s22 =	simm.s32 $0x3880;
	s23 =	simm.s32 $0x13500  }
0x63: {  	[tilespmem:s23], [sflag:$0x3] =	stream.indirect.gather [hbm4b:s1+s20], $0x80, s22, s20, $0xb8;
	[tilespmem:$0x17D00] =	vst v63  }
0x64: {  	s22 =	simm.s32 $0x3900;
	s23 =	simm.s32 $0x13D00  }
0x65: {  	[tilespmem:s23], [sflag:$0x3] =	stream.indirect.gather [hbm4b:s1+s20], $0x80, s22, s20, $0xb8;
	[tilespmem:$0x17D00] =	vst v63  }
0x66: {  	s22 =	simm.s32 $0x3980;
	s23 =	simm.s32 $0x14500  }
0x67: {  	[tilespmem:s23], [sflag:$0x3] =	stream.indirect.gather [hbm4b:s1+s20], $0x80, s22, s20, $0xb8;
	[tilespmem:$0x17D00] =	vst v63  }
0x68: {  	s22 =	simm.s32 $0x3A00;
	s23 =	simm.s32 $0x14D00  }
0x69: {  	[tilespmem:s23], [sflag:$0x3] =	stream.indirect.gather [hbm4b:s1+s20], $0x80, s22, s20, $0xb8;
	[tilespmem:$0x17D00] =	vst v63  }
0x6a: {  	s22 =	simm.s32 $0x3A80;
	s23 =	simm.s32 $0x15500  }
0x6b: {  	[tilespmem:s23], [sflag:$0x3] =	stream.indirect.gather [hbm4b:s1+s20], $0x80, s22, s20, $0xb8;
	[tilespmem:$0x17D00] =	vst v63  }
0x6c: {  	s22 =	simm.s32 $0x3B00;
	s23 =	simm.s32 $0x15D00  }
0x6d: {  	[tilespmem:s23], [sflag:$0x3] =	stream.indirect.gather [hbm4b:s1+s20], $0x80, s22, s20, $0xb8;
	[tilespmem:$0x17D00] =	vst v63  }
0x6e: {  	_ = 	snop  }
0x6f: {  	[tilespmem:s25], [sflag:$0x3] =	stream.indirect.gather [hbm4b:s1+s20], $0x80, s24, s20, $0xb8;
	[tilespmem:$0x17D00] =	vst v63  }
0x70: {  	_ = 	snop  }
0x71: {  	[tilespmem:s28], [sflag:$0x3] =	stream.indirect.gather [hbm4b:s1+s20], $0x80, s26, s20, $0xb8;
	[tilespmem:$0x17D00] =	vst v63  }
0x72: {  	_ = 	snop  }
0x73: {  	[tilespmem:s30], [sflag:$0x3] =	stream.indirect.gather [hbm4b:s1+s20], $0x80, s29, s20, $0xb8;
	[tilespmem:$0x17D00] =	vst v63  }
0x74: {  	_ =	swait.ge [sflag:s31], $0x1400  }
0x75: {  	[sflag:s31] =	ssyncset.done $0x0  }
0x76: {  	[sflag:s31] =	ssyncadd.s32 $0xFFFFEC00  }
0x77: {  	_ =	swait.ge [sflag:s31], $0x1400  }
0x78: {  	[sflag:s31] =	ssyncset.done $0x0  }
0x79: {  	[sflag:s31] =	ssyncadd.s32 $0xFFFFEC00  }
0x7a: {  	s2 =	sshll.u32 s12, $0x4;
	s22 =	rddreg [dreg:$0x2]  }
0x7b: {  	s21 =	sadd.s32 s22, s2  }
0x7c: {  	[hbm4b:s21+s3] =	stream.linear.scatter [tilespmem:s16], [sflag:$0x4], $0x1400, $0x38;
	[tilespmem:$0x17D00] =	vst v63  }
0x7d: {  	_ =	swait.ge [sflag:s13], $0x1400  }
0x7e: {  	[sflag:s13] =	ssyncset.done $0x0  }
0x7f: {  	s23 =	sadd.s32 s8, s2;
	[sflag:s13] =	ssyncadd.s32 $0xFFFFEC00  }
0x80: {  	[hbm4b:s23+s3] =	stream.linear.scatter [tilespmem:s17], [sflag:$0x4], $0x1400, $0x38;
	[tilespmem:$0x17D00] =	vst v63  }
0x81: {  	_ =	swait.ge [sflag:s13], $0x1400  }
0x82: {  	[sflag:s13] =	ssyncset.done $0x0  }
0x83: {  	s2 =	sadd.s32 s9, s2;
	[sflag:s13] =	ssyncadd.s32 $0xFFFFEC00  }
0x84: {  	[hbm4b:s2+s3] =	stream.linear.scatter [tilespmem:s18], [sflag:$0x4], $0x1400, $0x38;
	[tilespmem:$0x17D00] =	vst v63  }
0x85: {  	_ =	swait.ge [sflag:s13], $0x1400  }
0x86: {  	[sflag:s13] =	ssyncset.done $0x0  }
0x87: {  	[sflag:s13] =	ssyncadd.s32 $0xFFFFEC00  }
0x88: {  	_ =	swait.ge [sflag:s0], $0x400  }
0x89: {  	s2 =	simm.s32 $0x3B;
	[sflag:s0] =	ssyncset.done $0x0  }
.LBB2_3:
0x8a: {  	p0 =	sne.s32 s2, $0x1;
	s2 =	sadd.s32 $0xFFFFFFFF, s2;
	[sflag:s0] =	ssyncadd.s32 $0xFFFFFC00  }
.Ltmp0:
0x8b: {  	(pc) =	sbr.rel @p0 .LBB2_3-.Ltmp0, $3  }
0x8c: {  	_ =	sdelay $0x1  }
0x8d: {  	_ =	swait.ge [sflag:s0], $0x400  }
0x8e: {  	[sflag:s0] =	ssyncset.done $0x0  }
0x8f: {  	s2 =	sshll.u32 s12, $0x8  }
0x90: {  	[sflag:s0] =	ssyncadd.s32 $0xFFFFFC00;
	s21 =	simm.s32 $0x100;
	s12 =	sadd.s32 s10, s2  }
0x91: {  	s22 =	simm.s32 $0x4500;
	s2 =	simm.s32 $0x3D00;
	s23 =	sadd.s32 $0x0, s12  }
.LBB2_5:
0x92: {  	[hbm4b:s23+s3] =	stream.linear.scatter [tilespmem:s2], [sflag:$0x4], $0x600, $0x38;
	[tilespmem:$0x17D00] =	vst v63  }
0x93: {  	s23 =	smov.u32 s21;
	s2 =	smov.u32 s22;
	p0 =	sne.s32 s21, $0x2700  }
.Ltmp1:
0x94: {  	s21 =	sadd.s32 $0x100, s21;
	(pc) =	sbr.rel @p0 .LBB2_5-.Ltmp1, $2  }
0x95: {  	_ =	sdelay $0x2  }
0x96: {  	s22 =	sadd.s32 $0x800, s22;
	s23 =	sadd.s32 s23, s12  }
0x97: {  	s4 =	sadd.s32 $0x1, s4  }
0x98: {  	p0 =	sne.s32 s4, $0x4  }
.Ltmp2:
0x99: {  	_ = 	snop;
	(pc) =	sbr.rel @p0 .LBB2_2-.Ltmp2, $4  }
0x9a: {  	[hbm4b:s23+s3] =	stream.linear.scatter [tilespmem:s2], [sflag:$0x4], $0x600, $0x38;
	[tilespmem:$0x17D00] =	vst v63  }
0x9b: {  	_ =	swait.ge [sflag:s13], $0xF000  }
0x9c: {  	[sflag:s13] =	ssyncset.done $0x0  }
0x9d: {  	[sflag:s13] =	ssyncadd.s32 $0xFFFF1000  }
0x9e: {  	s4 =	rddreg [dreg:$0x5]  }
0x9f: {  	s2 =	rddreg [dreg:$0x4];
	s4 =	sadd.s32 $0x1, s4  }
0xa0: {  	p0 =	sne.s32 s4, s2  }
.Ltmp3:
0xa1: {  	_ = 	snop;
	(pc) =	sbr.rel @p0 .LBB2_1-.Ltmp3, $1  }
0xa2: {  	_ =	sdelay $0x3  }
0xa3: {  	_ =	sfence.sel $0x180000  }
0xa4: {  	[bflag:$0x0] =	sbarrier.arrive $0xFFFF  }
0xa5: {  	_ =	strace $0x90000050  }
0xa6: {  	s0 =	stileid.u32;
	[bflag:$0x2] =	sbarrier.arrive $0xFFFF  }
0xa7: {  	p0 =	sne.s32 s0, $0x0;
	s0 =	rddreg [dreg:$0x3]  }
0xa8: {  	s0 =	sadd.s32 @!p0 $0x100000, s0  }
0xa9: {  	[sflag:s0] =	ssyncadd.tile.s32 @!p0 $0x1;
	_ =	shalt  }
.Lfunc_end2:
_tile_overlayer_lowered:
.L_overlay_start_2:
0xaa: {  	(tag) =	ssettag $0x2  }
0xab: {  	s0 =	rddreg [dreg:$0x0];
	s2 =	stileid.u32  }
0xac: {  	s1 =	rddreg [dreg:$0x1];
	p0 =	sne.s32 s2, $0x0  }
0xad: {  	s3 =	rddreg [dreg:$0x2];
	[bflag:$0x3] =	sbarrier.arrive $0xFFFF;
	s2 =	simm.s32 @!p0 $0x1C04  }
0xae: {  	[timem:s3], [sflag:s2] =	dma.local @!p0 [hbm:s0], s1  }
0xaf: {  	s0 =	simm.s32 @!p0 $0x4  }
0xb0: {  	_ =	swait.ge @!p0 [sflag:s0], s1  }
0xb1: {  	s1 =	ssub.s32 @!p0 $0x0, s1;
	[sflag:s0] =	ssyncset.done @!p0 $0x0  }
0xb2: {  	[sflag:s0] =	ssyncadd.s32 @!p0 s1  }
0xb3: {  	[bflag:$0x3] =	sbarrier.arrive $0xFFFF  }
0xb4: {  	_ =	shalt  }

</sc_bundles>
